<compile_context>
chip_gen: v7x
topology: tpu7x:2x2x1
jax: 0.10.2.dev20260603
libtpu: 0.0.44.dev20260713+nightly
codegen_flags: <defaults>
</compile_context>

<pallas_src>
import jax
import jax.numpy as jnp
from jax import lax
from jax.experimental import pallas as pl
from jax.experimental.pallas import tpu as pltpu
from jax.experimental.pallas import tpu_sc as plsc

_B, _N, _D = 32, 8192, 32
_K = 64
_BLK = 8192
_G = 8
_L = 16
_NCHUNK = _N // _L
_NEG = -1e30


def _mlp_body(xt_ref, w1_ref, b1_ref, w2_ref, b2_ref, w3_ref, b3_ref, o_ref):
    for g in range(_G):
        xt = xt_ref[pl.ds(g * _D, _D), :]
        h = jnp.dot(w1_ref[...], xt, preferred_element_type=jnp.float32)
        h = jnp.maximum(h + b1_ref[...], 0.0)
        h = jnp.dot(w2_ref[...], h, preferred_element_type=jnp.float32)
        h = jnp.maximum(h + b2_ref[...], 0.0)
        z = jnp.dot(w3_ref[...], h, preferred_element_type=jnp.float32)
        s = jax.nn.softplus(z + b3_ref[...])
        o_ref[pl.ds(g * _BLK, _BLK)] = s.reshape(_BLK)


def _scores_tc(X, W1, b1, W2, b2, W3, b3):
    xt2 = jnp.swapaxes(X, 1, 2).reshape(_B * _D, _N)
    return pl.pallas_call(
        _mlp_body,
        grid=(_B // _G,),
        in_specs=[
            pl.BlockSpec((_G * _D, _N), lambda i: (i, 0)),
            pl.BlockSpec((16, _D), lambda i: (0, 0)),
            pl.BlockSpec((16, 1), lambda i: (0, 0)),
            pl.BlockSpec((8, 16), lambda i: (0, 0)),
            pl.BlockSpec((8, 1), lambda i: (0, 0)),
            pl.BlockSpec((1, 8), lambda i: (0, 0)),
            pl.BlockSpec((1, 1), lambda i: (0, 0)),
        ],
        out_specs=pl.BlockSpec((_G * _BLK,), lambda i: (i,)),
        out_shape=jax.ShapeDtypeStruct((_B * _N,), jnp.float32),
    )(xt2, W1, b1.reshape(16, 1), W2, b2.reshape(8, 1), W3, b3.reshape(1, 1))


_NG = _N // 256


def _topk_body(scores_hbm, out_hbm, srow, cm, cm2, res):
    nc = plsc.get_sparse_core_info().num_cores
    wid = lax.axis_index("s") * nc + lax.axis_index("c")
    pltpu.sync_copy(scores_hbm.at[pl.ds(wid * _N, _N)], srow)

    lanei = lax.broadcasted_iota(jnp.int32, (_L,), 0)
    lane0 = lanei == 0
    negv = jnp.full((_L,), _NEG, jnp.float32)

    for G in range(_NG):
        m = srow[pl.ds(G * 256, _L)]
        for j in range(1, 16):
            m = jnp.maximum(m, srow[pl.ds(G * 256 + j * _L, _L)])
        cm[pl.ds(G * _L, _L)] = m
        s2 = jnp.max(m)
        plsc.store_scatter(cm2, [jnp.full((_L,), G, jnp.int32)],
                           jnp.full((_L,), s2, jnp.float32), mask=lane0)

    def extract(t, _):
        a = cm2[pl.ds(0, _L)]
        b = cm2[pl.ds(_L, _L)]
        mvec = jnp.maximum(a, b)
        mx = jnp.max(mvec)
        gsel = jnp.where(a >= b, lanei, lanei + _L)
        gcand = jnp.where(mvec == mx, gsel, jnp.full((_L,), 1024, jnp.int32))
        gstar = jnp.min(gcand)
        base = gstar * 256
        bestj = jnp.full((_L,), 99, jnp.int32)
        vjs = []
        for j in range(16):
            vj = plsc.load_gather(
                srow, [jnp.full((_L,), base + j * _L, jnp.int32) + lanei])
            vjs.append(vj)
            hit = jnp.logical_and(vj == mx, bestj == 99)
            bestj = jnp.where(hit, jnp.full((_L,), j, jnp.int32), bestj)
        gidxc = jnp.where(bestj < 99,
                          jnp.full((_L,), base, jnp.int32) + bestj * _L + lanei,
                          jnp.full((_L,), 1 << 30, jnp.int32))
        gidx = jnp.min(gidxc)
        plsc.store_scatter(res, [jnp.full((_L,), t, jnp.int32)],
                           jnp.full((_L,), gidx, jnp.int32), mask=lane0)
        plsc.store_scatter(srow, [jnp.full((_L,), gidx, jnp.int32)], negv,
                           mask=lane0)
        jl = gidx - base
        jstar = jl // _L
        lstar = jl % _L
        m = negv
        for j in range(16):
            kill = jnp.logical_and(lanei == lstar, jstar == j)
            m = jnp.maximum(m, jnp.where(kill, negv, vjs[j]))
        plsc.store_scatter(cm, [jnp.full((_L,), gstar * _L, jnp.int32) + lanei], m)
        s2 = jnp.max(m)
        plsc.store_scatter(cm2, [jnp.full((_L,), gstar, jnp.int32)],
                           jnp.full((_L,), s2, jnp.float32), mask=lane0)
        return 0

    lax.fori_loop(0, _K, extract, 0)
    pltpu.sync_copy(res, out_hbm.at[pl.ds(wid * _K, _K)])


def _topk_sc(scores):
    f = pl.kernel(
        _topk_body,
        out_type=jax.ShapeDtypeStruct((_B * _K,), jnp.int32),
        mesh=plsc.VectorSubcoreMesh(core_axis_name="c", subcore_axis_name="s"),
        scratch_types=[
            pltpu.VMEM((_N,), jnp.float32),
            pltpu.VMEM((_NCHUNK,), jnp.float32),
            pltpu.VMEM((_NG,), jnp.float32),
            pltpu.VMEM((_K,), jnp.int32),
        ],
        compiler_params=pltpu.CompilerParams(needs_layout_passes=False),
    )
    return f(scores)


def kernel(X, W1, b1, W2, b2, W3, b3, K):
    scores = _scores_tc(X, W1, b1, W2, b2, W3, b3)
    idx = _topk_sc(scores)
    return idx + jnp.asarray(K - _K, dtype=idx.dtype)

# --- scband reference (transcript-rebuilt; emitter-appended) ---
"""Pipeline reference for scband-weighting-layer-90211493085779 (READ-ONLY COPY).

The authoritative reference and input builder live on the scoring server;
editing this copy changes nothing except your own understanding.
"""

import jax, jax.numpy as jnp
import numpy as np


def setup_inputs(seed: int = 0) -> dict:
    key = jax.random.key(seed)
    ks = jax.random.split(key, 7)
    B, N = 32, 8192
    X = jax.random.normal(ks[0], (B, N, 32), dtype=jnp.float32)
    W1 = jax.random.normal(ks[1], (16, 32), dtype=jnp.float32) * (1.0 / np.sqrt(32))
    b1 = jax.random.normal(ks[2], (16,), dtype=jnp.float32) * 0.01
    W2 = jax.random.normal(ks[3], (8, 16), dtype=jnp.float32) * (1.0 / np.sqrt(16))
    b2 = jax.random.normal(ks[4], (8,), dtype=jnp.float32) * 0.01
    W3 = jax.random.normal(ks[5], (1, 8), dtype=jnp.float32) * (1.0 / np.sqrt(8))
    b3 = jax.random.normal(ks[6], (1,), dtype=jnp.float32) * 0.01
    return {"X": X, "W1": W1, "b1": b1, "W2": W2, "b2": b2, "W3": W3, "b3": b3, "K": 64}


def reference(X, W1, b1, W2, b2, W3, b3, K=64):
    # fc1: Linear(32,16) + ReLU
    h = jax.nn.relu(jnp.einsum('bnd,od->bno', X, W1) + b1)
    # fc2: Linear(16,8) + ReLU
    h = jax.nn.relu(jnp.einsum('bnd,od->bno', h, W2) + b2)
    # fc3: Linear(8,1) + Softplus -> scores [B, N, 1]
    s = jax.nn.softplus(jnp.einsum('bnd,od->bno', h, W3) + b3)
    # torch.topk(X, K, dim=1) on [B, N, 1] -> indices [B, K, 1]; flatten == topk over N then flatten
    scores = jnp.squeeze(s, axis=-1)  # [B, N]
    K_static = 64
    _, topk_indices = jax.lax.top_k(scores, K_static)  # [B, K]
    topk_indices = topk_indices + jnp.asarray(K - K_static, dtype=topk_indices.dtype)
    return topk_indices.reshape(-1)

if __name__ == "__main__":
    import jax
    _d = setup_inputs()
    print(jax.jit(kernel)(*tuple(_d.values())))

</pallas_src>

<mosaic_0001>
#map = affine_map<(d0, d1) -> (0)>
module attributes {stable_mosaic.version = 14 : i64} {
  func.func @_topk_body(%arg0: i32, %arg1: i32, %arg2: memref<262144xf32, #tpu.memory_space<hbm>>, %arg3: memref<2048xi32, #tpu.memory_space<hbm>>, %arg4: memref<8192xf32, #tpu.memory_space<vmem>>, %arg5: memref<512xf32, #tpu.memory_space<vmem>>, %arg6: memref<32xf32, #tpu.memory_space<vmem>>, %arg7: memref<64xi32, #tpu.memory_space<vmem>>) attributes {dimension_semantics = [#tpu.dimension_semantics<core_parallel>, #tpu.dimension_semantics<subcore_parallel>], iteration_bounds = array<i64: 2, 16>, scalar_prefetch = 0 : i64, scratch_operands = 4 : i64, tpu.core_type = #tpu.core_type<sc_vector_subcore>, window_params = [{transform_indices = #map}, {transform_indices = #map}]} {
    %mul3A = arith.constant 2 : i32
    %mul3A_0 = arith.muli %arg1, %mul3A : i32
    %add3A = arith.addi %mul3A_0, %arg0 : i32
    %mul3A_1 = arith.constant 8192 : i32
    %mul3A_2 = arith.muli %add3A, %mul3A_1 : i32
    "tpu.region"() ({
      %run_scoped3A = tpu.sem_alloc : memref<!tpu.dma_semaphore, #tpu.memory_space<semaphore_mem>>
      %dma_start3A = tpu.memref_slice %arg2[%mul3A_2] : memref<262144xf32, #tpu.memory_space<hbm>> -> memref<8192xf32, #tpu.memory_space<hbm>>
      %dma_start3A_1802 = tpu.memref_slice %arg2[%mul3A_2] : memref<262144xf32, #tpu.memory_space<hbm>> -> memref<8192xf32, #tpu.memory_space<hbm>>
      tpu.enqueue_dma source(%dma_start3A_1802 : memref<8192xf32, #tpu.memory_space<hbm>>) target(%arg4 : memref<8192xf32, #tpu.memory_space<vmem>>) target_semaphore(%run_scoped3A : memref<!tpu.dma_semaphore, #tpu.memory_space<semaphore_mem>>)
      %dma_wait3A = tpu.memref_slice %arg2[%mul3A_2] : memref<262144xf32, #tpu.memory_space<hbm>> -> memref<8192xf32, #tpu.memory_space<hbm>>
      %dma_wait3A_1803 = tpu.memref_slice %arg2[%mul3A_2] : memref<262144xf32, #tpu.memory_space<hbm>> -> memref<8192xf32, #tpu.memory_space<hbm>>
      tpu.wait_dma2 semaphore(%run_scoped3A : memref<!tpu.dma_semaphore, #tpu.memory_space<semaphore_mem>>) src(%dma_wait3A_1803 : memref<8192xf32, #tpu.memory_space<hbm>>) dst(%arg4 : memref<8192xf32, #tpu.memory_space<vmem>>)
      tpu.yield
    }) : () -> ()
    %iota3A = tpu.iota {dimensions = array<i32: 0>} : vector<16xi32>
    %eq3A = arith.constant 0 : i32
    %eq3A_3 = vector.broadcast %eq3A : i32 to vector<16xi32>
    %eq3A_4 = arith.cmpi eq, %iota3A, %eq3A_3 : vector<16xi32>
    %broadcast_in_dim3A = arith.constant -1.000000e+30 : f32
    %broadcast_in_dim3A_5 = vector.broadcast %broadcast_in_dim3A : f32 to vector<16xf32>
    %get3A = arith.constant 0 : index
    %get3A_6 = tpu.vector_load %arg4[%get3A] {strides = array<i32>} : memref<8192xf32, #tpu.memory_space<vmem>>, vector<16xf32>,
    %get3A_7 = arith.constant 16 : index
    %get3A_8 = tpu.vector_load %arg4[%get3A_7] {strides = array<i32>} : memref<8192xf32, #tpu.memory_space<vmem>>, vector<16xf32>,
    %max3A = arith.maximumf %get3A_6, %get3A_8 : vector<16xf32>
    %get3A_9 = arith.constant 32 : index
    %get3A_10 = tpu.vector_load %arg4[%get3A_9] {strides = array<i32>} : memref<8192xf32, #tpu.memory_space<vmem>>, vector<16xf32>,
    %max3A_11 = arith.maximumf %max3A, %get3A_10 : vector<16xf32>
    %get3A_12 = arith.constant 48 : index
    %get3A_13 = tpu.vector_load %arg4[%get3A_12] {strides = array<i32>} : memref<8192xf32, #tpu.memory_space<vmem>>, vector<16xf32>,
    %max3A_14 = arith.maximumf %max3A_11, %get3A_13 : vector<16xf32>
    %get3A_15 = arith.constant 64 : index
    %get3A_16 = tpu.vector_load %arg4[%get3A_15] {strides = array<i32>} : memref<8192xf32, #tpu.memory_space<vmem>>, vector<16xf32>,
    %max3A_17 = arith.maximumf %max3A_14, %get3A_16 : vector<16xf32>
    %get3A_18 = arith.constant 80 : index
    %get3A_19 = tpu.vector_load %arg4[%get3A_18] {strides = array<i32>} : memref<8192xf32, #tpu.memory_space<vmem>>, vector<16xf32>,
    %max3A_20 = arith.maximumf %max3A_17, %get3A_19 : vector<16xf32>
    %get3A_21 = arith.constant 96 : index
    %get3A_22 = tpu.vector_load %arg4[%get3A_21] {strides = array<i32>} : memref<8192xf32, #tpu.memory_space<vmem>>, vector<16xf32>,
    %max3A_23 = arith.maximumf %max3A_20, %get3A_22 : vector<16xf32>
    %get3A_24 = arith.constant 112 : index
    %get3A_25 = tpu.vector_load %arg4[%get3A_24] {strides = array<i32>} : memref<8192xf32, #tpu.memory_space<vmem>>, vector<16xf32>,
    %max3A_26 = arith.maximumf %max3A_23, %get3A_25 : vector<16xf32>
    %get3A_27 = arith.constant 128 : index
    %get3A_28 = tpu.vector_load %arg4[%get3A_27] {strides = array<i32>} : memref<8192xf32, #tpu.memory_space<vmem>>, vector<16xf32>,
    %max3A_29 = arith.maximumf %max3A_26, %get3A_28 : vector<16xf32>
    %get3A_30 = arith.constant 144 : index
    %get3A_31 = tpu.vector_load %arg4[%get3A_30] {strides = array<i32>} : memref<8192xf32, #tpu.memory_space<vmem>>, vector<16xf32>,
    %max3A_32 = arith.maximumf %max3A_29, %get3A_31 : vector<16xf32>
    %get3A_33 = arith.constant 160 : index
    %get3A_34 = tpu.vector_load %arg4[%get3A_33] {strides = array<i32>} : memref<8192xf32, #tpu.memory_space<vmem>>, vector<16xf32>,
    %max3A_35 = arith.maximumf %max3A_32, %get3A_34 : vector<16xf32>
    %get3A_36 = arith.constant 176 : index
    %get3A_37 = tpu.vector_load %arg4[%get3A_36] {strides = array<i32>} : memref<8192xf32, #tpu.memory_space<vmem>>, vector<16xf32>,
    %max3A_38 = arith.maximumf %max3A_35, %get3A_37 : vector<16xf32>
    %get3A_39 = arith.constant 192 : index
    %get3A_40 = tpu.vector_load %arg4[%get3A_39] {strides = array<i32>} : memref<8192xf32, #tpu.memory_space<vmem>>, vector<16xf32>,
    %max3A_41 = arith.maximumf %max3A_38, %get3A_40 : vector<16xf32>
    %get3A_42 = arith.constant 208 : index
    %get3A_43 = tpu.vector_load %arg4[%get3A_42] {strides = array<i32>} : memref<8192xf32, #tpu.memory_space<vmem>>, vector<16xf32>,
    %max3A_44 = arith.maximumf %max3A_41, %get3A_43 : vector<16xf32>
    %get3A_45 = arith.constant 224 : index
    %get3A_46 = tpu.vector_load %arg4[%get3A_45] {strides = array<i32>} : memref<8192xf32, #tpu.memory_space<vmem>>, vector<16xf32>,
    %max3A_47 = arith.maximumf %max3A_44, %get3A_46 : vector<16xf32>
    %get3A_48 = arith.constant 240 : index
    %get3A_49 = tpu.vector_load %arg4[%get3A_48] {strides = array<i32>} : memref<8192xf32, #tpu.memory_space<vmem>>, vector<16xf32>,
    %max3A_50 = arith.maximumf %max3A_47, %get3A_49 : vector<16xf32>
    %swap3A = arith.constant 0 : index
    %swap3A_51 = tpu.vector_load %arg5[%swap3A] {strides = array<i32>} : memref<512xf32, #tpu.memory_space<vmem>>, vector<16xf32>,
    tpu.vector_store %arg5[%swap3A], %max3A_50 {strides = array<i32>} : memref<512xf32, #tpu.memory_space<vmem>>, vector<16xf32>,
    %reduce_max3A = arith.constant true
    %reduce_max3A_52 = vector.broadcast %reduce_max3A : i1 to vector<16xi1>
    %reduce_max3A_53 = tpu.scan <max>, %max3A_50 masked %reduce_max3A_52 : vector<16xf32>, vector<16xi1> -> vector<16xf32>
    %reduce_max3A_54 = vector.extract %reduce_max3A_53[15] : f32 from vector<16xf32>
    %broadcast_in_dim3A_55 = arith.constant 0 : i32
    %broadcast_in_dim3A_56 = vector.broadcast %broadcast_in_dim3A_55 : i32 to vector<16xi32>
    %broadcast_in_dim3A_57 = vector.broadcast %reduce_max3A_54 : f32 to vector<16xf32>
    tpu.vector_store_idx %arg6[%broadcast_in_dim3A_56], %broadcast_in_dim3A_57 masked %eq3A_4 : memref<32xf32, #tpu.memory_space<vmem>>[vector<16xi32>], vector<16xf32>, vector<16xi1>
    %get3A_58 = arith.constant 256 : index
    %get3A_59 = tpu.vector_load %arg4[%get3A_58] {strides = array<i32>} : memref<8192xf32, #tpu.memory_space<vmem>>, vector<16xf32>,
    %get3A_60 = arith.constant 272 : index
    %get3A_61 = tpu.vector_load %arg4[%get3A_60] {strides = array<i32>} : memref<8192xf32, #tpu.memory_space<vmem>>, vector<16xf32>,
    %max3A_62 = arith.maximumf %get3A_59, %get3A_61 : vector<16xf32>
    %get3A_63 = arith.constant 288 : index
    %get3A_64 = tpu.vector_load %arg4[%get3A_63] {strides = array<i32>} : memref<8192xf32, #tpu.memory_space<vmem>>, vector<16xf32>,
    %max3A_65 = arith.maximumf %max3A_62, %get3A_64 : vector<16xf32>
    %get3A_66 = arith.constant 304 : index
    %get3A_67 = tpu.vector_load %arg4[%get3A_66] {strides = array<i32>} : memref<8192xf32, #tpu.memory_space<vmem>>, vector<16xf32>,
    %max3A_68 = arith.maximumf %max3A_65, %get3A_67 : vector<16xf32>
    %get3A_69 = arith.constant 320 : index
    %get3A_70 = tpu.vector_load %arg4[%get3A_69] {strides = array<i32>} : memref<8192xf32, #tpu.memory_space<vmem>>, vector<16xf32>,
    %max3A_71 = arith.maximumf %max3A_68, %get3A_70 : vector<16xf32>
    %get3A_72 = arith.constant 336 : index
    %get3A_73 = tpu.vector_load %arg4[%get3A_72] {strides = array<i32>} : memref<8192xf32, #tpu.memory_space<vmem>>, vector<16xf32>,
    %max3A_74 = arith.maximumf %max3A_71, %get3A_73 : vector<16xf32>
    %get3A_75 = arith.constant 352 : index
    %get3A_76 = tpu.vector_load %arg4[%get3A_75] {strides = array<i32>} : memref<8192xf32, #tpu.memory_space<vmem>>, vector<16xf32>,
    %max3A_77 = arith.maximumf %max3A_74, %get3A_76 : vector<16xf32>
    %get3A_78 = arith.constant 368 : index
    %get3A_79 = tpu.vector_load %arg4[%get3A_78] {strides = array<i32>} : memref<8192xf32, #tpu.memory_space<vmem>>, vector<16xf32>,
    %max3A_80 = arith.maximumf %max3A_77, %get3A_79 : vector<16xf32>
    %get3A_81 = arith.constant 384 : index
    %get3A_82 = tpu.vector_load %arg4[%get3A_81] {strides = array<i32>} : memref<8192xf32, #tpu.memory_space<vmem>>, vector<16xf32>,
    %max3A_83 = arith.maximumf %max3A_80, %get3A_82 : vector<16xf32>
    %get3A_84 = arith.constant 400 : index
    %get3A_85 = tpu.vector_load %arg4[%get3A_84] {strides = array<i32>} : memref<8192xf32, #tpu.memory_space<vmem>>, vector<16xf32>,
    %max3A_86 = arith.maximumf %max3A_83, %get3A_85 : vector<16xf32>
    %get3A_87 = arith.constant 416 : index
    %get3A_88 = tpu.vector_load %arg4[%get3A_87] {strides = array<i32>} : memref<8192xf32, #tpu.memory_space<vmem>>, vector<16xf32>,
    %max3A_89 = arith.maximumf %max3A_86, %get3A_88 : vector<16xf32>
    %get3A_90 = arith.constant 432 : index
    %get3A_91 = tpu.vector_load %arg4[%get3A_90] {strides = array<i32>} : memref<8192xf32, #tpu.memory_space<vmem>>, vector<16xf32>,
    %max3A_92 = arith.maximumf %max3A_89, %get3A_91 : vector<16xf32>
    %get3A_93 = arith.constant 448 : index
    %get3A_94 = tpu.vector_load %arg4[%get3A_93] {strides = array<i32>} : memref<8192xf32, #tpu.memory_space<vmem>>, vector<16xf32>,
    %max3A_95 = arith.maximumf %max3A_92, %get3A_94 : vector<16xf32>
    %get3A_96 = arith.constant 464 : index
    %get3A_97 = tpu.vector_load %arg4[%get3A_96] {strides = array<i32>} : memref<8192xf32, #tpu.memory_space<vmem>>, vector<16xf32>,
    %max3A_98 = arith.maximumf %max3A_95, %get3A_97 : vector<16xf32>
    %get3A_99 = arith.constant 480 : index
    %get3A_100 = tpu.vector_load %arg4[%get3A_99] {strides = array<i32>} : memref<8192xf32, #tpu.memory_space<vmem>>, vector<16xf32>,
    %max3A_101 = arith.maximumf %max3A_98, %get3A_100 : vector<16xf32>
    %get3A_102 = arith.constant 496 : index
    %get3A_103 = tpu.vector_load %arg4[%get3A_102] {strides = array<i32>} : memref<8192xf32, #tpu.memory_space<vmem>>, vector<16xf32>,
    %max3A_104 = arith.maximumf %max3A_101, %get3A_103 : vector<16xf32>
    %swap3A_105 = arith.constant 16 : index
    %swap3A_106 = tpu.vector_load %arg5[%swap3A_105] {strides = array<i32>} : memref<512xf32, #tpu.memory_space<vmem>>, vector<16xf32>,
    tpu.vector_store %arg5[%swap3A_105], %max3A_104 {strides = array<i32>} : memref<512xf32, #tpu.memory_space<vmem>>, vector<16xf32>,
    %reduce_max3A_107 = arith.constant true
    %reduce_max3A_108 = vector.broadcast %reduce_max3A_107 : i1 to vector<16xi1>
    %reduce_max3A_109 = tpu.scan <max>, %max3A_104 masked %reduce_max3A_108 : vector<16xf32>, vector<16xi1> -> vector<16xf32>
    %reduce_max3A_110 = vector.extract %reduce_max3A_109[15] : f32 from vector<16xf32>
    %broadcast_in_dim3A_111 = arith.constant 1 : i32
    %broadcast_in_dim3A_112 = vector.broadcast %broadcast_in_dim3A_111 : i32 to vector<16xi32>
    %broadcast_in_dim3A_113 = vector.broadcast %reduce_max3A_110 : f32 to vector<16xf32>
    tpu.vector_store_idx %arg6[%broadcast_in_dim3A_112], %broadcast_in_dim3A_113 masked %eq3A_4 : memref<32xf32, #tpu.memory_space<vmem>>[vector<16xi32>], vector<16xf32>, vector<16xi1>
    %get3A_114 = arith.constant 512 : index
    %get3A_115 = tpu.vector_load %arg4[%get3A_114] {strides = array<i32>} : memref<8192xf32, #tpu.memory_space<vmem>>, vector<16xf32>,
    %get3A_116 = arith.constant 528 : index
    %get3A_117 = tpu.vector_load %arg4[%get3A_116] {strides = array<i32>} : memref<8192xf32, #tpu.memory_space<vmem>>, vector<16xf32>,
    %max3A_118 = arith.maximumf %get3A_115, %get3A_117 : vector<16xf32>
    %get3A_119 = arith.constant 544 : index
    %get3A_120 = tpu.vector_load %arg4[%get3A_119] {strides = array<i32>} : memref<8192xf32, #tpu.memory_space<vmem>>, vector<16xf32>,
    %max3A_121 = arith.maximumf %max3A_118, %get3A_120 : vector<16xf32>
    %get3A_122 = arith.constant 560 : index
    %get3A_123 = tpu.vector_load %arg4[%get3A_122] {strides = array<i32>} : memref<8192xf32, #tpu.memory_space<vmem>>, vector<16xf32>,
    %max3A_124 = arith.maximumf %max3A_121, %get3A_123 : vector<16xf32>
    %get3A_125 = arith.constant 576 : index
    %get3A_126 = tpu.vector_load %arg4[%get3A_125] {strides = array<i32>} : memref<8192xf32, #tpu.memory_space<vmem>>, vector<16xf32>,
    %max3A_127 = arith.maximumf %max3A_124, %get3A_126 : vector<16xf32>
    %get3A_128 = arith.constant 592 : index
    %get3A_129 = tpu.vector_load %arg4[%get3A_128] {strides = array<i32>} : memref<8192xf32, #tpu.memory_space<vmem>>, vector<16xf32>,
    %max3A_130 = arith.maximumf %max3A_127, %get3A_129 : vector<16xf32>
    %get3A_131 = arith.constant 608 : index
    %get3A_132 = tpu.vector_load %arg4[%get3A_131] {strides = array<i32>} : memref<8192xf32, #tpu.memory_space<vmem>>, vector<16xf32>,
    %max3A_133 = arith.maximumf %max3A_130, %get3A_132 : vector<16xf32>
    %get3A_134 = arith.constant 624 : index
    %get3A_135 = tpu.vector_load %arg4[%get3A_134] {strides = array<i32>} : memref<8192xf32, #tpu.memory_space<vmem>>, vector<16xf32>,
    %max3A_136 = arith.maximumf %max3A_133, %get3A_135 : vector<16xf32>
    %get3A_137 = arith.constant 640 : index
    %get3A_138 = tpu.vector_load %arg4[%get3A_137] {strides = array<i32>} : memref<8192xf32, #tpu.memory_space<vmem>>, vector<16xf32>,
    %max3A_139 = arith.maximumf %max3A_136, %get3A_138 : vector<16xf32>
    %get3A_140 = arith.constant 656 : index
    %get3A_141 = tpu.vector_load %arg4[%get3A_140] {strides = array<i32>} : memref<8192xf32, #tpu.memory_space<vmem>>, vector<16xf32>,
    %max3A_142 = arith.maximumf %max3A_139, %get3A_141 : vector<16xf32>
    %get3A_143 = arith.constant 672 : index
    %get3A_144 = tpu.vector_load %arg4[%get3A_143] {strides = array<i32>} : memref<8192xf32, #tpu.memory_space<vmem>>, vector<16xf32>,
    %max3A_145 = arith.maximumf %max3A_142, %get3A_144 : vector<16xf32>
    %get3A_146 = arith.constant 688 : index
    %get3A_147 = tpu.vector_load %arg4[%get3A_146] {strides = array<i32>} : memref<8192xf32, #tpu.memory_space<vmem>>, vector<16xf32>,
    %max3A_148 = arith.maximumf %max3A_145, %get3A_147 : vector<16xf32>
    %get3A_149 = arith.constant 704 : index
    %get3A_150 = tpu.vector_load %arg4[%get3A_149] {strides = array<i32>} : memref<8192xf32, #tpu.memory_space<vmem>>, vector<16xf32>,
    %max3A_151 = arith.maximumf %max3A_148, %get3A_150 : vector<16xf32>
    %get3A_152 = arith.constant 720 : index
    %get3A_153 = tpu.vector_load %arg4[%get3A_152] {strides = array<i32>} : memref<8192xf32, #tpu.memory_space<vmem>>, vector<16xf32>,
    %max3A_154 = arith.maximumf %max3A_151, %get3A_153 : vector<16xf32>
    %get3A_155 = arith.constant 736 : index
    %get3A_156 = tpu.vector_load %arg4[%get3A_155] {strides = array<i32>} : memref<8192xf32, #tpu.memory_space<vmem>>, vector<16xf32>,
    %max3A_157 = arith.maximumf %max3A_154, %get3A_156 : vector<16xf32>
    %get3A_158 = arith.constant 752 : index
    %get3A_159 = tpu.vector_load %arg4[%get3A_158] {strides = array<i32>} : memref<8192xf32, #tpu.memory_space<vmem>>, vector<16xf32>,
    %max3A_160 = arith.maximumf %max3A_157, %get3A_159 : vector<16xf32>
    %swap3A_161 = arith.constant 32 : index
    %swap3A_162 = tpu.vector_load %arg5[%swap3A_161] {strides = array<i32>} : memref<512xf32, #tpu.memory_space<vmem>>, vector<16xf32>,
    tpu.vector_store %arg5[%swap3A_161], %max3A_160 {strides = array<i32>} : memref<512xf32, #tpu.memory_space<vmem>>, vector<16xf32>,
    %reduce_max3A_163 = arith.constant true
    %reduce_max3A_164 = vector.broadcast %reduce_max3A_163 : i1 to vector<16xi1>
    %reduce_max3A_165 = tpu.scan <max>, %max3A_160 masked %reduce_max3A_164 : vector<16xf32>, vector<16xi1> -> vector<16xf32>
    %reduce_max3A_166 = vector.extract %reduce_max3A_165[15] : f32 from vector<16xf32>
    %broadcast_in_dim3A_167 = arith.constant 2 : i32
    %broadcast_in_dim3A_168 = vector.broadcast %broadcast_in_dim3A_167 : i32 to vector<16xi32>
    %broadcast_in_dim3A_169 = vector.broadcast %reduce_max3A_166 : f32 to vector<16xf32>
    tpu.vector_store_idx %arg6[%broadcast_in_dim3A_168], %broadcast_in_dim3A_169 masked %eq3A_4 : memref<32xf32, #tpu.memory_space<vmem>>[vector<16xi32>], vector<16xf32>, vector<16xi1>
    %get3A_170 = arith.constant 768 : index
    %get3A_171 = tpu.vector_load %arg4[%get3A_170] {strides = array<i32>} : memref<8192xf32, #tpu.memory_space<vmem>>, vector<16xf32>,
    %get3A_172 = arith.constant 784 : index
    %get3A_173 = tpu.vector_load %arg4[%get3A_172] {strides = array<i32>} : memref<8192xf32, #tpu.memory_space<vmem>>, vector<16xf32>,
    %max3A_174 = arith.maximumf %get3A_171, %get3A_173 : vector<16xf32>
    %get3A_175 = arith.constant 800 : index
    %get3A_176 = tpu.vector_load %arg4[%get3A_175] {strides = array<i32>} : memref<8192xf32, #tpu.memory_space<vmem>>, vector<16xf32>,
    %max3A_177 = arith.maximumf %max3A_174, %get3A_176 : vector<16xf32>
    %get3A_178 = arith.constant 816 : index
    %get3A_179 = tpu.vector_load %arg4[%get3A_178] {strides = array<i32>} : memref<8192xf32, #tpu.memory_space<vmem>>, vector<16xf32>,
    %max3A_180 = arith.maximumf %max3A_177, %get3A_179 : vector<16xf32>
    %get3A_181 = arith.constant 832 : index
    %get3A_182 = tpu.vector_load %arg4[%get3A_181] {strides = array<i32>} : memref<8192xf32, #tpu.memory_space<vmem>>, vector<16xf32>,
    %max3A_183 = arith.maximumf %max3A_180, %get3A_182 : vector<16xf32>
    %get3A_184 = arith.constant 848 : index
    %get3A_185 = tpu.vector_load %arg4[%get3A_184] {strides = array<i32>} : memref<8192xf32, #tpu.memory_space<vmem>>, vector<16xf32>,
    %max3A_186 = arith.maximumf %max3A_183, %get3A_185 : vector<16xf32>
    %get3A_187 = arith.constant 864 : index
    %get3A_188 = tpu.vector_load %arg4[%get3A_187] {strides = array<i32>} : memref<8192xf32, #tpu.memory_space<vmem>>, vector<16xf32>,
    %max3A_189 = arith.maximumf %max3A_186, %get3A_188 : vector<16xf32>
    %get3A_190 = arith.constant 880 : index
    %get3A_191 = tpu.vector_load %arg4[%get3A_190] {strides = array<i32>} : memref<8192xf32, #tpu.memory_space<vmem>>, vector<16xf32>,
    %max3A_192 = arith.maximumf %max3A_189, %get3A_191 : vector<16xf32>
    %get3A_193 = arith.constant 896 : index
    %get3A_194 = tpu.vector_load %arg4[%get3A_193] {strides = array<i32>} : memref<8192xf32, #tpu.memory_space<vmem>>, vector<16xf32>,
    %max3A_195 = arith.maximumf %max3A_192, %get3A_194 : vector<16xf32>
    %get3A_196 = arith.constant 912 : index
    %get3A_197 = tpu.vector_load %arg4[%get3A_196] {strides = array<i32>} : memref<8192xf32, #tpu.memory_space<vmem>>, vector<16xf32>,
    %max3A_198 = arith.maximumf %max3A_195, %get3A_197 : vector<16xf32>
    %get3A_199 = arith.constant 928 : index
    %get3A_200 = tpu.vector_load %arg4[%get3A_199] {strides = array<i32>} : memref<8192xf32, #tpu.memory_space<vmem>>, vector<16xf32>,
    %max3A_201 = arith.maximumf %max3A_198, %get3A_200 : vector<16xf32>
    %get3A_202 = arith.constant 944 : index
    %get3A_203 = tpu.vector_load %arg4[%get3A_202] {strides = array<i32>} : memref<8192xf32, #tpu.memory_space<vmem>>, vector<16xf32>,
    %max3A_204 = arith.maximumf %max3A_201, %get3A_203 : vector<16xf32>
    %get3A_205 = arith.constant 960 : index
    %get3A_206 = tpu.vector_load %arg4[%get3A_205] {strides = array<i32>} : memref<8192xf32, #tpu.memory_space<vmem>>, vector<16xf32>,
    %max3A_207 = arith.maximumf %max3A_204, %get3A_206 : vector<16xf32>
    %get3A_208 = arith.constant 976 : index
    %get3A_209 = tpu.vector_load %arg4[%get3A_208] {strides = array<i32>} : memref<8192xf32, #tpu.memory_space<vmem>>, vector<16xf32>,
    %max3A_210 = arith.maximumf %max3A_207, %get3A_209 : vector<16xf32>
    %get3A_211 = arith.constant 992 : index
    %get3A_212 = tpu.vector_load %arg4[%get3A_211] {strides = array<i32>} : memref<8192xf32, #tpu.memory_space<vmem>>, vector<16xf32>,
    %max3A_213 = arith.maximumf %max3A_210, %get3A_212 : vector<16xf32>
    %get3A_214 = arith.constant 1008 : index
    %get3A_215 = tpu.vector_load %arg4[%get3A_214] {strides = array<i32>} : memref<8192xf32, #tpu.memory_space<vmem>>, vector<16xf32>,
    %max3A_216 = arith.maximumf %max3A_213, %get3A_215 : vector<16xf32>
    %swap3A_217 = arith.constant 48 : index
    %swap3A_218 = tpu.vector_load %arg5[%swap3A_217] {strides = array<i32>} : memref<512xf32, #tpu.memory_space<vmem>>, vector<16xf32>,
    tpu.vector_store %arg5[%swap3A_217], %max3A_216 {strides = array<i32>} : memref<512xf32, #tpu.memory_space<vmem>>, vector<16xf32>,
    %reduce_max3A_219 = arith.constant true
    %reduce_max3A_220 = vector.broadcast %reduce_max3A_219 : i1 to vector<16xi1>
    %reduce_max3A_221 = tpu.scan <max>, %max3A_216 masked %reduce_max3A_220 : vector<16xf32>, vector<16xi1> -> vector<16xf32>
    %reduce_max3A_222 = vector.extract %reduce_max3A_221[15] : f32 from vector<16xf32>
    %broadcast_in_dim3A_223 = arith.constant 3 : i32
    %broadcast_in_dim3A_224 = vector.broadcast %broadcast_in_dim3A_223 : i32 to vector<16xi32>
    %broadcast_in_dim3A_225 = vector.broadcast %reduce_max3A_222 : f32 to vector<16xf32>
    tpu.vector_store_idx %arg6[%broadcast_in_dim3A_224], %broadcast_in_dim3A_225 masked %eq3A_4 : memref<32xf32, #tpu.memory_space<vmem>>[vector<16xi32>], vector<16xf32>, vector<16xi1>
    %get3A_226 = arith.constant 1024 : index
    %get3A_227 = tpu.vector_load %arg4[%get3A_226] {strides = array<i32>} : memref<8192xf32, #tpu.memory_space<vmem>>, vector<16xf32>,
    %get3A_228 = arith.constant 1040 : index
    %get3A_229 = tpu.vector_load %arg4[%get3A_228] {strides = array<i32>} : memref<8192xf32, #tpu.memory_space<vmem>>, vector<16xf32>,
    %max3A_230 = arith.maximumf %get3A_227, %get3A_229 : vector<16xf32>
    %get3A_231 = arith.constant 1056 : index
    %get3A_232 = tpu.vector_load %arg4[%get3A_231] {strides = array<i32>} : memref<8192xf32, #tpu.memory_space<vmem>>, vector<16xf32>,
    %max3A_233 = arith.maximumf %max3A_230, %get3A_232 : vector<16xf32>
    %get3A_234 = arith.constant 1072 : index
    %get3A_235 = tpu.vector_load %arg4[%get3A_234] {strides = array<i32>} : memref<8192xf32, #tpu.memory_space<vmem>>, vector<16xf32>,
    %max3A_236 = arith.maximumf %max3A_233, %get3A_235 : vector<16xf32>
    %get3A_237 = arith.constant 1088 : index
    %get3A_238 = tpu.vector_load %arg4[%get3A_237] {strides = array<i32>} : memref<8192xf32, #tpu.memory_space<vmem>>, vector<16xf32>,
    %max3A_239 = arith.maximumf %max3A_236, %get3A_238 : vector<16xf32>
    %get3A_240 = arith.constant 1104 : index
    %get3A_241 = tpu.vector_load %arg4[%get3A_240] {strides = array<i32>} : memref<8192xf32, #tpu.memory_space<vmem>>, vector<16xf32>,
    %max3A_242 = arith.maximumf %max3A_239, %get3A_241 : vector<16xf32>
    %get3A_243 = arith.constant 1120 : index
    %get3A_244 = tpu.vector_load %arg4[%get3A_243] {strides = array<i32>} : memref<8192xf32, #tpu.memory_space<vmem>>, vector<16xf32>,
    %max3A_245 = arith.maximumf %max3A_242, %get3A_244 : vector<16xf32>
    %get3A_246 = arith.constant 1136 : index
    %get3A_247 = tpu.vector_load %arg4[%get3A_246] {strides = array<i32>} : memref<8192xf32, #tpu.memory_space<vmem>>, vector<16xf32>,
    %max3A_248 = arith.maximumf %max3A_245, %get3A_247 : vector<16xf32>
    %get3A_249 = arith.constant 1152 : index
    %get3A_250 = tpu.vector_load %arg4[%get3A_249] {strides = array<i32>} : memref<8192xf32, #tpu.memory_space<vmem>>, vector<16xf32>,
    %max3A_251 = arith.maximumf %max3A_248, %get3A_250 : vector<16xf32>
    %get3A_252 = arith.constant 1168 : index
    %get3A_253 = tpu.vector_load %arg4[%get3A_252] {strides = array<i32>} : memref<8192xf32, #tpu.memory_space<vmem>>, vector<16xf32>,
    %max3A_254 = arith.maximumf %max3A_251, %get3A_253 : vector<16xf32>
    %get3A_255 = arith.constant 1184 : index
    %get3A_256 = tpu.vector_load %arg4[%get3A_255] {strides = array<i32>} : memref<8192xf32, #tpu.memory_space<vmem>>, vector<16xf32>,
    %max3A_257 = arith.maximumf %max3A_254, %get3A_256 : vector<16xf32>
    %get3A_258 = arith.constant 1200 : index
    %get3A_259 = tpu.vector_load %arg4[%get3A_258] {strides = array<i32>} : memref<8192xf32, #tpu.memory_space<vmem>>, vector<16xf32>,
    %max3A_260 = arith.maximumf %max3A_257, %get3A_259 : vector<16xf32>
    %get3A_261 = arith.constant 1216 : index
    %get3A_262 = tpu.vector_load %arg4[%get3A_261] {strides = array<i32>} : memref<8192xf32, #tpu.memory_space<vmem>>, vector<16xf32>,
    %max3A_263 = arith.maximumf %max3A_260, %get3A_262 : vector<16xf32>
    %get3A_264 = arith.constant 1232 : index
    %get3A_265 = tpu.vector_load %arg4[%get3A_264] {strides = array<i32>} : memref<8192xf32, #tpu.memory_space<vmem>>, vector<16xf32>,
    %max3A_266 = arith.maximumf %max3A_263, %get3A_265 : vector<16xf32>
    %get3A_267 = arith.constant 1248 : index
    %get3A_268 = tpu.vector_load %arg4[%get3A_267] {strides = array<i32>} : memref<8192xf32, #tpu.memory_space<vmem>>, vector<16xf32>,
    %max3A_269 = arith.maximumf %max3A_266, %get3A_268 : vector<16xf32>
    %get3A_270 = arith.constant 1264 : index
    %get3A_271 = tpu.vector_load %arg4[%get3A_270] {strides = array<i32>} : memref<8192xf32, #tpu.memory_space<vmem>>, vector<16xf32>,
    %max3A_272 = arith.maximumf %max3A_269, %get3A_271 : vector<16xf32>
    %swap3A_273 = arith.constant 64 : index
    %swap3A_274 = tpu.vector_load %arg5[%swap3A_273] {strides = array<i32>} : memref<512xf32, #tpu.memory_space<vmem>>, vector<16xf32>,
    tpu.vector_store %arg5[%swap3A_273], %max3A_272 {strides = array<i32>} : memref<512xf32, #tpu.memory_space<vmem>>, vector<16xf32>,
    %reduce_max3A_275 = arith.constant true
    %reduce_max3A_276 = vector.broadcast %reduce_max3A_275 : i1 to vector<16xi1>
    %reduce_max3A_277 = tpu.scan <max>, %max3A_272 masked %reduce_max3A_276 : vector<16xf32>, vector<16xi1> -> vector<16xf32>
    %reduce_max3A_278 = vector.extract %reduce_max3A_277[15] : f32 from vector<16xf32>
    %broadcast_in_dim3A_279 = arith.constant 4 : i32
    %broadcast_in_dim3A_280 = vector.broadcast %broadcast_in_dim3A_279 : i32 to vector<16xi32>
    %broadcast_in_dim3A_281 = vector.broadcast %reduce_max3A_278 : f32 to vector<16xf32>
    tpu.vector_store_idx %arg6[%broadcast_in_dim3A_280], %broadcast_in_dim3A_281 masked %eq3A_4 : memref<32xf32, #tpu.memory_space<vmem>>[vector<16xi32>], vector<16xf32>, vector<16xi1>
    %get3A_282 = arith.constant 1280 : index
    %get3A_283 = tpu.vector_load %arg4[%get3A_282] {strides = array<i32>} : memref<8192xf32, #tpu.memory_space<vmem>>, vector<16xf32>,
    %get3A_284 = arith.constant 1296 : index
    %get3A_285 = tpu.vector_load %arg4[%get3A_284] {strides = array<i32>} : memref<8192xf32, #tpu.memory_space<vmem>>, vector<16xf32>,
    %max3A_286 = arith.maximumf %get3A_283, %get3A_285 : vector<16xf32>
    %get3A_287 = arith.constant 1312 : index
    %get3A_288 = tpu.vector_load %arg4[%get3A_287] {strides = array<i32>} : memref<8192xf32, #tpu.memory_space<vmem>>, vector<16xf32>,
    %max3A_289 = arith.maximumf %max3A_286, %get3A_288 : vector<16xf32>
    %get3A_290 = arith.constant 1328 : index
    %get3A_291 = tpu.vector_load %arg4[%get3A_290] {strides = array<i32>} : memref<8192xf32, #tpu.memory_space<vmem>>, vector<16xf32>,
    %max3A_292 = arith.maximumf %max3A_289, %get3A_291 : vector<16xf32>
    %get3A_293 = arith.constant 1344 : index
    %get3A_294 = tpu.vector_load %arg4[%get3A_293] {strides = array<i32>} : memref<8192xf32, #tpu.memory_space<vmem>>, vector<16xf32>,
    %max3A_295 = arith.maximumf %max3A_292, %get3A_294 : vector<16xf32>
    %get3A_296 = arith.constant 1360 : index
    %get3A_297 = tpu.vector_load %arg4[%get3A_296] {strides = array<i32>} : memref<8192xf32, #tpu.memory_space<vmem>>, vector<16xf32>,
    %max3A_298 = arith.maximumf %max3A_295, %get3A_297 : vector<16xf32>
    %get3A_299 = arith.constant 1376 : index
    %get3A_300 = tpu.vector_load %arg4[%get3A_299] {strides = array<i32>} : memref<8192xf32, #tpu.memory_space<vmem>>, vector<16xf32>,
    %max3A_301 = arith.maximumf %max3A_298, %get3A_300 : vector<16xf32>
    %get3A_302 = arith.constant 1392 : index
    %get3A_303 = tpu.vector_load %arg4[%get3A_302] {strides = array<i32>} : memref<8192xf32, #tpu.memory_space<vmem>>, vector<16xf32>,
    %max3A_304 = arith.maximumf %max3A_301, %get3A_303 : vector<16xf32>
    %get3A_305 = arith.constant 1408 : index
    %get3A_306 = tpu.vector_load %arg4[%get3A_305] {strides = array<i32>} : memref<8192xf32, #tpu.memory_space<vmem>>, vector<16xf32>,
    %max3A_307 = arith.maximumf %max3A_304, %get3A_306 : vector<16xf32>
    %get3A_308 = arith.constant 1424 : index
    %get3A_309 = tpu.vector_load %arg4[%get3A_308] {strides = array<i32>} : memref<8192xf32, #tpu.memory_space<vmem>>, vector<16xf32>,
    %max3A_310 = arith.maximumf %max3A_307, %get3A_309 : vector<16xf32>
    %get3A_311 = arith.constant 1440 : index
    %get3A_312 = tpu.vector_load %arg4[%get3A_311] {strides = array<i32>} : memref<8192xf32, #tpu.memory_space<vmem>>, vector<16xf32>,
    %max3A_313 = arith.maximumf %max3A_310, %get3A_312 : vector<16xf32>
    %get3A_314 = arith.constant 1456 : index
    %get3A_315 = tpu.vector_load %arg4[%get3A_314] {strides = array<i32>} : memref<8192xf32, #tpu.memory_space<vmem>>, vector<16xf32>,
    %max3A_316 = arith.maximumf %max3A_313, %get3A_315 : vector<16xf32>
    %get3A_317 = arith.constant 1472 : index
    %get3A_318 = tpu.vector_load %arg4[%get3A_317] {strides = array<i32>} : memref<8192xf32, #tpu.memory_space<vmem>>, vector<16xf32>,
    %max3A_319 = arith.maximumf %max3A_316, %get3A_318 : vector<16xf32>
    %get3A_320 = arith.constant 1488 : index
    %get3A_321 = tpu.vector_load %arg4[%get3A_320] {strides = array<i32>} : memref<8192xf32, #tpu.memory_space<vmem>>, vector<16xf32>,
    %max3A_322 = arith.maximumf %max3A_319, %get3A_321 : vector<16xf32>
    %get3A_323 = arith.constant 1504 : index
    %get3A_324 = tpu.vector_load %arg4[%get3A_323] {strides = array<i32>} : memref<8192xf32, #tpu.memory_space<vmem>>, vector<16xf32>,
    %max3A_325 = arith.maximumf %max3A_322, %get3A_324 : vector<16xf32>
    %get3A_326 = arith.constant 1520 : index
    %get3A_327 = tpu.vector_load %arg4[%get3A_326] {strides = array<i32>} : memref<8192xf32, #tpu.memory_space<vmem>>, vector<16xf32>,
    %max3A_328 = arith.maximumf %max3A_325, %get3A_327 : vector<16xf32>
    %swap3A_329 = arith.constant 80 : index
    %swap3A_330 = tpu.vector_load %arg5[%swap3A_329] {strides = array<i32>} : memref<512xf32, #tpu.memory_space<vmem>>, vector<16xf32>,
    tpu.vector_store %arg5[%swap3A_329], %max3A_328 {strides = array<i32>} : memref<512xf32, #tpu.memory_space<vmem>>, vector<16xf32>,
    %reduce_max3A_331 = arith.constant true
    %reduce_max3A_332 = vector.broadcast %reduce_max3A_331 : i1 to vector<16xi1>
    %reduce_max3A_333 = tpu.scan <max>, %max3A_328 masked %reduce_max3A_332 : vector<16xf32>, vector<16xi1> -> vector<16xf32>
    %reduce_max3A_334 = vector.extract %reduce_max3A_333[15] : f32 from vector<16xf32>
    %broadcast_in_dim3A_335 = arith.constant 5 : i32
    %broadcast_in_dim3A_336 = vector.broadcast %broadcast_in_dim3A_335 : i32 to vector<16xi32>
    %broadcast_in_dim3A_337 = vector.broadcast %reduce_max3A_334 : f32 to vector<16xf32>
    tpu.vector_store_idx %arg6[%broadcast_in_dim3A_336], %broadcast_in_dim3A_337 masked %eq3A_4 : memref<32xf32, #tpu.memory_space<vmem>>[vector<16xi32>], vector<16xf32>, vector<16xi1>
    %get3A_338 = arith.constant 1536 : index
    %get3A_339 = tpu.vector_load %arg4[%get3A_338] {strides = array<i32>} : memref<8192xf32, #tpu.memory_space<vmem>>, vector<16xf32>,
    %get3A_340 = arith.constant 1552 : index
    %get3A_341 = tpu.vector_load %arg4[%get3A_340] {strides = array<i32>} : memref<8192xf32, #tpu.memory_space<vmem>>, vector<16xf32>,
    %max3A_342 = arith.maximumf %get3A_339, %get3A_341 : vector<16xf32>
    %get3A_343 = arith.constant 1568 : index
    %get3A_344 = tpu.vector_load %arg4[%get3A_343] {strides = array<i32>} : memref<8192xf32, #tpu.memory_space<vmem>>, vector<16xf32>,
    %max3A_345 = arith.maximumf %max3A_342, %get3A_344 : vector<16xf32>
    %get3A_346 = arith.constant 1584 : index
    %get3A_347 = tpu.vector_load %arg4[%get3A_346] {strides = array<i32>} : memref<8192xf32, #tpu.memory_space<vmem>>, vector<16xf32>,
    %max3A_348 = arith.maximumf %max3A_345, %get3A_347 : vector<16xf32>
    %get3A_349 = arith.constant 1600 : index
    %get3A_350 = tpu.vector_load %arg4[%get3A_349] {strides = array<i32>} : memref<8192xf32, #tpu.memory_space<vmem>>, vector<16xf32>,
    %max3A_351 = arith.maximumf %max3A_348, %get3A_350 : vector<16xf32>
    %get3A_352 = arith.constant 1616 : index
    %get3A_353 = tpu.vector_load %arg4[%get3A_352] {strides = array<i32>} : memref<8192xf32, #tpu.memory_space<vmem>>, vector<16xf32>,
    %max3A_354 = arith.maximumf %max3A_351, %get3A_353 : vector<16xf32>
    %get3A_355 = arith.constant 1632 : index
    %get3A_356 = tpu.vector_load %arg4[%get3A_355] {strides = array<i32>} : memref<8192xf32, #tpu.memory_space<vmem>>, vector<16xf32>,
    %max3A_357 = arith.maximumf %max3A_354, %get3A_356 : vector<16xf32>
    %get3A_358 = arith.constant 1648 : index
    %get3A_359 = tpu.vector_load %arg4[%get3A_358] {strides = array<i32>} : memref<8192xf32, #tpu.memory_space<vmem>>, vector<16xf32>,
    %max3A_360 = arith.maximumf %max3A_357, %get3A_359 : vector<16xf32>
    %get3A_361 = arith.constant 1664 : index
    %get3A_362 = tpu.vector_load %arg4[%get3A_361] {strides = array<i32>} : memref<8192xf32, #tpu.memory_space<vmem>>, vector<16xf32>,
    %max3A_363 = arith.maximumf %max3A_360, %get3A_362 : vector<16xf32>
    %get3A_364 = arith.constant 1680 : index
    %get3A_365 = tpu.vector_load %arg4[%get3A_364] {strides = array<i32>} : memref<8192xf32, #tpu.memory_space<vmem>>, vector<16xf32>,
    %max3A_366 = arith.maximumf %max3A_363, %get3A_365 : vector<16xf32>
    %get3A_367 = arith.constant 1696 : index
    %get3A_368 = tpu.vector_load %arg4[%get3A_367] {strides = array<i32>} : memref<8192xf32, #tpu.memory_space<vmem>>, vector<16xf32>,
    %max3A_369 = arith.maximumf %max3A_366, %get3A_368 : vector<16xf32>
    %get3A_370 = arith.constant 1712 : index
    %get3A_371 = tpu.vector_load %arg4[%get3A_370] {strides = array<i32>} : memref<8192xf32, #tpu.memory_space<vmem>>, vector<16xf32>,
    %max3A_372 = arith.maximumf %max3A_369, %get3A_371 : vector<16xf32>
    %get3A_373 = arith.constant 1728 : index
    %get3A_374 = tpu.vector_load %arg4[%get3A_373] {strides = array<i32>} : memref<8192xf32, #tpu.memory_space<vmem>>, vector<16xf32>,
    %max3A_375 = arith.maximumf %max3A_372, %get3A_374 : vector<16xf32>
    %get3A_376 = arith.constant 1744 : index
    %get3A_377 = tpu.vector_load %arg4[%get3A_376] {strides = array<i32>} : memref<8192xf32, #tpu.memory_space<vmem>>, vector<16xf32>,
    %max3A_378 = arith.maximumf %max3A_375, %get3A_377 : vector<16xf32>
    %get3A_379 = arith.constant 1760 : index
    %get3A_380 = tpu.vector_load %arg4[%get3A_379] {strides = array<i32>} : memref<8192xf32, #tpu.memory_space<vmem>>, vector<16xf32>,
    %max3A_381 = arith.maximumf %max3A_378, %get3A_380 : vector<16xf32>
    %get3A_382 = arith.constant 1776 : index
    %get3A_383 = tpu.vector_load %arg4[%get3A_382] {strides = array<i32>} : memref<8192xf32, #tpu.memory_space<vmem>>, vector<16xf32>,
    %max3A_384 = arith.maximumf %max3A_381, %get3A_383 : vector<16xf32>
    %swap3A_385 = arith.constant 96 : index
    %swap3A_386 = tpu.vector_load %arg5[%swap3A_385] {strides = array<i32>} : memref<512xf32, #tpu.memory_space<vmem>>, vector<16xf32>,
    tpu.vector_store %arg5[%swap3A_385], %max3A_384 {strides = array<i32>} : memref<512xf32, #tpu.memory_space<vmem>>, vector<16xf32>,
    %reduce_max3A_387 = arith.constant true
    %reduce_max3A_388 = vector.broadcast %reduce_max3A_387 : i1 to vector<16xi1>
    %reduce_max3A_389 = tpu.scan <max>, %max3A_384 masked %reduce_max3A_388 : vector<16xf32>, vector<16xi1> -> vector<16xf32>
    %reduce_max3A_390 = vector.extract %reduce_max3A_389[15] : f32 from vector<16xf32>
    %broadcast_in_dim3A_391 = arith.constant 6 : i32
    %broadcast_in_dim3A_392 = vector.broadcast %broadcast_in_dim3A_391 : i32 to vector<16xi32>
    %broadcast_in_dim3A_393 = vector.broadcast %reduce_max3A_390 : f32 to vector<16xf32>
    tpu.vector_store_idx %arg6[%broadcast_in_dim3A_392], %broadcast_in_dim3A_393 masked %eq3A_4 : memref<32xf32, #tpu.memory_space<vmem>>[vector<16xi32>], vector<16xf32>, vector<16xi1>
    %get3A_394 = arith.constant 1792 : index
    %get3A_395 = tpu.vector_load %arg4[%get3A_394] {strides = array<i32>} : memref<8192xf32, #tpu.memory_space<vmem>>, vector<16xf32>,
    %get3A_396 = arith.constant 1808 : index
    %get3A_397 = tpu.vector_load %arg4[%get3A_396] {strides = array<i32>} : memref<8192xf32, #tpu.memory_space<vmem>>, vector<16xf32>,
    %max3A_398 = arith.maximumf %get3A_395, %get3A_397 : vector<16xf32>
    %get3A_399 = arith.constant 1824 : index
    %get3A_400 = tpu.vector_load %arg4[%get3A_399] {strides = array<i32>} : memref<8192xf32, #tpu.memory_space<vmem>>, vector<16xf32>,
    %max3A_401 = arith.maximumf %max3A_398, %get3A_400 : vector<16xf32>
    %get3A_402 = arith.constant 1840 : index
    %get3A_403 = tpu.vector_load %arg4[%get3A_402] {strides = array<i32>} : memref<8192xf32, #tpu.memory_space<vmem>>, vector<16xf32>,
    %max3A_404 = arith.maximumf %max3A_401, %get3A_403 : vector<16xf32>
    %get3A_405 = arith.constant 1856 : index
    %get3A_406 = tpu.vector_load %arg4[%get3A_405] {strides = array<i32>} : memref<8192xf32, #tpu.memory_space<vmem>>, vector<16xf32>,
    %max3A_407 = arith.maximumf %max3A_404, %get3A_406 : vector<16xf32>
    %get3A_408 = arith.constant 1872 : index
    %get3A_409 = tpu.vector_load %arg4[%get3A_408] {strides = array<i32>} : memref<8192xf32, #tpu.memory_space<vmem>>, vector<16xf32>,
    %max3A_410 = arith.maximumf %max3A_407, %get3A_409 : vector<16xf32>
    %get3A_411 = arith.constant 1888 : index
    %get3A_412 = tpu.vector_load %arg4[%get3A_411] {strides = array<i32>} : memref<8192xf32, #tpu.memory_space<vmem>>, vector<16xf32>,
    %max3A_413 = arith.maximumf %max3A_410, %get3A_412 : vector<16xf32>
    %get3A_414 = arith.constant 1904 : index
    %get3A_415 = tpu.vector_load %arg4[%get3A_414] {strides = array<i32>} : memref<8192xf32, #tpu.memory_space<vmem>>, vector<16xf32>,
    %max3A_416 = arith.maximumf %max3A_413, %get3A_415 : vector<16xf32>
    %get3A_417 = arith.constant 1920 : index
    %get3A_418 = tpu.vector_load %arg4[%get3A_417] {strides = array<i32>} : memref<8192xf32, #tpu.memory_space<vmem>>, vector<16xf32>,
    %max3A_419 = arith.maximumf %max3A_416, %get3A_418 : vector<16xf32>
    %get3A_420 = arith.constant 1936 : index
    %get3A_421 = tpu.vector_load %arg4[%get3A_420] {strides = array<i32>} : memref<8192xf32, #tpu.memory_space<vmem>>, vector<16xf32>,
    %max3A_422 = arith.maximumf %max3A_419, %get3A_421 : vector<16xf32>
    %get3A_423 = arith.constant 1952 : index
    %get3A_424 = tpu.vector_load %arg4[%get3A_423] {strides = array<i32>} : memref<8192xf32, #tpu.memory_space<vmem>>, vector<16xf32>,
    %max3A_425 = arith.maximumf %max3A_422, %get3A_424 : vector<16xf32>
    %get3A_426 = arith.constant 1968 : index
    %get3A_427 = tpu.vector_load %arg4[%get3A_426] {strides = array<i32>} : memref<8192xf32, #tpu.memory_space<vmem>>, vector<16xf32>,
    %max3A_428 = arith.maximumf %max3A_425, %get3A_427 : vector<16xf32>
    %get3A_429 = arith.constant 1984 : index
    %get3A_430 = tpu.vector_load %arg4[%get3A_429] {strides = array<i32>} : memref<8192xf32, #tpu.memory_space<vmem>>, vector<16xf32>,
    %max3A_431 = arith.maximumf %max3A_428, %get3A_430 : vector<16xf32>
    %get3A_432 = arith.constant 2000 : index
    %get3A_433 = tpu.vector_load %arg4[%get3A_432] {strides = array<i32>} : memref<8192xf32, #tpu.memory_space<vmem>>, vector<16xf32>,
    %max3A_434 = arith.maximumf %max3A_431, %get3A_433 : vector<16xf32>
    %get3A_435 = arith.constant 2016 : index
    %get3A_436 = tpu.vector_load %arg4[%get3A_435] {strides = array<i32>} : memref<8192xf32, #tpu.memory_space<vmem>>, vector<16xf32>,
    %max3A_437 = arith.maximumf %max3A_434, %get3A_436 : vector<16xf32>
    %get3A_438 = arith.constant 2032 : index
    %get3A_439 = tpu.vector_load %arg4[%get3A_438] {strides = array<i32>} : memref<8192xf32, #tpu.memory_space<vmem>>, vector<16xf32>,
    %max3A_440 = arith.maximumf %max3A_437, %get3A_439 : vector<16xf32>
    %swap3A_441 = arith.constant 112 : index
    %swap3A_442 = tpu.vector_load %arg5[%swap3A_441] {strides = array<i32>} : memref<512xf32, #tpu.memory_space<vmem>>, vector<16xf32>,
    tpu.vector_store %arg5[%swap3A_441], %max3A_440 {strides = array<i32>} : memref<512xf32, #tpu.memory_space<vmem>>, vector<16xf32>,
    %reduce_max3A_443 = arith.constant true
    %reduce_max3A_444 = vector.broadcast %reduce_max3A_443 : i1 to vector<16xi1>
    %reduce_max3A_445 = tpu.scan <max>, %max3A_440 masked %reduce_max3A_444 : vector<16xf32>, vector<16xi1> -> vector<16xf32>
    %reduce_max3A_446 = vector.extract %reduce_max3A_445[15] : f32 from vector<16xf32>
    %broadcast_in_dim3A_447 = arith.constant 7 : i32
    %broadcast_in_dim3A_448 = vector.broadcast %broadcast_in_dim3A_447 : i32 to vector<16xi32>
    %broadcast_in_dim3A_449 = vector.broadcast %reduce_max3A_446 : f32 to vector<16xf32>
    tpu.vector_store_idx %arg6[%broadcast_in_dim3A_448], %broadcast_in_dim3A_449 masked %eq3A_4 : memref<32xf32, #tpu.memory_space<vmem>>[vector<16xi32>], vector<16xf32>, vector<16xi1>
    %get3A_450 = arith.constant 2048 : index
    %get3A_451 = tpu.vector_load %arg4[%get3A_450] {strides = array<i32>} : memref<8192xf32, #tpu.memory_space<vmem>>, vector<16xf32>,
    %get3A_452 = arith.constant 2064 : index
    %get3A_453 = tpu.vector_load %arg4[%get3A_452] {strides = array<i32>} : memref<8192xf32, #tpu.memory_space<vmem>>, vector<16xf32>,
    %max3A_454 = arith.maximumf %get3A_451, %get3A_453 : vector<16xf32>
    %get3A_455 = arith.constant 2080 : index
    %get3A_456 = tpu.vector_load %arg4[%get3A_455] {strides = array<i32>} : memref<8192xf32, #tpu.memory_space<vmem>>, vector<16xf32>,
    %max3A_457 = arith.maximumf %max3A_454, %get3A_456 : vector<16xf32>
    %get3A_458 = arith.constant 2096 : index
    %get3A_459 = tpu.vector_load %arg4[%get3A_458] {strides = array<i32>} : memref<8192xf32, #tpu.memory_space<vmem>>, vector<16xf32>,
    %max3A_460 = arith.maximumf %max3A_457, %get3A_459 : vector<16xf32>
    %get3A_461 = arith.constant 2112 : index
    %get3A_462 = tpu.vector_load %arg4[%get3A_461] {strides = array<i32>} : memref<8192xf32, #tpu.memory_space<vmem>>, vector<16xf32>,
    %max3A_463 = arith.maximumf %max3A_460, %get3A_462 : vector<16xf32>
    %get3A_464 = arith.constant 2128 : index
    %get3A_465 = tpu.vector_load %arg4[%get3A_464] {strides = array<i32>} : memref<8192xf32, #tpu.memory_space<vmem>>, vector<16xf32>,
    %max3A_466 = arith.maximumf %max3A_463, %get3A_465 : vector<16xf32>
    %get3A_467 = arith.constant 2144 : index
    %get3A_468 = tpu.vector_load %arg4[%get3A_467] {strides = array<i32>} : memref<8192xf32, #tpu.memory_space<vmem>>, vector<16xf32>,
    %max3A_469 = arith.maximumf %max3A_466, %get3A_468 : vector<16xf32>
    %get3A_470 = arith.constant 2160 : index
    %get3A_471 = tpu.vector_load %arg4[%get3A_470] {strides = array<i32>} : memref<8192xf32, #tpu.memory_space<vmem>>, vector<16xf32>,
    %max3A_472 = arith.maximumf %max3A_469, %get3A_471 : vector<16xf32>
    %get3A_473 = arith.constant 2176 : index
    %get3A_474 = tpu.vector_load %arg4[%get3A_473] {strides = array<i32>} : memref<8192xf32, #tpu.memory_space<vmem>>, vector<16xf32>,
    %max3A_475 = arith.maximumf %max3A_472, %get3A_474 : vector<16xf32>
    %get3A_476 = arith.constant 2192 : index
    %get3A_477 = tpu.vector_load %arg4[%get3A_476] {strides = array<i32>} : memref<8192xf32, #tpu.memory_space<vmem>>, vector<16xf32>,
    %max3A_478 = arith.maximumf %max3A_475, %get3A_477 : vector<16xf32>
    %get3A_479 = arith.constant 2208 : index
    %get3A_480 = tpu.vector_load %arg4[%get3A_479] {strides = array<i32>} : memref<8192xf32, #tpu.memory_space<vmem>>, vector<16xf32>,
    %max3A_481 = arith.maximumf %max3A_478, %get3A_480 : vector<16xf32>
    %get3A_482 = arith.constant 2224 : index
    %get3A_483 = tpu.vector_load %arg4[%get3A_482] {strides = array<i32>} : memref<8192xf32, #tpu.memory_space<vmem>>, vector<16xf32>,
    %max3A_484 = arith.maximumf %max3A_481, %get3A_483 : vector<16xf32>
    %get3A_485 = arith.constant 2240 : index
    %get3A_486 = tpu.vector_load %arg4[%get3A_485] {strides = array<i32>} : memref<8192xf32, #tpu.memory_space<vmem>>, vector<16xf32>,
    %max3A_487 = arith.maximumf %max3A_484, %get3A_486 : vector<16xf32>
    %get3A_488 = arith.constant 2256 : index
    %get3A_489 = tpu.vector_load %arg4[%get3A_488] {strides = array<i32>} : memref<8192xf32, #tpu.memory_space<vmem>>, vector<16xf32>,
    %max3A_490 = arith.maximumf %max3A_487, %get3A_489 : vector<16xf32>
    %get3A_491 = arith.constant 2272 : index
    %get3A_492 = tpu.vector_load %arg4[%get3A_491] {strides = array<i32>} : memref<8192xf32, #tpu.memory_space<vmem>>, vector<16xf32>,
    %max3A_493 = arith.maximumf %max3A_490, %get3A_492 : vector<16xf32>
    %get3A_494 = arith.constant 2288 : index
    %get3A_495 = tpu.vector_load %arg4[%get3A_494] {strides = array<i32>} : memref<8192xf32, #tpu.memory_space<vmem>>, vector<16xf32>,
    %max3A_496 = arith.maximumf %max3A_493, %get3A_495 : vector<16xf32>
    %swap3A_497 = arith.constant 128 : index
    %swap3A_498 = tpu.vector_load %arg5[%swap3A_497] {strides = array<i32>} : memref<512xf32, #tpu.memory_space<vmem>>, vector<16xf32>,
    tpu.vector_store %arg5[%swap3A_497], %max3A_496 {strides = array<i32>} : memref<512xf32, #tpu.memory_space<vmem>>, vector<16xf32>,
    %reduce_max3A_499 = arith.constant true
    %reduce_max3A_500 = vector.broadcast %reduce_max3A_499 : i1 to vector<16xi1>
    %reduce_max3A_501 = tpu.scan <max>, %max3A_496 masked %reduce_max3A_500 : vector<16xf32>, vector<16xi1> -> vector<16xf32>
    %reduce_max3A_502 = vector.extract %reduce_max3A_501[15] : f32 from vector<16xf32>
    %broadcast_in_dim3A_503 = arith.constant 8 : i32
    %broadcast_in_dim3A_504 = vector.broadcast %broadcast_in_dim3A_503 : i32 to vector<16xi32>
    %broadcast_in_dim3A_505 = vector.broadcast %reduce_max3A_502 : f32 to vector<16xf32>
    tpu.vector_store_idx %arg6[%broadcast_in_dim3A_504], %broadcast_in_dim3A_505 masked %eq3A_4 : memref<32xf32, #tpu.memory_space<vmem>>[vector<16xi32>], vector<16xf32>, vector<16xi1>
    %get3A_506 = arith.constant 2304 : index
    %get3A_507 = tpu.vector_load %arg4[%get3A_506] {strides = array<i32>} : memref<8192xf32, #tpu.memory_space<vmem>>, vector<16xf32>,
    %get3A_508 = arith.constant 2320 : index
    %get3A_509 = tpu.vector_load %arg4[%get3A_508] {strides = array<i32>} : memref<8192xf32, #tpu.memory_space<vmem>>, vector<16xf32>,
    %max3A_510 = arith.maximumf %get3A_507, %get3A_509 : vector<16xf32>
    %get3A_511 = arith.constant 2336 : index
    %get3A_512 = tpu.vector_load %arg4[%get3A_511] {strides = array<i32>} : memref<8192xf32, #tpu.memory_space<vmem>>, vector<16xf32>,
    %max3A_513 = arith.maximumf %max3A_510, %get3A_512 : vector<16xf32>
    %get3A_514 = arith.constant 2352 : index
    %get3A_515 = tpu.vector_load %arg4[%get3A_514] {strides = array<i32>} : memref<8192xf32, #tpu.memory_space<vmem>>, vector<16xf32>,
    %max3A_516 = arith.maximumf %max3A_513, %get3A_515 : vector<16xf32>
    %get3A_517 = arith.constant 2368 : index
    %get3A_518 = tpu.vector_load %arg4[%get3A_517] {strides = array<i32>} : memref<8192xf32, #tpu.memory_space<vmem>>, vector<16xf32>,
    %max3A_519 = arith.maximumf %max3A_516, %get3A_518 : vector<16xf32>
    %get3A_520 = arith.constant 2384 : index
    %get3A_521 = tpu.vector_load %arg4[%get3A_520] {strides = array<i32>} : memref<8192xf32, #tpu.memory_space<vmem>>, vector<16xf32>,
    %max3A_522 = arith.maximumf %max3A_519, %get3A_521 : vector<16xf32>
    %get3A_523 = arith.constant 2400 : index
    %get3A_524 = tpu.vector_load %arg4[%get3A_523] {strides = array<i32>} : memref<8192xf32, #tpu.memory_space<vmem>>, vector<16xf32>,
    %max3A_525 = arith.maximumf %max3A_522, %get3A_524 : vector<16xf32>
    %get3A_526 = arith.constant 2416 : index
    %get3A_527 = tpu.vector_load %arg4[%get3A_526] {strides = array<i32>} : memref<8192xf32, #tpu.memory_space<vmem>>, vector<16xf32>,
    %max3A_528 = arith.maximumf %max3A_525, %get3A_527 : vector<16xf32>
    %get3A_529 = arith.constant 2432 : index
    %get3A_530 = tpu.vector_load %arg4[%get3A_529] {strides = array<i32>} : memref<8192xf32, #tpu.memory_space<vmem>>, vector<16xf32>,
    %max3A_531 = arith.maximumf %max3A_528, %get3A_530 : vector<16xf32>
    %get3A_532 = arith.constant 2448 : index
    %get3A_533 = tpu.vector_load %arg4[%get3A_532] {strides = array<i32>} : memref<8192xf32, #tpu.memory_space<vmem>>, vector<16xf32>,
    %max3A_534 = arith.maximumf %max3A_531, %get3A_533 : vector<16xf32>
    %get3A_535 = arith.constant 2464 : index
    %get3A_536 = tpu.vector_load %arg4[%get3A_535] {strides = array<i32>} : memref<8192xf32, #tpu.memory_space<vmem>>, vector<16xf32>,
    %max3A_537 = arith.maximumf %max3A_534, %get3A_536 : vector<16xf32>
    %get3A_538 = arith.constant 2480 : index
    %get3A_539 = tpu.vector_load %arg4[%get3A_538] {strides = array<i32>} : memref<8192xf32, #tpu.memory_space<vmem>>, vector<16xf32>,
    %max3A_540 = arith.maximumf %max3A_537, %get3A_539 : vector<16xf32>
    %get3A_541 = arith.constant 2496 : index
    %get3A_542 = tpu.vector_load %arg4[%get3A_541] {strides = array<i32>} : memref<8192xf32, #tpu.memory_space<vmem>>, vector<16xf32>,
    %max3A_543 = arith.maximumf %max3A_540, %get3A_542 : vector<16xf32>
    %get3A_544 = arith.constant 2512 : index
    %get3A_545 = tpu.vector_load %arg4[%get3A_544] {strides = array<i32>} : memref<8192xf32, #tpu.memory_space<vmem>>, vector<16xf32>,
    %max3A_546 = arith.maximumf %max3A_543, %get3A_545 : vector<16xf32>
    %get3A_547 = arith.constant 2528 : index
    %get3A_548 = tpu.vector_load %arg4[%get3A_547] {strides = array<i32>} : memref<8192xf32, #tpu.memory_space<vmem>>, vector<16xf32>,
    %max3A_549 = arith.maximumf %max3A_546, %get3A_548 : vector<16xf32>
    %get3A_550 = arith.constant 2544 : index
    %get3A_551 = tpu.vector_load %arg4[%get3A_550] {strides = array<i32>} : memref<8192xf32, #tpu.memory_space<vmem>>, vector<16xf32>,
    %max3A_552 = arith.maximumf %max3A_549, %get3A_551 : vector<16xf32>
    %swap3A_553 = arith.constant 144 : index
    %swap3A_554 = tpu.vector_load %arg5[%swap3A_553] {strides = array<i32>} : memref<512xf32, #tpu.memory_space<vmem>>, vector<16xf32>,
    tpu.vector_store %arg5[%swap3A_553], %max3A_552 {strides = array<i32>} : memref<512xf32, #tpu.memory_space<vmem>>, vector<16xf32>,
    %reduce_max3A_555 = arith.constant true
    %reduce_max3A_556 = vector.broadcast %reduce_max3A_555 : i1 to vector<16xi1>
    %reduce_max3A_557 = tpu.scan <max>, %max3A_552 masked %reduce_max3A_556 : vector<16xf32>, vector<16xi1> -> vector<16xf32>
    %reduce_max3A_558 = vector.extract %reduce_max3A_557[15] : f32 from vector<16xf32>
    %broadcast_in_dim3A_559 = arith.constant 9 : i32
    %broadcast_in_dim3A_560 = vector.broadcast %broadcast_in_dim3A_559 : i32 to vector<16xi32>
    %broadcast_in_dim3A_561 = vector.broadcast %reduce_max3A_558 : f32 to vector<16xf32>
    tpu.vector_store_idx %arg6[%broadcast_in_dim3A_560], %broadcast_in_dim3A_561 masked %eq3A_4 : memref<32xf32, #tpu.memory_space<vmem>>[vector<16xi32>], vector<16xf32>, vector<16xi1>
    %get3A_562 = arith.constant 2560 : index
    %get3A_563 = tpu.vector_load %arg4[%get3A_562] {strides = array<i32>} : memref<8192xf32, #tpu.memory_space<vmem>>, vector<16xf32>,
    %get3A_564 = arith.constant 2576 : index
    %get3A_565 = tpu.vector_load %arg4[%get3A_564] {strides = array<i32>} : memref<8192xf32, #tpu.memory_space<vmem>>, vector<16xf32>,
    %max3A_566 = arith.maximumf %get3A_563, %get3A_565 : vector<16xf32>
    %get3A_567 = arith.constant 2592 : index
    %get3A_568 = tpu.vector_load %arg4[%get3A_567] {strides = array<i32>} : memref<8192xf32, #tpu.memory_space<vmem>>, vector<16xf32>,
    %max3A_569 = arith.maximumf %max3A_566, %get3A_568 : vector<16xf32>
    %get3A_570 = arith.constant 2608 : index
    %get3A_571 = tpu.vector_load %arg4[%get3A_570] {strides = array<i32>} : memref<8192xf32, #tpu.memory_space<vmem>>, vector<16xf32>,
    %max3A_572 = arith.maximumf %max3A_569, %get3A_571 : vector<16xf32>
    %get3A_573 = arith.constant 2624 : index
    %get3A_574 = tpu.vector_load %arg4[%get3A_573] {strides = array<i32>} : memref<8192xf32, #tpu.memory_space<vmem>>, vector<16xf32>,
    %max3A_575 = arith.maximumf %max3A_572, %get3A_574 : vector<16xf32>
    %get3A_576 = arith.constant 2640 : index
    %get3A_577 = tpu.vector_load %arg4[%get3A_576] {strides = array<i32>} : memref<8192xf32, #tpu.memory_space<vmem>>, vector<16xf32>,
    %max3A_578 = arith.maximumf %max3A_575, %get3A_577 : vector<16xf32>
    %get3A_579 = arith.constant 2656 : index
    %get3A_580 = tpu.vector_load %arg4[%get3A_579] {strides = array<i32>} : memref<8192xf32, #tpu.memory_space<vmem>>, vector<16xf32>,
    %max3A_581 = arith.maximumf %max3A_578, %get3A_580 : vector<16xf32>
    %get3A_582 = arith.constant 2672 : index
    %get3A_583 = tpu.vector_load %arg4[%get3A_582] {strides = array<i32>} : memref<8192xf32, #tpu.memory_space<vmem>>, vector<16xf32>,
    %max3A_584 = arith.maximumf %max3A_581, %get3A_583 : vector<16xf32>
    %get3A_585 = arith.constant 2688 : index
    %get3A_586 = tpu.vector_load %arg4[%get3A_585] {strides = array<i32>} : memref<8192xf32, #tpu.memory_space<vmem>>, vector<16xf32>,
    %max3A_587 = arith.maximumf %max3A_584, %get3A_586 : vector<16xf32>
    %get3A_588 = arith.constant 2704 : index
    %get3A_589 = tpu.vector_load %arg4[%get3A_588] {strides = array<i32>} : memref<8192xf32, #tpu.memory_space<vmem>>, vector<16xf32>,
    %max3A_590 = arith.maximumf %max3A_587, %get3A_589 : vector<16xf32>
    %get3A_591 = arith.constant 2720 : index
    %get3A_592 = tpu.vector_load %arg4[%get3A_591] {strides = array<i32>} : memref<8192xf32, #tpu.memory_space<vmem>>, vector<16xf32>,
    %max3A_593 = arith.maximumf %max3A_590, %get3A_592 : vector<16xf32>
    %get3A_594 = arith.constant 2736 : index
    %get3A_595 = tpu.vector_load %arg4[%get3A_594] {strides = array<i32>} : memref<8192xf32, #tpu.memory_space<vmem>>, vector<16xf32>,
    %max3A_596 = arith.maximumf %max3A_593, %get3A_595 : vector<16xf32>
    %get3A_597 = arith.constant 2752 : index
    %get3A_598 = tpu.vector_load %arg4[%get3A_597] {strides = array<i32>} : memref<8192xf32, #tpu.memory_space<vmem>>, vector<16xf32>,
    %max3A_599 = arith.maximumf %max3A_596, %get3A_598 : vector<16xf32>
    %get3A_600 = arith.constant 2768 : index
    %get3A_601 = tpu.vector_load %arg4[%get3A_600] {strides = array<i32>} : memref<8192xf32, #tpu.memory_space<vmem>>, vector<16xf32>,
    %max3A_602 = arith.maximumf %max3A_599, %get3A_601 : vector<16xf32>
    %get3A_603 = arith.constant 2784 : index
    %get3A_604 = tpu.vector_load %arg4[%get3A_603] {strides = array<i32>} : memref<8192xf32, #tpu.memory_space<vmem>>, vector<16xf32>,
    %max3A_605 = arith.maximumf %max3A_602, %get3A_604 : vector<16xf32>
    %get3A_606 = arith.constant 2800 : index
    %get3A_607 = tpu.vector_load %arg4[%get3A_606] {strides = array<i32>} : memref<8192xf32, #tpu.memory_space<vmem>>, vector<16xf32>,
    %max3A_608 = arith.maximumf %max3A_605, %get3A_607 : vector<16xf32>
    %swap3A_609 = arith.constant 160 : index
    %swap3A_610 = tpu.vector_load %arg5[%swap3A_609] {strides = array<i32>} : memref<512xf32, #tpu.memory_space<vmem>>, vector<16xf32>,
    tpu.vector_store %arg5[%swap3A_609], %max3A_608 {strides = array<i32>} : memref<512xf32, #tpu.memory_space<vmem>>, vector<16xf32>,
    %reduce_max3A_611 = arith.constant true
    %reduce_max3A_612 = vector.broadcast %reduce_max3A_611 : i1 to vector<16xi1>
    %reduce_max3A_613 = tpu.scan <max>, %max3A_608 masked %reduce_max3A_612 : vector<16xf32>, vector<16xi1> -> vector<16xf32>
    %reduce_max3A_614 = vector.extract %reduce_max3A_613[15] : f32 from vector<16xf32>
    %broadcast_in_dim3A_615 = arith.constant 10 : i32
    %broadcast_in_dim3A_616 = vector.broadcast %broadcast_in_dim3A_615 : i32 to vector<16xi32>
    %broadcast_in_dim3A_617 = vector.broadcast %reduce_max3A_614 : f32 to vector<16xf32>
    tpu.vector_store_idx %arg6[%broadcast_in_dim3A_616], %broadcast_in_dim3A_617 masked %eq3A_4 : memref<32xf32, #tpu.memory_space<vmem>>[vector<16xi32>], vector<16xf32>, vector<16xi1>
    %get3A_618 = arith.constant 2816 : index
    %get3A_619 = tpu.vector_load %arg4[%get3A_618] {strides = array<i32>} : memref<8192xf32, #tpu.memory_space<vmem>>, vector<16xf32>,
    %get3A_620 = arith.constant 2832 : index
    %get3A_621 = tpu.vector_load %arg4[%get3A_620] {strides = array<i32>} : memref<8192xf32, #tpu.memory_space<vmem>>, vector<16xf32>,
    %max3A_622 = arith.maximumf %get3A_619, %get3A_621 : vector<16xf32>
    %get3A_623 = arith.constant 2848 : index
    %get3A_624 = tpu.vector_load %arg4[%get3A_623] {strides = array<i32>} : memref<8192xf32, #tpu.memory_space<vmem>>, vector<16xf32>,
    %max3A_625 = arith.maximumf %max3A_622, %get3A_624 : vector<16xf32>
    %get3A_626 = arith.constant 2864 : index
    %get3A_627 = tpu.vector_load %arg4[%get3A_626] {strides = array<i32>} : memref<8192xf32, #tpu.memory_space<vmem>>, vector<16xf32>,
    %max3A_628 = arith.maximumf %max3A_625, %get3A_627 : vector<16xf32>
    %get3A_629 = arith.constant 2880 : index
    %get3A_630 = tpu.vector_load %arg4[%get3A_629] {strides = array<i32>} : memref<8192xf32, #tpu.memory_space<vmem>>, vector<16xf32>,
    %max3A_631 = arith.maximumf %max3A_628, %get3A_630 : vector<16xf32>
    %get3A_632 = arith.constant 2896 : index
    %get3A_633 = tpu.vector_load %arg4[%get3A_632] {strides = array<i32>} : memref<8192xf32, #tpu.memory_space<vmem>>, vector<16xf32>,
    %max3A_634 = arith.maximumf %max3A_631, %get3A_633 : vector<16xf32>
    %get3A_635 = arith.constant 2912 : index
    %get3A_636 = tpu.vector_load %arg4[%get3A_635] {strides = array<i32>} : memref<8192xf32, #tpu.memory_space<vmem>>, vector<16xf32>,
    %max3A_637 = arith.maximumf %max3A_634, %get3A_636 : vector<16xf32>
    %get3A_638 = arith.constant 2928 : index
    %get3A_639 = tpu.vector_load %arg4[%get3A_638] {strides = array<i32>} : memref<8192xf32, #tpu.memory_space<vmem>>, vector<16xf32>,
    %max3A_640 = arith.maximumf %max3A_637, %get3A_639 : vector<16xf32>
    %get3A_641 = arith.constant 2944 : index
    %get3A_642 = tpu.vector_load %arg4[%get3A_641] {strides = array<i32>} : memref<8192xf32, #tpu.memory_space<vmem>>, vector<16xf32>,
    %max3A_643 = arith.maximumf %max3A_640, %get3A_642 : vector<16xf32>
    %get3A_644 = arith.constant 2960 : index
    %get3A_645 = tpu.vector_load %arg4[%get3A_644] {strides = array<i32>} : memref<8192xf32, #tpu.memory_space<vmem>>, vector<16xf32>,
    %max3A_646 = arith.maximumf %max3A_643, %get3A_645 : vector<16xf32>
    %get3A_647 = arith.constant 2976 : index
    %get3A_648 = tpu.vector_load %arg4[%get3A_647] {strides = array<i32>} : memref<8192xf32, #tpu.memory_space<vmem>>, vector<16xf32>,
    %max3A_649 = arith.maximumf %max3A_646, %get3A_648 : vector<16xf32>
    %get3A_650 = arith.constant 2992 : index
    %get3A_651 = tpu.vector_load %arg4[%get3A_650] {strides = array<i32>} : memref<8192xf32, #tpu.memory_space<vmem>>, vector<16xf32>,
    %max3A_652 = arith.maximumf %max3A_649, %get3A_651 : vector<16xf32>
    %get3A_653 = arith.constant 3008 : index
    %get3A_654 = tpu.vector_load %arg4[%get3A_653] {strides = array<i32>} : memref<8192xf32, #tpu.memory_space<vmem>>, vector<16xf32>,
    %max3A_655 = arith.maximumf %max3A_652, %get3A_654 : vector<16xf32>
    %get3A_656 = arith.constant 3024 : index
    %get3A_657 = tpu.vector_load %arg4[%get3A_656] {strides = array<i32>} : memref<8192xf32, #tpu.memory_space<vmem>>, vector<16xf32>,
    %max3A_658 = arith.maximumf %max3A_655, %get3A_657 : vector<16xf32>
    %get3A_659 = arith.constant 3040 : index
    %get3A_660 = tpu.vector_load %arg4[%get3A_659] {strides = array<i32>} : memref<8192xf32, #tpu.memory_space<vmem>>, vector<16xf32>,
    %max3A_661 = arith.maximumf %max3A_658, %get3A_660 : vector<16xf32>
    %get3A_662 = arith.constant 3056 : index
    %get3A_663 = tpu.vector_load %arg4[%get3A_662] {strides = array<i32>} : memref<8192xf32, #tpu.memory_space<vmem>>, vector<16xf32>,
    %max3A_664 = arith.maximumf %max3A_661, %get3A_663 : vector<16xf32>
    %swap3A_665 = arith.constant 176 : index
    %swap3A_666 = tpu.vector_load %arg5[%swap3A_665] {strides = array<i32>} : memref<512xf32, #tpu.memory_space<vmem>>, vector<16xf32>,
    tpu.vector_store %arg5[%swap3A_665], %max3A_664 {strides = array<i32>} : memref<512xf32, #tpu.memory_space<vmem>>, vector<16xf32>,
    %reduce_max3A_667 = arith.constant true
    %reduce_max3A_668 = vector.broadcast %reduce_max3A_667 : i1 to vector<16xi1>
    %reduce_max3A_669 = tpu.scan <max>, %max3A_664 masked %reduce_max3A_668 : vector<16xf32>, vector<16xi1> -> vector<16xf32>
    %reduce_max3A_670 = vector.extract %reduce_max3A_669[15] : f32 from vector<16xf32>
    %broadcast_in_dim3A_671 = arith.constant 11 : i32
    %broadcast_in_dim3A_672 = vector.broadcast %broadcast_in_dim3A_671 : i32 to vector<16xi32>
    %broadcast_in_dim3A_673 = vector.broadcast %reduce_max3A_670 : f32 to vector<16xf32>
    tpu.vector_store_idx %arg6[%broadcast_in_dim3A_672], %broadcast_in_dim3A_673 masked %eq3A_4 : memref<32xf32, #tpu.memory_space<vmem>>[vector<16xi32>], vector<16xf32>, vector<16xi1>
    %get3A_674 = arith.constant 3072 : index
    %get3A_675 = tpu.vector_load %arg4[%get3A_674] {strides = array<i32>} : memref<8192xf32, #tpu.memory_space<vmem>>, vector<16xf32>,
    %get3A_676 = arith.constant 3088 : index
    %get3A_677 = tpu.vector_load %arg4[%get3A_676] {strides = array<i32>} : memref<8192xf32, #tpu.memory_space<vmem>>, vector<16xf32>,
    %max3A_678 = arith.maximumf %get3A_675, %get3A_677 : vector<16xf32>
    %get3A_679 = arith.constant 3104 : index
    %get3A_680 = tpu.vector_load %arg4[%get3A_679] {strides = array<i32>} : memref<8192xf32, #tpu.memory_space<vmem>>, vector<16xf32>,
    %max3A_681 = arith.maximumf %max3A_678, %get3A_680 : vector<16xf32>
    %get3A_682 = arith.constant 3120 : index
    %get3A_683 = tpu.vector_load %arg4[%get3A_682] {strides = array<i32>} : memref<8192xf32, #tpu.memory_space<vmem>>, vector<16xf32>,
    %max3A_684 = arith.maximumf %max3A_681, %get3A_683 : vector<16xf32>
    %get3A_685 = arith.constant 3136 : index
    %get3A_686 = tpu.vector_load %arg4[%get3A_685] {strides = array<i32>} : memref<8192xf32, #tpu.memory_space<vmem>>, vector<16xf32>,
    %max3A_687 = arith.maximumf %max3A_684, %get3A_686 : vector<16xf32>
    %get3A_688 = arith.constant 3152 : index
    %get3A_689 = tpu.vector_load %arg4[%get3A_688] {strides = array<i32>} : memref<8192xf32, #tpu.memory_space<vmem>>, vector<16xf32>,
    %max3A_690 = arith.maximumf %max3A_687, %get3A_689 : vector<16xf32>
    %get3A_691 = arith.constant 3168 : index
    %get3A_692 = tpu.vector_load %arg4[%get3A_691] {strides = array<i32>} : memref<8192xf32, #tpu.memory_space<vmem>>, vector<16xf32>,
    %max3A_693 = arith.maximumf %max3A_690, %get3A_692 : vector<16xf32>
    %get3A_694 = arith.constant 3184 : index
    %get3A_695 = tpu.vector_load %arg4[%get3A_694] {strides = array<i32>} : memref<8192xf32, #tpu.memory_space<vmem>>, vector<16xf32>,
    %max3A_696 = arith.maximumf %max3A_693, %get3A_695 : vector<16xf32>
    %get3A_697 = arith.constant 3200 : index
    %get3A_698 = tpu.vector_load %arg4[%get3A_697] {strides = array<i32>} : memref<8192xf32, #tpu.memory_space<vmem>>, vector<16xf32>,
    %max3A_699 = arith.maximumf %max3A_696, %get3A_698 : vector<16xf32>
    %get3A_700 = arith.constant 3216 : index
    %get3A_701 = tpu.vector_load %arg4[%get3A_700] {strides = array<i32>} : memref<8192xf32, #tpu.memory_space<vmem>>, vector<16xf32>,
    %max3A_702 = arith.maximumf %max3A_699, %get3A_701 : vector<16xf32>
    %get3A_703 = arith.constant 3232 : index
    %get3A_704 = tpu.vector_load %arg4[%get3A_703] {strides = array<i32>} : memref<8192xf32, #tpu.memory_space<vmem>>, vector<16xf32>,
    %max3A_705 = arith.maximumf %max3A_702, %get3A_704 : vector<16xf32>
    %get3A_706 = arith.constant 3248 : index
    %get3A_707 = tpu.vector_load %arg4[%get3A_706] {strides = array<i32>} : memref<8192xf32, #tpu.memory_space<vmem>>, vector<16xf32>,
    %max3A_708 = arith.maximumf %max3A_705, %get3A_707 : vector<16xf32>
    %get3A_709 = arith.constant 3264 : index
    %get3A_710 = tpu.vector_load %arg4[%get3A_709] {strides = array<i32>} : memref<8192xf32, #tpu.memory_space<vmem>>, vector<16xf32>,
    %max3A_711 = arith.maximumf %max3A_708, %get3A_710 : vector<16xf32>
    %get3A_712 = arith.constant 3280 : index
    %get3A_713 = tpu.vector_load %arg4[%get3A_712] {strides = array<i32>} : memref<8192xf32, #tpu.memory_space<vmem>>, vector<16xf32>,
    %max3A_714 = arith.maximumf %max3A_711, %get3A_713 : vector<16xf32>
    %get3A_715 = arith.constant 3296 : index
    %get3A_716 = tpu.vector_load %arg4[%get3A_715] {strides = array<i32>} : memref<8192xf32, #tpu.memory_space<vmem>>, vector<16xf32>,
    %max3A_717 = arith.maximumf %max3A_714, %get3A_716 : vector<16xf32>
    %get3A_718 = arith.constant 3312 : index
    %get3A_719 = tpu.vector_load %arg4[%get3A_718] {strides = array<i32>} : memref<8192xf32, #tpu.memory_space<vmem>>, vector<16xf32>,
    %max3A_720 = arith.maximumf %max3A_717, %get3A_719 : vector<16xf32>
    %swap3A_721 = arith.constant 192 : index
    %swap3A_722 = tpu.vector_load %arg5[%swap3A_721] {strides = array<i32>} : memref<512xf32, #tpu.memory_space<vmem>>, vector<16xf32>,
    tpu.vector_store %arg5[%swap3A_721], %max3A_720 {strides = array<i32>} : memref<512xf32, #tpu.memory_space<vmem>>, vector<16xf32>,
    %reduce_max3A_723 = arith.constant true
    %reduce_max3A_724 = vector.broadcast %reduce_max3A_723 : i1 to vector<16xi1>
    %reduce_max3A_725 = tpu.scan <max>, %max3A_720 masked %reduce_max3A_724 : vector<16xf32>, vector<16xi1> -> vector<16xf32>
    %reduce_max3A_726 = vector.extract %reduce_max3A_725[15] : f32 from vector<16xf32>
    %broadcast_in_dim3A_727 = arith.constant 12 : i32
    %broadcast_in_dim3A_728 = vector.broadcast %broadcast_in_dim3A_727 : i32 to vector<16xi32>
    %broadcast_in_dim3A_729 = vector.broadcast %reduce_max3A_726 : f32 to vector<16xf32>
    tpu.vector_store_idx %arg6[%broadcast_in_dim3A_728], %broadcast_in_dim3A_729 masked %eq3A_4 : memref<32xf32, #tpu.memory_space<vmem>>[vector<16xi32>], vector<16xf32>, vector<16xi1>
    %get3A_730 = arith.constant 3328 : index
    %get3A_731 = tpu.vector_load %arg4[%get3A_730] {strides = array<i32>} : memref<8192xf32, #tpu.memory_space<vmem>>, vector<16xf32>,
    %get3A_732 = arith.constant 3344 : index
    %get3A_733 = tpu.vector_load %arg4[%get3A_732] {strides = array<i32>} : memref<8192xf32, #tpu.memory_space<vmem>>, vector<16xf32>,
    %max3A_734 = arith.maximumf %get3A_731, %get3A_733 : vector<16xf32>
    %get3A_735 = arith.constant 3360 : index
    %get3A_736 = tpu.vector_load %arg4[%get3A_735] {strides = array<i32>} : memref<8192xf32, #tpu.memory_space<vmem>>, vector<16xf32>,
    %max3A_737 = arith.maximumf %max3A_734, %get3A_736 : vector<16xf32>
    %get3A_738 = arith.constant 3376 : index
    %get3A_739 = tpu.vector_load %arg4[%get3A_738] {strides = array<i32>} : memref<8192xf32, #tpu.memory_space<vmem>>, vector<16xf32>,
    %max3A_740 = arith.maximumf %max3A_737, %get3A_739 : vector<16xf32>
    %get3A_741 = arith.constant 3392 : index
    %get3A_742 = tpu.vector_load %arg4[%get3A_741] {strides = array<i32>} : memref<8192xf32, #tpu.memory_space<vmem>>, vector<16xf32>,
    %max3A_743 = arith.maximumf %max3A_740, %get3A_742 : vector<16xf32>
    %get3A_744 = arith.constant 3408 : index
    %get3A_745 = tpu.vector_load %arg4[%get3A_744] {strides = array<i32>} : memref<8192xf32, #tpu.memory_space<vmem>>, vector<16xf32>,
    %max3A_746 = arith.maximumf %max3A_743, %get3A_745 : vector<16xf32>
    %get3A_747 = arith.constant 3424 : index
    %get3A_748 = tpu.vector_load %arg4[%get3A_747] {strides = array<i32>} : memref<8192xf32, #tpu.memory_space<vmem>>, vector<16xf32>,
    %max3A_749 = arith.maximumf %max3A_746, %get3A_748 : vector<16xf32>
    %get3A_750 = arith.constant 3440 : index
    %get3A_751 = tpu.vector_load %arg4[%get3A_750] {strides = array<i32>} : memref<8192xf32, #tpu.memory_space<vmem>>, vector<16xf32>,
    %max3A_752 = arith.maximumf %max3A_749, %get3A_751 : vector<16xf32>
    %get3A_753 = arith.constant 3456 : index
    %get3A_754 = tpu.vector_load %arg4[%get3A_753] {strides = array<i32>} : memref<8192xf32, #tpu.memory_space<vmem>>, vector<16xf32>,
    %max3A_755 = arith.maximumf %max3A_752, %get3A_754 : vector<16xf32>
    %get3A_756 = arith.constant 3472 : index
    %get3A_757 = tpu.vector_load %arg4[%get3A_756] {strides = array<i32>} : memref<8192xf32, #tpu.memory_space<vmem>>, vector<16xf32>,
    %max3A_758 = arith.maximumf %max3A_755, %get3A_757 : vector<16xf32>
    %get3A_759 = arith.constant 3488 : index
    %get3A_760 = tpu.vector_load %arg4[%get3A_759] {strides = array<i32>} : memref<8192xf32, #tpu.memory_space<vmem>>, vector<16xf32>,
    %max3A_761 = arith.maximumf %max3A_758, %get3A_760 : vector<16xf32>
    %get3A_762 = arith.constant 3504 : index
    %get3A_763 = tpu.vector_load %arg4[%get3A_762] {strides = array<i32>} : memref<8192xf32, #tpu.memory_space<vmem>>, vector<16xf32>,
    %max3A_764 = arith.maximumf %max3A_761, %get3A_763 : vector<16xf32>
    %get3A_765 = arith.constant 3520 : index
    %get3A_766 = tpu.vector_load %arg4[%get3A_765] {strides = array<i32>} : memref<8192xf32, #tpu.memory_space<vmem>>, vector<16xf32>,
    %max3A_767 = arith.maximumf %max3A_764, %get3A_766 : vector<16xf32>
    %get3A_768 = arith.constant 3536 : index
    %get3A_769 = tpu.vector_load %arg4[%get3A_768] {strides = array<i32>} : memref<8192xf32, #tpu.memory_space<vmem>>, vector<16xf32>,
    %max3A_770 = arith.maximumf %max3A_767, %get3A_769 : vector<16xf32>
    %get3A_771 = arith.constant 3552 : index
    %get3A_772 = tpu.vector_load %arg4[%get3A_771] {strides = array<i32>} : memref<8192xf32, #tpu.memory_space<vmem>>, vector<16xf32>,
    %max3A_773 = arith.maximumf %max3A_770, %get3A_772 : vector<16xf32>
    %get3A_774 = arith.constant 3568 : index
    %get3A_775 = tpu.vector_load %arg4[%get3A_774] {strides = array<i32>} : memref<8192xf32, #tpu.memory_space<vmem>>, vector<16xf32>,
    %max3A_776 = arith.maximumf %max3A_773, %get3A_775 : vector<16xf32>
    %swap3A_777 = arith.constant 208 : index
    %swap3A_778 = tpu.vector_load %arg5[%swap3A_777] {strides = array<i32>} : memref<512xf32, #tpu.memory_space<vmem>>, vector<16xf32>,
    tpu.vector_store %arg5[%swap3A_777], %max3A_776 {strides = array<i32>} : memref<512xf32, #tpu.memory_space<vmem>>, vector<16xf32>,
    %reduce_max3A_779 = arith.constant true
    %reduce_max3A_780 = vector.broadcast %reduce_max3A_779 : i1 to vector<16xi1>
    %reduce_max3A_781 = tpu.scan <max>, %max3A_776 masked %reduce_max3A_780 : vector<16xf32>, vector<16xi1> -> vector<16xf32>
    %reduce_max3A_782 = vector.extract %reduce_max3A_781[15] : f32 from vector<16xf32>
    %broadcast_in_dim3A_783 = arith.constant 13 : i32
    %broadcast_in_dim3A_784 = vector.broadcast %broadcast_in_dim3A_783 : i32 to vector<16xi32>
    %broadcast_in_dim3A_785 = vector.broadcast %reduce_max3A_782 : f32 to vector<16xf32>
    tpu.vector_store_idx %arg6[%broadcast_in_dim3A_784], %broadcast_in_dim3A_785 masked %eq3A_4 : memref<32xf32, #tpu.memory_space<vmem>>[vector<16xi32>], vector<16xf32>, vector<16xi1>
    %get3A_786 = arith.constant 3584 : index
    %get3A_787 = tpu.vector_load %arg4[%get3A_786] {strides = array<i32>} : memref<8192xf32, #tpu.memory_space<vmem>>, vector<16xf32>,
    %get3A_788 = arith.constant 3600 : index
    %get3A_789 = tpu.vector_load %arg4[%get3A_788] {strides = array<i32>} : memref<8192xf32, #tpu.memory_space<vmem>>, vector<16xf32>,
    %max3A_790 = arith.maximumf %get3A_787, %get3A_789 : vector<16xf32>
    %get3A_791 = arith.constant 3616 : index
    %get3A_792 = tpu.vector_load %arg4[%get3A_791] {strides = array<i32>} : memref<8192xf32, #tpu.memory_space<vmem>>, vector<16xf32>,
    %max3A_793 = arith.maximumf %max3A_790, %get3A_792 : vector<16xf32>
    %get3A_794 = arith.constant 3632 : index
    %get3A_795 = tpu.vector_load %arg4[%get3A_794] {strides = array<i32>} : memref<8192xf32, #tpu.memory_space<vmem>>, vector<16xf32>,
    %max3A_796 = arith.maximumf %max3A_793, %get3A_795 : vector<16xf32>
    %get3A_797 = arith.constant 3648 : index
    %get3A_798 = tpu.vector_load %arg4[%get3A_797] {strides = array<i32>} : memref<8192xf32, #tpu.memory_space<vmem>>, vector<16xf32>,
    %max3A_799 = arith.maximumf %max3A_796, %get3A_798 : vector<16xf32>
    %get3A_800 = arith.constant 3664 : index
    %get3A_801 = tpu.vector_load %arg4[%get3A_800] {strides = array<i32>} : memref<8192xf32, #tpu.memory_space<vmem>>, vector<16xf32>,
    %max3A_802 = arith.maximumf %max3A_799, %get3A_801 : vector<16xf32>
    %get3A_803 = arith.constant 3680 : index
    %get3A_804 = tpu.vector_load %arg4[%get3A_803] {strides = array<i32>} : memref<8192xf32, #tpu.memory_space<vmem>>, vector<16xf32>,
    %max3A_805 = arith.maximumf %max3A_802, %get3A_804 : vector<16xf32>
    %get3A_806 = arith.constant 3696 : index
    %get3A_807 = tpu.vector_load %arg4[%get3A_806] {strides = array<i32>} : memref<8192xf32, #tpu.memory_space<vmem>>, vector<16xf32>,
    %max3A_808 = arith.maximumf %max3A_805, %get3A_807 : vector<16xf32>
    %get3A_809 = arith.constant 3712 : index
    %get3A_810 = tpu.vector_load %arg4[%get3A_809] {strides = array<i32>} : memref<8192xf32, #tpu.memory_space<vmem>>, vector<16xf32>,
    %max3A_811 = arith.maximumf %max3A_808, %get3A_810 : vector<16xf32>
    %get3A_812 = arith.constant 3728 : index
    %get3A_813 = tpu.vector_load %arg4[%get3A_812] {strides = array<i32>} : memref<8192xf32, #tpu.memory_space<vmem>>, vector<16xf32>,
    %max3A_814 = arith.maximumf %max3A_811, %get3A_813 : vector<16xf32>
    %get3A_815 = arith.constant 3744 : index
    %get3A_816 = tpu.vector_load %arg4[%get3A_815] {strides = array<i32>} : memref<8192xf32, #tpu.memory_space<vmem>>, vector<16xf32>,
    %max3A_817 = arith.maximumf %max3A_814, %get3A_816 : vector<16xf32>
    %get3A_818 = arith.constant 3760 : index
    %get3A_819 = tpu.vector_load %arg4[%get3A_818] {strides = array<i32>} : memref<8192xf32, #tpu.memory_space<vmem>>, vector<16xf32>,
    %max3A_820 = arith.maximumf %max3A_817, %get3A_819 : vector<16xf32>
    %get3A_821 = arith.constant 3776 : index
    %get3A_822 = tpu.vector_load %arg4[%get3A_821] {strides = array<i32>} : memref<8192xf32, #tpu.memory_space<vmem>>, vector<16xf32>,
    %max3A_823 = arith.maximumf %max3A_820, %get3A_822 : vector<16xf32>
    %get3A_824 = arith.constant 3792 : index
    %get3A_825 = tpu.vector_load %arg4[%get3A_824] {strides = array<i32>} : memref<8192xf32, #tpu.memory_space<vmem>>, vector<16xf32>,
    %max3A_826 = arith.maximumf %max3A_823, %get3A_825 : vector<16xf32>
    %get3A_827 = arith.constant 3808 : index
    %get3A_828 = tpu.vector_load %arg4[%get3A_827] {strides = array<i32>} : memref<8192xf32, #tpu.memory_space<vmem>>, vector<16xf32>,
    %max3A_829 = arith.maximumf %max3A_826, %get3A_828 : vector<16xf32>
    %get3A_830 = arith.constant 3824 : index
    %get3A_831 = tpu.vector_load %arg4[%get3A_830] {strides = array<i32>} : memref<8192xf32, #tpu.memory_space<vmem>>, vector<16xf32>,
    %max3A_832 = arith.maximumf %max3A_829, %get3A_831 : vector<16xf32>
    %swap3A_833 = arith.constant 224 : index
    %swap3A_834 = tpu.vector_load %arg5[%swap3A_833] {strides = array<i32>} : memref<512xf32, #tpu.memory_space<vmem>>, vector<16xf32>,
    tpu.vector_store %arg5[%swap3A_833], %max3A_832 {strides = array<i32>} : memref<512xf32, #tpu.memory_space<vmem>>, vector<16xf32>,
    %reduce_max3A_835 = arith.constant true
    %reduce_max3A_836 = vector.broadcast %reduce_max3A_835 : i1 to vector<16xi1>
    %reduce_max3A_837 = tpu.scan <max>, %max3A_832 masked %reduce_max3A_836 : vector<16xf32>, vector<16xi1> -> vector<16xf32>
    %reduce_max3A_838 = vector.extract %reduce_max3A_837[15] : f32 from vector<16xf32>
    %broadcast_in_dim3A_839 = arith.constant 14 : i32
    %broadcast_in_dim3A_840 = vector.broadcast %broadcast_in_dim3A_839 : i32 to vector<16xi32>
    %broadcast_in_dim3A_841 = vector.broadcast %reduce_max3A_838 : f32 to vector<16xf32>
    tpu.vector_store_idx %arg6[%broadcast_in_dim3A_840], %broadcast_in_dim3A_841 masked %eq3A_4 : memref<32xf32, #tpu.memory_space<vmem>>[vector<16xi32>], vector<16xf32>, vector<16xi1>
    %get3A_842 = arith.constant 3840 : index
    %get3A_843 = tpu.vector_load %arg4[%get3A_842] {strides = array<i32>} : memref<8192xf32, #tpu.memory_space<vmem>>, vector<16xf32>,
    %get3A_844 = arith.constant 3856 : index
    %get3A_845 = tpu.vector_load %arg4[%get3A_844] {strides = array<i32>} : memref<8192xf32, #tpu.memory_space<vmem>>, vector<16xf32>,
    %max3A_846 = arith.maximumf %get3A_843, %get3A_845 : vector<16xf32>
    %get3A_847 = arith.constant 3872 : index
    %get3A_848 = tpu.vector_load %arg4[%get3A_847] {strides = array<i32>} : memref<8192xf32, #tpu.memory_space<vmem>>, vector<16xf32>,
    %max3A_849 = arith.maximumf %max3A_846, %get3A_848 : vector<16xf32>
    %get3A_850 = arith.constant 3888 : index
    %get3A_851 = tpu.vector_load %arg4[%get3A_850] {strides = array<i32>} : memref<8192xf32, #tpu.memory_space<vmem>>, vector<16xf32>,
    %max3A_852 = arith.maximumf %max3A_849, %get3A_851 : vector<16xf32>
    %get3A_853 = arith.constant 3904 : index
    %get3A_854 = tpu.vector_load %arg4[%get3A_853] {strides = array<i32>} : memref<8192xf32, #tpu.memory_space<vmem>>, vector<16xf32>,
    %max3A_855 = arith.maximumf %max3A_852, %get3A_854 : vector<16xf32>
    %get3A_856 = arith.constant 3920 : index
    %get3A_857 = tpu.vector_load %arg4[%get3A_856] {strides = array<i32>} : memref<8192xf32, #tpu.memory_space<vmem>>, vector<16xf32>,
    %max3A_858 = arith.maximumf %max3A_855, %get3A_857 : vector<16xf32>
    %get3A_859 = arith.constant 3936 : index
    %get3A_860 = tpu.vector_load %arg4[%get3A_859] {strides = array<i32>} : memref<8192xf32, #tpu.memory_space<vmem>>, vector<16xf32>,
    %max3A_861 = arith.maximumf %max3A_858, %get3A_860 : vector<16xf32>
    %get3A_862 = arith.constant 3952 : index
    %get3A_863 = tpu.vector_load %arg4[%get3A_862] {strides = array<i32>} : memref<8192xf32, #tpu.memory_space<vmem>>, vector<16xf32>,
    %max3A_864 = arith.maximumf %max3A_861, %get3A_863 : vector<16xf32>
    %get3A_865 = arith.constant 3968 : index
    %get3A_866 = tpu.vector_load %arg4[%get3A_865] {strides = array<i32>} : memref<8192xf32, #tpu.memory_space<vmem>>, vector<16xf32>,
    %max3A_867 = arith.maximumf %max3A_864, %get3A_866 : vector<16xf32>
    %get3A_868 = arith.constant 3984 : index
    %get3A_869 = tpu.vector_load %arg4[%get3A_868] {strides = array<i32>} : memref<8192xf32, #tpu.memory_space<vmem>>, vector<16xf32>,
    %max3A_870 = arith.maximumf %max3A_867, %get3A_869 : vector<16xf32>
    %get3A_871 = arith.constant 4000 : index
    %get3A_872 = tpu.vector_load %arg4[%get3A_871] {strides = array<i32>} : memref<8192xf32, #tpu.memory_space<vmem>>, vector<16xf32>,
    %max3A_873 = arith.maximumf %max3A_870, %get3A_872 : vector<16xf32>
    %get3A_874 = arith.constant 4016 : index
    %get3A_875 = tpu.vector_load %arg4[%get3A_874] {strides = array<i32>} : memref<8192xf32, #tpu.memory_space<vmem>>, vector<16xf32>,
    %max3A_876 = arith.maximumf %max3A_873, %get3A_875 : vector<16xf32>
    %get3A_877 = arith.constant 4032 : index
    %get3A_878 = tpu.vector_load %arg4[%get3A_877] {strides = array<i32>} : memref<8192xf32, #tpu.memory_space<vmem>>, vector<16xf32>,
    %max3A_879 = arith.maximumf %max3A_876, %get3A_878 : vector<16xf32>
    %get3A_880 = arith.constant 4048 : index
    %get3A_881 = tpu.vector_load %arg4[%get3A_880] {strides = array<i32>} : memref<8192xf32, #tpu.memory_space<vmem>>, vector<16xf32>,
    %max3A_882 = arith.maximumf %max3A_879, %get3A_881 : vector<16xf32>
    %get3A_883 = arith.constant 4064 : index
    %get3A_884 = tpu.vector_load %arg4[%get3A_883] {strides = array<i32>} : memref<8192xf32, #tpu.memory_space<vmem>>, vector<16xf32>,
    %max3A_885 = arith.maximumf %max3A_882, %get3A_884 : vector<16xf32>
    %get3A_886 = arith.constant 4080 : index
    %get3A_887 = tpu.vector_load %arg4[%get3A_886] {strides = array<i32>} : memref<8192xf32, #tpu.memory_space<vmem>>, vector<16xf32>,
    %max3A_888 = arith.maximumf %max3A_885, %get3A_887 : vector<16xf32>
    %swap3A_889 = arith.constant 240 : index
    %swap3A_890 = tpu.vector_load %arg5[%swap3A_889] {strides = array<i32>} : memref<512xf32, #tpu.memory_space<vmem>>, vector<16xf32>,
    tpu.vector_store %arg5[%swap3A_889], %max3A_888 {strides = array<i32>} : memref<512xf32, #tpu.memory_space<vmem>>, vector<16xf32>,
    %reduce_max3A_891 = arith.constant true
    %reduce_max3A_892 = vector.broadcast %reduce_max3A_891 : i1 to vector<16xi1>
    %reduce_max3A_893 = tpu.scan <max>, %max3A_888 masked %reduce_max3A_892 : vector<16xf32>, vector<16xi1> -> vector<16xf32>
    %reduce_max3A_894 = vector.extract %reduce_max3A_893[15] : f32 from vector<16xf32>
    %broadcast_in_dim3A_895 = arith.constant 15 : i32
    %broadcast_in_dim3A_896 = vector.broadcast %broadcast_in_dim3A_895 : i32 to vector<16xi32>
    %broadcast_in_dim3A_897 = vector.broadcast %reduce_max3A_894 : f32 to vector<16xf32>
    tpu.vector_store_idx %arg6[%broadcast_in_dim3A_896], %broadcast_in_dim3A_897 masked %eq3A_4 : memref<32xf32, #tpu.memory_space<vmem>>[vector<16xi32>], vector<16xf32>, vector<16xi1>
    %get3A_898 = arith.constant 4096 : index
    %get3A_899 = tpu.vector_load %arg4[%get3A_898] {strides = array<i32>} : memref<8192xf32, #tpu.memory_space<vmem>>, vector<16xf32>,
    %get3A_900 = arith.constant 4112 : index
    %get3A_901 = tpu.vector_load %arg4[%get3A_900] {strides = array<i32>} : memref<8192xf32, #tpu.memory_space<vmem>>, vector<16xf32>,
    %max3A_902 = arith.maximumf %get3A_899, %get3A_901 : vector<16xf32>
    %get3A_903 = arith.constant 4128 : index
    %get3A_904 = tpu.vector_load %arg4[%get3A_903] {strides = array<i32>} : memref<8192xf32, #tpu.memory_space<vmem>>, vector<16xf32>,
    %max3A_905 = arith.maximumf %max3A_902, %get3A_904 : vector<16xf32>
    %get3A_906 = arith.constant 4144 : index
    %get3A_907 = tpu.vector_load %arg4[%get3A_906] {strides = array<i32>} : memref<8192xf32, #tpu.memory_space<vmem>>, vector<16xf32>,
    %max3A_908 = arith.maximumf %max3A_905, %get3A_907 : vector<16xf32>
    %get3A_909 = arith.constant 4160 : index
    %get3A_910 = tpu.vector_load %arg4[%get3A_909] {strides = array<i32>} : memref<8192xf32, #tpu.memory_space<vmem>>, vector<16xf32>,
    %max3A_911 = arith.maximumf %max3A_908, %get3A_910 : vector<16xf32>
    %get3A_912 = arith.constant 4176 : index
    %get3A_913 = tpu.vector_load %arg4[%get3A_912] {strides = array<i32>} : memref<8192xf32, #tpu.memory_space<vmem>>, vector<16xf32>,
    %max3A_914 = arith.maximumf %max3A_911, %get3A_913 : vector<16xf32>
    %get3A_915 = arith.constant 4192 : index
    %get3A_916 = tpu.vector_load %arg4[%get3A_915] {strides = array<i32>} : memref<8192xf32, #tpu.memory_space<vmem>>, vector<16xf32>,
    %max3A_917 = arith.maximumf %max3A_914, %get3A_916 : vector<16xf32>
    %get3A_918 = arith.constant 4208 : index
    %get3A_919 = tpu.vector_load %arg4[%get3A_918] {strides = array<i32>} : memref<8192xf32, #tpu.memory_space<vmem>>, vector<16xf32>,
    %max3A_920 = arith.maximumf %max3A_917, %get3A_919 : vector<16xf32>
    %get3A_921 = arith.constant 4224 : index
    %get3A_922 = tpu.vector_load %arg4[%get3A_921] {strides = array<i32>} : memref<8192xf32, #tpu.memory_space<vmem>>, vector<16xf32>,
    %max3A_923 = arith.maximumf %max3A_920, %get3A_922 : vector<16xf32>
    %get3A_924 = arith.constant 4240 : index
    %get3A_925 = tpu.vector_load %arg4[%get3A_924] {strides = array<i32>} : memref<8192xf32, #tpu.memory_space<vmem>>, vector<16xf32>,
    %max3A_926 = arith.maximumf %max3A_923, %get3A_925 : vector<16xf32>
    %get3A_927 = arith.constant 4256 : index
    %get3A_928 = tpu.vector_load %arg4[%get3A_927] {strides = array<i32>} : memref<8192xf32, #tpu.memory_space<vmem>>, vector<16xf32>,
    %max3A_929 = arith.maximumf %max3A_926, %get3A_928 : vector<16xf32>
    %get3A_930 = arith.constant 4272 : index
    %get3A_931 = tpu.vector_load %arg4[%get3A_930] {strides = array<i32>} : memref<8192xf32, #tpu.memory_space<vmem>>, vector<16xf32>,
    %max3A_932 = arith.maximumf %max3A_929, %get3A_931 : vector<16xf32>
    %get3A_933 = arith.constant 4288 : index
    %get3A_934 = tpu.vector_load %arg4[%get3A_933] {strides = array<i32>} : memref<8192xf32, #tpu.memory_space<vmem>>, vector<16xf32>,
    %max3A_935 = arith.maximumf %max3A_932, %get3A_934 : vector<16xf32>
    %get3A_936 = arith.constant 4304 : index
    %get3A_937 = tpu.vector_load %arg4[%get3A_936] {strides = array<i32>} : memref<8192xf32, #tpu.memory_space<vmem>>, vector<16xf32>,
    %max3A_938 = arith.maximumf %max3A_935, %get3A_937 : vector<16xf32>
    %get3A_939 = arith.constant 4320 : index
    %get3A_940 = tpu.vector_load %arg4[%get3A_939] {strides = array<i32>} : memref<8192xf32, #tpu.memory_space<vmem>>, vector<16xf32>,
    %max3A_941 = arith.maximumf %max3A_938, %get3A_940 : vector<16xf32>
    %get3A_942 = arith.constant 4336 : index
    %get3A_943 = tpu.vector_load %arg4[%get3A_942] {strides = array<i32>} : memref<8192xf32, #tpu.memory_space<vmem>>, vector<16xf32>,
    %max3A_944 = arith.maximumf %max3A_941, %get3A_943 : vector<16xf32>
    %swap3A_945 = arith.constant 256 : index
    %swap3A_946 = tpu.vector_load %arg5[%swap3A_945] {strides = array<i32>} : memref<512xf32, #tpu.memory_space<vmem>>, vector<16xf32>,
    tpu.vector_store %arg5[%swap3A_945], %max3A_944 {strides = array<i32>} : memref<512xf32, #tpu.memory_space<vmem>>, vector<16xf32>,
    %reduce_max3A_947 = arith.constant true
    %reduce_max3A_948 = vector.broadcast %reduce_max3A_947 : i1 to vector<16xi1>
    %reduce_max3A_949 = tpu.scan <max>, %max3A_944 masked %reduce_max3A_948 : vector<16xf32>, vector<16xi1> -> vector<16xf32>
    %reduce_max3A_950 = vector.extract %reduce_max3A_949[15] : f32 from vector<16xf32>
    %broadcast_in_dim3A_951 = arith.constant 16 : i32
    %broadcast_in_dim3A_952 = vector.broadcast %broadcast_in_dim3A_951 : i32 to vector<16xi32>
    %broadcast_in_dim3A_953 = vector.broadcast %reduce_max3A_950 : f32 to vector<16xf32>
    tpu.vector_store_idx %arg6[%broadcast_in_dim3A_952], %broadcast_in_dim3A_953 masked %eq3A_4 : memref<32xf32, #tpu.memory_space<vmem>>[vector<16xi32>], vector<16xf32>, vector<16xi1>
    %get3A_954 = arith.constant 4352 : index
    %get3A_955 = tpu.vector_load %arg4[%get3A_954] {strides = array<i32>} : memref<8192xf32, #tpu.memory_space<vmem>>, vector<16xf32>,
    %get3A_956 = arith.constant 4368 : index
    %get3A_957 = tpu.vector_load %arg4[%get3A_956] {strides = array<i32>} : memref<8192xf32, #tpu.memory_space<vmem>>, vector<16xf32>,
    %max3A_958 = arith.maximumf %get3A_955, %get3A_957 : vector<16xf32>
    %get3A_959 = arith.constant 4384 : index
    %get3A_960 = tpu.vector_load %arg4[%get3A_959] {strides = array<i32>} : memref<8192xf32, #tpu.memory_space<vmem>>, vector<16xf32>,
    %max3A_961 = arith.maximumf %max3A_958, %get3A_960 : vector<16xf32>
    %get3A_962 = arith.constant 4400 : index
    %get3A_963 = tpu.vector_load %arg4[%get3A_962] {strides = array<i32>} : memref<8192xf32, #tpu.memory_space<vmem>>, vector<16xf32>,
    %max3A_964 = arith.maximumf %max3A_961, %get3A_963 : vector<16xf32>
    %get3A_965 = arith.constant 4416 : index
    %get3A_966 = tpu.vector_load %arg4[%get3A_965] {strides = array<i32>} : memref<8192xf32, #tpu.memory_space<vmem>>, vector<16xf32>,
    %max3A_967 = arith.maximumf %max3A_964, %get3A_966 : vector<16xf32>
    %get3A_968 = arith.constant 4432 : index
    %get3A_969 = tpu.vector_load %arg4[%get3A_968] {strides = array<i32>} : memref<8192xf32, #tpu.memory_space<vmem>>, vector<16xf32>,
    %max3A_970 = arith.maximumf %max3A_967, %get3A_969 : vector<16xf32>
    %get3A_971 = arith.constant 4448 : index
    %get3A_972 = tpu.vector_load %arg4[%get3A_971] {strides = array<i32>} : memref<8192xf32, #tpu.memory_space<vmem>>, vector<16xf32>,
    %max3A_973 = arith.maximumf %max3A_970, %get3A_972 : vector<16xf32>
    %get3A_974 = arith.constant 4464 : index
    %get3A_975 = tpu.vector_load %arg4[%get3A_974] {strides = array<i32>} : memref<8192xf32, #tpu.memory_space<vmem>>, vector<16xf32>,
    %max3A_976 = arith.maximumf %max3A_973, %get3A_975 : vector<16xf32>
    %get3A_977 = arith.constant 4480 : index
    %get3A_978 = tpu.vector_load %arg4[%get3A_977] {strides = array<i32>} : memref<8192xf32, #tpu.memory_space<vmem>>, vector<16xf32>,
    %max3A_979 = arith.maximumf %max3A_976, %get3A_978 : vector<16xf32>
    %get3A_980 = arith.constant 4496 : index
    %get3A_981 = tpu.vector_load %arg4[%get3A_980] {strides = array<i32>} : memref<8192xf32, #tpu.memory_space<vmem>>, vector<16xf32>,
    %max3A_982 = arith.maximumf %max3A_979, %get3A_981 : vector<16xf32>
    %get3A_983 = arith.constant 4512 : index
    %get3A_984 = tpu.vector_load %arg4[%get3A_983] {strides = array<i32>} : memref<8192xf32, #tpu.memory_space<vmem>>, vector<16xf32>,
    %max3A_985 = arith.maximumf %max3A_982, %get3A_984 : vector<16xf32>
    %get3A_986 = arith.constant 4528 : index
    %get3A_987 = tpu.vector_load %arg4[%get3A_986] {strides = array<i32>} : memref<8192xf32, #tpu.memory_space<vmem>>, vector<16xf32>,
    %max3A_988 = arith.maximumf %max3A_985, %get3A_987 : vector<16xf32>
    %get3A_989 = arith.constant 4544 : index
    %get3A_990 = tpu.vector_load %arg4[%get3A_989] {strides = array<i32>} : memref<8192xf32, #tpu.memory_space<vmem>>, vector<16xf32>,
    %max3A_991 = arith.maximumf %max3A_988, %get3A_990 : vector<16xf32>
    %get3A_992 = arith.constant 4560 : index
    %get3A_993 = tpu.vector_load %arg4[%get3A_992] {strides = array<i32>} : memref<8192xf32, #tpu.memory_space<vmem>>, vector<16xf32>,
    %max3A_994 = arith.maximumf %max3A_991, %get3A_993 : vector<16xf32>
    %get3A_995 = arith.constant 4576 : index
    %get3A_996 = tpu.vector_load %arg4[%get3A_995] {strides = array<i32>} : memref<8192xf32, #tpu.memory_space<vmem>>, vector<16xf32>,
    %max3A_997 = arith.maximumf %max3A_994, %get3A_996 : vector<16xf32>
    %get3A_998 = arith.constant 4592 : index
    %get3A_999 = tpu.vector_load %arg4[%get3A_998] {strides = array<i32>} : memref<8192xf32, #tpu.memory_space<vmem>>, vector<16xf32>,
    %max3A_1000 = arith.maximumf %max3A_997, %get3A_999 : vector<16xf32>
    %swap3A_1001 = arith.constant 272 : index
    %swap3A_1002 = tpu.vector_load %arg5[%swap3A_1001] {strides = array<i32>} : memref<512xf32, #tpu.memory_space<vmem>>, vector<16xf32>,
    tpu.vector_store %arg5[%swap3A_1001], %max3A_1000 {strides = array<i32>} : memref<512xf32, #tpu.memory_space<vmem>>, vector<16xf32>,
    %reduce_max3A_1003 = arith.constant true
    %reduce_max3A_1004 = vector.broadcast %reduce_max3A_1003 : i1 to vector<16xi1>
    %reduce_max3A_1005 = tpu.scan <max>, %max3A_1000 masked %reduce_max3A_1004 : vector<16xf32>, vector<16xi1> -> vector<16xf32>
    %reduce_max3A_1006 = vector.extract %reduce_max3A_1005[15] : f32 from vector<16xf32>
    %broadcast_in_dim3A_1007 = arith.constant 17 : i32
    %broadcast_in_dim3A_1008 = vector.broadcast %broadcast_in_dim3A_1007 : i32 to vector<16xi32>
    %broadcast_in_dim3A_1009 = vector.broadcast %reduce_max3A_1006 : f32 to vector<16xf32>
    tpu.vector_store_idx %arg6[%broadcast_in_dim3A_1008], %broadcast_in_dim3A_1009 masked %eq3A_4 : memref<32xf32, #tpu.memory_space<vmem>>[vector<16xi32>], vector<16xf32>, vector<16xi1>
    %get3A_1010 = arith.constant 4608 : index
    %get3A_1011 = tpu.vector_load %arg4[%get3A_1010] {strides = array<i32>} : memref<8192xf32, #tpu.memory_space<vmem>>, vector<16xf32>,
    %get3A_1012 = arith.constant 4624 : index
    %get3A_1013 = tpu.vector_load %arg4[%get3A_1012] {strides = array<i32>} : memref<8192xf32, #tpu.memory_space<vmem>>, vector<16xf32>,
    %max3A_1014 = arith.maximumf %get3A_1011, %get3A_1013 : vector<16xf32>
    %get3A_1015 = arith.constant 4640 : index
    %get3A_1016 = tpu.vector_load %arg4[%get3A_1015] {strides = array<i32>} : memref<8192xf32, #tpu.memory_space<vmem>>, vector<16xf32>,
    %max3A_1017 = arith.maximumf %max3A_1014, %get3A_1016 : vector<16xf32>
    %get3A_1018 = arith.constant 4656 : index
    %get3A_1019 = tpu.vector_load %arg4[%get3A_1018] {strides = array<i32>} : memref<8192xf32, #tpu.memory_space<vmem>>, vector<16xf32>,
    %max3A_1020 = arith.maximumf %max3A_1017, %get3A_1019 : vector<16xf32>
    %get3A_1021 = arith.constant 4672 : index
    %get3A_1022 = tpu.vector_load %arg4[%get3A_1021] {strides = array<i32>} : memref<8192xf32, #tpu.memory_space<vmem>>, vector<16xf32>,
    %max3A_1023 = arith.maximumf %max3A_1020, %get3A_1022 : vector<16xf32>
    %get3A_1024 = arith.constant 4688 : index
    %get3A_1025 = tpu.vector_load %arg4[%get3A_1024] {strides = array<i32>} : memref<8192xf32, #tpu.memory_space<vmem>>, vector<16xf32>,
    %max3A_1026 = arith.maximumf %max3A_1023, %get3A_1025 : vector<16xf32>
    %get3A_1027 = arith.constant 4704 : index
    %get3A_1028 = tpu.vector_load %arg4[%get3A_1027] {strides = array<i32>} : memref<8192xf32, #tpu.memory_space<vmem>>, vector<16xf32>,
    %max3A_1029 = arith.maximumf %max3A_1026, %get3A_1028 : vector<16xf32>
    %get3A_1030 = arith.constant 4720 : index
    %get3A_1031 = tpu.vector_load %arg4[%get3A_1030] {strides = array<i32>} : memref<8192xf32, #tpu.memory_space<vmem>>, vector<16xf32>,
    %max3A_1032 = arith.maximumf %max3A_1029, %get3A_1031 : vector<16xf32>
    %get3A_1033 = arith.constant 4736 : index
    %get3A_1034 = tpu.vector_load %arg4[%get3A_1033] {strides = array<i32>} : memref<8192xf32, #tpu.memory_space<vmem>>, vector<16xf32>,
    %max3A_1035 = arith.maximumf %max3A_1032, %get3A_1034 : vector<16xf32>
    %get3A_1036 = arith.constant 4752 : index
    %get3A_1037 = tpu.vector_load %arg4[%get3A_1036] {strides = array<i32>} : memref<8192xf32, #tpu.memory_space<vmem>>, vector<16xf32>,
    %max3A_1038 = arith.maximumf %max3A_1035, %get3A_1037 : vector<16xf32>
    %get3A_1039 = arith.constant 4768 : index
    %get3A_1040 = tpu.vector_load %arg4[%get3A_1039] {strides = array<i32>} : memref<8192xf32, #tpu.memory_space<vmem>>, vector<16xf32>,
    %max3A_1041 = arith.maximumf %max3A_1038, %get3A_1040 : vector<16xf32>
    %get3A_1042 = arith.constant 4784 : index
    %get3A_1043 = tpu.vector_load %arg4[%get3A_1042] {strides = array<i32>} : memref<8192xf32, #tpu.memory_space<vmem>>, vector<16xf32>,
    %max3A_1044 = arith.maximumf %max3A_1041, %get3A_1043 : vector<16xf32>
    %get3A_1045 = arith.constant 4800 : index
    %get3A_1046 = tpu.vector_load %arg4[%get3A_1045] {strides = array<i32>} : memref<8192xf32, #tpu.memory_space<vmem>>, vector<16xf32>,
    %max3A_1047 = arith.maximumf %max3A_1044, %get3A_1046 : vector<16xf32>
    %get3A_1048 = arith.constant 4816 : index
    %get3A_1049 = tpu.vector_load %arg4[%get3A_1048] {strides = array<i32>} : memref<8192xf32, #tpu.memory_space<vmem>>, vector<16xf32>,
    %max3A_1050 = arith.maximumf %max3A_1047, %get3A_1049 : vector<16xf32>
    %get3A_1051 = arith.constant 4832 : index
    %get3A_1052 = tpu.vector_load %arg4[%get3A_1051] {strides = array<i32>} : memref<8192xf32, #tpu.memory_space<vmem>>, vector<16xf32>,
    %max3A_1053 = arith.maximumf %max3A_1050, %get3A_1052 : vector<16xf32>
    %get3A_1054 = arith.constant 4848 : index
    %get3A_1055 = tpu.vector_load %arg4[%get3A_1054] {strides = array<i32>} : memref<8192xf32, #tpu.memory_space<vmem>>, vector<16xf32>,
    %max3A_1056 = arith.maximumf %max3A_1053, %get3A_1055 : vector<16xf32>
    %swap3A_1057 = arith.constant 288 : index
    %swap3A_1058 = tpu.vector_load %arg5[%swap3A_1057] {strides = array<i32>} : memref<512xf32, #tpu.memory_space<vmem>>, vector<16xf32>,
    tpu.vector_store %arg5[%swap3A_1057], %max3A_1056 {strides = array<i32>} : memref<512xf32, #tpu.memory_space<vmem>>, vector<16xf32>,
    %reduce_max3A_1059 = arith.constant true
    %reduce_max3A_1060 = vector.broadcast %reduce_max3A_1059 : i1 to vector<16xi1>
    %reduce_max3A_1061 = tpu.scan <max>, %max3A_1056 masked %reduce_max3A_1060 : vector<16xf32>, vector<16xi1> -> vector<16xf32>
    %reduce_max3A_1062 = vector.extract %reduce_max3A_1061[15] : f32 from vector<16xf32>
    %broadcast_in_dim3A_1063 = arith.constant 18 : i32
    %broadcast_in_dim3A_1064 = vector.broadcast %broadcast_in_dim3A_1063 : i32 to vector<16xi32>
    %broadcast_in_dim3A_1065 = vector.broadcast %reduce_max3A_1062 : f32 to vector<16xf32>
    tpu.vector_store_idx %arg6[%broadcast_in_dim3A_1064], %broadcast_in_dim3A_1065 masked %eq3A_4 : memref<32xf32, #tpu.memory_space<vmem>>[vector<16xi32>], vector<16xf32>, vector<16xi1>
    %get3A_1066 = arith.constant 4864 : index
    %get3A_1067 = tpu.vector_load %arg4[%get3A_1066] {strides = array<i32>} : memref<8192xf32, #tpu.memory_space<vmem>>, vector<16xf32>,
    %get3A_1068 = arith.constant 4880 : index
    %get3A_1069 = tpu.vector_load %arg4[%get3A_1068] {strides = array<i32>} : memref<8192xf32, #tpu.memory_space<vmem>>, vector<16xf32>,
    %max3A_1070 = arith.maximumf %get3A_1067, %get3A_1069 : vector<16xf32>
    %get3A_1071 = arith.constant 4896 : index
    %get3A_1072 = tpu.vector_load %arg4[%get3A_1071] {strides = array<i32>} : memref<8192xf32, #tpu.memory_space<vmem>>, vector<16xf32>,
    %max3A_1073 = arith.maximumf %max3A_1070, %get3A_1072 : vector<16xf32>
    %get3A_1074 = arith.constant 4912 : index
    %get3A_1075 = tpu.vector_load %arg4[%get3A_1074] {strides = array<i32>} : memref<8192xf32, #tpu.memory_space<vmem>>, vector<16xf32>,
    %max3A_1076 = arith.maximumf %max3A_1073, %get3A_1075 : vector<16xf32>
    %get3A_1077 = arith.constant 4928 : index
    %get3A_1078 = tpu.vector_load %arg4[%get3A_1077] {strides = array<i32>} : memref<8192xf32, #tpu.memory_space<vmem>>, vector<16xf32>,
    %max3A_1079 = arith.maximumf %max3A_1076, %get3A_1078 : vector<16xf32>
    %get3A_1080 = arith.constant 4944 : index
    %get3A_1081 = tpu.vector_load %arg4[%get3A_1080] {strides = array<i32>} : memref<8192xf32, #tpu.memory_space<vmem>>, vector<16xf32>,
    %max3A_1082 = arith.maximumf %max3A_1079, %get3A_1081 : vector<16xf32>
    %get3A_1083 = arith.constant 4960 : index
    %get3A_1084 = tpu.vector_load %arg4[%get3A_1083] {strides = array<i32>} : memref<8192xf32, #tpu.memory_space<vmem>>, vector<16xf32>,
    %max3A_1085 = arith.maximumf %max3A_1082, %get3A_1084 : vector<16xf32>
    %get3A_1086 = arith.constant 4976 : index
    %get3A_1087 = tpu.vector_load %arg4[%get3A_1086] {strides = array<i32>} : memref<8192xf32, #tpu.memory_space<vmem>>, vector<16xf32>,
    %max3A_1088 = arith.maximumf %max3A_1085, %get3A_1087 : vector<16xf32>
    %get3A_1089 = arith.constant 4992 : index
    %get3A_1090 = tpu.vector_load %arg4[%get3A_1089] {strides = array<i32>} : memref<8192xf32, #tpu.memory_space<vmem>>, vector<16xf32>,
    %max3A_1091 = arith.maximumf %max3A_1088, %get3A_1090 : vector<16xf32>
    %get3A_1092 = arith.constant 5008 : index
    %get3A_1093 = tpu.vector_load %arg4[%get3A_1092] {strides = array<i32>} : memref<8192xf32, #tpu.memory_space<vmem>>, vector<16xf32>,
    %max3A_1094 = arith.maximumf %max3A_1091, %get3A_1093 : vector<16xf32>
    %get3A_1095 = arith.constant 5024 : index
    %get3A_1096 = tpu.vector_load %arg4[%get3A_1095] {strides = array<i32>} : memref<8192xf32, #tpu.memory_space<vmem>>, vector<16xf32>,
    %max3A_1097 = arith.maximumf %max3A_1094, %get3A_1096 : vector<16xf32>
    %get3A_1098 = arith.constant 5040 : index
    %get3A_1099 = tpu.vector_load %arg4[%get3A_1098] {strides = array<i32>} : memref<8192xf32, #tpu.memory_space<vmem>>, vector<16xf32>,
    %max3A_1100 = arith.maximumf %max3A_1097, %get3A_1099 : vector<16xf32>
    %get3A_1101 = arith.constant 5056 : index
    %get3A_1102 = tpu.vector_load %arg4[%get3A_1101] {strides = array<i32>} : memref<8192xf32, #tpu.memory_space<vmem>>, vector<16xf32>,
    %max3A_1103 = arith.maximumf %max3A_1100, %get3A_1102 : vector<16xf32>
    %get3A_1104 = arith.constant 5072 : index
    %get3A_1105 = tpu.vector_load %arg4[%get3A_1104] {strides = array<i32>} : memref<8192xf32, #tpu.memory_space<vmem>>, vector<16xf32>,
    %max3A_1106 = arith.maximumf %max3A_1103, %get3A_1105 : vector<16xf32>
    %get3A_1107 = arith.constant 5088 : index
    %get3A_1108 = tpu.vector_load %arg4[%get3A_1107] {strides = array<i32>} : memref<8192xf32, #tpu.memory_space<vmem>>, vector<16xf32>,
    %max3A_1109 = arith.maximumf %max3A_1106, %get3A_1108 : vector<16xf32>
    %get3A_1110 = arith.constant 5104 : index
    %get3A_1111 = tpu.vector_load %arg4[%get3A_1110] {strides = array<i32>} : memref<8192xf32, #tpu.memory_space<vmem>>, vector<16xf32>,
    %max3A_1112 = arith.maximumf %max3A_1109, %get3A_1111 : vector<16xf32>
    %swap3A_1113 = arith.constant 304 : index
    %swap3A_1114 = tpu.vector_load %arg5[%swap3A_1113] {strides = array<i32>} : memref<512xf32, #tpu.memory_space<vmem>>, vector<16xf32>,
    tpu.vector_store %arg5[%swap3A_1113], %max3A_1112 {strides = array<i32>} : memref<512xf32, #tpu.memory_space<vmem>>, vector<16xf32>,
    %reduce_max3A_1115 = arith.constant true
    %reduce_max3A_1116 = vector.broadcast %reduce_max3A_1115 : i1 to vector<16xi1>
    %reduce_max3A_1117 = tpu.scan <max>, %max3A_1112 masked %reduce_max3A_1116 : vector<16xf32>, vector<16xi1> -> vector<16xf32>
    %reduce_max3A_1118 = vector.extract %reduce_max3A_1117[15] : f32 from vector<16xf32>
    %broadcast_in_dim3A_1119 = arith.constant 19 : i32
    %broadcast_in_dim3A_1120 = vector.broadcast %broadcast_in_dim3A_1119 : i32 to vector<16xi32>
    %broadcast_in_dim3A_1121 = vector.broadcast %reduce_max3A_1118 : f32 to vector<16xf32>
    tpu.vector_store_idx %arg6[%broadcast_in_dim3A_1120], %broadcast_in_dim3A_1121 masked %eq3A_4 : memref<32xf32, #tpu.memory_space<vmem>>[vector<16xi32>], vector<16xf32>, vector<16xi1>
    %get3A_1122 = arith.constant 5120 : index
    %get3A_1123 = tpu.vector_load %arg4[%get3A_1122] {strides = array<i32>} : memref<8192xf32, #tpu.memory_space<vmem>>, vector<16xf32>,
    %get3A_1124 = arith.constant 5136 : index
    %get3A_1125 = tpu.vector_load %arg4[%get3A_1124] {strides = array<i32>} : memref<8192xf32, #tpu.memory_space<vmem>>, vector<16xf32>,
    %max3A_1126 = arith.maximumf %get3A_1123, %get3A_1125 : vector<16xf32>
    %get3A_1127 = arith.constant 5152 : index
    %get3A_1128 = tpu.vector_load %arg4[%get3A_1127] {strides = array<i32>} : memref<8192xf32, #tpu.memory_space<vmem>>, vector<16xf32>,
    %max3A_1129 = arith.maximumf %max3A_1126, %get3A_1128 : vector<16xf32>
    %get3A_1130 = arith.constant 5168 : index
    %get3A_1131 = tpu.vector_load %arg4[%get3A_1130] {strides = array<i32>} : memref<8192xf32, #tpu.memory_space<vmem>>, vector<16xf32>,
    %max3A_1132 = arith.maximumf %max3A_1129, %get3A_1131 : vector<16xf32>
    %get3A_1133 = arith.constant 5184 : index
    %get3A_1134 = tpu.vector_load %arg4[%get3A_1133] {strides = array<i32>} : memref<8192xf32, #tpu.memory_space<vmem>>, vector<16xf32>,
    %max3A_1135 = arith.maximumf %max3A_1132, %get3A_1134 : vector<16xf32>
    %get3A_1136 = arith.constant 5200 : index
    %get3A_1137 = tpu.vector_load %arg4[%get3A_1136] {strides = array<i32>} : memref<8192xf32, #tpu.memory_space<vmem>>, vector<16xf32>,
    %max3A_1138 = arith.maximumf %max3A_1135, %get3A_1137 : vector<16xf32>
    %get3A_1139 = arith.constant 5216 : index
    %get3A_1140 = tpu.vector_load %arg4[%get3A_1139] {strides = array<i32>} : memref<8192xf32, #tpu.memory_space<vmem>>, vector<16xf32>,
    %max3A_1141 = arith.maximumf %max3A_1138, %get3A_1140 : vector<16xf32>
    %get3A_1142 = arith.constant 5232 : index
    %get3A_1143 = tpu.vector_load %arg4[%get3A_1142] {strides = array<i32>} : memref<8192xf32, #tpu.memory_space<vmem>>, vector<16xf32>,
    %max3A_1144 = arith.maximumf %max3A_1141, %get3A_1143 : vector<16xf32>
    %get3A_1145 = arith.constant 5248 : index
    %get3A_1146 = tpu.vector_load %arg4[%get3A_1145] {strides = array<i32>} : memref<8192xf32, #tpu.memory_space<vmem>>, vector<16xf32>,
    %max3A_1147 = arith.maximumf %max3A_1144, %get3A_1146 : vector<16xf32>
    %get3A_1148 = arith.constant 5264 : index
    %get3A_1149 = tpu.vector_load %arg4[%get3A_1148] {strides = array<i32>} : memref<8192xf32, #tpu.memory_space<vmem>>, vector<16xf32>,
    %max3A_1150 = arith.maximumf %max3A_1147, %get3A_1149 : vector<16xf32>
    %get3A_1151 = arith.constant 5280 : index
    %get3A_1152 = tpu.vector_load %arg4[%get3A_1151] {strides = array<i32>} : memref<8192xf32, #tpu.memory_space<vmem>>, vector<16xf32>,
    %max3A_1153 = arith.maximumf %max3A_1150, %get3A_1152 : vector<16xf32>
    %get3A_1154 = arith.constant 5296 : index
    %get3A_1155 = tpu.vector_load %arg4[%get3A_1154] {strides = array<i32>} : memref<8192xf32, #tpu.memory_space<vmem>>, vector<16xf32>,
    %max3A_1156 = arith.maximumf %max3A_1153, %get3A_1155 : vector<16xf32>
    %get3A_1157 = arith.constant 5312 : index
    %get3A_1158 = tpu.vector_load %arg4[%get3A_1157] {strides = array<i32>} : memref<8192xf32, #tpu.memory_space<vmem>>, vector<16xf32>,
    %max3A_1159 = arith.maximumf %max3A_1156, %get3A_1158 : vector<16xf32>
    %get3A_1160 = arith.constant 5328 : index
    %get3A_1161 = tpu.vector_load %arg4[%get3A_1160] {strides = array<i32>} : memref<8192xf32, #tpu.memory_space<vmem>>, vector<16xf32>,
    %max3A_1162 = arith.maximumf %max3A_1159, %get3A_1161 : vector<16xf32>
    %get3A_1163 = arith.constant 5344 : index
    %get3A_1164 = tpu.vector_load %arg4[%get3A_1163] {strides = array<i32>} : memref<8192xf32, #tpu.memory_space<vmem>>, vector<16xf32>,
    %max3A_1165 = arith.maximumf %max3A_1162, %get3A_1164 : vector<16xf32>
    %get3A_1166 = arith.constant 5360 : index
    %get3A_1167 = tpu.vector_load %arg4[%get3A_1166] {strides = array<i32>} : memref<8192xf32, #tpu.memory_space<vmem>>, vector<16xf32>,
    %max3A_1168 = arith.maximumf %max3A_1165, %get3A_1167 : vector<16xf32>
    %swap3A_1169 = arith.constant 320 : index
    %swap3A_1170 = tpu.vector_load %arg5[%swap3A_1169] {strides = array<i32>} : memref<512xf32, #tpu.memory_space<vmem>>, vector<16xf32>,
    tpu.vector_store %arg5[%swap3A_1169], %max3A_1168 {strides = array<i32>} : memref<512xf32, #tpu.memory_space<vmem>>, vector<16xf32>,
    %reduce_max3A_1171 = arith.constant true
    %reduce_max3A_1172 = vector.broadcast %reduce_max3A_1171 : i1 to vector<16xi1>
    %reduce_max3A_1173 = tpu.scan <max>, %max3A_1168 masked %reduce_max3A_1172 : vector<16xf32>, vector<16xi1> -> vector<16xf32>
    %reduce_max3A_1174 = vector.extract %reduce_max3A_1173[15] : f32 from vector<16xf32>
    %broadcast_in_dim3A_1175 = arith.constant 20 : i32
    %broadcast_in_dim3A_1176 = vector.broadcast %broadcast_in_dim3A_1175 : i32 to vector<16xi32>
    %broadcast_in_dim3A_1177 = vector.broadcast %reduce_max3A_1174 : f32 to vector<16xf32>
    tpu.vector_store_idx %arg6[%broadcast_in_dim3A_1176], %broadcast_in_dim3A_1177 masked %eq3A_4 : memref<32xf32, #tpu.memory_space<vmem>>[vector<16xi32>], vector<16xf32>, vector<16xi1>
    %get3A_1178 = arith.constant 5376 : index
    %get3A_1179 = tpu.vector_load %arg4[%get3A_1178] {strides = array<i32>} : memref<8192xf32, #tpu.memory_space<vmem>>, vector<16xf32>,
    %get3A_1180 = arith.constant 5392 : index
    %get3A_1181 = tpu.vector_load %arg4[%get3A_1180] {strides = array<i32>} : memref<8192xf32, #tpu.memory_space<vmem>>, vector<16xf32>,
    %max3A_1182 = arith.maximumf %get3A_1179, %get3A_1181 : vector<16xf32>
    %get3A_1183 = arith.constant 5408 : index
    %get3A_1184 = tpu.vector_load %arg4[%get3A_1183] {strides = array<i32>} : memref<8192xf32, #tpu.memory_space<vmem>>, vector<16xf32>,
    %max3A_1185 = arith.maximumf %max3A_1182, %get3A_1184 : vector<16xf32>
    %get3A_1186 = arith.constant 5424 : index
    %get3A_1187 = tpu.vector_load %arg4[%get3A_1186] {strides = array<i32>} : memref<8192xf32, #tpu.memory_space<vmem>>, vector<16xf32>,
    %max3A_1188 = arith.maximumf %max3A_1185, %get3A_1187 : vector<16xf32>
    %get3A_1189 = arith.constant 5440 : index
    %get3A_1190 = tpu.vector_load %arg4[%get3A_1189] {strides = array<i32>} : memref<8192xf32, #tpu.memory_space<vmem>>, vector<16xf32>,
    %max3A_1191 = arith.maximumf %max3A_1188, %get3A_1190 : vector<16xf32>
    %get3A_1192 = arith.constant 5456 : index
    %get3A_1193 = tpu.vector_load %arg4[%get3A_1192] {strides = array<i32>} : memref<8192xf32, #tpu.memory_space<vmem>>, vector<16xf32>,
    %max3A_1194 = arith.maximumf %max3A_1191, %get3A_1193 : vector<16xf32>
    %get3A_1195 = arith.constant 5472 : index
    %get3A_1196 = tpu.vector_load %arg4[%get3A_1195] {strides = array<i32>} : memref<8192xf32, #tpu.memory_space<vmem>>, vector<16xf32>,
    %max3A_1197 = arith.maximumf %max3A_1194, %get3A_1196 : vector<16xf32>
    %get3A_1198 = arith.constant 5488 : index
    %get3A_1199 = tpu.vector_load %arg4[%get3A_1198] {strides = array<i32>} : memref<8192xf32, #tpu.memory_space<vmem>>, vector<16xf32>,
    %max3A_1200 = arith.maximumf %max3A_1197, %get3A_1199 : vector<16xf32>
    %get3A_1201 = arith.constant 5504 : index
    %get3A_1202 = tpu.vector_load %arg4[%get3A_1201] {strides = array<i32>} : memref<8192xf32, #tpu.memory_space<vmem>>, vector<16xf32>,
    %max3A_1203 = arith.maximumf %max3A_1200, %get3A_1202 : vector<16xf32>
    %get3A_1204 = arith.constant 5520 : index
    %get3A_1205 = tpu.vector_load %arg4[%get3A_1204] {strides = array<i32>} : memref<8192xf32, #tpu.memory_space<vmem>>, vector<16xf32>,
    %max3A_1206 = arith.maximumf %max3A_1203, %get3A_1205 : vector<16xf32>
    %get3A_1207 = arith.constant 5536 : index
    %get3A_1208 = tpu.vector_load %arg4[%get3A_1207] {strides = array<i32>} : memref<8192xf32, #tpu.memory_space<vmem>>, vector<16xf32>,
    %max3A_1209 = arith.maximumf %max3A_1206, %get3A_1208 : vector<16xf32>
    %get3A_1210 = arith.constant 5552 : index
    %get3A_1211 = tpu.vector_load %arg4[%get3A_1210] {strides = array<i32>} : memref<8192xf32, #tpu.memory_space<vmem>>, vector<16xf32>,
    %max3A_1212 = arith.maximumf %max3A_1209, %get3A_1211 : vector<16xf32>
    %get3A_1213 = arith.constant 5568 : index
    %get3A_1214 = tpu.vector_load %arg4[%get3A_1213] {strides = array<i32>} : memref<8192xf32, #tpu.memory_space<vmem>>, vector<16xf32>,
    %max3A_1215 = arith.maximumf %max3A_1212, %get3A_1214 : vector<16xf32>
    %get3A_1216 = arith.constant 5584 : index
    %get3A_1217 = tpu.vector_load %arg4[%get3A_1216] {strides = array<i32>} : memref<8192xf32, #tpu.memory_space<vmem>>, vector<16xf32>,
    %max3A_1218 = arith.maximumf %max3A_1215, %get3A_1217 : vector<16xf32>
    %get3A_1219 = arith.constant 5600 : index
    %get3A_1220 = tpu.vector_load %arg4[%get3A_1219] {strides = array<i32>} : memref<8192xf32, #tpu.memory_space<vmem>>, vector<16xf32>,
    %max3A_1221 = arith.maximumf %max3A_1218, %get3A_1220 : vector<16xf32>
    %get3A_1222 = arith.constant 5616 : index
    %get3A_1223 = tpu.vector_load %arg4[%get3A_1222] {strides = array<i32>} : memref<8192xf32, #tpu.memory_space<vmem>>, vector<16xf32>,
    %max3A_1224 = arith.maximumf %max3A_1221, %get3A_1223 : vector<16xf32>
    %swap3A_1225 = arith.constant 336 : index
    %swap3A_1226 = tpu.vector_load %arg5[%swap3A_1225] {strides = array<i32>} : memref<512xf32, #tpu.memory_space<vmem>>, vector<16xf32>,
    tpu.vector_store %arg5[%swap3A_1225], %max3A_1224 {strides = array<i32>} : memref<512xf32, #tpu.memory_space<vmem>>, vector<16xf32>,
    %reduce_max3A_1227 = arith.constant true
    %reduce_max3A_1228 = vector.broadcast %reduce_max3A_1227 : i1 to vector<16xi1>
    %reduce_max3A_1229 = tpu.scan <max>, %max3A_1224 masked %reduce_max3A_1228 : vector<16xf32>, vector<16xi1> -> vector<16xf32>
    %reduce_max3A_1230 = vector.extract %reduce_max3A_1229[15] : f32 from vector<16xf32>
    %broadcast_in_dim3A_1231 = arith.constant 21 : i32
    %broadcast_in_dim3A_1232 = vector.broadcast %broadcast_in_dim3A_1231 : i32 to vector<16xi32>
    %broadcast_in_dim3A_1233 = vector.broadcast %reduce_max3A_1230 : f32 to vector<16xf32>
    tpu.vector_store_idx %arg6[%broadcast_in_dim3A_1232], %broadcast_in_dim3A_1233 masked %eq3A_4 : memref<32xf32, #tpu.memory_space<vmem>>[vector<16xi32>], vector<16xf32>, vector<16xi1>
    %get3A_1234 = arith.constant 5632 : index
    %get3A_1235 = tpu.vector_load %arg4[%get3A_1234] {strides = array<i32>} : memref<8192xf32, #tpu.memory_space<vmem>>, vector<16xf32>,
    %get3A_1236 = arith.constant 5648 : index
    %get3A_1237 = tpu.vector_load %arg4[%get3A_1236] {strides = array<i32>} : memref<8192xf32, #tpu.memory_space<vmem>>, vector<16xf32>,
    %max3A_1238 = arith.maximumf %get3A_1235, %get3A_1237 : vector<16xf32>
    %get3A_1239 = arith.constant 5664 : index
    %get3A_1240 = tpu.vector_load %arg4[%get3A_1239] {strides = array<i32>} : memref<8192xf32, #tpu.memory_space<vmem>>, vector<16xf32>,
    %max3A_1241 = arith.maximumf %max3A_1238, %get3A_1240 : vector<16xf32>
    %get3A_1242 = arith.constant 5680 : index
    %get3A_1243 = tpu.vector_load %arg4[%get3A_1242] {strides = array<i32>} : memref<8192xf32, #tpu.memory_space<vmem>>, vector<16xf32>,
    %max3A_1244 = arith.maximumf %max3A_1241, %get3A_1243 : vector<16xf32>
    %get3A_1245 = arith.constant 5696 : index
    %get3A_1246 = tpu.vector_load %arg4[%get3A_1245] {strides = array<i32>} : memref<8192xf32, #tpu.memory_space<vmem>>, vector<16xf32>,
    %max3A_1247 = arith.maximumf %max3A_1244, %get3A_1246 : vector<16xf32>
    %get3A_1248 = arith.constant 5712 : index
    %get3A_1249 = tpu.vector_load %arg4[%get3A_1248] {strides = array<i32>} : memref<8192xf32, #tpu.memory_space<vmem>>, vector<16xf32>,
    %max3A_1250 = arith.maximumf %max3A_1247, %get3A_1249 : vector<16xf32>
    %get3A_1251 = arith.constant 5728 : index
    %get3A_1252 = tpu.vector_load %arg4[%get3A_1251] {strides = array<i32>} : memref<8192xf32, #tpu.memory_space<vmem>>, vector<16xf32>,
    %max3A_1253 = arith.maximumf %max3A_1250, %get3A_1252 : vector<16xf32>
    %get3A_1254 = arith.constant 5744 : index
    %get3A_1255 = tpu.vector_load %arg4[%get3A_1254] {strides = array<i32>} : memref<8192xf32, #tpu.memory_space<vmem>>, vector<16xf32>,
    %max3A_1256 = arith.maximumf %max3A_1253, %get3A_1255 : vector<16xf32>
    %get3A_1257 = arith.constant 5760 : index
    %get3A_1258 = tpu.vector_load %arg4[%get3A_1257] {strides = array<i32>} : memref<8192xf32, #tpu.memory_space<vmem>>, vector<16xf32>,
    %max3A_1259 = arith.maximumf %max3A_1256, %get3A_1258 : vector<16xf32>
    %get3A_1260 = arith.constant 5776 : index
    %get3A_1261 = tpu.vector_load %arg4[%get3A_1260] {strides = array<i32>} : memref<8192xf32, #tpu.memory_space<vmem>>, vector<16xf32>,
    %max3A_1262 = arith.maximumf %max3A_1259, %get3A_1261 : vector<16xf32>
    %get3A_1263 = arith.constant 5792 : index
    %get3A_1264 = tpu.vector_load %arg4[%get3A_1263] {strides = array<i32>} : memref<8192xf32, #tpu.memory_space<vmem>>, vector<16xf32>,
    %max3A_1265 = arith.maximumf %max3A_1262, %get3A_1264 : vector<16xf32>
    %get3A_1266 = arith.constant 5808 : index
    %get3A_1267 = tpu.vector_load %arg4[%get3A_1266] {strides = array<i32>} : memref<8192xf32, #tpu.memory_space<vmem>>, vector<16xf32>,
    %max3A_1268 = arith.maximumf %max3A_1265, %get3A_1267 : vector<16xf32>
    %get3A_1269 = arith.constant 5824 : index
    %get3A_1270 = tpu.vector_load %arg4[%get3A_1269] {strides = array<i32>} : memref<8192xf32, #tpu.memory_space<vmem>>, vector<16xf32>,
    %max3A_1271 = arith.maximumf %max3A_1268, %get3A_1270 : vector<16xf32>
    %get3A_1272 = arith.constant 5840 : index
    %get3A_1273 = tpu.vector_load %arg4[%get3A_1272] {strides = array<i32>} : memref<8192xf32, #tpu.memory_space<vmem>>, vector<16xf32>,
    %max3A_1274 = arith.maximumf %max3A_1271, %get3A_1273 : vector<16xf32>
    %get3A_1275 = arith.constant 5856 : index
    %get3A_1276 = tpu.vector_load %arg4[%get3A_1275] {strides = array<i32>} : memref<8192xf32, #tpu.memory_space<vmem>>, vector<16xf32>,
    %max3A_1277 = arith.maximumf %max3A_1274, %get3A_1276 : vector<16xf32>
    %get3A_1278 = arith.constant 5872 : index
    %get3A_1279 = tpu.vector_load %arg4[%get3A_1278] {strides = array<i32>} : memref<8192xf32, #tpu.memory_space<vmem>>, vector<16xf32>,
    %max3A_1280 = arith.maximumf %max3A_1277, %get3A_1279 : vector<16xf32>
    %swap3A_1281 = arith.constant 352 : index
    %swap3A_1282 = tpu.vector_load %arg5[%swap3A_1281] {strides = array<i32>} : memref<512xf32, #tpu.memory_space<vmem>>, vector<16xf32>,
    tpu.vector_store %arg5[%swap3A_1281], %max3A_1280 {strides = array<i32>} : memref<512xf32, #tpu.memory_space<vmem>>, vector<16xf32>,
    %reduce_max3A_1283 = arith.constant true
    %reduce_max3A_1284 = vector.broadcast %reduce_max3A_1283 : i1 to vector<16xi1>
    %reduce_max3A_1285 = tpu.scan <max>, %max3A_1280 masked %reduce_max3A_1284 : vector<16xf32>, vector<16xi1> -> vector<16xf32>
    %reduce_max3A_1286 = vector.extract %reduce_max3A_1285[15] : f32 from vector<16xf32>
    %broadcast_in_dim3A_1287 = arith.constant 22 : i32
    %broadcast_in_dim3A_1288 = vector.broadcast %broadcast_in_dim3A_1287 : i32 to vector<16xi32>
    %broadcast_in_dim3A_1289 = vector.broadcast %reduce_max3A_1286 : f32 to vector<16xf32>
    tpu.vector_store_idx %arg6[%broadcast_in_dim3A_1288], %broadcast_in_dim3A_1289 masked %eq3A_4 : memref<32xf32, #tpu.memory_space<vmem>>[vector<16xi32>], vector<16xf32>, vector<16xi1>
    %get3A_1290 = arith.constant 5888 : index
    %get3A_1291 = tpu.vector_load %arg4[%get3A_1290] {strides = array<i32>} : memref<8192xf32, #tpu.memory_space<vmem>>, vector<16xf32>,
    %get3A_1292 = arith.constant 5904 : index
    %get3A_1293 = tpu.vector_load %arg4[%get3A_1292] {strides = array<i32>} : memref<8192xf32, #tpu.memory_space<vmem>>, vector<16xf32>,
    %max3A_1294 = arith.maximumf %get3A_1291, %get3A_1293 : vector<16xf32>
    %get3A_1295 = arith.constant 5920 : index
    %get3A_1296 = tpu.vector_load %arg4[%get3A_1295] {strides = array<i32>} : memref<8192xf32, #tpu.memory_space<vmem>>, vector<16xf32>,
    %max3A_1297 = arith.maximumf %max3A_1294, %get3A_1296 : vector<16xf32>
    %get3A_1298 = arith.constant 5936 : index
    %get3A_1299 = tpu.vector_load %arg4[%get3A_1298] {strides = array<i32>} : memref<8192xf32, #tpu.memory_space<vmem>>, vector<16xf32>,
    %max3A_1300 = arith.maximumf %max3A_1297, %get3A_1299 : vector<16xf32>
    %get3A_1301 = arith.constant 5952 : index
    %get3A_1302 = tpu.vector_load %arg4[%get3A_1301] {strides = array<i32>} : memref<8192xf32, #tpu.memory_space<vmem>>, vector<16xf32>,
    %max3A_1303 = arith.maximumf %max3A_1300, %get3A_1302 : vector<16xf32>
    %get3A_1304 = arith.constant 5968 : index
    %get3A_1305 = tpu.vector_load %arg4[%get3A_1304] {strides = array<i32>} : memref<8192xf32, #tpu.memory_space<vmem>>, vector<16xf32>,
    %max3A_1306 = arith.maximumf %max3A_1303, %get3A_1305 : vector<16xf32>
    %get3A_1307 = arith.constant 5984 : index
    %get3A_1308 = tpu.vector_load %arg4[%get3A_1307] {strides = array<i32>} : memref<8192xf32, #tpu.memory_space<vmem>>, vector<16xf32>,
    %max3A_1309 = arith.maximumf %max3A_1306, %get3A_1308 : vector<16xf32>
    %get3A_1310 = arith.constant 6000 : index
    %get3A_1311 = tpu.vector_load %arg4[%get3A_1310] {strides = array<i32>} : memref<8192xf32, #tpu.memory_space<vmem>>, vector<16xf32>,
    %max3A_1312 = arith.maximumf %max3A_1309, %get3A_1311 : vector<16xf32>
    %get3A_1313 = arith.constant 6016 : index
    %get3A_1314 = tpu.vector_load %arg4[%get3A_1313] {strides = array<i32>} : memref<8192xf32, #tpu.memory_space<vmem>>, vector<16xf32>,
    %max3A_1315 = arith.maximumf %max3A_1312, %get3A_1314 : vector<16xf32>
    %get3A_1316 = arith.constant 6032 : index
    %get3A_1317 = tpu.vector_load %arg4[%get3A_1316] {strides = array<i32>} : memref<8192xf32, #tpu.memory_space<vmem>>, vector<16xf32>,
    %max3A_1318 = arith.maximumf %max3A_1315, %get3A_1317 : vector<16xf32>
    %get3A_1319 = arith.constant 6048 : index
    %get3A_1320 = tpu.vector_load %arg4[%get3A_1319] {strides = array<i32>} : memref<8192xf32, #tpu.memory_space<vmem>>, vector<16xf32>,
    %max3A_1321 = arith.maximumf %max3A_1318, %get3A_1320 : vector<16xf32>
    %get3A_1322 = arith.constant 6064 : index
    %get3A_1323 = tpu.vector_load %arg4[%get3A_1322] {strides = array<i32>} : memref<8192xf32, #tpu.memory_space<vmem>>, vector<16xf32>,
    %max3A_1324 = arith.maximumf %max3A_1321, %get3A_1323 : vector<16xf32>
    %get3A_1325 = arith.constant 6080 : index
    %get3A_1326 = tpu.vector_load %arg4[%get3A_1325] {strides = array<i32>} : memref<8192xf32, #tpu.memory_space<vmem>>, vector<16xf32>,
    %max3A_1327 = arith.maximumf %max3A_1324, %get3A_1326 : vector<16xf32>
    %get3A_1328 = arith.constant 6096 : index
    %get3A_1329 = tpu.vector_load %arg4[%get3A_1328] {strides = array<i32>} : memref<8192xf32, #tpu.memory_space<vmem>>, vector<16xf32>,
    %max3A_1330 = arith.maximumf %max3A_1327, %get3A_1329 : vector<16xf32>
    %get3A_1331 = arith.constant 6112 : index
    %get3A_1332 = tpu.vector_load %arg4[%get3A_1331] {strides = array<i32>} : memref<8192xf32, #tpu.memory_space<vmem>>, vector<16xf32>,
    %max3A_1333 = arith.maximumf %max3A_1330, %get3A_1332 : vector<16xf32>
    %get3A_1334 = arith.constant 6128 : index
    %get3A_1335 = tpu.vector_load %arg4[%get3A_1334] {strides = array<i32>} : memref<8192xf32, #tpu.memory_space<vmem>>, vector<16xf32>,
    %max3A_1336 = arith.maximumf %max3A_1333, %get3A_1335 : vector<16xf32>
    %swap3A_1337 = arith.constant 368 : index
    %swap3A_1338 = tpu.vector_load %arg5[%swap3A_1337] {strides = array<i32>} : memref<512xf32, #tpu.memory_space<vmem>>, vector<16xf32>,
    tpu.vector_store %arg5[%swap3A_1337], %max3A_1336 {strides = array<i32>} : memref<512xf32, #tpu.memory_space<vmem>>, vector<16xf32>,
    %reduce_max3A_1339 = arith.constant true
    %reduce_max3A_1340 = vector.broadcast %reduce_max3A_1339 : i1 to vector<16xi1>
    %reduce_max3A_1341 = tpu.scan <max>, %max3A_1336 masked %reduce_max3A_1340 : vector<16xf32>, vector<16xi1> -> vector<16xf32>
    %reduce_max3A_1342 = vector.extract %reduce_max3A_1341[15] : f32 from vector<16xf32>
    %broadcast_in_dim3A_1343 = arith.constant 23 : i32
    %broadcast_in_dim3A_1344 = vector.broadcast %broadcast_in_dim3A_1343 : i32 to vector<16xi32>
    %broadcast_in_dim3A_1345 = vector.broadcast %reduce_max3A_1342 : f32 to vector<16xf32>
    tpu.vector_store_idx %arg6[%broadcast_in_dim3A_1344], %broadcast_in_dim3A_1345 masked %eq3A_4 : memref<32xf32, #tpu.memory_space<vmem>>[vector<16xi32>], vector<16xf32>, vector<16xi1>
    %get3A_1346 = arith.constant 6144 : index
    %get3A_1347 = tpu.vector_load %arg4[%get3A_1346] {strides = array<i32>} : memref<8192xf32, #tpu.memory_space<vmem>>, vector<16xf32>,
    %get3A_1348 = arith.constant 6160 : index
    %get3A_1349 = tpu.vector_load %arg4[%get3A_1348] {strides = array<i32>} : memref<8192xf32, #tpu.memory_space<vmem>>, vector<16xf32>,
    %max3A_1350 = arith.maximumf %get3A_1347, %get3A_1349 : vector<16xf32>
    %get3A_1351 = arith.constant 6176 : index
    %get3A_1352 = tpu.vector_load %arg4[%get3A_1351] {strides = array<i32>} : memref<8192xf32, #tpu.memory_space<vmem>>, vector<16xf32>,
    %max3A_1353 = arith.maximumf %max3A_1350, %get3A_1352 : vector<16xf32>
    %get3A_1354 = arith.constant 6192 : index
    %get3A_1355 = tpu.vector_load %arg4[%get3A_1354] {strides = array<i32>} : memref<8192xf32, #tpu.memory_space<vmem>>, vector<16xf32>,
    %max3A_1356 = arith.maximumf %max3A_1353, %get3A_1355 : vector<16xf32>
    %get3A_1357 = arith.constant 6208 : index
    %get3A_1358 = tpu.vector_load %arg4[%get3A_1357] {strides = array<i32>} : memref<8192xf32, #tpu.memory_space<vmem>>, vector<16xf32>,
    %max3A_1359 = arith.maximumf %max3A_1356, %get3A_1358 : vector<16xf32>
    %get3A_1360 = arith.constant 6224 : index
    %get3A_1361 = tpu.vector_load %arg4[%get3A_1360] {strides = array<i32>} : memref<8192xf32, #tpu.memory_space<vmem>>, vector<16xf32>,
    %max3A_1362 = arith.maximumf %max3A_1359, %get3A_1361 : vector<16xf32>
    %get3A_1363 = arith.constant 6240 : index
    %get3A_1364 = tpu.vector_load %arg4[%get3A_1363] {strides = array<i32>} : memref<8192xf32, #tpu.memory_space<vmem>>, vector<16xf32>,
    %max3A_1365 = arith.maximumf %max3A_1362, %get3A_1364 : vector<16xf32>
    %get3A_1366 = arith.constant 6256 : index
    %get3A_1367 = tpu.vector_load %arg4[%get3A_1366] {strides = array<i32>} : memref<8192xf32, #tpu.memory_space<vmem>>, vector<16xf32>,
    %max3A_1368 = arith.maximumf %max3A_1365, %get3A_1367 : vector<16xf32>
    %get3A_1369 = arith.constant 6272 : index
    %get3A_1370 = tpu.vector_load %arg4[%get3A_1369] {strides = array<i32>} : memref<8192xf32, #tpu.memory_space<vmem>>, vector<16xf32>,
    %max3A_1371 = arith.maximumf %max3A_1368, %get3A_1370 : vector<16xf32>
    %get3A_1372 = arith.constant 6288 : index
    %get3A_1373 = tpu.vector_load %arg4[%get3A_1372] {strides = array<i32>} : memref<8192xf32, #tpu.memory_space<vmem>>, vector<16xf32>,
    %max3A_1374 = arith.maximumf %max3A_1371, %get3A_1373 : vector<16xf32>
    %get3A_1375 = arith.constant 6304 : index
    %get3A_1376 = tpu.vector_load %arg4[%get3A_1375] {strides = array<i32>} : memref<8192xf32, #tpu.memory_space<vmem>>, vector<16xf32>,
    %max3A_1377 = arith.maximumf %max3A_1374, %get3A_1376 : vector<16xf32>
    %get3A_1378 = arith.constant 6320 : index
    %get3A_1379 = tpu.vector_load %arg4[%get3A_1378] {strides = array<i32>} : memref<8192xf32, #tpu.memory_space<vmem>>, vector<16xf32>,
    %max3A_1380 = arith.maximumf %max3A_1377, %get3A_1379 : vector<16xf32>
    %get3A_1381 = arith.constant 6336 : index
    %get3A_1382 = tpu.vector_load %arg4[%get3A_1381] {strides = array<i32>} : memref<8192xf32, #tpu.memory_space<vmem>>, vector<16xf32>,
    %max3A_1383 = arith.maximumf %max3A_1380, %get3A_1382 : vector<16xf32>
    %get3A_1384 = arith.constant 6352 : index
    %get3A_1385 = tpu.vector_load %arg4[%get3A_1384] {strides = array<i32>} : memref<8192xf32, #tpu.memory_space<vmem>>, vector<16xf32>,
    %max3A_1386 = arith.maximumf %max3A_1383, %get3A_1385 : vector<16xf32>
    %get3A_1387 = arith.constant 6368 : index
    %get3A_1388 = tpu.vector_load %arg4[%get3A_1387] {strides = array<i32>} : memref<8192xf32, #tpu.memory_space<vmem>>, vector<16xf32>,
    %max3A_1389 = arith.maximumf %max3A_1386, %get3A_1388 : vector<16xf32>
    %get3A_1390 = arith.constant 6384 : index
    %get3A_1391 = tpu.vector_load %arg4[%get3A_1390] {strides = array<i32>} : memref<8192xf32, #tpu.memory_space<vmem>>, vector<16xf32>,
    %max3A_1392 = arith.maximumf %max3A_1389, %get3A_1391 : vector<16xf32>
    %swap3A_1393 = arith.constant 384 : index
    %swap3A_1394 = tpu.vector_load %arg5[%swap3A_1393] {strides = array<i32>} : memref<512xf32, #tpu.memory_space<vmem>>, vector<16xf32>,
    tpu.vector_store %arg5[%swap3A_1393], %max3A_1392 {strides = array<i32>} : memref<512xf32, #tpu.memory_space<vmem>>, vector<16xf32>,
    %reduce_max3A_1395 = arith.constant true
    %reduce_max3A_1396 = vector.broadcast %reduce_max3A_1395 : i1 to vector<16xi1>
    %reduce_max3A_1397 = tpu.scan <max>, %max3A_1392 masked %reduce_max3A_1396 : vector<16xf32>, vector<16xi1> -> vector<16xf32>
    %reduce_max3A_1398 = vector.extract %reduce_max3A_1397[15] : f32 from vector<16xf32>
    %broadcast_in_dim3A_1399 = arith.constant 24 : i32
    %broadcast_in_dim3A_1400 = vector.broadcast %broadcast_in_dim3A_1399 : i32 to vector<16xi32>
    %broadcast_in_dim3A_1401 = vector.broadcast %reduce_max3A_1398 : f32 to vector<16xf32>
    tpu.vector_store_idx %arg6[%broadcast_in_dim3A_1400], %broadcast_in_dim3A_1401 masked %eq3A_4 : memref<32xf32, #tpu.memory_space<vmem>>[vector<16xi32>], vector<16xf32>, vector<16xi1>
    %get3A_1402 = arith.constant 6400 : index
    %get3A_1403 = tpu.vector_load %arg4[%get3A_1402] {strides = array<i32>} : memref<8192xf32, #tpu.memory_space<vmem>>, vector<16xf32>,
    %get3A_1404 = arith.constant 6416 : index
    %get3A_1405 = tpu.vector_load %arg4[%get3A_1404] {strides = array<i32>} : memref<8192xf32, #tpu.memory_space<vmem>>, vector<16xf32>,
    %max3A_1406 = arith.maximumf %get3A_1403, %get3A_1405 : vector<16xf32>
    %get3A_1407 = arith.constant 6432 : index
    %get3A_1408 = tpu.vector_load %arg4[%get3A_1407] {strides = array<i32>} : memref<8192xf32, #tpu.memory_space<vmem>>, vector<16xf32>,
    %max3A_1409 = arith.maximumf %max3A_1406, %get3A_1408 : vector<16xf32>
    %get3A_1410 = arith.constant 6448 : index
    %get3A_1411 = tpu.vector_load %arg4[%get3A_1410] {strides = array<i32>} : memref<8192xf32, #tpu.memory_space<vmem>>, vector<16xf32>,
    %max3A_1412 = arith.maximumf %max3A_1409, %get3A_1411 : vector<16xf32>
    %get3A_1413 = arith.constant 6464 : index
    %get3A_1414 = tpu.vector_load %arg4[%get3A_1413] {strides = array<i32>} : memref<8192xf32, #tpu.memory_space<vmem>>, vector<16xf32>,
    %max3A_1415 = arith.maximumf %max3A_1412, %get3A_1414 : vector<16xf32>
    %get3A_1416 = arith.constant 6480 : index
    %get3A_1417 = tpu.vector_load %arg4[%get3A_1416] {strides = array<i32>} : memref<8192xf32, #tpu.memory_space<vmem>>, vector<16xf32>,
    %max3A_1418 = arith.maximumf %max3A_1415, %get3A_1417 : vector<16xf32>
    %get3A_1419 = arith.constant 6496 : index
    %get3A_1420 = tpu.vector_load %arg4[%get3A_1419] {strides = array<i32>} : memref<8192xf32, #tpu.memory_space<vmem>>, vector<16xf32>,
    %max3A_1421 = arith.maximumf %max3A_1418, %get3A_1420 : vector<16xf32>
    %get3A_1422 = arith.constant 6512 : index
    %get3A_1423 = tpu.vector_load %arg4[%get3A_1422] {strides = array<i32>} : memref<8192xf32, #tpu.memory_space<vmem>>, vector<16xf32>,
    %max3A_1424 = arith.maximumf %max3A_1421, %get3A_1423 : vector<16xf32>
    %get3A_1425 = arith.constant 6528 : index
    %get3A_1426 = tpu.vector_load %arg4[%get3A_1425] {strides = array<i32>} : memref<8192xf32, #tpu.memory_space<vmem>>, vector<16xf32>,
    %max3A_1427 = arith.maximumf %max3A_1424, %get3A_1426 : vector<16xf32>
    %get3A_1428 = arith.constant 6544 : index
    %get3A_1429 = tpu.vector_load %arg4[%get3A_1428] {strides = array<i32>} : memref<8192xf32, #tpu.memory_space<vmem>>, vector<16xf32>,
    %max3A_1430 = arith.maximumf %max3A_1427, %get3A_1429 : vector<16xf32>
    %get3A_1431 = arith.constant 6560 : index
    %get3A_1432 = tpu.vector_load %arg4[%get3A_1431] {strides = array<i32>} : memref<8192xf32, #tpu.memory_space<vmem>>, vector<16xf32>,
    %max3A_1433 = arith.maximumf %max3A_1430, %get3A_1432 : vector<16xf32>
    %get3A_1434 = arith.constant 6576 : index
    %get3A_1435 = tpu.vector_load %arg4[%get3A_1434] {strides = array<i32>} : memref<8192xf32, #tpu.memory_space<vmem>>, vector<16xf32>,
    %max3A_1436 = arith.maximumf %max3A_1433, %get3A_1435 : vector<16xf32>
    %get3A_1437 = arith.constant 6592 : index
    %get3A_1438 = tpu.vector_load %arg4[%get3A_1437] {strides = array<i32>} : memref<8192xf32, #tpu.memory_space<vmem>>, vector<16xf32>,
    %max3A_1439 = arith.maximumf %max3A_1436, %get3A_1438 : vector<16xf32>
    %get3A_1440 = arith.constant 6608 : index
    %get3A_1441 = tpu.vector_load %arg4[%get3A_1440] {strides = array<i32>} : memref<8192xf32, #tpu.memory_space<vmem>>, vector<16xf32>,
    %max3A_1442 = arith.maximumf %max3A_1439, %get3A_1441 : vector<16xf32>
    %get3A_1443 = arith.constant 6624 : index
    %get3A_1444 = tpu.vector_load %arg4[%get3A_1443] {strides = array<i32>} : memref<8192xf32, #tpu.memory_space<vmem>>, vector<16xf32>,
    %max3A_1445 = arith.maximumf %max3A_1442, %get3A_1444 : vector<16xf32>
    %get3A_1446 = arith.constant 6640 : index
    %get3A_1447 = tpu.vector_load %arg4[%get3A_1446] {strides = array<i32>} : memref<8192xf32, #tpu.memory_space<vmem>>, vector<16xf32>,
    %max3A_1448 = arith.maximumf %max3A_1445, %get3A_1447 : vector<16xf32>
    %swap3A_1449 = arith.constant 400 : index
    %swap3A_1450 = tpu.vector_load %arg5[%swap3A_1449] {strides = array<i32>} : memref<512xf32, #tpu.memory_space<vmem>>, vector<16xf32>,
    tpu.vector_store %arg5[%swap3A_1449], %max3A_1448 {strides = array<i32>} : memref<512xf32, #tpu.memory_space<vmem>>, vector<16xf32>,
    %reduce_max3A_1451 = arith.constant true
    %reduce_max3A_1452 = vector.broadcast %reduce_max3A_1451 : i1 to vector<16xi1>
    %reduce_max3A_1453 = tpu.scan <max>, %max3A_1448 masked %reduce_max3A_1452 : vector<16xf32>, vector<16xi1> -> vector<16xf32>
    %reduce_max3A_1454 = vector.extract %reduce_max3A_1453[15] : f32 from vector<16xf32>
    %broadcast_in_dim3A_1455 = arith.constant 25 : i32
    %broadcast_in_dim3A_1456 = vector.broadcast %broadcast_in_dim3A_1455 : i32 to vector<16xi32>
    %broadcast_in_dim3A_1457 = vector.broadcast %reduce_max3A_1454 : f32 to vector<16xf32>
    tpu.vector_store_idx %arg6[%broadcast_in_dim3A_1456], %broadcast_in_dim3A_1457 masked %eq3A_4 : memref<32xf32, #tpu.memory_space<vmem>>[vector<16xi32>], vector<16xf32>, vector<16xi1>
    %get3A_1458 = arith.constant 6656 : index
    %get3A_1459 = tpu.vector_load %arg4[%get3A_1458] {strides = array<i32>} : memref<8192xf32, #tpu.memory_space<vmem>>, vector<16xf32>,
    %get3A_1460 = arith.constant 6672 : index
    %get3A_1461 = tpu.vector_load %arg4[%get3A_1460] {strides = array<i32>} : memref<8192xf32, #tpu.memory_space<vmem>>, vector<16xf32>,
    %max3A_1462 = arith.maximumf %get3A_1459, %get3A_1461 : vector<16xf32>
    %get3A_1463 = arith.constant 6688 : index
    %get3A_1464 = tpu.vector_load %arg4[%get3A_1463] {strides = array<i32>} : memref<8192xf32, #tpu.memory_space<vmem>>, vector<16xf32>,
    %max3A_1465 = arith.maximumf %max3A_1462, %get3A_1464 : vector<16xf32>
    %get3A_1466 = arith.constant 6704 : index
    %get3A_1467 = tpu.vector_load %arg4[%get3A_1466] {strides = array<i32>} : memref<8192xf32, #tpu.memory_space<vmem>>, vector<16xf32>,
    %max3A_1468 = arith.maximumf %max3A_1465, %get3A_1467 : vector<16xf32>
    %get3A_1469 = arith.constant 6720 : index
    %get3A_1470 = tpu.vector_load %arg4[%get3A_1469] {strides = array<i32>} : memref<8192xf32, #tpu.memory_space<vmem>>, vector<16xf32>,
    %max3A_1471 = arith.maximumf %max3A_1468, %get3A_1470 : vector<16xf32>
    %get3A_1472 = arith.constant 6736 : index
    %get3A_1473 = tpu.vector_load %arg4[%get3A_1472] {strides = array<i32>} : memref<8192xf32, #tpu.memory_space<vmem>>, vector<16xf32>,
    %max3A_1474 = arith.maximumf %max3A_1471, %get3A_1473 : vector<16xf32>
    %get3A_1475 = arith.constant 6752 : index
    %get3A_1476 = tpu.vector_load %arg4[%get3A_1475] {strides = array<i32>} : memref<8192xf32, #tpu.memory_space<vmem>>, vector<16xf32>,
    %max3A_1477 = arith.maximumf %max3A_1474, %get3A_1476 : vector<16xf32>
    %get3A_1478 = arith.constant 6768 : index
    %get3A_1479 = tpu.vector_load %arg4[%get3A_1478] {strides = array<i32>} : memref<8192xf32, #tpu.memory_space<vmem>>, vector<16xf32>,
    %max3A_1480 = arith.maximumf %max3A_1477, %get3A_1479 : vector<16xf32>
    %get3A_1481 = arith.constant 6784 : index
    %get3A_1482 = tpu.vector_load %arg4[%get3A_1481] {strides = array<i32>} : memref<8192xf32, #tpu.memory_space<vmem>>, vector<16xf32>,
    %max3A_1483 = arith.maximumf %max3A_1480, %get3A_1482 : vector<16xf32>
    %get3A_1484 = arith.constant 6800 : index
    %get3A_1485 = tpu.vector_load %arg4[%get3A_1484] {strides = array<i32>} : memref<8192xf32, #tpu.memory_space<vmem>>, vector<16xf32>,
    %max3A_1486 = arith.maximumf %max3A_1483, %get3A_1485 : vector<16xf32>
    %get3A_1487 = arith.constant 6816 : index
    %get3A_1488 = tpu.vector_load %arg4[%get3A_1487] {strides = array<i32>} : memref<8192xf32, #tpu.memory_space<vmem>>, vector<16xf32>,
    %max3A_1489 = arith.maximumf %max3A_1486, %get3A_1488 : vector<16xf32>
    %get3A_1490 = arith.constant 6832 : index
    %get3A_1491 = tpu.vector_load %arg4[%get3A_1490] {strides = array<i32>} : memref<8192xf32, #tpu.memory_space<vmem>>, vector<16xf32>,
    %max3A_1492 = arith.maximumf %max3A_1489, %get3A_1491 : vector<16xf32>
    %get3A_1493 = arith.constant 6848 : index
    %get3A_1494 = tpu.vector_load %arg4[%get3A_1493] {strides = array<i32>} : memref<8192xf32, #tpu.memory_space<vmem>>, vector<16xf32>,
    %max3A_1495 = arith.maximumf %max3A_1492, %get3A_1494 : vector<16xf32>
    %get3A_1496 = arith.constant 6864 : index
    %get3A_1497 = tpu.vector_load %arg4[%get3A_1496] {strides = array<i32>} : memref<8192xf32, #tpu.memory_space<vmem>>, vector<16xf32>,
    %max3A_1498 = arith.maximumf %max3A_1495, %get3A_1497 : vector<16xf32>
    %get3A_1499 = arith.constant 6880 : index
    %get3A_1500 = tpu.vector_load %arg4[%get3A_1499] {strides = array<i32>} : memref<8192xf32, #tpu.memory_space<vmem>>, vector<16xf32>,
    %max3A_1501 = arith.maximumf %max3A_1498, %get3A_1500 : vector<16xf32>
    %get3A_1502 = arith.constant 6896 : index
    %get3A_1503 = tpu.vector_load %arg4[%get3A_1502] {strides = array<i32>} : memref<8192xf32, #tpu.memory_space<vmem>>, vector<16xf32>,
    %max3A_1504 = arith.maximumf %max3A_1501, %get3A_1503 : vector<16xf32>
    %swap3A_1505 = arith.constant 416 : index
    %swap3A_1506 = tpu.vector_load %arg5[%swap3A_1505] {strides = array<i32>} : memref<512xf32, #tpu.memory_space<vmem>>, vector<16xf32>,
    tpu.vector_store %arg5[%swap3A_1505], %max3A_1504 {strides = array<i32>} : memref<512xf32, #tpu.memory_space<vmem>>, vector<16xf32>,
    %reduce_max3A_1507 = arith.constant true
    %reduce_max3A_1508 = vector.broadcast %reduce_max3A_1507 : i1 to vector<16xi1>
    %reduce_max3A_1509 = tpu.scan <max>, %max3A_1504 masked %reduce_max3A_1508 : vector<16xf32>, vector<16xi1> -> vector<16xf32>
    %reduce_max3A_1510 = vector.extract %reduce_max3A_1509[15] : f32 from vector<16xf32>
    %broadcast_in_dim3A_1511 = arith.constant 26 : i32
    %broadcast_in_dim3A_1512 = vector.broadcast %broadcast_in_dim3A_1511 : i32 to vector<16xi32>
    %broadcast_in_dim3A_1513 = vector.broadcast %reduce_max3A_1510 : f32 to vector<16xf32>
    tpu.vector_store_idx %arg6[%broadcast_in_dim3A_1512], %broadcast_in_dim3A_1513 masked %eq3A_4 : memref<32xf32, #tpu.memory_space<vmem>>[vector<16xi32>], vector<16xf32>, vector<16xi1>
    %get3A_1514 = arith.constant 6912 : index
    %get3A_1515 = tpu.vector_load %arg4[%get3A_1514] {strides = array<i32>} : memref<8192xf32, #tpu.memory_space<vmem>>, vector<16xf32>,
    %get3A_1516 = arith.constant 6928 : index
    %get3A_1517 = tpu.vector_load %arg4[%get3A_1516] {strides = array<i32>} : memref<8192xf32, #tpu.memory_space<vmem>>, vector<16xf32>,
    %max3A_1518 = arith.maximumf %get3A_1515, %get3A_1517 : vector<16xf32>
    %get3A_1519 = arith.constant 6944 : index
    %get3A_1520 = tpu.vector_load %arg4[%get3A_1519] {strides = array<i32>} : memref<8192xf32, #tpu.memory_space<vmem>>, vector<16xf32>,
    %max3A_1521 = arith.maximumf %max3A_1518, %get3A_1520 : vector<16xf32>
    %get3A_1522 = arith.constant 6960 : index
    %get3A_1523 = tpu.vector_load %arg4[%get3A_1522] {strides = array<i32>} : memref<8192xf32, #tpu.memory_space<vmem>>, vector<16xf32>,
    %max3A_1524 = arith.maximumf %max3A_1521, %get3A_1523 : vector<16xf32>
    %get3A_1525 = arith.constant 6976 : index
    %get3A_1526 = tpu.vector_load %arg4[%get3A_1525] {strides = array<i32>} : memref<8192xf32, #tpu.memory_space<vmem>>, vector<16xf32>,
    %max3A_1527 = arith.maximumf %max3A_1524, %get3A_1526 : vector<16xf32>
    %get3A_1528 = arith.constant 6992 : index
    %get3A_1529 = tpu.vector_load %arg4[%get3A_1528] {strides = array<i32>} : memref<8192xf32, #tpu.memory_space<vmem>>, vector<16xf32>,
    %max3A_1530 = arith.maximumf %max3A_1527, %get3A_1529 : vector<16xf32>
    %get3A_1531 = arith.constant 7008 : index
    %get3A_1532 = tpu.vector_load %arg4[%get3A_1531] {strides = array<i32>} : memref<8192xf32, #tpu.memory_space<vmem>>, vector<16xf32>,
    %max3A_1533 = arith.maximumf %max3A_1530, %get3A_1532 : vector<16xf32>
    %get3A_1534 = arith.constant 7024 : index
    %get3A_1535 = tpu.vector_load %arg4[%get3A_1534] {strides = array<i32>} : memref<8192xf32, #tpu.memory_space<vmem>>, vector<16xf32>,
    %max3A_1536 = arith.maximumf %max3A_1533, %get3A_1535 : vector<16xf32>
    %get3A_1537 = arith.constant 7040 : index
    %get3A_1538 = tpu.vector_load %arg4[%get3A_1537] {strides = array<i32>} : memref<8192xf32, #tpu.memory_space<vmem>>, vector<16xf32>,
    %max3A_1539 = arith.maximumf %max3A_1536, %get3A_1538 : vector<16xf32>
    %get3A_1540 = arith.constant 7056 : index
    %get3A_1541 = tpu.vector_load %arg4[%get3A_1540] {strides = array<i32>} : memref<8192xf32, #tpu.memory_space<vmem>>, vector<16xf32>,
    %max3A_1542 = arith.maximumf %max3A_1539, %get3A_1541 : vector<16xf32>
    %get3A_1543 = arith.constant 7072 : index
    %get3A_1544 = tpu.vector_load %arg4[%get3A_1543] {strides = array<i32>} : memref<8192xf32, #tpu.memory_space<vmem>>, vector<16xf32>,
    %max3A_1545 = arith.maximumf %max3A_1542, %get3A_1544 : vector<16xf32>
    %get3A_1546 = arith.constant 7088 : index
    %get3A_1547 = tpu.vector_load %arg4[%get3A_1546] {strides = array<i32>} : memref<8192xf32, #tpu.memory_space<vmem>>, vector<16xf32>,
    %max3A_1548 = arith.maximumf %max3A_1545, %get3A_1547 : vector<16xf32>
    %get3A_1549 = arith.constant 7104 : index
    %get3A_1550 = tpu.vector_load %arg4[%get3A_1549] {strides = array<i32>} : memref<8192xf32, #tpu.memory_space<vmem>>, vector<16xf32>,
    %max3A_1551 = arith.maximumf %max3A_1548, %get3A_1550 : vector<16xf32>
    %get3A_1552 = arith.constant 7120 : index
    %get3A_1553 = tpu.vector_load %arg4[%get3A_1552] {strides = array<i32>} : memref<8192xf32, #tpu.memory_space<vmem>>, vector<16xf32>,
    %max3A_1554 = arith.maximumf %max3A_1551, %get3A_1553 : vector<16xf32>
    %get3A_1555 = arith.constant 7136 : index
    %get3A_1556 = tpu.vector_load %arg4[%get3A_1555] {strides = array<i32>} : memref<8192xf32, #tpu.memory_space<vmem>>, vector<16xf32>,
    %max3A_1557 = arith.maximumf %max3A_1554, %get3A_1556 : vector<16xf32>
    %get3A_1558 = arith.constant 7152 : index
    %get3A_1559 = tpu.vector_load %arg4[%get3A_1558] {strides = array<i32>} : memref<8192xf32, #tpu.memory_space<vmem>>, vector<16xf32>,
    %max3A_1560 = arith.maximumf %max3A_1557, %get3A_1559 : vector<16xf32>
    %swap3A_1561 = arith.constant 432 : index
    %swap3A_1562 = tpu.vector_load %arg5[%swap3A_1561] {strides = array<i32>} : memref<512xf32, #tpu.memory_space<vmem>>, vector<16xf32>,
    tpu.vector_store %arg5[%swap3A_1561], %max3A_1560 {strides = array<i32>} : memref<512xf32, #tpu.memory_space<vmem>>, vector<16xf32>,
    %reduce_max3A_1563 = arith.constant true
    %reduce_max3A_1564 = vector.broadcast %reduce_max3A_1563 : i1 to vector<16xi1>
    %reduce_max3A_1565 = tpu.scan <max>, %max3A_1560 masked %reduce_max3A_1564 : vector<16xf32>, vector<16xi1> -> vector<16xf32>
    %reduce_max3A_1566 = vector.extract %reduce_max3A_1565[15] : f32 from vector<16xf32>
    %broadcast_in_dim3A_1567 = arith.constant 27 : i32
    %broadcast_in_dim3A_1568 = vector.broadcast %broadcast_in_dim3A_1567 : i32 to vector<16xi32>
    %broadcast_in_dim3A_1569 = vector.broadcast %reduce_max3A_1566 : f32 to vector<16xf32>
    tpu.vector_store_idx %arg6[%broadcast_in_dim3A_1568], %broadcast_in_dim3A_1569 masked %eq3A_4 : memref<32xf32, #tpu.memory_space<vmem>>[vector<16xi32>], vector<16xf32>, vector<16xi1>
    %get3A_1570 = arith.constant 7168 : index
    %get3A_1571 = tpu.vector_load %arg4[%get3A_1570] {strides = array<i32>} : memref<8192xf32, #tpu.memory_space<vmem>>, vector<16xf32>,
    %get3A_1572 = arith.constant 7184 : index
    %get3A_1573 = tpu.vector_load %arg4[%get3A_1572] {strides = array<i32>} : memref<8192xf32, #tpu.memory_space<vmem>>, vector<16xf32>,
    %max3A_1574 = arith.maximumf %get3A_1571, %get3A_1573 : vector<16xf32>
    %get3A_1575 = arith.constant 7200 : index
    %get3A_1576 = tpu.vector_load %arg4[%get3A_1575] {strides = array<i32>} : memref<8192xf32, #tpu.memory_space<vmem>>, vector<16xf32>,
    %max3A_1577 = arith.maximumf %max3A_1574, %get3A_1576 : vector<16xf32>
    %get3A_1578 = arith.constant 7216 : index
    %get3A_1579 = tpu.vector_load %arg4[%get3A_1578] {strides = array<i32>} : memref<8192xf32, #tpu.memory_space<vmem>>, vector<16xf32>,
    %max3A_1580 = arith.maximumf %max3A_1577, %get3A_1579 : vector<16xf32>
    %get3A_1581 = arith.constant 7232 : index
    %get3A_1582 = tpu.vector_load %arg4[%get3A_1581] {strides = array<i32>} : memref<8192xf32, #tpu.memory_space<vmem>>, vector<16xf32>,
    %max3A_1583 = arith.maximumf %max3A_1580, %get3A_1582 : vector<16xf32>
    %get3A_1584 = arith.constant 7248 : index
    %get3A_1585 = tpu.vector_load %arg4[%get3A_1584] {strides = array<i32>} : memref<8192xf32, #tpu.memory_space<vmem>>, vector<16xf32>,
    %max3A_1586 = arith.maximumf %max3A_1583, %get3A_1585 : vector<16xf32>
    %get3A_1587 = arith.constant 7264 : index
    %get3A_1588 = tpu.vector_load %arg4[%get3A_1587] {strides = array<i32>} : memref<8192xf32, #tpu.memory_space<vmem>>, vector<16xf32>,
    %max3A_1589 = arith.maximumf %max3A_1586, %get3A_1588 : vector<16xf32>
    %get3A_1590 = arith.constant 7280 : index
    %get3A_1591 = tpu.vector_load %arg4[%get3A_1590] {strides = array<i32>} : memref<8192xf32, #tpu.memory_space<vmem>>, vector<16xf32>,
    %max3A_1592 = arith.maximumf %max3A_1589, %get3A_1591 : vector<16xf32>
    %get3A_1593 = arith.constant 7296 : index
    %get3A_1594 = tpu.vector_load %arg4[%get3A_1593] {strides = array<i32>} : memref<8192xf32, #tpu.memory_space<vmem>>, vector<16xf32>,
    %max3A_1595 = arith.maximumf %max3A_1592, %get3A_1594 : vector<16xf32>
    %get3A_1596 = arith.constant 7312 : index
    %get3A_1597 = tpu.vector_load %arg4[%get3A_1596] {strides = array<i32>} : memref<8192xf32, #tpu.memory_space<vmem>>, vector<16xf32>,
    %max3A_1598 = arith.maximumf %max3A_1595, %get3A_1597 : vector<16xf32>
    %get3A_1599 = arith.constant 7328 : index
    %get3A_1600 = tpu.vector_load %arg4[%get3A_1599] {strides = array<i32>} : memref<8192xf32, #tpu.memory_space<vmem>>, vector<16xf32>,
    %max3A_1601 = arith.maximumf %max3A_1598, %get3A_1600 : vector<16xf32>
    %get3A_1602 = arith.constant 7344 : index
    %get3A_1603 = tpu.vector_load %arg4[%get3A_1602] {strides = array<i32>} : memref<8192xf32, #tpu.memory_space<vmem>>, vector<16xf32>,
    %max3A_1604 = arith.maximumf %max3A_1601, %get3A_1603 : vector<16xf32>
    %get3A_1605 = arith.constant 7360 : index
    %get3A_1606 = tpu.vector_load %arg4[%get3A_1605] {strides = array<i32>} : memref<8192xf32, #tpu.memory_space<vmem>>, vector<16xf32>,
    %max3A_1607 = arith.maximumf %max3A_1604, %get3A_1606 : vector<16xf32>
    %get3A_1608 = arith.constant 7376 : index
    %get3A_1609 = tpu.vector_load %arg4[%get3A_1608] {strides = array<i32>} : memref<8192xf32, #tpu.memory_space<vmem>>, vector<16xf32>,
    %max3A_1610 = arith.maximumf %max3A_1607, %get3A_1609 : vector<16xf32>
    %get3A_1611 = arith.constant 7392 : index
    %get3A_1612 = tpu.vector_load %arg4[%get3A_1611] {strides = array<i32>} : memref<8192xf32, #tpu.memory_space<vmem>>, vector<16xf32>,
    %max3A_1613 = arith.maximumf %max3A_1610, %get3A_1612 : vector<16xf32>
    %get3A_1614 = arith.constant 7408 : index
    %get3A_1615 = tpu.vector_load %arg4[%get3A_1614] {strides = array<i32>} : memref<8192xf32, #tpu.memory_space<vmem>>, vector<16xf32>,
    %max3A_1616 = arith.maximumf %max3A_1613, %get3A_1615 : vector<16xf32>
    %swap3A_1617 = arith.constant 448 : index
    %swap3A_1618 = tpu.vector_load %arg5[%swap3A_1617] {strides = array<i32>} : memref<512xf32, #tpu.memory_space<vmem>>, vector<16xf32>,
    tpu.vector_store %arg5[%swap3A_1617], %max3A_1616 {strides = array<i32>} : memref<512xf32, #tpu.memory_space<vmem>>, vector<16xf32>,
    %reduce_max3A_1619 = arith.constant true
    %reduce_max3A_1620 = vector.broadcast %reduce_max3A_1619 : i1 to vector<16xi1>
    %reduce_max3A_1621 = tpu.scan <max>, %max3A_1616 masked %reduce_max3A_1620 : vector<16xf32>, vector<16xi1> -> vector<16xf32>
    %reduce_max3A_1622 = vector.extract %reduce_max3A_1621[15] : f32 from vector<16xf32>
    %broadcast_in_dim3A_1623 = arith.constant 28 : i32
    %broadcast_in_dim3A_1624 = vector.broadcast %broadcast_in_dim3A_1623 : i32 to vector<16xi32>
    %broadcast_in_dim3A_1625 = vector.broadcast %reduce_max3A_1622 : f32 to vector<16xf32>
    tpu.vector_store_idx %arg6[%broadcast_in_dim3A_1624], %broadcast_in_dim3A_1625 masked %eq3A_4 : memref<32xf32, #tpu.memory_space<vmem>>[vector<16xi32>], vector<16xf32>, vector<16xi1>
    %get3A_1626 = arith.constant 7424 : index
    %get3A_1627 = tpu.vector_load %arg4[%get3A_1626] {strides = array<i32>} : memref<8192xf32, #tpu.memory_space<vmem>>, vector<16xf32>,
    %get3A_1628 = arith.constant 7440 : index
    %get3A_1629 = tpu.vector_load %arg4[%get3A_1628] {strides = array<i32>} : memref<8192xf32, #tpu.memory_space<vmem>>, vector<16xf32>,
    %max3A_1630 = arith.maximumf %get3A_1627, %get3A_1629 : vector<16xf32>
    %get3A_1631 = arith.constant 7456 : index
    %get3A_1632 = tpu.vector_load %arg4[%get3A_1631] {strides = array<i32>} : memref<8192xf32, #tpu.memory_space<vmem>>, vector<16xf32>,
    %max3A_1633 = arith.maximumf %max3A_1630, %get3A_1632 : vector<16xf32>
    %get3A_1634 = arith.constant 7472 : index
    %get3A_1635 = tpu.vector_load %arg4[%get3A_1634] {strides = array<i32>} : memref<8192xf32, #tpu.memory_space<vmem>>, vector<16xf32>,
    %max3A_1636 = arith.maximumf %max3A_1633, %get3A_1635 : vector<16xf32>
    %get3A_1637 = arith.constant 7488 : index
    %get3A_1638 = tpu.vector_load %arg4[%get3A_1637] {strides = array<i32>} : memref<8192xf32, #tpu.memory_space<vmem>>, vector<16xf32>,
    %max3A_1639 = arith.maximumf %max3A_1636, %get3A_1638 : vector<16xf32>
    %get3A_1640 = arith.constant 7504 : index
    %get3A_1641 = tpu.vector_load %arg4[%get3A_1640] {strides = array<i32>} : memref<8192xf32, #tpu.memory_space<vmem>>, vector<16xf32>,
    %max3A_1642 = arith.maximumf %max3A_1639, %get3A_1641 : vector<16xf32>
    %get3A_1643 = arith.constant 7520 : index
    %get3A_1644 = tpu.vector_load %arg4[%get3A_1643] {strides = array<i32>} : memref<8192xf32, #tpu.memory_space<vmem>>, vector<16xf32>,
    %max3A_1645 = arith.maximumf %max3A_1642, %get3A_1644 : vector<16xf32>
    %get3A_1646 = arith.constant 7536 : index
    %get3A_1647 = tpu.vector_load %arg4[%get3A_1646] {strides = array<i32>} : memref<8192xf32, #tpu.memory_space<vmem>>, vector<16xf32>,
    %max3A_1648 = arith.maximumf %max3A_1645, %get3A_1647 : vector<16xf32>
    %get3A_1649 = arith.constant 7552 : index
    %get3A_1650 = tpu.vector_load %arg4[%get3A_1649] {strides = array<i32>} : memref<8192xf32, #tpu.memory_space<vmem>>, vector<16xf32>,
    %max3A_1651 = arith.maximumf %max3A_1648, %get3A_1650 : vector<16xf32>
    %get3A_1652 = arith.constant 7568 : index
    %get3A_1653 = tpu.vector_load %arg4[%get3A_1652] {strides = array<i32>} : memref<8192xf32, #tpu.memory_space<vmem>>, vector<16xf32>,
    %max3A_1654 = arith.maximumf %max3A_1651, %get3A_1653 : vector<16xf32>
    %get3A_1655 = arith.constant 7584 : index
    %get3A_1656 = tpu.vector_load %arg4[%get3A_1655] {strides = array<i32>} : memref<8192xf32, #tpu.memory_space<vmem>>, vector<16xf32>,
    %max3A_1657 = arith.maximumf %max3A_1654, %get3A_1656 : vector<16xf32>
    %get3A_1658 = arith.constant 7600 : index
    %get3A_1659 = tpu.vector_load %arg4[%get3A_1658] {strides = array<i32>} : memref<8192xf32, #tpu.memory_space<vmem>>, vector<16xf32>,
    %max3A_1660 = arith.maximumf %max3A_1657, %get3A_1659 : vector<16xf32>
    %get3A_1661 = arith.constant 7616 : index
    %get3A_1662 = tpu.vector_load %arg4[%get3A_1661] {strides = array<i32>} : memref<8192xf32, #tpu.memory_space<vmem>>, vector<16xf32>,
    %max3A_1663 = arith.maximumf %max3A_1660, %get3A_1662 : vector<16xf32>
    %get3A_1664 = arith.constant 7632 : index
    %get3A_1665 = tpu.vector_load %arg4[%get3A_1664] {strides = array<i32>} : memref<8192xf32, #tpu.memory_space<vmem>>, vector<16xf32>,
    %max3A_1666 = arith.maximumf %max3A_1663, %get3A_1665 : vector<16xf32>
    %get3A_1667 = arith.constant 7648 : index
    %get3A_1668 = tpu.vector_load %arg4[%get3A_1667] {strides = array<i32>} : memref<8192xf32, #tpu.memory_space<vmem>>, vector<16xf32>,
    %max3A_1669 = arith.maximumf %max3A_1666, %get3A_1668 : vector<16xf32>
    %get3A_1670 = arith.constant 7664 : index
    %get3A_1671 = tpu.vector_load %arg4[%get3A_1670] {strides = array<i32>} : memref<8192xf32, #tpu.memory_space<vmem>>, vector<16xf32>,
    %max3A_1672 = arith.maximumf %max3A_1669, %get3A_1671 : vector<16xf32>
    %swap3A_1673 = arith.constant 464 : index
    %swap3A_1674 = tpu.vector_load %arg5[%swap3A_1673] {strides = array<i32>} : memref<512xf32, #tpu.memory_space<vmem>>, vector<16xf32>,
    tpu.vector_store %arg5[%swap3A_1673], %max3A_1672 {strides = array<i32>} : memref<512xf32, #tpu.memory_space<vmem>>, vector<16xf32>,
    %reduce_max3A_1675 = arith.constant true
    %reduce_max3A_1676 = vector.broadcast %reduce_max3A_1675 : i1 to vector<16xi1>
    %reduce_max3A_1677 = tpu.scan <max>, %max3A_1672 masked %reduce_max3A_1676 : vector<16xf32>, vector<16xi1> -> vector<16xf32>
    %reduce_max3A_1678 = vector.extract %reduce_max3A_1677[15] : f32 from vector<16xf32>
    %broadcast_in_dim3A_1679 = arith.constant 29 : i32
    %broadcast_in_dim3A_1680 = vector.broadcast %broadcast_in_dim3A_1679 : i32 to vector<16xi32>
    %broadcast_in_dim3A_1681 = vector.broadcast %reduce_max3A_1678 : f32 to vector<16xf32>
    tpu.vector_store_idx %arg6[%broadcast_in_dim3A_1680], %broadcast_in_dim3A_1681 masked %eq3A_4 : memref<32xf32, #tpu.memory_space<vmem>>[vector<16xi32>], vector<16xf32>, vector<16xi1>
    %get3A_1682 = arith.constant 7680 : index
    %get3A_1683 = tpu.vector_load %arg4[%get3A_1682] {strides = array<i32>} : memref<8192xf32, #tpu.memory_space<vmem>>, vector<16xf32>,
    %get3A_1684 = arith.constant 7696 : index
    %get3A_1685 = tpu.vector_load %arg4[%get3A_1684] {strides = array<i32>} : memref<8192xf32, #tpu.memory_space<vmem>>, vector<16xf32>,
    %max3A_1686 = arith.maximumf %get3A_1683, %get3A_1685 : vector<16xf32>
    %get3A_1687 = arith.constant 7712 : index
    %get3A_1688 = tpu.vector_load %arg4[%get3A_1687] {strides = array<i32>} : memref<8192xf32, #tpu.memory_space<vmem>>, vector<16xf32>,
    %max3A_1689 = arith.maximumf %max3A_1686, %get3A_1688 : vector<16xf32>
    %get3A_1690 = arith.constant 7728 : index
    %get3A_1691 = tpu.vector_load %arg4[%get3A_1690] {strides = array<i32>} : memref<8192xf32, #tpu.memory_space<vmem>>, vector<16xf32>,
    %max3A_1692 = arith.maximumf %max3A_1689, %get3A_1691 : vector<16xf32>
    %get3A_1693 = arith.constant 7744 : index
    %get3A_1694 = tpu.vector_load %arg4[%get3A_1693] {strides = array<i32>} : memref<8192xf32, #tpu.memory_space<vmem>>, vector<16xf32>,
    %max3A_1695 = arith.maximumf %max3A_1692, %get3A_1694 : vector<16xf32>
    %get3A_1696 = arith.constant 7760 : index
    %get3A_1697 = tpu.vector_load %arg4[%get3A_1696] {strides = array<i32>} : memref<8192xf32, #tpu.memory_space<vmem>>, vector<16xf32>,
    %max3A_1698 = arith.maximumf %max3A_1695, %get3A_1697 : vector<16xf32>
    %get3A_1699 = arith.constant 7776 : index
    %get3A_1700 = tpu.vector_load %arg4[%get3A_1699] {strides = array<i32>} : memref<8192xf32, #tpu.memory_space<vmem>>, vector<16xf32>,
    %max3A_1701 = arith.maximumf %max3A_1698, %get3A_1700 : vector<16xf32>
    %get3A_1702 = arith.constant 7792 : index
    %get3A_1703 = tpu.vector_load %arg4[%get3A_1702] {strides = array<i32>} : memref<8192xf32, #tpu.memory_space<vmem>>, vector<16xf32>,
    %max3A_1704 = arith.maximumf %max3A_1701, %get3A_1703 : vector<16xf32>
    %get3A_1705 = arith.constant 7808 : index
    %get3A_1706 = tpu.vector_load %arg4[%get3A_1705] {strides = array<i32>} : memref<8192xf32, #tpu.memory_space<vmem>>, vector<16xf32>,
    %max3A_1707 = arith.maximumf %max3A_1704, %get3A_1706 : vector<16xf32>
    %get3A_1708 = arith.constant 7824 : index
    %get3A_1709 = tpu.vector_load %arg4[%get3A_1708] {strides = array<i32>} : memref<8192xf32, #tpu.memory_space<vmem>>, vector<16xf32>,
    %max3A_1710 = arith.maximumf %max3A_1707, %get3A_1709 : vector<16xf32>
    %get3A_1711 = arith.constant 7840 : index
    %get3A_1712 = tpu.vector_load %arg4[%get3A_1711] {strides = array<i32>} : memref<8192xf32, #tpu.memory_space<vmem>>, vector<16xf32>,
    %max3A_1713 = arith.maximumf %max3A_1710, %get3A_1712 : vector<16xf32>
    %get3A_1714 = arith.constant 7856 : index
    %get3A_1715 = tpu.vector_load %arg4[%get3A_1714] {strides = array<i32>} : memref<8192xf32, #tpu.memory_space<vmem>>, vector<16xf32>,
    %max3A_1716 = arith.maximumf %max3A_1713, %get3A_1715 : vector<16xf32>
    %get3A_1717 = arith.constant 7872 : index
    %get3A_1718 = tpu.vector_load %arg4[%get3A_1717] {strides = array<i32>} : memref<8192xf32, #tpu.memory_space<vmem>>, vector<16xf32>,
    %max3A_1719 = arith.maximumf %max3A_1716, %get3A_1718 : vector<16xf32>
    %get3A_1720 = arith.constant 7888 : index
    %get3A_1721 = tpu.vector_load %arg4[%get3A_1720] {strides = array<i32>} : memref<8192xf32, #tpu.memory_space<vmem>>, vector<16xf32>,
    %max3A_1722 = arith.maximumf %max3A_1719, %get3A_1721 : vector<16xf32>
    %get3A_1723 = arith.constant 7904 : index
    %get3A_1724 = tpu.vector_load %arg4[%get3A_1723] {strides = array<i32>} : memref<8192xf32, #tpu.memory_space<vmem>>, vector<16xf32>,
    %max3A_1725 = arith.maximumf %max3A_1722, %get3A_1724 : vector<16xf32>
    %get3A_1726 = arith.constant 7920 : index
    %get3A_1727 = tpu.vector_load %arg4[%get3A_1726] {strides = array<i32>} : memref<8192xf32, #tpu.memory_space<vmem>>, vector<16xf32>,
    %max3A_1728 = arith.maximumf %max3A_1725, %get3A_1727 : vector<16xf32>
    %swap3A_1729 = arith.constant 480 : index
    %swap3A_1730 = tpu.vector_load %arg5[%swap3A_1729] {strides = array<i32>} : memref<512xf32, #tpu.memory_space<vmem>>, vector<16xf32>,
    tpu.vector_store %arg5[%swap3A_1729], %max3A_1728 {strides = array<i32>} : memref<512xf32, #tpu.memory_space<vmem>>, vector<16xf32>,
    %reduce_max3A_1731 = arith.constant true
    %reduce_max3A_1732 = vector.broadcast %reduce_max3A_1731 : i1 to vector<16xi1>
    %reduce_max3A_1733 = tpu.scan <max>, %max3A_1728 masked %reduce_max3A_1732 : vector<16xf32>, vector<16xi1> -> vector<16xf32>
    %reduce_max3A_1734 = vector.extract %reduce_max3A_1733[15] : f32 from vector<16xf32>
    %broadcast_in_dim3A_1735 = arith.constant 30 : i32
    %broadcast_in_dim3A_1736 = vector.broadcast %broadcast_in_dim3A_1735 : i32 to vector<16xi32>
    %broadcast_in_dim3A_1737 = vector.broadcast %reduce_max3A_1734 : f32 to vector<16xf32>
    tpu.vector_store_idx %arg6[%broadcast_in_dim3A_1736], %broadcast_in_dim3A_1737 masked %eq3A_4 : memref<32xf32, #tpu.memory_space<vmem>>[vector<16xi32>], vector<16xf32>, vector<16xi1>
    %get3A_1738 = arith.constant 7936 : index
    %get3A_1739 = tpu.vector_load %arg4[%get3A_1738] {strides = array<i32>} : memref<8192xf32, #tpu.memory_space<vmem>>, vector<16xf32>,
    %get3A_1740 = arith.constant 7952 : index
    %get3A_1741 = tpu.vector_load %arg4[%get3A_1740] {strides = array<i32>} : memref<8192xf32, #tpu.memory_space<vmem>>, vector<16xf32>,
    %max3A_1742 = arith.maximumf %get3A_1739, %get3A_1741 : vector<16xf32>
    %get3A_1743 = arith.constant 7968 : index
    %get3A_1744 = tpu.vector_load %arg4[%get3A_1743] {strides = array<i32>} : memref<8192xf32, #tpu.memory_space<vmem>>, vector<16xf32>,
    %max3A_1745 = arith.maximumf %max3A_1742, %get3A_1744 : vector<16xf32>
    %get3A_1746 = arith.constant 7984 : index
    %get3A_1747 = tpu.vector_load %arg4[%get3A_1746] {strides = array<i32>} : memref<8192xf32, #tpu.memory_space<vmem>>, vector<16xf32>,
    %max3A_1748 = arith.maximumf %max3A_1745, %get3A_1747 : vector<16xf32>
    %get3A_1749 = arith.constant 8000 : index
    %get3A_1750 = tpu.vector_load %arg4[%get3A_1749] {strides = array<i32>} : memref<8192xf32, #tpu.memory_space<vmem>>, vector<16xf32>,
    %max3A_1751 = arith.maximumf %max3A_1748, %get3A_1750 : vector<16xf32>
    %get3A_1752 = arith.constant 8016 : index
    %get3A_1753 = tpu.vector_load %arg4[%get3A_1752] {strides = array<i32>} : memref<8192xf32, #tpu.memory_space<vmem>>, vector<16xf32>,
    %max3A_1754 = arith.maximumf %max3A_1751, %get3A_1753 : vector<16xf32>
    %get3A_1755 = arith.constant 8032 : index
    %get3A_1756 = tpu.vector_load %arg4[%get3A_1755] {strides = array<i32>} : memref<8192xf32, #tpu.memory_space<vmem>>, vector<16xf32>,
    %max3A_1757 = arith.maximumf %max3A_1754, %get3A_1756 : vector<16xf32>
    %get3A_1758 = arith.constant 8048 : index
    %get3A_1759 = tpu.vector_load %arg4[%get3A_1758] {strides = array<i32>} : memref<8192xf32, #tpu.memory_space<vmem>>, vector<16xf32>,
    %max3A_1760 = arith.maximumf %max3A_1757, %get3A_1759 : vector<16xf32>
    %get3A_1761 = arith.constant 8064 : index
    %get3A_1762 = tpu.vector_load %arg4[%get3A_1761] {strides = array<i32>} : memref<8192xf32, #tpu.memory_space<vmem>>, vector<16xf32>,
    %max3A_1763 = arith.maximumf %max3A_1760, %get3A_1762 : vector<16xf32>
    %get3A_1764 = arith.constant 8080 : index
    %get3A_1765 = tpu.vector_load %arg4[%get3A_1764] {strides = array<i32>} : memref<8192xf32, #tpu.memory_space<vmem>>, vector<16xf32>,
    %max3A_1766 = arith.maximumf %max3A_1763, %get3A_1765 : vector<16xf32>
    %get3A_1767 = arith.constant 8096 : index
    %get3A_1768 = tpu.vector_load %arg4[%get3A_1767] {strides = array<i32>} : memref<8192xf32, #tpu.memory_space<vmem>>, vector<16xf32>,
    %max3A_1769 = arith.maximumf %max3A_1766, %get3A_1768 : vector<16xf32>
    %get3A_1770 = arith.constant 8112 : index
    %get3A_1771 = tpu.vector_load %arg4[%get3A_1770] {strides = array<i32>} : memref<8192xf32, #tpu.memory_space<vmem>>, vector<16xf32>,
    %max3A_1772 = arith.maximumf %max3A_1769, %get3A_1771 : vector<16xf32>
    %get3A_1773 = arith.constant 8128 : index
    %get3A_1774 = tpu.vector_load %arg4[%get3A_1773] {strides = array<i32>} : memref<8192xf32, #tpu.memory_space<vmem>>, vector<16xf32>,
    %max3A_1775 = arith.maximumf %max3A_1772, %get3A_1774 : vector<16xf32>
    %get3A_1776 = arith.constant 8144 : index
    %get3A_1777 = tpu.vector_load %arg4[%get3A_1776] {strides = array<i32>} : memref<8192xf32, #tpu.memory_space<vmem>>, vector<16xf32>,
    %max3A_1778 = arith.maximumf %max3A_1775, %get3A_1777 : vector<16xf32>
    %get3A_1779 = arith.constant 8160 : index
    %get3A_1780 = tpu.vector_load %arg4[%get3A_1779] {strides = array<i32>} : memref<8192xf32, #tpu.memory_space<vmem>>, vector<16xf32>,
    %max3A_1781 = arith.maximumf %max3A_1778, %get3A_1780 : vector<16xf32>
    %get3A_1782 = arith.constant 8176 : index
    %get3A_1783 = tpu.vector_load %arg4[%get3A_1782] {strides = array<i32>} : memref<8192xf32, #tpu.memory_space<vmem>>, vector<16xf32>,
    %max3A_1784 = arith.maximumf %max3A_1781, %get3A_1783 : vector<16xf32>
    %swap3A_1785 = arith.constant 496 : index
    %swap3A_1786 = tpu.vector_load %arg5[%swap3A_1785] {strides = array<i32>} : memref<512xf32, #tpu.memory_space<vmem>>, vector<16xf32>,
    tpu.vector_store %arg5[%swap3A_1785], %max3A_1784 {strides = array<i32>} : memref<512xf32, #tpu.memory_space<vmem>>, vector<16xf32>,
    %reduce_max3A_1787 = arith.constant true
    %reduce_max3A_1788 = vector.broadcast %reduce_max3A_1787 : i1 to vector<16xi1>
    %reduce_max3A_1789 = tpu.scan <max>, %max3A_1784 masked %reduce_max3A_1788 : vector<16xf32>, vector<16xi1> -> vector<16xf32>
    %reduce_max3A_1790 = vector.extract %reduce_max3A_1789[15] : f32 from vector<16xf32>
    %broadcast_in_dim3A_1791 = arith.constant 31 : i32
    %broadcast_in_dim3A_1792 = vector.broadcast %broadcast_in_dim3A_1791 : i32 to vector<16xi32>
    %broadcast_in_dim3A_1793 = vector.broadcast %reduce_max3A_1790 : f32 to vector<16xf32>
    tpu.vector_store_idx %arg6[%broadcast_in_dim3A_1792], %broadcast_in_dim3A_1793 masked %eq3A_4 : memref<32xf32, #tpu.memory_space<vmem>>[vector<16xi32>], vector<16xf32>, vector<16xi1>
    %scan3A = arith.constant 0 : i32
    %scan3A_1794 = arith.constant 0 : i32
    %scan3A_1795 = arith.constant 64 : i32
    %scan3A_1796 = arith.addi %scan3A_1794, %scan3A_1795 : i32
    %scan3A_1797 = arith.constant 1 : i32
    %scan3A_1798 = scf.for %scan3A_1802 = %scan3A_1794 to %scan3A_1796 step %scan3A_1797 iter_args(%scan3A_1803 = %scan3A) -> (i32)  : i32 {
      %get3A_1804 = arith.constant 0 : index
      %get3A_1805 = tpu.vector_load %arg6[%get3A_1804] {strides = array<i32>} : memref<32xf32, #tpu.memory_space<vmem>>, vector<16xf32>,
      %get3A_1806 = arith.constant 16 : index
      %get3A_1807 = tpu.vector_load %arg6[%get3A_1806] {strides = array<i32>} : memref<32xf32, #tpu.memory_space<vmem>>, vector<16xf32>,
      %max3A_1808 = arith.maximumf %get3A_1805, %get3A_1807 : vector<16xf32>
      %reduce_max3A_1809 = arith.constant true
      %reduce_max3A_1810 = vector.broadcast %reduce_max3A_1809 : i1 to vector<16xi1>
      %reduce_max3A_1811 = tpu.scan <max>, %max3A_1808 masked %reduce_max3A_1810 : vector<16xf32>, vector<16xi1> -> vector<16xf32>
      %reduce_max3A_1812 = vector.extract %reduce_max3A_1811[15] : f32 from vector<16xf32>
      %ge3A = arith.cmpf oge, %get3A_1805, %get3A_1807 : vector<16xf32>
      %add3A_1813 = arith.constant 16 : i32
      %add3A_1814 = vector.broadcast %add3A_1813 : i32 to vector<16xi32>
      %add3A_1815 = arith.addi %iota3A, %add3A_1814 : vector<16xi32>
      %select_n3A = arith.select %ge3A, %iota3A, %add3A_1815 : vector<16xi1>, vector<16xi32>
      %eq3A_1816 = vector.broadcast %reduce_max3A_1812 : f32 to vector<16xf32>
      %eq3A_1817 = arith.cmpf oeq, %max3A_1808, %eq3A_1816 : vector<16xf32>
      %broadcast_in_dim3A_1818 = arith.constant 1024 : i32
      %broadcast_in_dim3A_1819 = vector.broadcast %broadcast_in_dim3A_1818 : i32 to vector<16xi32>
      %select_n3A_1820 = arith.select %eq3A_1817, %select_n3A, %broadcast_in_dim3A_1819 : vector<16xi1>, vector<16xi32>
      %reduce_min3A = arith.constant true
      %reduce_min3A_1821 = vector.broadcast %reduce_min3A : i1 to vector<16xi1>
      %reduce_min3A_1822 = arith.constant -2147483648 : i32
      %reduce_min3A_1823 = vector.broadcast %reduce_min3A_1822 : i32 to vector<16xi32>
      %reduce_min3A_1824 = arith.xori %select_n3A_1820, %reduce_min3A_1823 : vector<16xi32>
      %reduce_min3A_1825 = tpu.scan <min>, %reduce_min3A_1824 masked %reduce_min3A_1821 : vector<16xi32>, vector<16xi1> -> vector<16xi32>
      %reduce_min3A_1826 = arith.xori %reduce_min3A_1825, %reduce_min3A_1823 : vector<16xi32>
      %reduce_min3A_1827 = vector.extract %reduce_min3A_1826[15] : i32 from vector<16xi32>
      %mul3A_1828 = arith.constant 256 : i32
      %mul3A_1829 = arith.muli %reduce_min3A_1827, %mul3A_1828 : i32
      %broadcast_in_dim3A_1830 = arith.constant 99 : i32
      %broadcast_in_dim3A_1831 = vector.broadcast %broadcast_in_dim3A_1830 : i32 to vector<16xi32>
      %add3A_1832 = arith.constant 0 : i32
      %add3A_1833 = arith.addi %mul3A_1829, %add3A_1832 : i32
      %broadcast_in_dim3A_1834 = vector.broadcast %add3A_1833 : i32 to vector<16xi32>
      %add3A_1835 = arith.addi %broadcast_in_dim3A_1834, %iota3A : vector<16xi32>
      %gather3A = tpu.vector_load_idx %arg4[%add3A_1835] : memref<8192xf32, #tpu.memory_space<vmem>>[vector<16xi32>], vector<16xf32>,
      %eq3A_1836 = vector.broadcast %reduce_max3A_1812 : f32 to vector<16xf32>
      %eq3A_1837 = arith.cmpf oeq, %gather3A, %eq3A_1836 : vector<16xf32>
      %eq3A_1838 = arith.constant 99 : i32
      %eq3A_1839 = vector.broadcast %eq3A_1838 : i32 to vector<16xi32>
      %eq3A_1840 = arith.cmpi eq, %broadcast_in_dim3A_1831, %eq3A_1839 : vector<16xi32>
      %and3A = arith.andi %eq3A_1837, %eq3A_1840 : vector<16xi1>
      %broadcast_in_dim3A_1841 = arith.constant 0 : i32
      %broadcast_in_dim3A_1842 = vector.broadcast %broadcast_in_dim3A_1841 : i32 to vector<16xi32>
      %select_n3A_1843 = arith.select %and3A, %broadcast_in_dim3A_1842, %broadcast_in_dim3A_1831 : vector<16xi1>, vector<16xi32>
      %add3A_1844 = arith.constant 16 : i32
      %add3A_1845 = arith.addi %mul3A_1829, %add3A_1844 : i32
      %broadcast_in_dim3A_1846 = vector.broadcast %add3A_1845 : i32 to vector<16xi32>
      %add3A_1847 = arith.addi %broadcast_in_dim3A_1846, %iota3A : vector<16xi32>
      %gather3A_1848 = tpu.vector_load_idx %arg4[%add3A_1847] : memref<8192xf32, #tpu.memory_space<vmem>>[vector<16xi32>], vector<16xf32>,
      %eq3A_1849 = vector.broadcast %reduce_max3A_1812 : f32 to vector<16xf32>
      %eq3A_1850 = arith.cmpf oeq, %gather3A_1848, %eq3A_1849 : vector<16xf32>
      %eq3A_1851 = arith.constant 99 : i32
      %eq3A_1852 = vector.broadcast %eq3A_1851 : i32 to vector<16xi32>
      %eq3A_1853 = arith.cmpi eq, %select_n3A_1843, %eq3A_1852 : vector<16xi32>
      %and3A_1854 = arith.andi %eq3A_1850, %eq3A_1853 : vector<16xi1>
      %broadcast_in_dim3A_1855 = arith.constant 1 : i32
      %broadcast_in_dim3A_1856 = vector.broadcast %broadcast_in_dim3A_1855 : i32 to vector<16xi32>
      %select_n3A_1857 = arith.select %and3A_1854, %broadcast_in_dim3A_1856, %select_n3A_1843 : vector<16xi1>, vector<16xi32>
      %add3A_1858 = arith.constant 32 : i32
      %add3A_1859 = arith.addi %mul3A_1829, %add3A_1858 : i32
      %broadcast_in_dim3A_1860 = vector.broadcast %add3A_1859 : i32 to vector<16xi32>
      %add3A_1861 = arith.addi %broadcast_in_dim3A_1860, %iota3A : vector<16xi32>
      %gather3A_1862 = tpu.vector_load_idx %arg4[%add3A_1861] : memref<8192xf32, #tpu.memory_space<vmem>>[vector<16xi32>], vector<16xf32>,
      %eq3A_1863 = vector.broadcast %reduce_max3A_1812 : f32 to vector<16xf32>
      %eq3A_1864 = arith.cmpf oeq, %gather3A_1862, %eq3A_1863 : vector<16xf32>
      %eq3A_1865 = arith.constant 99 : i32
      %eq3A_1866 = vector.broadcast %eq3A_1865 : i32 to vector<16xi32>
      %eq3A_1867 = arith.cmpi eq, %select_n3A_1857, %eq3A_1866 : vector<16xi32>
      %and3A_1868 = arith.andi %eq3A_1864, %eq3A_1867 : vector<16xi1>
      %broadcast_in_dim3A_1869 = arith.constant 2 : i32
      %broadcast_in_dim3A_1870 = vector.broadcast %broadcast_in_dim3A_1869 : i32 to vector<16xi32>
      %select_n3A_1871 = arith.select %and3A_1868, %broadcast_in_dim3A_1870, %select_n3A_1857 : vector<16xi1>, vector<16xi32>
      %add3A_1872 = arith.constant 48 : i32
      %add3A_1873 = arith.addi %mul3A_1829, %add3A_1872 : i32
      %broadcast_in_dim3A_1874 = vector.broadcast %add3A_1873 : i32 to vector<16xi32>
      %add3A_1875 = arith.addi %broadcast_in_dim3A_1874, %iota3A : vector<16xi32>
      %gather3A_1876 = tpu.vector_load_idx %arg4[%add3A_1875] : memref<8192xf32, #tpu.memory_space<vmem>>[vector<16xi32>], vector<16xf32>,
      %eq3A_1877 = vector.broadcast %reduce_max3A_1812 : f32 to vector<16xf32>
      %eq3A_1878 = arith.cmpf oeq, %gather3A_1876, %eq3A_1877 : vector<16xf32>
      %eq3A_1879 = arith.constant 99 : i32
      %eq3A_1880 = vector.broadcast %eq3A_1879 : i32 to vector<16xi32>
      %eq3A_1881 = arith.cmpi eq, %select_n3A_1871, %eq3A_1880 : vector<16xi32>
      %and3A_1882 = arith.andi %eq3A_1878, %eq3A_1881 : vector<16xi1>
      %broadcast_in_dim3A_1883 = arith.constant 3 : i32
      %broadcast_in_dim3A_1884 = vector.broadcast %broadcast_in_dim3A_1883 : i32 to vector<16xi32>
      %select_n3A_1885 = arith.select %and3A_1882, %broadcast_in_dim3A_1884, %select_n3A_1871 : vector<16xi1>, vector<16xi32>
      %add3A_1886 = arith.constant 64 : i32
      %add3A_1887 = arith.addi %mul3A_1829, %add3A_1886 : i32
      %broadcast_in_dim3A_1888 = vector.broadcast %add3A_1887 : i32 to vector<16xi32>
      %add3A_1889 = arith.addi %broadcast_in_dim3A_1888, %iota3A : vector<16xi32>
      %gather3A_1890 = tpu.vector_load_idx %arg4[%add3A_1889] : memref<8192xf32, #tpu.memory_space<vmem>>[vector<16xi32>], vector<16xf32>,
      %eq3A_1891 = vector.broadcast %reduce_max3A_1812 : f32 to vector<16xf32>
      %eq3A_1892 = arith.cmpf oeq, %gather3A_1890, %eq3A_1891 : vector<16xf32>
      %eq3A_1893 = arith.constant 99 : i32
      %eq3A_1894 = vector.broadcast %eq3A_1893 : i32 to vector<16xi32>
      %eq3A_1895 = arith.cmpi eq, %select_n3A_1885, %eq3A_1894 : vector<16xi32>
      %and3A_1896 = arith.andi %eq3A_1892, %eq3A_1895 : vector<16xi1>
      %broadcast_in_dim3A_1897 = arith.constant 4 : i32
      %broadcast_in_dim3A_1898 = vector.broadcast %broadcast_in_dim3A_1897 : i32 to vector<16xi32>
      %select_n3A_1899 = arith.select %and3A_1896, %broadcast_in_dim3A_1898, %select_n3A_1885 : vector<16xi1>, vector<16xi32>
      %add3A_1900 = arith.constant 80 : i32
      %add3A_1901 = arith.addi %mul3A_1829, %add3A_1900 : i32
      %broadcast_in_dim3A_1902 = vector.broadcast %add3A_1901 : i32 to vector<16xi32>
      %add3A_1903 = arith.addi %broadcast_in_dim3A_1902, %iota3A : vector<16xi32>
      %gather3A_1904 = tpu.vector_load_idx %arg4[%add3A_1903] : memref<8192xf32, #tpu.memory_space<vmem>>[vector<16xi32>], vector<16xf32>,
      %eq3A_1905 = vector.broadcast %reduce_max3A_1812 : f32 to vector<16xf32>
      %eq3A_1906 = arith.cmpf oeq, %gather3A_1904, %eq3A_1905 : vector<16xf32>
      %eq3A_1907 = arith.constant 99 : i32
      %eq3A_1908 = vector.broadcast %eq3A_1907 : i32 to vector<16xi32>
      %eq3A_1909 = arith.cmpi eq, %select_n3A_1899, %eq3A_1908 : vector<16xi32>
      %and3A_1910 = arith.andi %eq3A_1906, %eq3A_1909 : vector<16xi1>
      %broadcast_in_dim3A_1911 = arith.constant 5 : i32
      %broadcast_in_dim3A_1912 = vector.broadcast %broadcast_in_dim3A_1911 : i32 to vector<16xi32>
      %select_n3A_1913 = arith.select %and3A_1910, %broadcast_in_dim3A_1912, %select_n3A_1899 : vector<16xi1>, vector<16xi32>
      %add3A_1914 = arith.constant 96 : i32
      %add3A_1915 = arith.addi %mul3A_1829, %add3A_1914 : i32
      %broadcast_in_dim3A_1916 = vector.broadcast %add3A_1915 : i32 to vector<16xi32>
      %add3A_1917 = arith.addi %broadcast_in_dim3A_1916, %iota3A : vector<16xi32>
      %gather3A_1918 = tpu.vector_load_idx %arg4[%add3A_1917] : memref<8192xf32, #tpu.memory_space<vmem>>[vector<16xi32>], vector<16xf32>,
      %eq3A_1919 = vector.broadcast %reduce_max3A_1812 : f32 to vector<16xf32>
      %eq3A_1920 = arith.cmpf oeq, %gather3A_1918, %eq3A_1919 : vector<16xf32>
      %eq3A_1921 = arith.constant 99 : i32
      %eq3A_1922 = vector.broadcast %eq3A_1921 : i32 to vector<16xi32>
      %eq3A_1923 = arith.cmpi eq, %select_n3A_1913, %eq3A_1922 : vector<16xi32>
      %and3A_1924 = arith.andi %eq3A_1920, %eq3A_1923 : vector<16xi1>
      %broadcast_in_dim3A_1925 = arith.constant 6 : i32
      %broadcast_in_dim3A_1926 = vector.broadcast %broadcast_in_dim3A_1925 : i32 to vector<16xi32>
      %select_n3A_1927 = arith.select %and3A_1924, %broadcast_in_dim3A_1926, %select_n3A_1913 : vector<16xi1>, vector<16xi32>
      %add3A_1928 = arith.constant 112 : i32
      %add3A_1929 = arith.addi %mul3A_1829, %add3A_1928 : i32
      %broadcast_in_dim3A_1930 = vector.broadcast %add3A_1929 : i32 to vector<16xi32>
      %add3A_1931 = arith.addi %broadcast_in_dim3A_1930, %iota3A : vector<16xi32>
      %gather3A_1932 = tpu.vector_load_idx %arg4[%add3A_1931] : memref<8192xf32, #tpu.memory_space<vmem>>[vector<16xi32>], vector<16xf32>,
      %eq3A_1933 = vector.broadcast %reduce_max3A_1812 : f32 to vector<16xf32>
      %eq3A_1934 = arith.cmpf oeq, %gather3A_1932, %eq3A_1933 : vector<16xf32>
      %eq3A_1935 = arith.constant 99 : i32
      %eq3A_1936 = vector.broadcast %eq3A_1935 : i32 to vector<16xi32>
      %eq3A_1937 = arith.cmpi eq, %select_n3A_1927, %eq3A_1936 : vector<16xi32>
      %and3A_1938 = arith.andi %eq3A_1934, %eq3A_1937 : vector<16xi1>
      %broadcast_in_dim3A_1939 = arith.constant 7 : i32
      %broadcast_in_dim3A_1940 = vector.broadcast %broadcast_in_dim3A_1939 : i32 to vector<16xi32>
      %select_n3A_1941 = arith.select %and3A_1938, %broadcast_in_dim3A_1940, %select_n3A_1927 : vector<16xi1>, vector<16xi32>
      %add3A_1942 = arith.constant 128 : i32
      %add3A_1943 = arith.addi %mul3A_1829, %add3A_1942 : i32
      %broadcast_in_dim3A_1944 = vector.broadcast %add3A_1943 : i32 to vector<16xi32>
      %add3A_1945 = arith.addi %broadcast_in_dim3A_1944, %iota3A : vector<16xi32>
      %gather3A_1946 = tpu.vector_load_idx %arg4[%add3A_1945] : memref<8192xf32, #tpu.memory_space<vmem>>[vector<16xi32>], vector<16xf32>,
      %eq3A_1947 = vector.broadcast %reduce_max3A_1812 : f32 to vector<16xf32>
      %eq3A_1948 = arith.cmpf oeq, %gather3A_1946, %eq3A_1947 : vector<16xf32>
      %eq3A_1949 = arith.constant 99 : i32
      %eq3A_1950 = vector.broadcast %eq3A_1949 : i32 to vector<16xi32>
      %eq3A_1951 = arith.cmpi eq, %select_n3A_1941, %eq3A_1950 : vector<16xi32>
      %and3A_1952 = arith.andi %eq3A_1948, %eq3A_1951 : vector<16xi1>
      %broadcast_in_dim3A_1953 = arith.constant 8 : i32
      %broadcast_in_dim3A_1954 = vector.broadcast %broadcast_in_dim3A_1953 : i32 to vector<16xi32>
      %select_n3A_1955 = arith.select %and3A_1952, %broadcast_in_dim3A_1954, %select_n3A_1941 : vector<16xi1>, vector<16xi32>
      %add3A_1956 = arith.constant 144 : i32
      %add3A_1957 = arith.addi %mul3A_1829, %add3A_1956 : i32
      %broadcast_in_dim3A_1958 = vector.broadcast %add3A_1957 : i32 to vector<16xi32>
      %add3A_1959 = arith.addi %broadcast_in_dim3A_1958, %iota3A : vector<16xi32>
      %gather3A_1960 = tpu.vector_load_idx %arg4[%add3A_1959] : memref<8192xf32, #tpu.memory_space<vmem>>[vector<16xi32>], vector<16xf32>,
      %eq3A_1961 = vector.broadcast %reduce_max3A_1812 : f32 to vector<16xf32>
      %eq3A_1962 = arith.cmpf oeq, %gather3A_1960, %eq3A_1961 : vector<16xf32>
      %eq3A_1963 = arith.constant 99 : i32
      %eq3A_1964 = vector.broadcast %eq3A_1963 : i32 to vector<16xi32>
      %eq3A_1965 = arith.cmpi eq, %select_n3A_1955, %eq3A_1964 : vector<16xi32>
      %and3A_1966 = arith.andi %eq3A_1962, %eq3A_1965 : vector<16xi1>
      %broadcast_in_dim3A_1967 = arith.constant 9 : i32
      %broadcast_in_dim3A_1968 = vector.broadcast %broadcast_in_dim3A_1967 : i32 to vector<16xi32>
      %select_n3A_1969 = arith.select %and3A_1966, %broadcast_in_dim3A_1968, %select_n3A_1955 : vector<16xi1>, vector<16xi32>
      %add3A_1970 = arith.constant 160 : i32
      %add3A_1971 = arith.addi %mul3A_1829, %add3A_1970 : i32
      %broadcast_in_dim3A_1972 = vector.broadcast %add3A_1971 : i32 to vector<16xi32>
      %add3A_1973 = arith.addi %broadcast_in_dim3A_1972, %iota3A : vector<16xi32>
      %gather3A_1974 = tpu.vector_load_idx %arg4[%add3A_1973] : memref<8192xf32, #tpu.memory_space<vmem>>[vector<16xi32>], vector<16xf32>,
      %eq3A_1975 = vector.broadcast %reduce_max3A_1812 : f32 to vector<16xf32>
      %eq3A_1976 = arith.cmpf oeq, %gather3A_1974, %eq3A_1975 : vector<16xf32>
      %eq3A_1977 = arith.constant 99 : i32
      %eq3A_1978 = vector.broadcast %eq3A_1977 : i32 to vector<16xi32>
      %eq3A_1979 = arith.cmpi eq, %select_n3A_1969, %eq3A_1978 : vector<16xi32>
      %and3A_1980 = arith.andi %eq3A_1976, %eq3A_1979 : vector<16xi1>
      %broadcast_in_dim3A_1981 = arith.constant 10 : i32
      %broadcast_in_dim3A_1982 = vector.broadcast %broadcast_in_dim3A_1981 : i32 to vector<16xi32>
      %select_n3A_1983 = arith.select %and3A_1980, %broadcast_in_dim3A_1982, %select_n3A_1969 : vector<16xi1>, vector<16xi32>
      %add3A_1984 = arith.constant 176 : i32
      %add3A_1985 = arith.addi %mul3A_1829, %add3A_1984 : i32
      %broadcast_in_dim3A_1986 = vector.broadcast %add3A_1985 : i32 to vector<16xi32>
      %add3A_1987 = arith.addi %broadcast_in_dim3A_1986, %iota3A : vector<16xi32>
      %gather3A_1988 = tpu.vector_load_idx %arg4[%add3A_1987] : memref<8192xf32, #tpu.memory_space<vmem>>[vector<16xi32>], vector<16xf32>,
      %eq3A_1989 = vector.broadcast %reduce_max3A_1812 : f32 to vector<16xf32>
      %eq3A_1990 = arith.cmpf oeq, %gather3A_1988, %eq3A_1989 : vector<16xf32>
      %eq3A_1991 = arith.constant 99 : i32
      %eq3A_1992 = vector.broadcast %eq3A_1991 : i32 to vector<16xi32>
      %eq3A_1993 = arith.cmpi eq, %select_n3A_1983, %eq3A_1992 : vector<16xi32>
      %and3A_1994 = arith.andi %eq3A_1990, %eq3A_1993 : vector<16xi1>
      %broadcast_in_dim3A_1995 = arith.constant 11 : i32
      %broadcast_in_dim3A_1996 = vector.broadcast %broadcast_in_dim3A_1995 : i32 to vector<16xi32>
      %select_n3A_1997 = arith.select %and3A_1994, %broadcast_in_dim3A_1996, %select_n3A_1983 : vector<16xi1>, vector<16xi32>
      %add3A_1998 = arith.constant 192 : i32
      %add3A_1999 = arith.addi %mul3A_1829, %add3A_1998 : i32
      %broadcast_in_dim3A_2000 = vector.broadcast %add3A_1999 : i32 to vector<16xi32>
      %add3A_2001 = arith.addi %broadcast_in_dim3A_2000, %iota3A : vector<16xi32>
      %gather3A_2002 = tpu.vector_load_idx %arg4[%add3A_2001] : memref<8192xf32, #tpu.memory_space<vmem>>[vector<16xi32>], vector<16xf32>,
      %eq3A_2003 = vector.broadcast %reduce_max3A_1812 : f32 to vector<16xf32>
      %eq3A_2004 = arith.cmpf oeq, %gather3A_2002, %eq3A_2003 : vector<16xf32>
      %eq3A_2005 = arith.constant 99 : i32
      %eq3A_2006 = vector.broadcast %eq3A_2005 : i32 to vector<16xi32>
      %eq3A_2007 = arith.cmpi eq, %select_n3A_1997, %eq3A_2006 : vector<16xi32>
      %and3A_2008 = arith.andi %eq3A_2004, %eq3A_2007 : vector<16xi1>
      %broadcast_in_dim3A_2009 = arith.constant 12 : i32
      %broadcast_in_dim3A_2010 = vector.broadcast %broadcast_in_dim3A_2009 : i32 to vector<16xi32>
      %select_n3A_2011 = arith.select %and3A_2008, %broadcast_in_dim3A_2010, %select_n3A_1997 : vector<16xi1>, vector<16xi32>
      %add3A_2012 = arith.constant 208 : i32
      %add3A_2013 = arith.addi %mul3A_1829, %add3A_2012 : i32
      %broadcast_in_dim3A_2014 = vector.broadcast %add3A_2013 : i32 to vector<16xi32>
      %add3A_2015 = arith.addi %broadcast_in_dim3A_2014, %iota3A : vector<16xi32>
      %gather3A_2016 = tpu.vector_load_idx %arg4[%add3A_2015] : memref<8192xf32, #tpu.memory_space<vmem>>[vector<16xi32>], vector<16xf32>,
      %eq3A_2017 = vector.broadcast %reduce_max3A_1812 : f32 to vector<16xf32>
      %eq3A_2018 = arith.cmpf oeq, %gather3A_2016, %eq3A_2017 : vector<16xf32>
      %eq3A_2019 = arith.constant 99 : i32
      %eq3A_2020 = vector.broadcast %eq3A_2019 : i32 to vector<16xi32>
      %eq3A_2021 = arith.cmpi eq, %select_n3A_2011, %eq3A_2020 : vector<16xi32>
      %and3A_2022 = arith.andi %eq3A_2018, %eq3A_2021 : vector<16xi1>
      %broadcast_in_dim3A_2023 = arith.constant 13 : i32
      %broadcast_in_dim3A_2024 = vector.broadcast %broadcast_in_dim3A_2023 : i32 to vector<16xi32>
      %select_n3A_2025 = arith.select %and3A_2022, %broadcast_in_dim3A_2024, %select_n3A_2011 : vector<16xi1>, vector<16xi32>
      %add3A_2026 = arith.constant 224 : i32
      %add3A_2027 = arith.addi %mul3A_1829, %add3A_2026 : i32
      %broadcast_in_dim3A_2028 = vector.broadcast %add3A_2027 : i32 to vector<16xi32>
      %add3A_2029 = arith.addi %broadcast_in_dim3A_2028, %iota3A : vector<16xi32>
      %gather3A_2030 = tpu.vector_load_idx %arg4[%add3A_2029] : memref<8192xf32, #tpu.memory_space<vmem>>[vector<16xi32>], vector<16xf32>,
      %eq3A_2031 = vector.broadcast %reduce_max3A_1812 : f32 to vector<16xf32>
      %eq3A_2032 = arith.cmpf oeq, %gather3A_2030, %eq3A_2031 : vector<16xf32>
      %eq3A_2033 = arith.constant 99 : i32
      %eq3A_2034 = vector.broadcast %eq3A_2033 : i32 to vector<16xi32>
      %eq3A_2035 = arith.cmpi eq, %select_n3A_2025, %eq3A_2034 : vector<16xi32>
      %and3A_2036 = arith.andi %eq3A_2032, %eq3A_2035 : vector<16xi1>
      %broadcast_in_dim3A_2037 = arith.constant 14 : i32
      %broadcast_in_dim3A_2038 = vector.broadcast %broadcast_in_dim3A_2037 : i32 to vector<16xi32>
      %select_n3A_2039 = arith.select %and3A_2036, %broadcast_in_dim3A_2038, %select_n3A_2025 : vector<16xi1>, vector<16xi32>
      %add3A_2040 = arith.constant 240 : i32
      %add3A_2041 = arith.addi %mul3A_1829, %add3A_2040 : i32
      %broadcast_in_dim3A_2042 = vector.broadcast %add3A_2041 : i32 to vector<16xi32>
      %add3A_2043 = arith.addi %broadcast_in_dim3A_2042, %iota3A : vector<16xi32>
      %gather3A_2044 = tpu.vector_load_idx %arg4[%add3A_2043] : memref<8192xf32, #tpu.memory_space<vmem>>[vector<16xi32>], vector<16xf32>,
      %eq3A_2045 = vector.broadcast %reduce_max3A_1812 : f32 to vector<16xf32>
      %eq3A_2046 = arith.cmpf oeq, %gather3A_2044, %eq3A_2045 : vector<16xf32>
      %eq3A_2047 = arith.constant 99 : i32
      %eq3A_2048 = vector.broadcast %eq3A_2047 : i32 to vector<16xi32>
      %eq3A_2049 = arith.cmpi eq, %select_n3A_2039, %eq3A_2048 : vector<16xi32>
      %and3A_2050 = arith.andi %eq3A_2046, %eq3A_2049 : vector<16xi1>
      %broadcast_in_dim3A_2051 = arith.constant 15 : i32
      %broadcast_in_dim3A_2052 = vector.broadcast %broadcast_in_dim3A_2051 : i32 to vector<16xi32>
      %select_n3A_2053 = arith.select %and3A_2050, %broadcast_in_dim3A_2052, %select_n3A_2039 : vector<16xi1>, vector<16xi32>
      %lt3A = arith.constant 99 : i32
      %lt3A_2054 = vector.broadcast %lt3A : i32 to vector<16xi32>
      %lt3A_2055 = arith.cmpi slt, %select_n3A_2053, %lt3A_2054 : vector<16xi32>
      %broadcast_in_dim3A_2056 = vector.broadcast %mul3A_1829 : i32 to vector<16xi32>
      %mul3A_2057 = arith.constant 16 : i32
      %mul3A_2058 = vector.broadcast %mul3A_2057 : i32 to vector<16xi32>
      %mul3A_2059 = arith.muli %select_n3A_2053, %mul3A_2058 : vector<16xi32>
      %add3A_2060 = arith.addi %broadcast_in_dim3A_2056, %mul3A_2059 : vector<16xi32>
      %add3A_2061 = arith.addi %add3A_2060, %iota3A : vector<16xi32>
      %broadcast_in_dim3A_2062 = arith.constant 1073741824 : i32
      %broadcast_in_dim3A_2063 = vector.broadcast %broadcast_in_dim3A_2062 : i32 to vector<16xi32>
      %select_n3A_2064 = arith.select %lt3A_2055, %add3A_2061, %broadcast_in_dim3A_2063 : vector<16xi1>, vector<16xi32>
      %reduce_min3A_2065 = arith.constant true
      %reduce_min3A_2066 = vector.broadcast %reduce_min3A_2065 : i1 to vector<16xi1>
      %reduce_min3A_2067 = arith.constant -2147483648 : i32
      %reduce_min3A_2068 = vector.broadcast %reduce_min3A_2067 : i32 to vector<16xi32>
      %reduce_min3A_2069 = arith.xori %select_n3A_2064, %reduce_min3A_2068 : vector<16xi32>
      %reduce_min3A_2070 = tpu.scan <min>, %reduce_min3A_2069 masked %reduce_min3A_2066 : vector<16xi32>, vector<16xi1> -> vector<16xi32>
      %reduce_min3A_2071 = arith.xori %reduce_min3A_2070, %reduce_min3A_2068 : vector<16xi32>
      %reduce_min3A_2072 = vector.extract %reduce_min3A_2071[15] : i32 from vector<16xi32>
      %broadcast_in_dim3A_2073 = vector.broadcast %scan3A_1802 : i32 to vector<16xi32>
      %broadcast_in_dim3A_2074 = vector.broadcast %reduce_min3A_2072 : i32 to vector<16xi32>
      tpu.vector_store_idx %arg7[%broadcast_in_dim3A_2073], %broadcast_in_dim3A_2074 masked %eq3A_4 : memref<64xi32, #tpu.memory_space<vmem>>[vector<16xi32>], vector<16xi32>, vector<16xi1>
      %broadcast_in_dim3A_2075 = vector.broadcast %reduce_min3A_2072 : i32 to vector<16xi32>
      tpu.vector_store_idx %arg4[%broadcast_in_dim3A_2075], %broadcast_in_dim3A_5 masked %eq3A_4 : memref<8192xf32, #tpu.memory_space<vmem>>[vector<16xi32>], vector<16xf32>, vector<16xi1>
      %sub3A = arith.subi %reduce_min3A_2072, %mul3A_1829 : i32
      %jit3A = arith.constant 16 : i32
      %div3A = arith.divsi %sub3A, %jit3A : i32
      %sign3A = arith.constant 0 : i32
      %sign3A_2076 = arith.cmpi sgt, %sub3A, %sign3A : i32
      %sign3A_2077 = arith.extui %sign3A_2076 : i1 to i32
      %sign3A_2078 = arith.constant 0 : i32
      %sign3A_2079 = arith.cmpi slt, %sub3A, %sign3A_2078 : i32
      %sign3A_2080 = arith.extui %sign3A_2079 : i1 to i32
      %sign3A_2081 = arith.subi %sign3A_2077, %sign3A_2080 : i32
      %sign3A_2082 = arith.constant 0 : i32
      %sign3A_2083 = arith.cmpi sgt, %jit3A, %sign3A_2082 : i32
      %sign3A_2084 = arith.extui %sign3A_2083 : i1 to i32
      %sign3A_2085 = arith.constant 0 : i32
      %sign3A_2086 = arith.cmpi slt, %jit3A, %sign3A_2085 : i32
      %sign3A_2087 = arith.extui %sign3A_2086 : i1 to i32
      %sign3A_2088 = arith.subi %sign3A_2084, %sign3A_2087 : i32
      %ne3A = arith.cmpi ne, %sign3A_2081, %sign3A_2088 : i32
      %rem3A = arith.remsi %sub3A, %jit3A : i32
      %ne3A_2089 = arith.constant 0 : i32
      %ne3A_2090 = arith.cmpi ne, %rem3A, %ne3A_2089 : i32
      %and3A_2091 = arith.andi %ne3A, %ne3A_2090 : i1
      %sub3A_2092 = arith.constant 1 : i32
      %sub3A_2093 = arith.subi %div3A, %sub3A_2092 : i32
      %select_n3A_2094 = arith.select %and3A_2091, %sub3A_2093, %div3A : i32
      %jit3A_2095 = arith.constant 16 : i32
      %eq3A_2096 = arith.constant 0 : i32
      %eq3A_2097 = arith.cmpi eq, %jit3A_2095, %eq3A_2096 : i32
      %jit3A_2098 = arith.constant 1 : i32
      %select_n3A_2099 = arith.select %eq3A_2097, %jit3A_2098, %jit3A_2095 : i32
      %rem3A_2100 = arith.remsi %sub3A, %select_n3A_2099 : i32
      %ne3A_2101 = arith.constant 0 : i32
      %ne3A_2102 = arith.cmpi ne, %rem3A_2100, %ne3A_2101 : i32
      %lt3A_2103 = arith.constant 0 : i32
      %lt3A_2104 = arith.cmpi slt, %rem3A_2100, %lt3A_2103 : i32
      %lt3A_2105 = arith.constant 0 : i32
      %lt3A_2106 = arith.cmpi slt, %select_n3A_2099, %lt3A_2105 : i32
      %ne3A_2107 = arith.xori %lt3A_2104, %lt3A_2106 : i1
      %and3A_2108 = arith.andi %ne3A_2107, %ne3A_2102 : i1
      %add3A_2109 = arith.addi %rem3A_2100, %select_n3A_2099 : i32
      %select_n3A_2110 = arith.select %and3A_2108, %add3A_2109, %rem3A_2100 : i32
      %eq3A_2111 = vector.broadcast %select_n3A_2110 : i32 to vector<16xi32>
      %eq3A_2112 = arith.cmpi eq, %iota3A, %eq3A_2111 : vector<16xi32>
      %eq3A_2113 = arith.constant 0 : i32
      %eq3A_2114 = arith.cmpi eq, %select_n3A_2094, %eq3A_2113 : i32
      %and3A_2115 = vector.broadcast %eq3A_2114 : i1 to vector<16xi1>
      %and3A_2116 = arith.andi %eq3A_2112, %and3A_2115 : vector<16xi1>
      %select_n3A_2117 = arith.select %and3A_2116, %broadcast_in_dim3A_5, %gather3A : vector<16xi1>, vector<16xf32>
      %max3A_2118 = arith.maximumf %broadcast_in_dim3A_5, %select_n3A_2117 : vector<16xf32>
      %eq3A_2119 = vector.broadcast %select_n3A_2110 : i32 to vector<16xi32>
      %eq3A_2120 = arith.cmpi eq, %iota3A, %eq3A_2119 : vector<16xi32>
      %eq3A_2121 = arith.constant 1 : i32
      %eq3A_2122 = arith.cmpi eq, %select_n3A_2094, %eq3A_2121 : i32
      %and3A_2123 = vector.broadcast %eq3A_2122 : i1 to vector<16xi1>
      %and3A_2124 = arith.andi %eq3A_2120, %and3A_2123 : vector<16xi1>
      %select_n3A_2125 = arith.select %and3A_2124, %broadcast_in_dim3A_5, %gather3A_1848 : vector<16xi1>, vector<16xf32>
      %max3A_2126 = arith.maximumf %max3A_2118, %select_n3A_2125 : vector<16xf32>
      %eq3A_2127 = vector.broadcast %select_n3A_2110 : i32 to vector<16xi32>
      %eq3A_2128 = arith.cmpi eq, %iota3A, %eq3A_2127 : vector<16xi32>
      %eq3A_2129 = arith.constant 2 : i32
      %eq3A_2130 = arith.cmpi eq, %select_n3A_2094, %eq3A_2129 : i32
      %and3A_2131 = vector.broadcast %eq3A_2130 : i1 to vector<16xi1>
      %and3A_2132 = arith.andi %eq3A_2128, %and3A_2131 : vector<16xi1>
      %select_n3A_2133 = arith.select %and3A_2132, %broadcast_in_dim3A_5, %gather3A_1862 : vector<16xi1>, vector<16xf32>
      %max3A_2134 = arith.maximumf %max3A_2126, %select_n3A_2133 : vector<16xf32>
      %eq3A_2135 = vector.broadcast %select_n3A_2110 : i32 to vector<16xi32>
      %eq3A_2136 = arith.cmpi eq, %iota3A, %eq3A_2135 : vector<16xi32>
      %eq3A_2137 = arith.constant 3 : i32
      %eq3A_2138 = arith.cmpi eq, %select_n3A_2094, %eq3A_2137 : i32
      %and3A_2139 = vector.broadcast %eq3A_2138 : i1 to vector<16xi1>
      %and3A_2140 = arith.andi %eq3A_2136, %and3A_2139 : vector<16xi1>
      %select_n3A_2141 = arith.select %and3A_2140, %broadcast_in_dim3A_5, %gather3A_1876 : vector<16xi1>, vector<16xf32>
      %max3A_2142 = arith.maximumf %max3A_2134, %select_n3A_2141 : vector<16xf32>
      %eq3A_2143 = vector.broadcast %select_n3A_2110 : i32 to vector<16xi32>
      %eq3A_2144 = arith.cmpi eq, %iota3A, %eq3A_2143 : vector<16xi32>
      %eq3A_2145 = arith.constant 4 : i32
      %eq3A_2146 = arith.cmpi eq, %select_n3A_2094, %eq3A_2145 : i32
      %and3A_2147 = vector.broadcast %eq3A_2146 : i1 to vector<16xi1>
      %and3A_2148 = arith.andi %eq3A_2144, %and3A_2147 : vector<16xi1>
      %select_n3A_2149 = arith.select %and3A_2148, %broadcast_in_dim3A_5, %gather3A_1890 : vector<16xi1>, vector<16xf32>
      %max3A_2150 = arith.maximumf %max3A_2142, %select_n3A_2149 : vector<16xf32>
      %eq3A_2151 = vector.broadcast %select_n3A_2110 : i32 to vector<16xi32>
      %eq3A_2152 = arith.cmpi eq, %iota3A, %eq3A_2151 : vector<16xi32>
      %eq3A_2153 = arith.constant 5 : i32
      %eq3A_2154 = arith.cmpi eq, %select_n3A_2094, %eq3A_2153 : i32
      %and3A_2155 = vector.broadcast %eq3A_2154 : i1 to vector<16xi1>
      %and3A_2156 = arith.andi %eq3A_2152, %and3A_2155 : vector<16xi1>
      %select_n3A_2157 = arith.select %and3A_2156, %broadcast_in_dim3A_5, %gather3A_1904 : vector<16xi1>, vector<16xf32>
      %max3A_2158 = arith.maximumf %max3A_2150, %select_n3A_2157 : vector<16xf32>
      %eq3A_2159 = vector.broadcast %select_n3A_2110 : i32 to vector<16xi32>
      %eq3A_2160 = arith.cmpi eq, %iota3A, %eq3A_2159 : vector<16xi32>
      %eq3A_2161 = arith.constant 6 : i32
      %eq3A_2162 = arith.cmpi eq, %select_n3A_2094, %eq3A_2161 : i32
      %and3A_2163 = vector.broadcast %eq3A_2162 : i1 to vector<16xi1>
      %and3A_2164 = arith.andi %eq3A_2160, %and3A_2163 : vector<16xi1>
      %select_n3A_2165 = arith.select %and3A_2164, %broadcast_in_dim3A_5, %gather3A_1918 : vector<16xi1>, vector<16xf32>
      %max3A_2166 = arith.maximumf %max3A_2158, %select_n3A_2165 : vector<16xf32>
      %eq3A_2167 = vector.broadcast %select_n3A_2110 : i32 to vector<16xi32>
      %eq3A_2168 = arith.cmpi eq, %iota3A, %eq3A_2167 : vector<16xi32>
      %eq3A_2169 = arith.constant 7 : i32
      %eq3A_2170 = arith.cmpi eq, %select_n3A_2094, %eq3A_2169 : i32
      %and3A_2171 = vector.broadcast %eq3A_2170 : i1 to vector<16xi1>
      %and3A_2172 = arith.andi %eq3A_2168, %and3A_2171 : vector<16xi1>
      %select_n3A_2173 = arith.select %and3A_2172, %broadcast_in_dim3A_5, %gather3A_1932 : vector<16xi1>, vector<16xf32>
      %max3A_2174 = arith.maximumf %max3A_2166, %select_n3A_2173 : vector<16xf32>
      %eq3A_2175 = vector.broadcast %select_n3A_2110 : i32 to vector<16xi32>
      %eq3A_2176 = arith.cmpi eq, %iota3A, %eq3A_2175 : vector<16xi32>
      %eq3A_2177 = arith.constant 8 : i32
      %eq3A_2178 = arith.cmpi eq, %select_n3A_2094, %eq3A_2177 : i32
      %and3A_2179 = vector.broadcast %eq3A_2178 : i1 to vector<16xi1>
      %and3A_2180 = arith.andi %eq3A_2176, %and3A_2179 : vector<16xi1>
      %select_n3A_2181 = arith.select %and3A_2180, %broadcast_in_dim3A_5, %gather3A_1946 : vector<16xi1>, vector<16xf32>
      %max3A_2182 = arith.maximumf %max3A_2174, %select_n3A_2181 : vector<16xf32>
      %eq3A_2183 = vector.broadcast %select_n3A_2110 : i32 to vector<16xi32>
      %eq3A_2184 = arith.cmpi eq, %iota3A, %eq3A_2183 : vector<16xi32>
      %eq3A_2185 = arith.constant 9 : i32
      %eq3A_2186 = arith.cmpi eq, %select_n3A_2094, %eq3A_2185 : i32
      %and3A_2187 = vector.broadcast %eq3A_2186 : i1 to vector<16xi1>
      %and3A_2188 = arith.andi %eq3A_2184, %and3A_2187 : vector<16xi1>
      %select_n3A_2189 = arith.select %and3A_2188, %broadcast_in_dim3A_5, %gather3A_1960 : vector<16xi1>, vector<16xf32>
      %max3A_2190 = arith.maximumf %max3A_2182, %select_n3A_2189 : vector<16xf32>
      %eq3A_2191 = vector.broadcast %select_n3A_2110 : i32 to vector<16xi32>
      %eq3A_2192 = arith.cmpi eq, %iota3A, %eq3A_2191 : vector<16xi32>
      %eq3A_2193 = arith.constant 10 : i32
      %eq3A_2194 = arith.cmpi eq, %select_n3A_2094, %eq3A_2193 : i32
      %and3A_2195 = vector.broadcast %eq3A_2194 : i1 to vector<16xi1>
      %and3A_2196 = arith.andi %eq3A_2192, %and3A_2195 : vector<16xi1>
      %select_n3A_2197 = arith.select %and3A_2196, %broadcast_in_dim3A_5, %gather3A_1974 : vector<16xi1>, vector<16xf32>
      %max3A_2198 = arith.maximumf %max3A_2190, %select_n3A_2197 : vector<16xf32>
      %eq3A_2199 = vector.broadcast %select_n3A_2110 : i32 to vector<16xi32>
      %eq3A_2200 = arith.cmpi eq, %iota3A, %eq3A_2199 : vector<16xi32>
      %eq3A_2201 = arith.constant 11 : i32
      %eq3A_2202 = arith.cmpi eq, %select_n3A_2094, %eq3A_2201 : i32
      %and3A_2203 = vector.broadcast %eq3A_2202 : i1 to vector<16xi1>
      %and3A_2204 = arith.andi %eq3A_2200, %and3A_2203 : vector<16xi1>
      %select_n3A_2205 = arith.select %and3A_2204, %broadcast_in_dim3A_5, %gather3A_1988 : vector<16xi1>, vector<16xf32>
      %max3A_2206 = arith.maximumf %max3A_2198, %select_n3A_2205 : vector<16xf32>
      %eq3A_2207 = vector.broadcast %select_n3A_2110 : i32 to vector<16xi32>
      %eq3A_2208 = arith.cmpi eq, %iota3A, %eq3A_2207 : vector<16xi32>
      %eq3A_2209 = arith.constant 12 : i32
      %eq3A_2210 = arith.cmpi eq, %select_n3A_2094, %eq3A_2209 : i32
      %and3A_2211 = vector.broadcast %eq3A_2210 : i1 to vector<16xi1>
      %and3A_2212 = arith.andi %eq3A_2208, %and3A_2211 : vector<16xi1>
      %select_n3A_2213 = arith.select %and3A_2212, %broadcast_in_dim3A_5, %gather3A_2002 : vector<16xi1>, vector<16xf32>
      %max3A_2214 = arith.maximumf %max3A_2206, %select_n3A_2213 : vector<16xf32>
      %eq3A_2215 = vector.broadcast %select_n3A_2110 : i32 to vector<16xi32>
      %eq3A_2216 = arith.cmpi eq, %iota3A, %eq3A_2215 : vector<16xi32>
      %eq3A_2217 = arith.constant 13 : i32
      %eq3A_2218 = arith.cmpi eq, %select_n3A_2094, %eq3A_2217 : i32
      %and3A_2219 = vector.broadcast %eq3A_2218 : i1 to vector<16xi1>
      %and3A_2220 = arith.andi %eq3A_2216, %and3A_2219 : vector<16xi1>
      %select_n3A_2221 = arith.select %and3A_2220, %broadcast_in_dim3A_5, %gather3A_2016 : vector<16xi1>, vector<16xf32>
      %max3A_2222 = arith.maximumf %max3A_2214, %select_n3A_2221 : vector<16xf32>
      %eq3A_2223 = vector.broadcast %select_n3A_2110 : i32 to vector<16xi32>
      %eq3A_2224 = arith.cmpi eq, %iota3A, %eq3A_2223 : vector<16xi32>
      %eq3A_2225 = arith.constant 14 : i32
      %eq3A_2226 = arith.cmpi eq, %select_n3A_2094, %eq3A_2225 : i32
      %and3A_2227 = vector.broadcast %eq3A_2226 : i1 to vector<16xi1>
      %and3A_2228 = arith.andi %eq3A_2224, %and3A_2227 : vector<16xi1>
      %select_n3A_2229 = arith.select %and3A_2228, %broadcast_in_dim3A_5, %gather3A_2030 : vector<16xi1>, vector<16xf32>
      %max3A_2230 = arith.maximumf %max3A_2222, %select_n3A_2229 : vector<16xf32>
      %eq3A_2231 = vector.broadcast %select_n3A_2110 : i32 to vector<16xi32>
      %eq3A_2232 = arith.cmpi eq, %iota3A, %eq3A_2231 : vector<16xi32>
      %eq3A_2233 = arith.constant 15 : i32
      %eq3A_2234 = arith.cmpi eq, %select_n3A_2094, %eq3A_2233 : i32
      %and3A_2235 = vector.broadcast %eq3A_2234 : i1 to vector<16xi1>
      %and3A_2236 = arith.andi %eq3A_2232, %and3A_2235 : vector<16xi1>
      %select_n3A_2237 = arith.select %and3A_2236, %broadcast_in_dim3A_5, %gather3A_2044 : vector<16xi1>, vector<16xf32>
      %max3A_2238 = arith.maximumf %max3A_2230, %select_n3A_2237 : vector<16xf32>
      %mul3A_2239 = arith.constant 16 : i32
      %mul3A_2240 = arith.muli %reduce_min3A_1827, %mul3A_2239 : i32
      %broadcast_in_dim3A_2241 = vector.broadcast %mul3A_2240 : i32 to vector<16xi32>
      %add3A_2242 = arith.addi %broadcast_in_dim3A_2241, %iota3A : vector<16xi32>
      tpu.vector_store_idx %arg5[%add3A_2242], %max3A_2238 : memref<512xf32, #tpu.memory_space<vmem>>[vector<16xi32>], vector<16xf32>,
      %reduce_max3A_2243 = arith.constant true
      %reduce_max3A_2244 = vector.broadcast %reduce_max3A_2243 : i1 to vector<16xi1>
      %reduce_max3A_2245 = tpu.scan <max>, %max3A_2238 masked %reduce_max3A_2244 : vector<16xf32>, vector<16xi1> -> vector<16xf32>
      %reduce_max3A_2246 = vector.extract %reduce_max3A_2245[15] : f32 from vector<16xf32>
      %broadcast_in_dim3A_2247 = vector.broadcast %reduce_min3A_1827 : i32 to vector<16xi32>
      %broadcast_in_dim3A_2248 = vector.broadcast %reduce_max3A_2246 : f32 to vector<16xf32>
      tpu.vector_store_idx %arg6[%broadcast_in_dim3A_2247], %broadcast_in_dim3A_2248 masked %eq3A_4 : memref<32xf32, #tpu.memory_space<vmem>>[vector<16xi32>], vector<16xf32>, vector<16xi1>
      %scan3A_2249 = arith.constant 0 : i32
      scf.yield %scan3A_2249 : i32
    }
    %scan3A_1799 = arith.constant 64 : i32
    %mul3A_1800 = arith.constant 64 : i32
    %mul3A_1801 = arith.muli %add3A, %mul3A_1800 : i32
    "tpu.region"() ({
      %run_scoped3A = tpu.sem_alloc : memref<!tpu.dma_semaphore, #tpu.memory_space<semaphore_mem>>
      %dma_start3A = tpu.memref_slice %arg3[%mul3A_1801] : memref<2048xi32, #tpu.memory_space<hbm>> -> memref<64xi32, #tpu.memory_space<hbm>>
      %dma_start3A_1802 = tpu.memref_slice %arg3[%mul3A_1801] : memref<2048xi32, #tpu.memory_space<hbm>> -> memref<64xi32, #tpu.memory_space<hbm>>
      tpu.enqueue_dma source(%arg7 : memref<64xi32, #tpu.memory_space<vmem>>) target(%dma_start3A_1802 : memref<64xi32, #tpu.memory_space<hbm>>) target_semaphore(%run_scoped3A : memref<!tpu.dma_semaphore, #tpu.memory_space<semaphore_mem>>)
      %dma_wait3A = tpu.memref_slice %arg3[%mul3A_1801] : memref<2048xi32, #tpu.memory_space<hbm>> -> memref<64xi32, #tpu.memory_space<hbm>>
      %dma_wait3A_1803 = tpu.memref_slice %arg3[%mul3A_1801] : memref<2048xi32, #tpu.memory_space<hbm>> -> memref<64xi32, #tpu.memory_space<hbm>>
      tpu.wait_dma2 semaphore(%run_scoped3A : memref<!tpu.dma_semaphore, #tpu.memory_space<semaphore_mem>>) src(%arg7 : memref<64xi32, #tpu.memory_space<vmem>>) dst(%dma_wait3A_1803 : memref<64xi32, #tpu.memory_space<hbm>>)
      tpu.yield
    }) : () -> ()
    return
  }
}

module attributes {stable_mosaic.version = 14 : i64} {
  func.func @_mlp_body(%arg0: i32, %arg1: memref<256x8192xf32, #tpu.memory_space<vmem>>, %arg2: memref<16x32xf32, #tpu.memory_space<vmem>>, %arg3: memref<16x1xf32, #tpu.memory_space<vmem>>, %arg4: memref<8x16xf32, #tpu.memory_space<vmem>>, %arg5: memref<8x1xf32, #tpu.memory_space<vmem>>, %arg6: memref<1x8xf32, #tpu.memory_space<vmem>>, %arg7: memref<1x1xf32, #tpu.memory_space<vmem>>, %arg8: memref<65536xf32, #tpu.memory_space<vmem>>) attributes {dimension_semantics = [#tpu.dimension_semantics<arbitrary>], iteration_bounds = array<i64: 4>, scalar_prefetch = 0 : i64, scratch_operands = 0 : i64, tpu.core_type = #tpu.core_type<tc>, window_params = [{transform_indices = @transform_0, window_bounds = array<i64: 256, 8192>}, {pipeline_mode = #tpu.pipeline_mode<synchronous>, transform_indices = @transform_1, window_bounds = array<i64: 16, 32>}, {pipeline_mode = #tpu.pipeline_mode<synchronous>, transform_indices = @transform_2, window_bounds = array<i64: 16, 1>}, {pipeline_mode = #tpu.pipeline_mode<synchronous>, transform_indices = @transform_3, window_bounds = array<i64: 8, 16>}, {pipeline_mode = #tpu.pipeline_mode<synchronous>, transform_indices = @transform_4, window_bounds = array<i64: 8, 1>}, {pipeline_mode = #tpu.pipeline_mode<synchronous>, transform_indices = @transform_5, window_bounds = array<i64: 1, 8>}, {pipeline_mode = #tpu.pipeline_mode<synchronous>, transform_indices = @transform_6, window_bounds = array<i64: 1, 1>}, {transform_indices = @transform_7, window_bounds = array<i64: 65536>}]} {
    %get3A = arith.constant 0 : index
    %get3A_0 = arith.constant 0 : index
    %get3A_1 = vector.load %arg1[%get3A, %get3A_0] : memref<256x8192xf32, #tpu.memory_space<vmem>>, vector<32x8192xf32>
    %get3A_2 = arith.constant 0 : index
    %get3A_3 = arith.constant 0 : index
    %get3A_4 = vector.load %arg2[%get3A_2, %get3A_3] : memref<16x32xf32, #tpu.memory_space<vmem>>, vector<16x32xf32>
    %dot_general3A = arith.constant dense<0.000000e+00> : vector<16x8192xf32>
    %dot_general3A_5 = tpu.matmul %get3A_4, %get3A_1, %dot_general3A {dimension_numbers = #tpu.dot_dimension_numbers<[1], [0], [0], [1], [0, 0, 1, 1], [], []>, transpose_lhs_hint = false} : vector<16x32xf32>, vector<32x8192xf32>, vector<16x8192xf32> -> vector<16x8192xf32>
    %get3A_6 = arith.constant 0 : index
    %get3A_7 = arith.constant 0 : index
    %get3A_8 = vector.load %arg3[%get3A_6, %get3A_7] : memref<16x1xf32, #tpu.memory_space<vmem>>, vector<16x1xf32>
    %add3A = vector.broadcast %get3A_8 : vector<16x1xf32> to vector<16x8192xf32>
    %add3A_9 = arith.addf %dot_general3A_5, %add3A : vector<16x8192xf32>
    %max3A = arith.constant 0.000000e+00 : f32
    %max3A_10 = vector.broadcast %max3A : f32 to vector<16x8192xf32>
    %max3A_11 = arith.maximumf %add3A_9, %max3A_10 : vector<16x8192xf32>
    %get3A_12 = arith.constant 0 : index
    %get3A_13 = arith.constant 0 : index
    %get3A_14 = vector.load %arg4[%get3A_12, %get3A_13] : memref<8x16xf32, #tpu.memory_space<vmem>>, vector<8x16xf32>
    %dot_general3A_15 = arith.constant dense<0.000000e+00> : vector<8x8192xf32>
    %dot_general3A_16 = tpu.matmul %get3A_14, %max3A_11, %dot_general3A_15 {dimension_numbers = #tpu.dot_dimension_numbers<[1], [0], [0], [1], [0, 0, 1, 1], [], []>, transpose_lhs_hint = false} : vector<8x16xf32>, vector<16x8192xf32>, vector<8x8192xf32> -> vector<8x8192xf32>
    %get3A_17 = arith.constant 0 : index
    %get3A_18 = arith.constant 0 : index
    %get3A_19 = vector.load %arg5[%get3A_17, %get3A_18] : memref<8x1xf32, #tpu.memory_space<vmem>>, vector<8x1xf32>
    %add3A_20 = vector.broadcast %get3A_19 : vector<8x1xf32> to vector<8x8192xf32>
    %add3A_21 = arith.addf %dot_general3A_16, %add3A_20 : vector<8x8192xf32>
    %max3A_22 = arith.constant 0.000000e+00 : f32
    %max3A_23 = vector.broadcast %max3A_22 : f32 to vector<8x8192xf32>
    %max3A_24 = arith.maximumf %add3A_21, %max3A_23 : vector<8x8192xf32>
    %get3A_25 = arith.constant 0 : index
    %get3A_26 = arith.constant 0 : index
    %get3A_27 = vector.load %arg6[%get3A_25, %get3A_26] : memref<1x8xf32, #tpu.memory_space<vmem>>, vector<1x8xf32>
    %dot_general3A_28 = arith.constant dense<0.000000e+00> : vector<1x8192xf32>
    %dot_general3A_29 = tpu.matmul %get3A_27, %max3A_24, %dot_general3A_28 {dimension_numbers = #tpu.dot_dimension_numbers<[1], [0], [0], [1], [0, 0, 1, 1], [], []>, transpose_lhs_hint = false} : vector<1x8xf32>, vector<8x8192xf32>, vector<1x8192xf32> -> vector<1x8192xf32>
    %get3A_30 = arith.constant 0 : index
    %get3A_31 = arith.constant 0 : index
    %get3A_32 = vector.load %arg7[%get3A_30, %get3A_31] : memref<1x1xf32, #tpu.memory_space<vmem>>, vector<1x1xf32>
    %add3A_33 = vector.broadcast %get3A_32 : vector<1x1xf32> to vector<1x8192xf32>
    %add3A_34 = arith.addf %dot_general3A_29, %add3A_33 : vector<1x8192xf32>
    %custom_jvp_call3A = arith.constant 0.000000e+00 : f32
    %max3A_35 = vector.broadcast %custom_jvp_call3A : f32 to vector<1x8192xf32>
    %max3A_36 = arith.maximumf %add3A_34, %max3A_35 : vector<1x8192xf32>
    %sub3A = vector.broadcast %custom_jvp_call3A : f32 to vector<1x8192xf32>
    %sub3A_37 = arith.subf %add3A_34, %sub3A : vector<1x8192xf32>
    %ne3A = arith.cmpf one, %sub3A_37, %sub3A_37 : vector<1x8192xf32>
    %add3A_38 = vector.broadcast %custom_jvp_call3A : f32 to vector<1x8192xf32>
    %add3A_39 = arith.addf %add3A_34, %add3A_38 : vector<1x8192xf32>
    %abs3A = math.absf %sub3A_37 : vector<1x8192xf32>
    %neg3A = arith.constant 0.000000e+00 : f32
    %neg3A_40 = vector.broadcast %neg3A : f32 to vector<1x8192xf32>
    %neg3A_41 = arith.subf %neg3A_40, %abs3A : vector<1x8192xf32>
    %exp3A = math.exp %neg3A_41 : vector<1x8192xf32>
    %log1p3A = math.log1p %exp3A : vector<1x8192xf32>
    %add3A_42 = arith.addf %max3A_36, %log1p3A : vector<1x8192xf32>
    %select_n3A = arith.select %ne3A, %add3A_39, %add3A_42 : vector<1x8192xi1>, vector<1x8192xf32>
    %reshape3A = vector.shape_cast %select_n3A : vector<1x8192xf32> to vector<8192xf32>
    %swap3A = arith.constant 0 : index
    %swap3A_43 = vector.load %arg8[%swap3A] : memref<65536xf32, #tpu.memory_space<vmem>>, vector<8192xf32>
    tpu.vector_store %arg8[%swap3A], %reshape3A {strides = array<i32>} : memref<65536xf32, #tpu.memory_space<vmem>>, vector<8192xf32>,
    %get3A_44 = arith.constant 32 : index
    %get3A_45 = arith.constant 0 : index
    %get3A_46 = vector.load %arg1[%get3A_44, %get3A_45] : memref<256x8192xf32, #tpu.memory_space<vmem>>, vector<32x8192xf32>
    %get3A_47 = arith.constant 0 : index
    %get3A_48 = arith.constant 0 : index
    %get3A_49 = vector.load %arg2[%get3A_47, %get3A_48] : memref<16x32xf32, #tpu.memory_space<vmem>>, vector<16x32xf32>
    %dot_general3A_50 = arith.constant dense<0.000000e+00> : vector<16x8192xf32>
    %dot_general3A_51 = tpu.matmul %get3A_49, %get3A_46, %dot_general3A_50 {dimension_numbers = #tpu.dot_dimension_numbers<[1], [0], [0], [1], [0, 0, 1, 1], [], []>, transpose_lhs_hint = false} : vector<16x32xf32>, vector<32x8192xf32>, vector<16x8192xf32> -> vector<16x8192xf32>
    %get3A_52 = arith.constant 0 : index
    %get3A_53 = arith.constant 0 : index
    %get3A_54 = vector.load %arg3[%get3A_52, %get3A_53] : memref<16x1xf32, #tpu.memory_space<vmem>>, vector<16x1xf32>
    %add3A_55 = vector.broadcast %get3A_54 : vector<16x1xf32> to vector<16x8192xf32>
    %add3A_56 = arith.addf %dot_general3A_51, %add3A_55 : vector<16x8192xf32>
    %max3A_57 = arith.constant 0.000000e+00 : f32
    %max3A_58 = vector.broadcast %max3A_57 : f32 to vector<16x8192xf32>
    %max3A_59 = arith.maximumf %add3A_56, %max3A_58 : vector<16x8192xf32>
    %get3A_60 = arith.constant 0 : index
    %get3A_61 = arith.constant 0 : index
    %get3A_62 = vector.load %arg4[%get3A_60, %get3A_61] : memref<8x16xf32, #tpu.memory_space<vmem>>, vector<8x16xf32>
    %dot_general3A_63 = arith.constant dense<0.000000e+00> : vector<8x8192xf32>
    %dot_general3A_64 = tpu.matmul %get3A_62, %max3A_59, %dot_general3A_63 {dimension_numbers = #tpu.dot_dimension_numbers<[1], [0], [0], [1], [0, 0, 1, 1], [], []>, transpose_lhs_hint = false} : vector<8x16xf32>, vector<16x8192xf32>, vector<8x8192xf32> -> vector<8x8192xf32>
    %get3A_65 = arith.constant 0 : index
    %get3A_66 = arith.constant 0 : index
    %get3A_67 = vector.load %arg5[%get3A_65, %get3A_66] : memref<8x1xf32, #tpu.memory_space<vmem>>, vector<8x1xf32>
    %add3A_68 = vector.broadcast %get3A_67 : vector<8x1xf32> to vector<8x8192xf32>
    %add3A_69 = arith.addf %dot_general3A_64, %add3A_68 : vector<8x8192xf32>
    %max3A_70 = arith.constant 0.000000e+00 : f32
    %max3A_71 = vector.broadcast %max3A_70 : f32 to vector<8x8192xf32>
    %max3A_72 = arith.maximumf %add3A_69, %max3A_71 : vector<8x8192xf32>
    %get3A_73 = arith.constant 0 : index
    %get3A_74 = arith.constant 0 : index
    %get3A_75 = vector.load %arg6[%get3A_73, %get3A_74] : memref<1x8xf32, #tpu.memory_space<vmem>>, vector<1x8xf32>
    %dot_general3A_76 = arith.constant dense<0.000000e+00> : vector<1x8192xf32>
    %dot_general3A_77 = tpu.matmul %get3A_75, %max3A_72, %dot_general3A_76 {dimension_numbers = #tpu.dot_dimension_numbers<[1], [0], [0], [1], [0, 0, 1, 1], [], []>, transpose_lhs_hint = false} : vector<1x8xf32>, vector<8x8192xf32>, vector<1x8192xf32> -> vector<1x8192xf32>
    %get3A_78 = arith.constant 0 : index
    %get3A_79 = arith.constant 0 : index
    %get3A_80 = vector.load %arg7[%get3A_78, %get3A_79] : memref<1x1xf32, #tpu.memory_space<vmem>>, vector<1x1xf32>
    %add3A_81 = vector.broadcast %get3A_80 : vector<1x1xf32> to vector<1x8192xf32>
    %add3A_82 = arith.addf %dot_general3A_77, %add3A_81 : vector<1x8192xf32>
    %custom_jvp_call3A_83 = arith.constant 0.000000e+00 : f32
    %max3A_84 = vector.broadcast %custom_jvp_call3A_83 : f32 to vector<1x8192xf32>
    %max3A_85 = arith.maximumf %add3A_82, %max3A_84 : vector<1x8192xf32>
    %sub3A_86 = vector.broadcast %custom_jvp_call3A_83 : f32 to vector<1x8192xf32>
    %sub3A_87 = arith.subf %add3A_82, %sub3A_86 : vector<1x8192xf32>
    %ne3A_88 = arith.cmpf one, %sub3A_87, %sub3A_87 : vector<1x8192xf32>
    %add3A_89 = vector.broadcast %custom_jvp_call3A_83 : f32 to vector<1x8192xf32>
    %add3A_90 = arith.addf %add3A_82, %add3A_89 : vector<1x8192xf32>
    %abs3A_91 = math.absf %sub3A_87 : vector<1x8192xf32>
    %neg3A_92 = arith.constant 0.000000e+00 : f32
    %neg3A_93 = vector.broadcast %neg3A_92 : f32 to vector<1x8192xf32>
    %neg3A_94 = arith.subf %neg3A_93, %abs3A_91 : vector<1x8192xf32>
    %exp3A_95 = math.exp %neg3A_94 : vector<1x8192xf32>
    %log1p3A_96 = math.log1p %exp3A_95 : vector<1x8192xf32>
    %add3A_97 = arith.addf %max3A_85, %log1p3A_96 : vector<1x8192xf32>
    %select_n3A_98 = arith.select %ne3A_88, %add3A_90, %add3A_97 : vector<1x8192xi1>, vector<1x8192xf32>
    %reshape3A_99 = vector.shape_cast %select_n3A_98 : vector<1x8192xf32> to vector<8192xf32>
    %swap3A_100 = arith.constant 8192 : index
    %swap3A_101 = vector.load %arg8[%swap3A_100] : memref<65536xf32, #tpu.memory_space<vmem>>, vector<8192xf32>
    tpu.vector_store %arg8[%swap3A_100], %reshape3A_99 {strides = array<i32>} : memref<65536xf32, #tpu.memory_space<vmem>>, vector<8192xf32>,
    %get3A_102 = arith.constant 64 : index
    %get3A_103 = arith.constant 0 : index
    %get3A_104 = vector.load %arg1[%get3A_102, %get3A_103] : memref<256x8192xf32, #tpu.memory_space<vmem>>, vector<32x8192xf32>
    %get3A_105 = arith.constant 0 : index
    %get3A_106 = arith.constant 0 : index
    %get3A_107 = vector.load %arg2[%get3A_105, %get3A_106] : memref<16x32xf32, #tpu.memory_space<vmem>>, vector<16x32xf32>
    %dot_general3A_108 = arith.constant dense<0.000000e+00> : vector<16x8192xf32>
    %dot_general3A_109 = tpu.matmul %get3A_107, %get3A_104, %dot_general3A_108 {dimension_numbers = #tpu.dot_dimension_numbers<[1], [0], [0], [1], [0, 0, 1, 1], [], []>, transpose_lhs_hint = false} : vector<16x32xf32>, vector<32x8192xf32>, vector<16x8192xf32> -> vector<16x8192xf32>
    %get3A_110 = arith.constant 0 : index
    %get3A_111 = arith.constant 0 : index
    %get3A_112 = vector.load %arg3[%get3A_110, %get3A_111] : memref<16x1xf32, #tpu.memory_space<vmem>>, vector<16x1xf32>
    %add3A_113 = vector.broadcast %get3A_112 : vector<16x1xf32> to vector<16x8192xf32>
    %add3A_114 = arith.addf %dot_general3A_109, %add3A_113 : vector<16x8192xf32>
    %max3A_115 = arith.constant 0.000000e+00 : f32
    %max3A_116 = vector.broadcast %max3A_115 : f32 to vector<16x8192xf32>
    %max3A_117 = arith.maximumf %add3A_114, %max3A_116 : vector<16x8192xf32>
    %get3A_118 = arith.constant 0 : index
    %get3A_119 = arith.constant 0 : index
    %get3A_120 = vector.load %arg4[%get3A_118, %get3A_119] : memref<8x16xf32, #tpu.memory_space<vmem>>, vector<8x16xf32>
    %dot_general3A_121 = arith.constant dense<0.000000e+00> : vector<8x8192xf32>
    %dot_general3A_122 = tpu.matmul %get3A_120, %max3A_117, %dot_general3A_121 {dimension_numbers = #tpu.dot_dimension_numbers<[1], [0], [0], [1], [0, 0, 1, 1], [], []>, transpose_lhs_hint = false} : vector<8x16xf32>, vector<16x8192xf32>, vector<8x8192xf32> -> vector<8x8192xf32>
    %get3A_123 = arith.constant 0 : index
    %get3A_124 = arith.constant 0 : index
    %get3A_125 = vector.load %arg5[%get3A_123, %get3A_124] : memref<8x1xf32, #tpu.memory_space<vmem>>, vector<8x1xf32>
    %add3A_126 = vector.broadcast %get3A_125 : vector<8x1xf32> to vector<8x8192xf32>
    %add3A_127 = arith.addf %dot_general3A_122, %add3A_126 : vector<8x8192xf32>
    %max3A_128 = arith.constant 0.000000e+00 : f32
    %max3A_129 = vector.broadcast %max3A_128 : f32 to vector<8x8192xf32>
    %max3A_130 = arith.maximumf %add3A_127, %max3A_129 : vector<8x8192xf32>
    %get3A_131 = arith.constant 0 : index
    %get3A_132 = arith.constant 0 : index
    %get3A_133 = vector.load %arg6[%get3A_131, %get3A_132] : memref<1x8xf32, #tpu.memory_space<vmem>>, vector<1x8xf32>
    %dot_general3A_134 = arith.constant dense<0.000000e+00> : vector<1x8192xf32>
    %dot_general3A_135 = tpu.matmul %get3A_133, %max3A_130, %dot_general3A_134 {dimension_numbers = #tpu.dot_dimension_numbers<[1], [0], [0], [1], [0, 0, 1, 1], [], []>, transpose_lhs_hint = false} : vector<1x8xf32>, vector<8x8192xf32>, vector<1x8192xf32> -> vector<1x8192xf32>
    %get3A_136 = arith.constant 0 : index
    %get3A_137 = arith.constant 0 : index
    %get3A_138 = vector.load %arg7[%get3A_136, %get3A_137] : memref<1x1xf32, #tpu.memory_space<vmem>>, vector<1x1xf32>
    %add3A_139 = vector.broadcast %get3A_138 : vector<1x1xf32> to vector<1x8192xf32>
    %add3A_140 = arith.addf %dot_general3A_135, %add3A_139 : vector<1x8192xf32>
    %custom_jvp_call3A_141 = arith.constant 0.000000e+00 : f32
    %max3A_142 = vector.broadcast %custom_jvp_call3A_141 : f32 to vector<1x8192xf32>
    %max3A_143 = arith.maximumf %add3A_140, %max3A_142 : vector<1x8192xf32>
    %sub3A_144 = vector.broadcast %custom_jvp_call3A_141 : f32 to vector<1x8192xf32>
    %sub3A_145 = arith.subf %add3A_140, %sub3A_144 : vector<1x8192xf32>
    %ne3A_146 = arith.cmpf one, %sub3A_145, %sub3A_145 : vector<1x8192xf32>
    %add3A_147 = vector.broadcast %custom_jvp_call3A_141 : f32 to vector<1x8192xf32>
    %add3A_148 = arith.addf %add3A_140, %add3A_147 : vector<1x8192xf32>
    %abs3A_149 = math.absf %sub3A_145 : vector<1x8192xf32>
    %neg3A_150 = arith.constant 0.000000e+00 : f32
    %neg3A_151 = vector.broadcast %neg3A_150 : f32 to vector<1x8192xf32>
    %neg3A_152 = arith.subf %neg3A_151, %abs3A_149 : vector<1x8192xf32>
    %exp3A_153 = math.exp %neg3A_152 : vector<1x8192xf32>
    %log1p3A_154 = math.log1p %exp3A_153 : vector<1x8192xf32>
    %add3A_155 = arith.addf %max3A_143, %log1p3A_154 : vector<1x8192xf32>
    %select_n3A_156 = arith.select %ne3A_146, %add3A_148, %add3A_155 : vector<1x8192xi1>, vector<1x8192xf32>
    %reshape3A_157 = vector.shape_cast %select_n3A_156 : vector<1x8192xf32> to vector<8192xf32>
    %swap3A_158 = arith.constant 16384 : index
    %swap3A_159 = vector.load %arg8[%swap3A_158] : memref<65536xf32, #tpu.memory_space<vmem>>, vector<8192xf32>
    tpu.vector_store %arg8[%swap3A_158], %reshape3A_157 {strides = array<i32>} : memref<65536xf32, #tpu.memory_space<vmem>>, vector<8192xf32>,
    %get3A_160 = arith.constant 96 : index
    %get3A_161 = arith.constant 0 : index
    %get3A_162 = vector.load %arg1[%get3A_160, %get3A_161] : memref<256x8192xf32, #tpu.memory_space<vmem>>, vector<32x8192xf32>
    %get3A_163 = arith.constant 0 : index
    %get3A_164 = arith.constant 0 : index
    %get3A_165 = vector.load %arg2[%get3A_163, %get3A_164] : memref<16x32xf32, #tpu.memory_space<vmem>>, vector<16x32xf32>
    %dot_general3A_166 = arith.constant dense<0.000000e+00> : vector<16x8192xf32>
    %dot_general3A_167 = tpu.matmul %get3A_165, %get3A_162, %dot_general3A_166 {dimension_numbers = #tpu.dot_dimension_numbers<[1], [0], [0], [1], [0, 0, 1, 1], [], []>, transpose_lhs_hint = false} : vector<16x32xf32>, vector<32x8192xf32>, vector<16x8192xf32> -> vector<16x8192xf32>
    %get3A_168 = arith.constant 0 : index
    %get3A_169 = arith.constant 0 : index
    %get3A_170 = vector.load %arg3[%get3A_168, %get3A_169] : memref<16x1xf32, #tpu.memory_space<vmem>>, vector<16x1xf32>
    %add3A_171 = vector.broadcast %get3A_170 : vector<16x1xf32> to vector<16x8192xf32>
    %add3A_172 = arith.addf %dot_general3A_167, %add3A_171 : vector<16x8192xf32>
    %max3A_173 = arith.constant 0.000000e+00 : f32
    %max3A_174 = vector.broadcast %max3A_173 : f32 to vector<16x8192xf32>
    %max3A_175 = arith.maximumf %add3A_172, %max3A_174 : vector<16x8192xf32>
    %get3A_176 = arith.constant 0 : index
    %get3A_177 = arith.constant 0 : index
    %get3A_178 = vector.load %arg4[%get3A_176, %get3A_177] : memref<8x16xf32, #tpu.memory_space<vmem>>, vector<8x16xf32>
    %dot_general3A_179 = arith.constant dense<0.000000e+00> : vector<8x8192xf32>
    %dot_general3A_180 = tpu.matmul %get3A_178, %max3A_175, %dot_general3A_179 {dimension_numbers = #tpu.dot_dimension_numbers<[1], [0], [0], [1], [0, 0, 1, 1], [], []>, transpose_lhs_hint = false} : vector<8x16xf32>, vector<16x8192xf32>, vector<8x8192xf32> -> vector<8x8192xf32>
    %get3A_181 = arith.constant 0 : index
    %get3A_182 = arith.constant 0 : index
    %get3A_183 = vector.load %arg5[%get3A_181, %get3A_182] : memref<8x1xf32, #tpu.memory_space<vmem>>, vector<8x1xf32>
    %add3A_184 = vector.broadcast %get3A_183 : vector<8x1xf32> to vector<8x8192xf32>
    %add3A_185 = arith.addf %dot_general3A_180, %add3A_184 : vector<8x8192xf32>
    %max3A_186 = arith.constant 0.000000e+00 : f32
    %max3A_187 = vector.broadcast %max3A_186 : f32 to vector<8x8192xf32>
    %max3A_188 = arith.maximumf %add3A_185, %max3A_187 : vector<8x8192xf32>
    %get3A_189 = arith.constant 0 : index
    %get3A_190 = arith.constant 0 : index
    %get3A_191 = vector.load %arg6[%get3A_189, %get3A_190] : memref<1x8xf32, #tpu.memory_space<vmem>>, vector<1x8xf32>
    %dot_general3A_192 = arith.constant dense<0.000000e+00> : vector<1x8192xf32>
    %dot_general3A_193 = tpu.matmul %get3A_191, %max3A_188, %dot_general3A_192 {dimension_numbers = #tpu.dot_dimension_numbers<[1], [0], [0], [1], [0, 0, 1, 1], [], []>, transpose_lhs_hint = false} : vector<1x8xf32>, vector<8x8192xf32>, vector<1x8192xf32> -> vector<1x8192xf32>
    %get3A_194 = arith.constant 0 : index
    %get3A_195 = arith.constant 0 : index
    %get3A_196 = vector.load %arg7[%get3A_194, %get3A_195] : memref<1x1xf32, #tpu.memory_space<vmem>>, vector<1x1xf32>
    %add3A_197 = vector.broadcast %get3A_196 : vector<1x1xf32> to vector<1x8192xf32>
    %add3A_198 = arith.addf %dot_general3A_193, %add3A_197 : vector<1x8192xf32>
    %custom_jvp_call3A_199 = arith.constant 0.000000e+00 : f32
    %max3A_200 = vector.broadcast %custom_jvp_call3A_199 : f32 to vector<1x8192xf32>
    %max3A_201 = arith.maximumf %add3A_198, %max3A_200 : vector<1x8192xf32>
    %sub3A_202 = vector.broadcast %custom_jvp_call3A_199 : f32 to vector<1x8192xf32>
    %sub3A_203 = arith.subf %add3A_198, %sub3A_202 : vector<1x8192xf32>
    %ne3A_204 = arith.cmpf one, %sub3A_203, %sub3A_203 : vector<1x8192xf32>
    %add3A_205 = vector.broadcast %custom_jvp_call3A_199 : f32 to vector<1x8192xf32>
    %add3A_206 = arith.addf %add3A_198, %add3A_205 : vector<1x8192xf32>
    %abs3A_207 = math.absf %sub3A_203 : vector<1x8192xf32>
    %neg3A_208 = arith.constant 0.000000e+00 : f32
    %neg3A_209 = vector.broadcast %neg3A_208 : f32 to vector<1x8192xf32>
    %neg3A_210 = arith.subf %neg3A_209, %abs3A_207 : vector<1x8192xf32>
    %exp3A_211 = math.exp %neg3A_210 : vector<1x8192xf32>
    %log1p3A_212 = math.log1p %exp3A_211 : vector<1x8192xf32>
    %add3A_213 = arith.addf %max3A_201, %log1p3A_212 : vector<1x8192xf32>
    %select_n3A_214 = arith.select %ne3A_204, %add3A_206, %add3A_213 : vector<1x8192xi1>, vector<1x8192xf32>
    %reshape3A_215 = vector.shape_cast %select_n3A_214 : vector<1x8192xf32> to vector<8192xf32>
    %swap3A_216 = arith.constant 24576 : index
    %swap3A_217 = vector.load %arg8[%swap3A_216] : memref<65536xf32, #tpu.memory_space<vmem>>, vector<8192xf32>
    tpu.vector_store %arg8[%swap3A_216], %reshape3A_215 {strides = array<i32>} : memref<65536xf32, #tpu.memory_space<vmem>>, vector<8192xf32>,
    %get3A_218 = arith.constant 128 : index
    %get3A_219 = arith.constant 0 : index
    %get3A_220 = vector.load %arg1[%get3A_218, %get3A_219] : memref<256x8192xf32, #tpu.memory_space<vmem>>, vector<32x8192xf32>
    %get3A_221 = arith.constant 0 : index
    %get3A_222 = arith.constant 0 : index
    %get3A_223 = vector.load %arg2[%get3A_221, %get3A_222] : memref<16x32xf32, #tpu.memory_space<vmem>>, vector<16x32xf32>
    %dot_general3A_224 = arith.constant dense<0.000000e+00> : vector<16x8192xf32>
    %dot_general3A_225 = tpu.matmul %get3A_223, %get3A_220, %dot_general3A_224 {dimension_numbers = #tpu.dot_dimension_numbers<[1], [0], [0], [1], [0, 0, 1, 1], [], []>, transpose_lhs_hint = false} : vector<16x32xf32>, vector<32x8192xf32>, vector<16x8192xf32> -> vector<16x8192xf32>
    %get3A_226 = arith.constant 0 : index
    %get3A_227 = arith.constant 0 : index
    %get3A_228 = vector.load %arg3[%get3A_226, %get3A_227] : memref<16x1xf32, #tpu.memory_space<vmem>>, vector<16x1xf32>
    %add3A_229 = vector.broadcast %get3A_228 : vector<16x1xf32> to vector<16x8192xf32>
    %add3A_230 = arith.addf %dot_general3A_225, %add3A_229 : vector<16x8192xf32>
    %max3A_231 = arith.constant 0.000000e+00 : f32
    %max3A_232 = vector.broadcast %max3A_231 : f32 to vector<16x8192xf32>
    %max3A_233 = arith.maximumf %add3A_230, %max3A_232 : vector<16x8192xf32>
    %get3A_234 = arith.constant 0 : index
    %get3A_235 = arith.constant 0 : index
    %get3A_236 = vector.load %arg4[%get3A_234, %get3A_235] : memref<8x16xf32, #tpu.memory_space<vmem>>, vector<8x16xf32>
    %dot_general3A_237 = arith.constant dense<0.000000e+00> : vector<8x8192xf32>
    %dot_general3A_238 = tpu.matmul %get3A_236, %max3A_233, %dot_general3A_237 {dimension_numbers = #tpu.dot_dimension_numbers<[1], [0], [0], [1], [0, 0, 1, 1], [], []>, transpose_lhs_hint = false} : vector<8x16xf32>, vector<16x8192xf32>, vector<8x8192xf32> -> vector<8x8192xf32>
    %get3A_239 = arith.constant 0 : index
    %get3A_240 = arith.constant 0 : index
    %get3A_241 = vector.load %arg5[%get3A_239, %get3A_240] : memref<8x1xf32, #tpu.memory_space<vmem>>, vector<8x1xf32>
    %add3A_242 = vector.broadcast %get3A_241 : vector<8x1xf32> to vector<8x8192xf32>
    %add3A_243 = arith.addf %dot_general3A_238, %add3A_242 : vector<8x8192xf32>
    %max3A_244 = arith.constant 0.000000e+00 : f32
    %max3A_245 = vector.broadcast %max3A_244 : f32 to vector<8x8192xf32>
    %max3A_246 = arith.maximumf %add3A_243, %max3A_245 : vector<8x8192xf32>
    %get3A_247 = arith.constant 0 : index
    %get3A_248 = arith.constant 0 : index
    %get3A_249 = vector.load %arg6[%get3A_247, %get3A_248] : memref<1x8xf32, #tpu.memory_space<vmem>>, vector<1x8xf32>
    %dot_general3A_250 = arith.constant dense<0.000000e+00> : vector<1x8192xf32>
    %dot_general3A_251 = tpu.matmul %get3A_249, %max3A_246, %dot_general3A_250 {dimension_numbers = #tpu.dot_dimension_numbers<[1], [0], [0], [1], [0, 0, 1, 1], [], []>, transpose_lhs_hint = false} : vector<1x8xf32>, vector<8x8192xf32>, vector<1x8192xf32> -> vector<1x8192xf32>
    %get3A_252 = arith.constant 0 : index
    %get3A_253 = arith.constant 0 : index
    %get3A_254 = vector.load %arg7[%get3A_252, %get3A_253] : memref<1x1xf32, #tpu.memory_space<vmem>>, vector<1x1xf32>
    %add3A_255 = vector.broadcast %get3A_254 : vector<1x1xf32> to vector<1x8192xf32>
    %add3A_256 = arith.addf %dot_general3A_251, %add3A_255 : vector<1x8192xf32>
    %custom_jvp_call3A_257 = arith.constant 0.000000e+00 : f32
    %max3A_258 = vector.broadcast %custom_jvp_call3A_257 : f32 to vector<1x8192xf32>
    %max3A_259 = arith.maximumf %add3A_256, %max3A_258 : vector<1x8192xf32>
    %sub3A_260 = vector.broadcast %custom_jvp_call3A_257 : f32 to vector<1x8192xf32>
    %sub3A_261 = arith.subf %add3A_256, %sub3A_260 : vector<1x8192xf32>
    %ne3A_262 = arith.cmpf one, %sub3A_261, %sub3A_261 : vector<1x8192xf32>
    %add3A_263 = vector.broadcast %custom_jvp_call3A_257 : f32 to vector<1x8192xf32>
    %add3A_264 = arith.addf %add3A_256, %add3A_263 : vector<1x8192xf32>
    %abs3A_265 = math.absf %sub3A_261 : vector<1x8192xf32>
    %neg3A_266 = arith.constant 0.000000e+00 : f32
    %neg3A_267 = vector.broadcast %neg3A_266 : f32 to vector<1x8192xf32>
    %neg3A_268 = arith.subf %neg3A_267, %abs3A_265 : vector<1x8192xf32>
    %exp3A_269 = math.exp %neg3A_268 : vector<1x8192xf32>
    %log1p3A_270 = math.log1p %exp3A_269 : vector<1x8192xf32>
    %add3A_271 = arith.addf %max3A_259, %log1p3A_270 : vector<1x8192xf32>
    %select_n3A_272 = arith.select %ne3A_262, %add3A_264, %add3A_271 : vector<1x8192xi1>, vector<1x8192xf32>
    %reshape3A_273 = vector.shape_cast %select_n3A_272 : vector<1x8192xf32> to vector<8192xf32>
    %swap3A_274 = arith.constant 32768 : index
    %swap3A_275 = vector.load %arg8[%swap3A_274] : memref<65536xf32, #tpu.memory_space<vmem>>, vector<8192xf32>
    tpu.vector_store %arg8[%swap3A_274], %reshape3A_273 {strides = array<i32>} : memref<65536xf32, #tpu.memory_space<vmem>>, vector<8192xf32>,
    %get3A_276 = arith.constant 160 : index
    %get3A_277 = arith.constant 0 : index
    %get3A_278 = vector.load %arg1[%get3A_276, %get3A_277] : memref<256x8192xf32, #tpu.memory_space<vmem>>, vector<32x8192xf32>
    %get3A_279 = arith.constant 0 : index
    %get3A_280 = arith.constant 0 : index
    %get3A_281 = vector.load %arg2[%get3A_279, %get3A_280] : memref<16x32xf32, #tpu.memory_space<vmem>>, vector<16x32xf32>
    %dot_general3A_282 = arith.constant dense<0.000000e+00> : vector<16x8192xf32>
    %dot_general3A_283 = tpu.matmul %get3A_281, %get3A_278, %dot_general3A_282 {dimension_numbers = #tpu.dot_dimension_numbers<[1], [0], [0], [1], [0, 0, 1, 1], [], []>, transpose_lhs_hint = false} : vector<16x32xf32>, vector<32x8192xf32>, vector<16x8192xf32> -> vector<16x8192xf32>
    %get3A_284 = arith.constant 0 : index
    %get3A_285 = arith.constant 0 : index
    %get3A_286 = vector.load %arg3[%get3A_284, %get3A_285] : memref<16x1xf32, #tpu.memory_space<vmem>>, vector<16x1xf32>
    %add3A_287 = vector.broadcast %get3A_286 : vector<16x1xf32> to vector<16x8192xf32>
    %add3A_288 = arith.addf %dot_general3A_283, %add3A_287 : vector<16x8192xf32>
    %max3A_289 = arith.constant 0.000000e+00 : f32
    %max3A_290 = vector.broadcast %max3A_289 : f32 to vector<16x8192xf32>
    %max3A_291 = arith.maximumf %add3A_288, %max3A_290 : vector<16x8192xf32>
    %get3A_292 = arith.constant 0 : index
    %get3A_293 = arith.constant 0 : index
    %get3A_294 = vector.load %arg4[%get3A_292, %get3A_293] : memref<8x16xf32, #tpu.memory_space<vmem>>, vector<8x16xf32>
    %dot_general3A_295 = arith.constant dense<0.000000e+00> : vector<8x8192xf32>
    %dot_general3A_296 = tpu.matmul %get3A_294, %max3A_291, %dot_general3A_295 {dimension_numbers = #tpu.dot_dimension_numbers<[1], [0], [0], [1], [0, 0, 1, 1], [], []>, transpose_lhs_hint = false} : vector<8x16xf32>, vector<16x8192xf32>, vector<8x8192xf32> -> vector<8x8192xf32>
    %get3A_297 = arith.constant 0 : index
    %get3A_298 = arith.constant 0 : index
    %get3A_299 = vector.load %arg5[%get3A_297, %get3A_298] : memref<8x1xf32, #tpu.memory_space<vmem>>, vector<8x1xf32>
    %add3A_300 = vector.broadcast %get3A_299 : vector<8x1xf32> to vector<8x8192xf32>
    %add3A_301 = arith.addf %dot_general3A_296, %add3A_300 : vector<8x8192xf32>
    %max3A_302 = arith.constant 0.000000e+00 : f32
    %max3A_303 = vector.broadcast %max3A_302 : f32 to vector<8x8192xf32>
    %max3A_304 = arith.maximumf %add3A_301, %max3A_303 : vector<8x8192xf32>
    %get3A_305 = arith.constant 0 : index
    %get3A_306 = arith.constant 0 : index
    %get3A_307 = vector.load %arg6[%get3A_305, %get3A_306] : memref<1x8xf32, #tpu.memory_space<vmem>>, vector<1x8xf32>
    %dot_general3A_308 = arith.constant dense<0.000000e+00> : vector<1x8192xf32>
    %dot_general3A_309 = tpu.matmul %get3A_307, %max3A_304, %dot_general3A_308 {dimension_numbers = #tpu.dot_dimension_numbers<[1], [0], [0], [1], [0, 0, 1, 1], [], []>, transpose_lhs_hint = false} : vector<1x8xf32>, vector<8x8192xf32>, vector<1x8192xf32> -> vector<1x8192xf32>
    %get3A_310 = arith.constant 0 : index
    %get3A_311 = arith.constant 0 : index
    %get3A_312 = vector.load %arg7[%get3A_310, %get3A_311] : memref<1x1xf32, #tpu.memory_space<vmem>>, vector<1x1xf32>
    %add3A_313 = vector.broadcast %get3A_312 : vector<1x1xf32> to vector<1x8192xf32>
    %add3A_314 = arith.addf %dot_general3A_309, %add3A_313 : vector<1x8192xf32>
    %custom_jvp_call3A_315 = arith.constant 0.000000e+00 : f32
    %max3A_316 = vector.broadcast %custom_jvp_call3A_315 : f32 to vector<1x8192xf32>
    %max3A_317 = arith.maximumf %add3A_314, %max3A_316 : vector<1x8192xf32>
    %sub3A_318 = vector.broadcast %custom_jvp_call3A_315 : f32 to vector<1x8192xf32>
    %sub3A_319 = arith.subf %add3A_314, %sub3A_318 : vector<1x8192xf32>
    %ne3A_320 = arith.cmpf one, %sub3A_319, %sub3A_319 : vector<1x8192xf32>
    %add3A_321 = vector.broadcast %custom_jvp_call3A_315 : f32 to vector<1x8192xf32>
    %add3A_322 = arith.addf %add3A_314, %add3A_321 : vector<1x8192xf32>
    %abs3A_323 = math.absf %sub3A_319 : vector<1x8192xf32>
    %neg3A_324 = arith.constant 0.000000e+00 : f32
    %neg3A_325 = vector.broadcast %neg3A_324 : f32 to vector<1x8192xf32>
    %neg3A_326 = arith.subf %neg3A_325, %abs3A_323 : vector<1x8192xf32>
    %exp3A_327 = math.exp %neg3A_326 : vector<1x8192xf32>
    %log1p3A_328 = math.log1p %exp3A_327 : vector<1x8192xf32>
    %add3A_329 = arith.addf %max3A_317, %log1p3A_328 : vector<1x8192xf32>
    %select_n3A_330 = arith.select %ne3A_320, %add3A_322, %add3A_329 : vector<1x8192xi1>, vector<1x8192xf32>
    %reshape3A_331 = vector.shape_cast %select_n3A_330 : vector<1x8192xf32> to vector<8192xf32>
    %swap3A_332 = arith.constant 40960 : index
    %swap3A_333 = vector.load %arg8[%swap3A_332] : memref<65536xf32, #tpu.memory_space<vmem>>, vector<8192xf32>
    tpu.vector_store %arg8[%swap3A_332], %reshape3A_331 {strides = array<i32>} : memref<65536xf32, #tpu.memory_space<vmem>>, vector<8192xf32>,
    %get3A_334 = arith.constant 192 : index
    %get3A_335 = arith.constant 0 : index
    %get3A_336 = vector.load %arg1[%get3A_334, %get3A_335] : memref<256x8192xf32, #tpu.memory_space<vmem>>, vector<32x8192xf32>
    %get3A_337 = arith.constant 0 : index
    %get3A_338 = arith.constant 0 : index
    %get3A_339 = vector.load %arg2[%get3A_337, %get3A_338] : memref<16x32xf32, #tpu.memory_space<vmem>>, vector<16x32xf32>
    %dot_general3A_340 = arith.constant dense<0.000000e+00> : vector<16x8192xf32>
    %dot_general3A_341 = tpu.matmul %get3A_339, %get3A_336, %dot_general3A_340 {dimension_numbers = #tpu.dot_dimension_numbers<[1], [0], [0], [1], [0, 0, 1, 1], [], []>, transpose_lhs_hint = false} : vector<16x32xf32>, vector<32x8192xf32>, vector<16x8192xf32> -> vector<16x8192xf32>
    %get3A_342 = arith.constant 0 : index
    %get3A_343 = arith.constant 0 : index
    %get3A_344 = vector.load %arg3[%get3A_342, %get3A_343] : memref<16x1xf32, #tpu.memory_space<vmem>>, vector<16x1xf32>
    %add3A_345 = vector.broadcast %get3A_344 : vector<16x1xf32> to vector<16x8192xf32>
    %add3A_346 = arith.addf %dot_general3A_341, %add3A_345 : vector<16x8192xf32>
    %max3A_347 = arith.constant 0.000000e+00 : f32
    %max3A_348 = vector.broadcast %max3A_347 : f32 to vector<16x8192xf32>
    %max3A_349 = arith.maximumf %add3A_346, %max3A_348 : vector<16x8192xf32>
    %get3A_350 = arith.constant 0 : index
    %get3A_351 = arith.constant 0 : index
    %get3A_352 = vector.load %arg4[%get3A_350, %get3A_351] : memref<8x16xf32, #tpu.memory_space<vmem>>, vector<8x16xf32>
    %dot_general3A_353 = arith.constant dense<0.000000e+00> : vector<8x8192xf32>
    %dot_general3A_354 = tpu.matmul %get3A_352, %max3A_349, %dot_general3A_353 {dimension_numbers = #tpu.dot_dimension_numbers<[1], [0], [0], [1], [0, 0, 1, 1], [], []>, transpose_lhs_hint = false} : vector<8x16xf32>, vector<16x8192xf32>, vector<8x8192xf32> -> vector<8x8192xf32>
    %get3A_355 = arith.constant 0 : index
    %get3A_356 = arith.constant 0 : index
    %get3A_357 = vector.load %arg5[%get3A_355, %get3A_356] : memref<8x1xf32, #tpu.memory_space<vmem>>, vector<8x1xf32>
    %add3A_358 = vector.broadcast %get3A_357 : vector<8x1xf32> to vector<8x8192xf32>
    %add3A_359 = arith.addf %dot_general3A_354, %add3A_358 : vector<8x8192xf32>
    %max3A_360 = arith.constant 0.000000e+00 : f32
    %max3A_361 = vector.broadcast %max3A_360 : f32 to vector<8x8192xf32>
    %max3A_362 = arith.maximumf %add3A_359, %max3A_361 : vector<8x8192xf32>
    %get3A_363 = arith.constant 0 : index
    %get3A_364 = arith.constant 0 : index
    %get3A_365 = vector.load %arg6[%get3A_363, %get3A_364] : memref<1x8xf32, #tpu.memory_space<vmem>>, vector<1x8xf32>
    %dot_general3A_366 = arith.constant dense<0.000000e+00> : vector<1x8192xf32>
    %dot_general3A_367 = tpu.matmul %get3A_365, %max3A_362, %dot_general3A_366 {dimension_numbers = #tpu.dot_dimension_numbers<[1], [0], [0], [1], [0, 0, 1, 1], [], []>, transpose_lhs_hint = false} : vector<1x8xf32>, vector<8x8192xf32>, vector<1x8192xf32> -> vector<1x8192xf32>
    %get3A_368 = arith.constant 0 : index
    %get3A_369 = arith.constant 0 : index
    %get3A_370 = vector.load %arg7[%get3A_368, %get3A_369] : memref<1x1xf32, #tpu.memory_space<vmem>>, vector<1x1xf32>
    %add3A_371 = vector.broadcast %get3A_370 : vector<1x1xf32> to vector<1x8192xf32>
    %add3A_372 = arith.addf %dot_general3A_367, %add3A_371 : vector<1x8192xf32>
    %custom_jvp_call3A_373 = arith.constant 0.000000e+00 : f32
    %max3A_374 = vector.broadcast %custom_jvp_call3A_373 : f32 to vector<1x8192xf32>
    %max3A_375 = arith.maximumf %add3A_372, %max3A_374 : vector<1x8192xf32>
    %sub3A_376 = vector.broadcast %custom_jvp_call3A_373 : f32 to vector<1x8192xf32>
    %sub3A_377 = arith.subf %add3A_372, %sub3A_376 : vector<1x8192xf32>
    %ne3A_378 = arith.cmpf one, %sub3A_377, %sub3A_377 : vector<1x8192xf32>
    %add3A_379 = vector.broadcast %custom_jvp_call3A_373 : f32 to vector<1x8192xf32>
    %add3A_380 = arith.addf %add3A_372, %add3A_379 : vector<1x8192xf32>
    %abs3A_381 = math.absf %sub3A_377 : vector<1x8192xf32>
    %neg3A_382 = arith.constant 0.000000e+00 : f32
    %neg3A_383 = vector.broadcast %neg3A_382 : f32 to vector<1x8192xf32>
    %neg3A_384 = arith.subf %neg3A_383, %abs3A_381 : vector<1x8192xf32>
    %exp3A_385 = math.exp %neg3A_384 : vector<1x8192xf32>
    %log1p3A_386 = math.log1p %exp3A_385 : vector<1x8192xf32>
    %add3A_387 = arith.addf %max3A_375, %log1p3A_386 : vector<1x8192xf32>
    %select_n3A_388 = arith.select %ne3A_378, %add3A_380, %add3A_387 : vector<1x8192xi1>, vector<1x8192xf32>
    %reshape3A_389 = vector.shape_cast %select_n3A_388 : vector<1x8192xf32> to vector<8192xf32>
    %swap3A_390 = arith.constant 49152 : index
    %swap3A_391 = vector.load %arg8[%swap3A_390] : memref<65536xf32, #tpu.memory_space<vmem>>, vector<8192xf32>
    tpu.vector_store %arg8[%swap3A_390], %reshape3A_389 {strides = array<i32>} : memref<65536xf32, #tpu.memory_space<vmem>>, vector<8192xf32>,
    %get3A_392 = arith.constant 224 : index
    %get3A_393 = arith.constant 0 : index
    %get3A_394 = vector.load %arg1[%get3A_392, %get3A_393] : memref<256x8192xf32, #tpu.memory_space<vmem>>, vector<32x8192xf32>
    %get3A_395 = arith.constant 0 : index
    %get3A_396 = arith.constant 0 : index
    %get3A_397 = vector.load %arg2[%get3A_395, %get3A_396] : memref<16x32xf32, #tpu.memory_space<vmem>>, vector<16x32xf32>
    %dot_general3A_398 = arith.constant dense<0.000000e+00> : vector<16x8192xf32>
    %dot_general3A_399 = tpu.matmul %get3A_397, %get3A_394, %dot_general3A_398 {dimension_numbers = #tpu.dot_dimension_numbers<[1], [0], [0], [1], [0, 0, 1, 1], [], []>, transpose_lhs_hint = false} : vector<16x32xf32>, vector<32x8192xf32>, vector<16x8192xf32> -> vector<16x8192xf32>
    %get3A_400 = arith.constant 0 : index
    %get3A_401 = arith.constant 0 : index
    %get3A_402 = vector.load %arg3[%get3A_400, %get3A_401] : memref<16x1xf32, #tpu.memory_space<vmem>>, vector<16x1xf32>
    %add3A_403 = vector.broadcast %get3A_402 : vector<16x1xf32> to vector<16x8192xf32>
    %add3A_404 = arith.addf %dot_general3A_399, %add3A_403 : vector<16x8192xf32>
    %max3A_405 = arith.constant 0.000000e+00 : f32
    %max3A_406 = vector.broadcast %max3A_405 : f32 to vector<16x8192xf32>
    %max3A_407 = arith.maximumf %add3A_404, %max3A_406 : vector<16x8192xf32>
    %get3A_408 = arith.constant 0 : index
    %get3A_409 = arith.constant 0 : index
    %get3A_410 = vector.load %arg4[%get3A_408, %get3A_409] : memref<8x16xf32, #tpu.memory_space<vmem>>, vector<8x16xf32>
    %dot_general3A_411 = arith.constant dense<0.000000e+00> : vector<8x8192xf32>
    %dot_general3A_412 = tpu.matmul %get3A_410, %max3A_407, %dot_general3A_411 {dimension_numbers = #tpu.dot_dimension_numbers<[1], [0], [0], [1], [0, 0, 1, 1], [], []>, transpose_lhs_hint = false} : vector<8x16xf32>, vector<16x8192xf32>, vector<8x8192xf32> -> vector<8x8192xf32>
    %get3A_413 = arith.constant 0 : index
    %get3A_414 = arith.constant 0 : index
    %get3A_415 = vector.load %arg5[%get3A_413, %get3A_414] : memref<8x1xf32, #tpu.memory_space<vmem>>, vector<8x1xf32>
    %add3A_416 = vector.broadcast %get3A_415 : vector<8x1xf32> to vector<8x8192xf32>
    %add3A_417 = arith.addf %dot_general3A_412, %add3A_416 : vector<8x8192xf32>
    %max3A_418 = arith.constant 0.000000e+00 : f32
    %max3A_419 = vector.broadcast %max3A_418 : f32 to vector<8x8192xf32>
    %max3A_420 = arith.maximumf %add3A_417, %max3A_419 : vector<8x8192xf32>
    %get3A_421 = arith.constant 0 : index
    %get3A_422 = arith.constant 0 : index
    %get3A_423 = vector.load %arg6[%get3A_421, %get3A_422] : memref<1x8xf32, #tpu.memory_space<vmem>>, vector<1x8xf32>
    %dot_general3A_424 = arith.constant dense<0.000000e+00> : vector<1x8192xf32>
    %dot_general3A_425 = tpu.matmul %get3A_423, %max3A_420, %dot_general3A_424 {dimension_numbers = #tpu.dot_dimension_numbers<[1], [0], [0], [1], [0, 0, 1, 1], [], []>, transpose_lhs_hint = false} : vector<1x8xf32>, vector<8x8192xf32>, vector<1x8192xf32> -> vector<1x8192xf32>
    %get3A_426 = arith.constant 0 : index
    %get3A_427 = arith.constant 0 : index
    %get3A_428 = vector.load %arg7[%get3A_426, %get3A_427] : memref<1x1xf32, #tpu.memory_space<vmem>>, vector<1x1xf32>
    %add3A_429 = vector.broadcast %get3A_428 : vector<1x1xf32> to vector<1x8192xf32>
    %add3A_430 = arith.addf %dot_general3A_425, %add3A_429 : vector<1x8192xf32>
    %custom_jvp_call3A_431 = arith.constant 0.000000e+00 : f32
    %max3A_432 = vector.broadcast %custom_jvp_call3A_431 : f32 to vector<1x8192xf32>
    %max3A_433 = arith.maximumf %add3A_430, %max3A_432 : vector<1x8192xf32>
    %sub3A_434 = vector.broadcast %custom_jvp_call3A_431 : f32 to vector<1x8192xf32>
    %sub3A_435 = arith.subf %add3A_430, %sub3A_434 : vector<1x8192xf32>
    %ne3A_436 = arith.cmpf one, %sub3A_435, %sub3A_435 : vector<1x8192xf32>
    %add3A_437 = vector.broadcast %custom_jvp_call3A_431 : f32 to vector<1x8192xf32>
    %add3A_438 = arith.addf %add3A_430, %add3A_437 : vector<1x8192xf32>
    %abs3A_439 = math.absf %sub3A_435 : vector<1x8192xf32>
    %neg3A_440 = arith.constant 0.000000e+00 : f32
    %neg3A_441 = vector.broadcast %neg3A_440 : f32 to vector<1x8192xf32>
    %neg3A_442 = arith.subf %neg3A_441, %abs3A_439 : vector<1x8192xf32>
    %exp3A_443 = math.exp %neg3A_442 : vector<1x8192xf32>
    %log1p3A_444 = math.log1p %exp3A_443 : vector<1x8192xf32>
    %add3A_445 = arith.addf %max3A_433, %log1p3A_444 : vector<1x8192xf32>
    %select_n3A_446 = arith.select %ne3A_436, %add3A_438, %add3A_445 : vector<1x8192xi1>, vector<1x8192xf32>
    %reshape3A_447 = vector.shape_cast %select_n3A_446 : vector<1x8192xf32> to vector<8192xf32>
    %swap3A_448 = arith.constant 57344 : index
    %swap3A_449 = vector.load %arg8[%swap3A_448] : memref<65536xf32, #tpu.memory_space<vmem>>, vector<8192xf32>
    tpu.vector_store %arg8[%swap3A_448], %reshape3A_447 {strides = array<i32>} : memref<65536xf32, #tpu.memory_space<vmem>>, vector<8192xf32>,
    return
  }
  func.func @transform_0(%arg0: i32) -> (i32, i32) {
    %c0_i32 = arith.constant 0 : i32
    %c0_i32_0 = arith.constant 0 : i32
    return %arg0, %c0_i32 : i32, i32
  }
  func.func @transform_1(%arg0: i32) -> (i32, i32) {
    %c0_i32 = arith.constant 0 : i32
    %c0_i32_0 = arith.constant 0 : i32
    %c0_i32_1 = arith.constant 0 : i32
    return %c0_i32, %c0_i32_0 : i32, i32
  }
  func.func @transform_2(%arg0: i32) -> (i32, i32) {
    %c0_i32 = arith.constant 0 : i32
    %c0_i32_0 = arith.constant 0 : i32
    %c0_i32_1 = arith.constant 0 : i32
    return %c0_i32, %c0_i32_0 : i32, i32
  }
  func.func @transform_3(%arg0: i32) -> (i32, i32) {
    %c0_i32 = arith.constant 0 : i32
    %c0_i32_0 = arith.constant 0 : i32
    %c0_i32_1 = arith.constant 0 : i32
    return %c0_i32, %c0_i32_0 : i32, i32
  }
  func.func @transform_4(%arg0: i32) -> (i32, i32) {
    %c0_i32 = arith.constant 0 : i32
    %c0_i32_0 = arith.constant 0 : i32
    %c0_i32_1 = arith.constant 0 : i32
    return %c0_i32, %c0_i32_0 : i32, i32
  }
  func.func @transform_5(%arg0: i32) -> (i32, i32) {
    %c0_i32 = arith.constant 0 : i32
    %c0_i32_0 = arith.constant 0 : i32
    %c0_i32_1 = arith.constant 0 : i32
    return %c0_i32, %c0_i32_0 : i32, i32
  }
  func.func @transform_6(%arg0: i32) -> (i32, i32) {
    %c0_i32 = arith.constant 0 : i32
    %c0_i32_0 = arith.constant 0 : i32
    %c0_i32_1 = arith.constant 0 : i32
    return %c0_i32, %c0_i32_0 : i32, i32
  }
  func.func @transform_7(%arg0: i32) -> i32 {
    %c0_i32 = arith.constant 0 : i32
    return %arg0 : i32
  }
}

</mosaic_0001>

<sc_bundles>
// kernel: kernel.4.cloned.1.call-start
scs
__scs_entry_jumppad:
0x0: {  	(pc) =	sbr.rel $0x88, $3  }
0x1: {  	(tag) =	ssettag $0x0;
	lr =	simm.s32 $0x1  }
0x2: {  	[smem:$0x3F99] =	sst lr;
	_ =	strace $0xD0000000  }
0x3: {  	_ = 	snop  }
0x4: {  	_ = 	snop  }
0x5: {  	_ = 	snop  }
0x6: {  	_ = 	snop  }
0x7: {  	_ = 	snop  }
__scs_overlays_trampoline_lowered:
0x8: {  	[smem:$0x3FA8] =	sst s0  }
0x9: {  	[smem:$0x3FA9] =	sst s1  }
0xa: {  	[smem:$0x3FAA] =	sst s2  }
0xb: {  	[smem:$0x3FAB] =	sst s3  }
0xc: {  	[smem:$0x3FAC] =	sst s4  }
0xd: {  	[smem:$0x3FAD] =	sst s5  }
0xe: {  	[smem:$0x3FAE] =	sst s6  }
0xf: {  	[smem:$0x3FAF] =	sst s7  }
0x10: {  	[smem:$0x3FB0] =	sst s8  }
0x11: {  	[smem:$0x3FB1] =	sst s9;
	s0 =	simm.s32 @!p0 $0x0  }
0x12: {  	s1 =	sld [smem:$0x3F97];
	s0 =	simm.s32 @p0 $0x1  }
0x13: {  	[smem:$0x3FB2] =	sst s0;
	s0 =	simm.s32 @!p1 $0x0  }
0x14: {  	s2 =	sld [smem:$0x3F96];
	s0 =	simm.s32 @p1 $0x1  }
0x15: {  	[smem:$0x3FB3] =	sst s0;
	s0 =	simm.s32 @!p2 $0x0  }
0x16: {  	s3 =	sld [smem:$0x3FDB];
	s0 =	simm.s32 @p2 $0x1  }
0x17: {  	s4 =	simm.s32 $0x1BF5;
	[smem:$0x3FB5] =	sst s0  }
0x18: {  	s0 =	sld [smem:$0x3F98];
	_ =	swait.ge [sflag:s4], $0x0  }
0x19: {  	s7 =	sld [smem:$0x3F99]  }
0x1a: {  	s8 =	sadd.s32 $0xFFFFE003, lr  }
0x1b: {  	s9 =	sadd.s32 $0xFFFFFEF7, lr;
	s5 =	simm.s32 $0xFFFFFFFF;
	p2 =	slt.u32 s8, $0xFFFFF086  }
0x1c: {  	p1 =	slt.u32 s9, $0xF7A;
	s5 =	simm.s32 @!p2 $0x0  }
0x1d: {  	s5 =	simm.s32 @p1 $0x1;
	p0 =	seq.s32 s7, s2  }
0x1e: {  	s7 =	smul.u32 @!p0 $0xF7A, s2;
	p2 =	seq.s32 @!p0 s5, $0x0  }
0x1f: {  	s9 =	smul.u32 $0xF7A, s1;
	s8 =	simm.s32 @!p0 $0x1BF5;
	p2 =	por !p2, p0  }
0x20: {  	[sflag:s8] =	ssyncset.s32 @!p0 $0xFFFFF086;
	s6 =	sadd.s32 @!p0 s3, s7;
	s7 =	simm.s32 @!p0 $0x108  }
0x21: {  	s3 =	sadd.s32 s3, s9;
	s6 =	sadd.s32 @!p0 $0x88, s6;
	s7 =	simm.s32 @p2 $0x1082  }
0x22: {  	[simem:s7], [sflag:s8] =	dma.local @!p0 [hbm:s6], $0xF7A  }
0x23: {  	s9 =	sor.u32 $0xD0000000, s2;
	s6 =	simm.s32 $0x108;
	_ =	swait.ge @!p0 [sflag:s8], $0x0  }
0x24: {  	s3 =	sadd.s32 $0x88, s3;
	s6 =	simm.s32 @!p1 $0x1082;
	[sflag:s4] =	ssyncset.s32 $0xFFFFF086  }
0x25: {  	[simem:s6], [sflag:s4] =	dma.local [hbm:s3], $0xF7A  }
0x26: {  	[smem:$0x3F99] =	sst s1;
	(tag) =	ssettag s2;
	_ =	strace s9  }
0x27: {  	s1 =	sld [smem:$0x3FA9]  }
0x28: {  	s2 =	sld [smem:$0x3FAA]  }
0x29: {  	s4 =	sld [smem:$0x3FAC]  }
0x2a: {  	p0 =	seq.s32 s5, $0x0;
	s5 =	sld [smem:$0x3FAD]  }
0x2b: {  	s6 =	sld [smem:$0x3FAE]  }
0x2c: {  	s7 =	sld [smem:$0x3FAF]  }
0x2d: {  	s3 =	simm.s32 $0x108;
	s8 =	sld [smem:$0x3FB0]  }
0x2e: {  	s3 =	simm.s32 @!p0 $0x1082;
	s9 =	sld [smem:$0x3FB1]  }
0x2f: {  	lr =	sadd.s32 s0, s3;
	s0 =	sld [smem:$0x3FA8]  }
0x30: {  	s3 =	sld [smem:$0x3FAB]  }
0x31: {  	[smem:$0x3FB4] =	sst s10  }
0x32: {  	s10 =	sld [smem:$0x3FB2];
	_ =	sdelay $0x3  }
0x33: {  	p0 =	seq.s32 s10, $0x1;
	s10 =	sld [smem:$0x3FB4];
	_ =	sdelay $0x3  }
0x34: {  	[smem:$0x3FB4] =	sst s10  }
0x35: {  	s10 =	sld [smem:$0x3FB3];
	_ =	sdelay $0x3  }
0x36: {  	p1 =	seq.s32 s10, $0x1;
	s10 =	sld [smem:$0x3FB4];
	_ =	sdelay $0x3  }
0x37: {  	[smem:$0x3FB4] =	sst s10  }
0x38: {  	s10 =	sld [smem:$0x3FB5]  }
0x39: {  	_ = 	snop;
	(pc) =	sbr.ind lr, $3  }
0x3a: {  	_ = 	snop  }
0x3b: {  	_ = 	snop  }
0x3c: {  	p2 =	seq.s32 s10, $0x1;
	s10 =	sld [smem:$0x3FB4]  }
0x3d: {  	_ =	shalt  }
0x3e: {  	_ =	shalt  }
0x3f: {  	_ =	shalt  }
0x40: {  	_ =	shalt  }
0x41: {  	_ =	shalt  }
0x42: {  	_ =	shalt  }
0x43: {  	_ =	shalt  }
0x44: {  	_ =	shalt  }
0x45: {  	_ =	shalt  }
0x46: {  	_ =	shalt  }
0x47: {  	_ =	shalt  }
0x48: {  	_ =	shalt  }
0x49: {  	_ =	shalt  }
0x4a: {  	_ =	shalt  }
0x4b: {  	_ =	shalt  }
0x4c: {  	_ =	shalt  }
0x4d: {  	_ =	shalt  }
0x4e: {  	_ =	shalt  }
0x4f: {  	_ =	shalt  }
0x50: {  	_ =	shalt  }
0x51: {  	_ =	shalt  }
0x52: {  	_ =	shalt  }
0x53: {  	_ =	shalt  }
0x54: {  	_ =	shalt  }
0x55: {  	_ =	shalt  }
0x56: {  	_ =	shalt  }
0x57: {  	_ =	shalt  }
0x58: {  	_ =	shalt  }
0x59: {  	_ =	shalt  }
0x5a: {  	_ =	shalt  }
0x5b: {  	_ =	shalt  }
0x5c: {  	_ =	shalt  }
0x5d: {  	_ =	shalt  }
0x5e: {  	_ =	shalt  }
0x5f: {  	_ =	shalt  }
0x60: {  	_ =	shalt  }
0x61: {  	_ =	shalt  }
0x62: {  	_ =	shalt  }
0x63: {  	_ =	shalt  }
0x64: {  	_ =	shalt  }
0x65: {  	_ =	shalt  }
0x66: {  	_ =	shalt  }
0x67: {  	_ =	shalt  }
0x68: {  	_ =	shalt  }
0x69: {  	_ =	shalt  }
0x6a: {  	_ =	shalt  }
0x6b: {  	_ =	shalt  }
0x6c: {  	_ =	shalt  }
0x6d: {  	_ =	shalt  }
0x6e: {  	_ =	shalt  }
0x6f: {  	_ =	shalt  }
0x70: {  	_ =	shalt  }
0x71: {  	_ =	shalt  }
0x72: {  	_ =	shalt  }
0x73: {  	_ =	shalt  }
0x74: {  	_ =	shalt  }
0x75: {  	_ =	shalt  }
0x76: {  	_ =	shalt  }
0x77: {  	_ =	shalt  }
0x78: {  	_ =	shalt  }
0x79: {  	_ =	shalt  }
0x7a: {  	_ =	shalt  }
0x7b: {  	_ =	shalt  }
0x7c: {  	_ =	shalt  }
0x7d: {  	_ =	shalt  }
0x7e: {  	_ =	shalt  }
0x7f: {  	_ =	shalt  }
0x80: {  	_ =	shalt  }
0x81: {  	_ =	shalt  }
0x82: {  	_ =	shalt  }
0x83: {  	_ =	shalt  }
0x84: {  	_ =	shalt  }
0x85: {  	_ =	shalt  }
0x86: {  	_ =	shalt  }
0x87: {  	_ =	shalt  }
.Lfunc_end0:
.L_simem_size_0:
called_computation_lowered:
.L_overlay_start_0:
0x88: {  	s2 =	sld [smem:$0x3FD9]  }
0x89: {  	s3 =	sld [smem:$0x3FFE];
	_ =	sdelay $0x1  }
0x8a: {  	s1 =	srdreg.scid  }
0x8b: {  	s0 =	sand.u32 $0x1, s1  }
0x8c: {  	s17 =	sshll.u32 s0, $0xA;
	s2 =	sadd.s32 s3, s2  }
0x8d: {  	s2 =	sadd.s32 s2, s17  }
0x8e: {  	[smem:$0x3FC0] =	sst s2  }
0x8f: {  	_ = 	snop  }
0x90: {  	s2 =	sld [smem:$0x3FD0];
	(tm) =	ssettm $0x1  }
0x91: {  	s18 =	sld [smem:$0x3FFB];
	_ =	sdelay $0x3  }
0x92: {  	_ =	strace s18  }
0x93: {  	s3 =	sld [smem:$0x3FFC];
	_ =	sdelay $0x3  }
0x94: {  	_ =	strace s3  }
0x95: {  	s3 =	sld [smem:$0x3FFD];
	_ =	sdelay $0x3  }
0x96: {  	_ =	strace s3  }
0x97: {  	_ =	strace $0x8FFFFFFF  }
0x98: {  	s19 =	sld [smem:$0x3FDB];
	_ =	sdelay $0x1  }
0x99: {  	s4 =	simm.s32 $_scs_section_size  }
0x9a: {  	s5 =	simm.s32 $_size__tile_overlayer_lowered;
	s6 =	simm.s32 $_tile_overlayer_lowered  }
0x9b: {  	s22 =	simm.s32 $0x1BFF;
	s21 =	sshll.u32 s6, $0x1;
	s3 =	sadd.s32 s4, s19  }
0x9c: {  	s7 =	simm.s32 $0x0;
	s20 =	sshll.u32 s5, $0x1;
	s5 =	sadd.s32 s21, s3  }
0x9d: {  	[timem:s7], [sflag:s22] =	dma.local [hbm:s5], s20  }
0x9e: {  	_ =	swait.ge [sflag:s22], s20  }
0x9f: {  	s4 =	ssub.s32 $0x0, s20;
	[sflag:s22] =	ssyncset.done $0x0  }
0xa0: {  	[sflag:s22] =	ssyncadd.s32 s4;
	_ =	sdelay $0x1  }
0xa1: {  	s23 =	simm.s32 $0x1B8B  }
0xa2: {  	_ =	swait.ge [sflag:s23], $0x1  }
0xa3: {  	[sflag:s23] =	ssyncset.done $0x0  }
0xa4: {  	s25 =	simm.s32 $0x1B8E;
	s24 =	sld [smem:$0x3FFE];
	[sflag:s23] =	ssyncadd.s32 $0xFFFFFFFF  }
0xa5: {  	s26 =	simm.s32 $execute0_lowered;
	[smem:$0x3FD2] =	sst s25  }
0xa6: {  	s5 =	sshll.u32 s26, $0x1;
	_ =	strace $0x80000046;
	[dreg:$0x1] =	wrdreg $0xFFFFFFFF  }
0xa7: {  	s28 =	simm.s32 $_size_execute0_lowered;
	s3 =	sadd.s32 s3, s5;
	[dreg:$0x0] =	wrdreg $0x0  }
0xa8: {  	s5 =	sshll.u32 s28, $0x1;
	[dreg:$0x2] =	wrdreg s3  }
0xa9: {  	[dreg:$0x3] =	wrdreg s5  }
0xaa: {  	[dreg:$0x4] =	wrdreg $0xC0  }
0xab: {  	_ =	task [dreg:s7], $0x5FFFF  }
0xac: {  	[dreg:$0x1] =	wrdreg $0xFFFFFFFF  }
0xad: {  	[dreg:$0x0] =	wrdreg $0x60  }
0xae: {  	[dreg:$0x2] =	wrdreg s24  }
0xaf: {  	[dreg:$0x3] =	wrdreg s2  }
0xb0: {  	[dreg:$0x4] =	wrdreg $0x9  }
0xb1: {  	_ =	task.clear_ibuf [dreg:s7], $0x5FFFF;
	_ =	strace $0x90000046  }
0xb2: {  	s29 =	simm.s32 $0x9;
	_ =	strace $0x80000048  }
0xb3: {  	_ =	swait.ge [sflag:s29], $0x1  }
0xb4: {  	[sflag:s29] =	ssyncadd.s32 $0xFFFFFFFF  }
0xb5: {  	_ =	strace $0x90000048  }
0xb6: {  	_ =	sfence  }
0xb7: {  	s30 =	sld [smem:$0x0];
	_ =	sdelay $0x2  }
0xb8: {  	s31 =	sshll.u32 s1, $0xD;
	s1 =	sshrl.u32 s1, $0x2  }
0xb9: {  	s3 =	sand.u32 $0x4000, s31;
	s1 =	sadd.s32 s1, s30  }
0xba: {  	s0 =	sor.u32 s3, s0;
	s1 =	sshll.u32 s1, $0x11  }
0xbb: {  	s0 =	sor.u32 s1, s0  }
0xbc: {  	s0 =	sadd.s32 $0x8F2B, s0  }
0xbd: {  	[sflag:s0] =	ssyncadd.remote.s32 $0x1  }
0xbe: {  	_ =	sfence.sel $0xFFFF  }
0xbf: {  	[dreg:$0x0] =	wrdreg $0xFFFFFFFF;
	(pc) =	sbr.abs _section_cstart, $3  }
0xc0: {  	[dreg:$0x1] =	wrdreg $0xFFFFFFFF  }
0xc1: {  	_ =	task.clear_ibuf [dreg:s7], $0x2FFFF;
	_ =	strace $0x9FFFFFFF  }
0xc2: {  	(tm) =	ssettm $0x7FFFFFFF  }
0xc3: {  	_ =	shalt  }
tec
execute0_lowered:
.L_overlay_start_1:
0x0: {  	(tag) =	ssettag $0x1  }
0x1: {  	v0 =	vimm.s32 $0x0  }
0x2: {  	s3 =	rddreg [dreg:$0x0];
	v7 =	vimm.s32 $0x7;
	v8 =	vimm.s32 $0x8;
	v9 =	vimm.s32 $0x9  }
0x3: {  	s4 =	rddreg [dreg:$0x1];
	v10 =	vimm.s32 $0xA;
	v11 =	vimm.s32 $0xB;
	v12 =	vimm.s32 $0xC  }
0x4: {  	s0 =	rddreg [dreg:$0x2];
	s5 =	srdreg.scid;
	v13 =	vimm.s32 $0xD;
	v14 =	vimm.s32 $0xE;
	v15 =	vimm.s32 $0xF  }
0x5: {  	s1 =	stileid.u32;
	s2 =	simm.s32 $0x0;
	v16 =	vimm.s32 $0x10;
	v17 =	vimm.s32 $0x11;
	v18 =	vimm.s32 $0x12;
	s8 =	simm.s32 $0x2280  }
0x6: {  	v19 =	vimm.s32 $0x13;
	v20 =	vimm.s32 $0x14;
	v21 =	vimm.s32 $0x15;
	s9 =	simm.s32 $0x2000;
	s5 =	sand.u32 $0x1, s5;
	s6 =	sshll.u32 s1, $0x1  }
0x7: {  	v22 =	vimm.s32 $0x16;
	v23 =	vimm.s32 $0x17;
	v24 =	vimm.s32 $0x18;
	s10 =	simm.s32 $0x0;
	[smem:$0x7FF] =	sst s2;
	s6 =	sor.u32 s5, s6  }
0x8: {  	v25 =	vimm.s32 $0x19;
	v26 =	vimm.s32 $0x1A;
	v27 =	vimm.s32 $0x1B;
	_ =	strace $0x80000047;
	s5 =	ssub.s32 $0x2, s5;
	s7 =	sshll.u32 s6, $0xA  }
0x9: {  	v28 =	vimm.s32 $0x1C;
	v29 =	vimm.s32 $0x1D;
	v30 =	vimm.s32 $0x1E;
	s31 =	sshrl.u32 s5, $0x1;
	s6 =	sshll.u32 s6, $0x3;
	s3 =	sadd.s32 s7, s3  }
0xa: {  	v31 =	vimm.s32 $0x1F;
	v32 =	vlaneseq.u32;
	vm0 =	vcmask $0x300;
	s5 =	ssub.s32 s5, s31;
	s4 =	sadd.s32 s4, s6;
	s6 =	simm.s32 $0x1  }
0xb: {  	v33 =	vimm.s32 $0x63;
	v34 =	vimm.f32 $-1.000000020e+30;
	vm1 =	vmxor vm1, vm1;
	s7 =	simm.s32 $0x2200;
	s3 =	sadd.s32 $0xC00, s3;
	s5 =	smax.u32 s5, $0x1  }
.LBB2_1:
0xc: {  	[tilespmem:s2], [sflag:$0x1] =	stream.linear.gather [hbm4b:s3+s2], $0x2000, $0x38;
	[tilespmem:$0x2300] =	vst v63  }
0xd: {  	_ =	swait.ge [sflag:s6], $0x2000  }
0xe: {  	[sflag:s6] =	ssyncset.done $0x0  }
0xf: {  	[sflag:s6] =	ssyncadd.s32 $0xFFFFE000  }
0x10: {  	v35 =	vld [tilespmem:$0x0]  }
0x11: {  	v36 =	vld [tilespmem:$0x10]  }
0x12: {  	v37 =	vld [tilespmem:$0x20]  }
0x13: {  	v38 =	vld [tilespmem:$0x30]  }
0x14: {  	v39 =	vld [tilespmem:$0x40]  }
0x15: {  	v40 =	vld [tilespmem:$0x50]  }
0x16: {  	v46 =	vld [tilespmem:$0x60];
	v35 =	vmax.f32 v35, v36  }
0x17: {  	v47 =	vld [tilespmem:$0x70];
	v35 =	vmax.f32 v35, v37  }
0x18: {  	v48 =	vld [tilespmem:$0x80];
	v35 =	vmax.f32 v35, v38  }
0x19: {  	v49 =	vld [tilespmem:$0x90];
	v35 =	vmax.f32 v35, v39  }
0x1a: {  	v50 =	vld [tilespmem:$0xA0];
	v35 =	vmax.f32 v35, v40  }
0x1b: {  	v51 =	vld [tilespmem:$0xB0];
	v35 =	vmax.f32 v35, v46  }
0x1c: {  	v52 =	vld [tilespmem:$0xC0];
	v35 =	vmax.f32 v35, v47  }
0x1d: {  	v53 =	vld [tilespmem:$0xD0];
	v35 =	vmax.f32 v35, v48  }
0x1e: {  	v54 =	vld [tilespmem:$0xE0];
	v35 =	vmax.f32 v35, v49  }
0x1f: {  	v55 =	vld [tilespmem:$0xF0];
	v35 =	vmax.f32 v35, v50  }
0x20: {  	v35 =	vmax.f32 v35, v51  }
0x21: {  	v35 =	vmax.f32 v35, v52  }
0x22: {  	v35 =	vmax.f32 v35, v53  }
0x23: {  	v35 =	vmax.f32 v35, v54  }
0x24: {  	v35 =	vmax.f32 v35, v55  }
0x25: {  	(xrf0) =	vmax.scan.msk.f32 $0xffff, v35;
	_ =	sdelay $0x5  }
0x26: {  	v56, _, _ =	vpop (xrf0)  }
0x27: {  	v36 =	vbroadcast v56, $0xF  }
0x28: {  	[tilespmem:$0x2000] =	vst v35  }
0x29: {  	[tilespmem:v0+s7+$0x0] =	vst.idx.msk $0x1, v36  }
0x2a: {  	v57 =	vld [tilespmem:$0x100]  }
0x2b: {  	v36 =	vld [tilespmem:$0x110]  }
0x2c: {  	v58 =	vld [tilespmem:$0x120]  }
0x2d: {  	v59 =	vld [tilespmem:$0x130]  }
0x2e: {  	v60 =	vld [tilespmem:$0x140]  }
0x2f: {  	v61 =	vld [tilespmem:$0x150]  }
0x30: {  	v62 =	vld [tilespmem:$0x160];
	v35 =	vmax.f32 v57, v36  }
0x31: {  	v63 =	vld [tilespmem:$0x170];
	v35 =	vmax.f32 v35, v58  }
0x32: {  	v44 =	vld [tilespmem:$0x180];
	v35 =	vmax.f32 v35, v59  }
0x33: {  	v45 =	vld [tilespmem:$0x190];
	v35 =	vmax.f32 v35, v60  }
0x34: {  	v46 =	vld [tilespmem:$0x1A0];
	v35 =	vmax.f32 v35, v61  }
0x35: {  	v47 =	vld [tilespmem:$0x1B0];
	v35 =	vmax.f32 v35, v62  }
0x36: {  	v48 =	vld [tilespmem:$0x1C0];
	v35 =	vmax.f32 v35, v63  }
0x37: {  	v49 =	vld [tilespmem:$0x1D0];
	v35 =	vmax.f32 v35, v44  }
0x38: {  	v50 =	vld [tilespmem:$0x1E0];
	v35 =	vmax.f32 v35, v45  }
0x39: {  	v51 =	vld [tilespmem:$0x1F0];
	v35 =	vmax.f32 v35, v46  }
0x3a: {  	v35 =	vmax.f32 v35, v47  }
0x3b: {  	v35 =	vmax.f32 v35, v48  }
0x3c: {  	v35 =	vmax.f32 v35, v49  }
0x3d: {  	v35 =	vmax.f32 v35, v50  }
0x3e: {  	v35 =	vmax.f32 v35, v51  }
0x3f: {  	(xrf0) =	vmax.scan.msk.f32 $0xffff, v35;
	_ =	sdelay $0x3  }
0x40: {  	v1 =	vimm.s32 $0x1;
	_ =	sdelay $0x1  }
0x41: {  	v52, _, _ =	vpop (xrf0)  }
0x42: {  	v36 =	vbroadcast v52, $0xF  }
0x43: {  	[tilespmem:$0x2010] =	vst v35  }
0x44: {  	[tilespmem:v1+s7+$0x0] =	vst.idx.msk $0x1, v36  }
0x45: {  	v53 =	vld [tilespmem:$0x200]  }
0x46: {  	v36 =	vld [tilespmem:$0x210]  }
0x47: {  	v54 =	vld [tilespmem:$0x220]  }
0x48: {  	v55 =	vld [tilespmem:$0x230]  }
0x49: {  	v56 =	vld [tilespmem:$0x240]  }
0x4a: {  	v57 =	vld [tilespmem:$0x250]  }
0x4b: {  	v58 =	vld [tilespmem:$0x260];
	v35 =	vmax.f32 v53, v36  }
0x4c: {  	v59 =	vld [tilespmem:$0x270];
	v35 =	vmax.f32 v35, v54  }
0x4d: {  	v60 =	vld [tilespmem:$0x280];
	v35 =	vmax.f32 v35, v55  }
0x4e: {  	v61 =	vld [tilespmem:$0x290];
	v35 =	vmax.f32 v35, v56  }
0x4f: {  	v62 =	vld [tilespmem:$0x2A0];
	v35 =	vmax.f32 v35, v57  }
0x50: {  	v63 =	vld [tilespmem:$0x2B0];
	v35 =	vmax.f32 v35, v58  }
0x51: {  	v44 =	vld [tilespmem:$0x2C0];
	v35 =	vmax.f32 v35, v59  }
0x52: {  	v45 =	vld [tilespmem:$0x2D0];
	v35 =	vmax.f32 v35, v60  }
0x53: {  	v46 =	vld [tilespmem:$0x2E0];
	v35 =	vmax.f32 v35, v61  }
0x54: {  	v47 =	vld [tilespmem:$0x2F0];
	v35 =	vmax.f32 v35, v62  }
0x55: {  	v35 =	vmax.f32 v35, v63  }
0x56: {  	v35 =	vmax.f32 v35, v44  }
0x57: {  	v35 =	vmax.f32 v35, v45  }
0x58: {  	v35 =	vmax.f32 v35, v46  }
0x59: {  	v35 =	vmax.f32 v35, v47  }
0x5a: {  	(xrf0) =	vmax.scan.msk.f32 $0xffff, v35;
	_ =	sdelay $0x3  }
0x5b: {  	v1 =	vimm.s32 $0x2;
	_ =	sdelay $0x1  }
0x5c: {  	v48, _, _ =	vpop (xrf0)  }
0x5d: {  	v36 =	vbroadcast v48, $0xF  }
0x5e: {  	[tilespmem:$0x2020] =	vst v35  }
0x5f: {  	[tilespmem:v1+s7+$0x0] =	vst.idx.msk $0x1, v36  }
0x60: {  	v49 =	vld [tilespmem:$0x300]  }
0x61: {  	v36 =	vld [tilespmem:$0x310]  }
0x62: {  	v50 =	vld [tilespmem:$0x320]  }
0x63: {  	v51 =	vld [tilespmem:$0x330]  }
0x64: {  	v52 =	vld [tilespmem:$0x340]  }
0x65: {  	v53 =	vld [tilespmem:$0x350]  }
0x66: {  	v54 =	vld [tilespmem:$0x360];
	v35 =	vmax.f32 v49, v36  }
0x67: {  	v55 =	vld [tilespmem:$0x370];
	v35 =	vmax.f32 v35, v50  }
0x68: {  	v56 =	vld [tilespmem:$0x380];
	v35 =	vmax.f32 v35, v51  }
0x69: {  	v57 =	vld [tilespmem:$0x390];
	v35 =	vmax.f32 v35, v52  }
0x6a: {  	v58 =	vld [tilespmem:$0x3A0];
	v35 =	vmax.f32 v35, v53  }
0x6b: {  	v59 =	vld [tilespmem:$0x3B0];
	v35 =	vmax.f32 v35, v54  }
0x6c: {  	v60 =	vld [tilespmem:$0x3C0];
	v35 =	vmax.f32 v35, v55  }
0x6d: {  	v61 =	vld [tilespmem:$0x3D0];
	v35 =	vmax.f32 v35, v56  }
0x6e: {  	v62 =	vld [tilespmem:$0x3E0];
	v35 =	vmax.f32 v35, v57  }
0x6f: {  	v63 =	vld [tilespmem:$0x3F0];
	v35 =	vmax.f32 v35, v58  }
0x70: {  	v35 =	vmax.f32 v35, v59  }
0x71: {  	v35 =	vmax.f32 v35, v60  }
0x72: {  	v35 =	vmax.f32 v35, v61  }
0x73: {  	v35 =	vmax.f32 v35, v62  }
0x74: {  	v35 =	vmax.f32 v35, v63  }
0x75: {  	(xrf0) =	vmax.scan.msk.f32 $0xffff, v35;
	_ =	sdelay $0x3  }
0x76: {  	v1 =	vimm.s32 $0x3;
	_ =	sdelay $0x1  }
0x77: {  	v44, _, _ =	vpop (xrf0)  }
0x78: {  	v36 =	vbroadcast v44, $0xF  }
0x79: {  	[tilespmem:$0x2030] =	vst v35  }
0x7a: {  	[tilespmem:v1+s7+$0x0] =	vst.idx.msk $0x1, v36  }
0x7b: {  	v45 =	vld [tilespmem:$0x400]  }
0x7c: {  	v36 =	vld [tilespmem:$0x410]  }
0x7d: {  	v46 =	vld [tilespmem:$0x420]  }
0x7e: {  	v47 =	vld [tilespmem:$0x430]  }
0x7f: {  	v48 =	vld [tilespmem:$0x440]  }
0x80: {  	v49 =	vld [tilespmem:$0x450]  }
0x81: {  	v50 =	vld [tilespmem:$0x460];
	v35 =	vmax.f32 v45, v36  }
0x82: {  	v51 =	vld [tilespmem:$0x470];
	v35 =	vmax.f32 v35, v46  }
0x83: {  	v52 =	vld [tilespmem:$0x480];
	v35 =	vmax.f32 v35, v47  }
0x84: {  	v53 =	vld [tilespmem:$0x490];
	v35 =	vmax.f32 v35, v48  }
0x85: {  	v54 =	vld [tilespmem:$0x4A0];
	v35 =	vmax.f32 v35, v49  }
0x86: {  	v55 =	vld [tilespmem:$0x4B0];
	v35 =	vmax.f32 v35, v50  }
0x87: {  	v56 =	vld [tilespmem:$0x4C0];
	v35 =	vmax.f32 v35, v51  }
0x88: {  	v57 =	vld [tilespmem:$0x4D0];
	v35 =	vmax.f32 v35, v52  }
0x89: {  	v58 =	vld [tilespmem:$0x4E0];
	v35 =	vmax.f32 v35, v53  }
0x8a: {  	v59 =	vld [tilespmem:$0x4F0];
	v35 =	vmax.f32 v35, v54  }
0x8b: {  	v35 =	vmax.f32 v35, v55  }
0x8c: {  	v35 =	vmax.f32 v35, v56  }
0x8d: {  	v35 =	vmax.f32 v35, v57  }
0x8e: {  	v35 =	vmax.f32 v35, v58  }
0x8f: {  	v35 =	vmax.f32 v35, v59  }
0x90: {  	(xrf0) =	vmax.scan.msk.f32 $0xffff, v35;
	_ =	sdelay $0x3  }
0x91: {  	v1 =	vimm.s32 $0x4;
	_ =	sdelay $0x1  }
0x92: {  	v60, _, _ =	vpop (xrf0)  }
0x93: {  	v36 =	vbroadcast v60, $0xF  }
0x94: {  	[tilespmem:$0x2040] =	vst v35  }
0x95: {  	[tilespmem:v1+s7+$0x0] =	vst.idx.msk $0x1, v36  }
0x96: {  	v61 =	vld [tilespmem:$0x500]  }
0x97: {  	v36 =	vld [tilespmem:$0x510]  }
0x98: {  	v62 =	vld [tilespmem:$0x520]  }
0x99: {  	v63 =	vld [tilespmem:$0x530]  }
0x9a: {  	v44 =	vld [tilespmem:$0x540]  }
0x9b: {  	v45 =	vld [tilespmem:$0x550]  }
0x9c: {  	v46 =	vld [tilespmem:$0x560];
	v35 =	vmax.f32 v61, v36  }
0x9d: {  	v47 =	vld [tilespmem:$0x570];
	v35 =	vmax.f32 v35, v62  }
0x9e: {  	v48 =	vld [tilespmem:$0x580];
	v35 =	vmax.f32 v35, v63  }
0x9f: {  	v49 =	vld [tilespmem:$0x590];
	v35 =	vmax.f32 v35, v44  }
0xa0: {  	v50 =	vld [tilespmem:$0x5A0];
	v35 =	vmax.f32 v35, v45  }
0xa1: {  	v51 =	vld [tilespmem:$0x5B0];
	v35 =	vmax.f32 v35, v46  }
0xa2: {  	v52 =	vld [tilespmem:$0x5C0];
	v35 =	vmax.f32 v35, v47  }
0xa3: {  	v53 =	vld [tilespmem:$0x5D0];
	v35 =	vmax.f32 v35, v48  }
0xa4: {  	v54 =	vld [tilespmem:$0x5E0];
	v35 =	vmax.f32 v35, v49  }
0xa5: {  	v55 =	vld [tilespmem:$0x5F0];
	v35 =	vmax.f32 v35, v50  }
0xa6: {  	v35 =	vmax.f32 v35, v51  }
0xa7: {  	v35 =	vmax.f32 v35, v52  }
0xa8: {  	v35 =	vmax.f32 v35, v53  }
0xa9: {  	v35 =	vmax.f32 v35, v54  }
0xaa: {  	v35 =	vmax.f32 v35, v55  }
0xab: {  	(xrf0) =	vmax.scan.msk.f32 $0xffff, v35;
	_ =	sdelay $0x3  }
0xac: {  	v1 =	vimm.s32 $0x5;
	_ =	sdelay $0x1  }
0xad: {  	v56, _, _ =	vpop (xrf0)  }
0xae: {  	v36 =	vbroadcast v56, $0xF  }
0xaf: {  	[tilespmem:$0x2050] =	vst v35  }
0xb0: {  	[tilespmem:v1+s7+$0x0] =	vst.idx.msk $0x1, v36  }
0xb1: {  	v57 =	vld [tilespmem:$0x600]  }
0xb2: {  	v36 =	vld [tilespmem:$0x610]  }
0xb3: {  	v58 =	vld [tilespmem:$0x620]  }
0xb4: {  	v59 =	vld [tilespmem:$0x630]  }
0xb5: {  	v60 =	vld [tilespmem:$0x640]  }
0xb6: {  	v61 =	vld [tilespmem:$0x650]  }
0xb7: {  	v62 =	vld [tilespmem:$0x660];
	v35 =	vmax.f32 v57, v36  }
0xb8: {  	v63 =	vld [tilespmem:$0x670];
	v35 =	vmax.f32 v35, v58  }
0xb9: {  	v44 =	vld [tilespmem:$0x680];
	v35 =	vmax.f32 v35, v59  }
0xba: {  	v45 =	vld [tilespmem:$0x690];
	v35 =	vmax.f32 v35, v60  }
0xbb: {  	v46 =	vld [tilespmem:$0x6A0];
	v35 =	vmax.f32 v35, v61  }
0xbc: {  	v47 =	vld [tilespmem:$0x6B0];
	v35 =	vmax.f32 v35, v62  }
0xbd: {  	v48 =	vld [tilespmem:$0x6C0];
	v35 =	vmax.f32 v35, v63  }
0xbe: {  	v49 =	vld [tilespmem:$0x6D0];
	v35 =	vmax.f32 v35, v44  }
0xbf: {  	v50 =	vld [tilespmem:$0x6E0];
	v35 =	vmax.f32 v35, v45  }
0xc0: {  	v51 =	vld [tilespmem:$0x6F0];
	v35 =	vmax.f32 v35, v46  }
0xc1: {  	v35 =	vmax.f32 v35, v47  }
0xc2: {  	v35 =	vmax.f32 v35, v48  }
0xc3: {  	v35 =	vmax.f32 v35, v49  }
0xc4: {  	v35 =	vmax.f32 v35, v50  }
0xc5: {  	v35 =	vmax.f32 v35, v51  }
0xc6: {  	(xrf0) =	vmax.scan.msk.f32 $0xffff, v35;
	_ =	sdelay $0x3  }
0xc7: {  	v1 =	vimm.s32 $0x6;
	_ =	sdelay $0x1  }
0xc8: {  	v52, _, _ =	vpop (xrf0)  }
0xc9: {  	v36 =	vbroadcast v52, $0xF  }
0xca: {  	[tilespmem:$0x2060] =	vst v35  }
0xcb: {  	[tilespmem:v1+s7+$0x0] =	vst.idx.msk $0x1, v36  }
0xcc: {  	v53 =	vld [tilespmem:$0x700]  }
0xcd: {  	v36 =	vld [tilespmem:$0x710]  }
0xce: {  	v54 =	vld [tilespmem:$0x720]  }
0xcf: {  	v55 =	vld [tilespmem:$0x730]  }
0xd0: {  	v56 =	vld [tilespmem:$0x740]  }
0xd1: {  	v57 =	vld [tilespmem:$0x750]  }
0xd2: {  	v58 =	vld [tilespmem:$0x760];
	v35 =	vmax.f32 v53, v36  }
0xd3: {  	v59 =	vld [tilespmem:$0x770];
	v35 =	vmax.f32 v35, v54  }
0xd4: {  	v60 =	vld [tilespmem:$0x780];
	v35 =	vmax.f32 v35, v55  }
0xd5: {  	v61 =	vld [tilespmem:$0x790];
	v35 =	vmax.f32 v35, v56  }
0xd6: {  	v62 =	vld [tilespmem:$0x7A0];
	v35 =	vmax.f32 v35, v57  }
0xd7: {  	v63 =	vld [tilespmem:$0x7B0];
	v35 =	vmax.f32 v35, v58  }
0xd8: {  	v44 =	vld [tilespmem:$0x7C0];
	v35 =	vmax.f32 v35, v59  }
0xd9: {  	v45 =	vld [tilespmem:$0x7D0];
	v35 =	vmax.f32 v35, v60  }
0xda: {  	v46 =	vld [tilespmem:$0x7E0];
	v35 =	vmax.f32 v35, v61  }
0xdb: {  	v47 =	vld [tilespmem:$0x7F0];
	v35 =	vmax.f32 v35, v62  }
0xdc: {  	v35 =	vmax.f32 v35, v63  }
0xdd: {  	v35 =	vmax.f32 v35, v44  }
0xde: {  	v35 =	vmax.f32 v35, v45  }
0xdf: {  	v35 =	vmax.f32 v35, v46  }
0xe0: {  	v35 =	vmax.f32 v35, v47  }
0xe1: {  	(xrf0) =	vmax.scan.msk.f32 $0xffff, v35;
	_ =	sdelay $0x5  }
0xe2: {  	v48, _, _ =	vpop (xrf0)  }
0xe3: {  	v36 =	vbroadcast v48, $0xF  }
0xe4: {  	[tilespmem:$0x2070] =	vst v35  }
0xe5: {  	[tilespmem:v7+s7+$0x0] =	vst.idx.msk $0x1, v36  }
0xe6: {  	v49 =	vld [tilespmem:$0x800]  }
0xe7: {  	v36 =	vld [tilespmem:$0x810]  }
0xe8: {  	v50 =	vld [tilespmem:$0x820]  }
0xe9: {  	v51 =	vld [tilespmem:$0x830]  }
0xea: {  	v52 =	vld [tilespmem:$0x840]  }
0xeb: {  	v53 =	vld [tilespmem:$0x850]  }
0xec: {  	v54 =	vld [tilespmem:$0x860];
	v35 =	vmax.f32 v49, v36  }
0xed: {  	v55 =	vld [tilespmem:$0x870];
	v35 =	vmax.f32 v35, v50  }
0xee: {  	v56 =	vld [tilespmem:$0x880];
	v35 =	vmax.f32 v35, v51  }
0xef: {  	v57 =	vld [tilespmem:$0x890];
	v35 =	vmax.f32 v35, v52  }
0xf0: {  	v58 =	vld [tilespmem:$0x8A0];
	v35 =	vmax.f32 v35, v53  }
0xf1: {  	v59 =	vld [tilespmem:$0x8B0];
	v35 =	vmax.f32 v35, v54  }
0xf2: {  	v60 =	vld [tilespmem:$0x8C0];
	v35 =	vmax.f32 v35, v55  }
0xf3: {  	v61 =	vld [tilespmem:$0x8D0];
	v35 =	vmax.f32 v35, v56  }
0xf4: {  	v62 =	vld [tilespmem:$0x8E0];
	v35 =	vmax.f32 v35, v57  }
0xf5: {  	v63 =	vld [tilespmem:$0x8F0];
	v35 =	vmax.f32 v35, v58  }
0xf6: {  	v35 =	vmax.f32 v35, v59  }
0xf7: {  	v35 =	vmax.f32 v35, v60  }
0xf8: {  	v35 =	vmax.f32 v35, v61  }
0xf9: {  	v35 =	vmax.f32 v35, v62  }
0xfa: {  	v35 =	vmax.f32 v35, v63  }
0xfb: {  	(xrf0) =	vmax.scan.msk.f32 $0xffff, v35;
	_ =	sdelay $0x5  }
0xfc: {  	v44, _, _ =	vpop (xrf0)  }
0xfd: {  	v36 =	vbroadcast v44, $0xF  }
0xfe: {  	[tilespmem:$0x2080] =	vst v35  }
0xff: {  	[tilespmem:v8+s7+$0x0] =	vst.idx.msk $0x1, v36  }
0x100: {  	v45 =	vld [tilespmem:$0x900]  }
0x101: {  	v36 =	vld [tilespmem:$0x910]  }
0x102: {  	v46 =	vld [tilespmem:$0x920]  }
0x103: {  	v47 =	vld [tilespmem:$0x930]  }
0x104: {  	v48 =	vld [tilespmem:$0x940]  }
0x105: {  	v49 =	vld [tilespmem:$0x950]  }
0x106: {  	v50 =	vld [tilespmem:$0x960];
	v35 =	vmax.f32 v45, v36  }
0x107: {  	v51 =	vld [tilespmem:$0x970];
	v35 =	vmax.f32 v35, v46  }
0x108: {  	v52 =	vld [tilespmem:$0x980];
	v35 =	vmax.f32 v35, v47  }
0x109: {  	v53 =	vld [tilespmem:$0x990];
	v35 =	vmax.f32 v35, v48  }
0x10a: {  	v54 =	vld [tilespmem:$0x9A0];
	v35 =	vmax.f32 v35, v49  }
0x10b: {  	v55 =	vld [tilespmem:$0x9B0];
	v35 =	vmax.f32 v35, v50  }
0x10c: {  	v56 =	vld [tilespmem:$0x9C0];
	v35 =	vmax.f32 v35, v51  }
0x10d: {  	v57 =	vld [tilespmem:$0x9D0];
	v35 =	vmax.f32 v35, v52  }
0x10e: {  	v58 =	vld [tilespmem:$0x9E0];
	v35 =	vmax.f32 v35, v53  }
0x10f: {  	v59 =	vld [tilespmem:$0x9F0];
	v35 =	vmax.f32 v35, v54  }
0x110: {  	v35 =	vmax.f32 v35, v55  }
0x111: {  	v35 =	vmax.f32 v35, v56  }
0x112: {  	v35 =	vmax.f32 v35, v57  }
0x113: {  	v35 =	vmax.f32 v35, v58  }
0x114: {  	v35 =	vmax.f32 v35, v59  }
0x115: {  	(xrf0) =	vmax.scan.msk.f32 $0xffff, v35;
	_ =	sdelay $0x5  }
0x116: {  	v60, _, _ =	vpop (xrf0)  }
0x117: {  	v36 =	vbroadcast v60, $0xF  }
0x118: {  	[tilespmem:$0x2090] =	vst v35  }
0x119: {  	[tilespmem:v9+s7+$0x0] =	vst.idx.msk $0x1, v36  }
0x11a: {  	v61 =	vld [tilespmem:$0xA00]  }
0x11b: {  	v36 =	vld [tilespmem:$0xA10]  }
0x11c: {  	v62 =	vld [tilespmem:$0xA20]  }
0x11d: {  	v63 =	vld [tilespmem:$0xA30]  }
0x11e: {  	v44 =	vld [tilespmem:$0xA40]  }
0x11f: {  	v45 =	vld [tilespmem:$0xA50]  }
0x120: {  	v46 =	vld [tilespmem:$0xA60];
	v35 =	vmax.f32 v61, v36  }
0x121: {  	v47 =	vld [tilespmem:$0xA70];
	v35 =	vmax.f32 v35, v62  }
0x122: {  	v48 =	vld [tilespmem:$0xA80];
	v35 =	vmax.f32 v35, v63  }
0x123: {  	v49 =	vld [tilespmem:$0xA90];
	v35 =	vmax.f32 v35, v44  }
0x124: {  	v50 =	vld [tilespmem:$0xAA0];
	v35 =	vmax.f32 v35, v45  }
0x125: {  	v51 =	vld [tilespmem:$0xAB0];
	v35 =	vmax.f32 v35, v46  }
0x126: {  	v52 =	vld [tilespmem:$0xAC0];
	v35 =	vmax.f32 v35, v47  }
0x127: {  	v53 =	vld [tilespmem:$0xAD0];
	v35 =	vmax.f32 v35, v48  }
0x128: {  	v54 =	vld [tilespmem:$0xAE0];
	v35 =	vmax.f32 v35, v49  }
0x129: {  	v55 =	vld [tilespmem:$0xAF0];
	v35 =	vmax.f32 v35, v50  }
0x12a: {  	v35 =	vmax.f32 v35, v51  }
0x12b: {  	v35 =	vmax.f32 v35, v52  }
0x12c: {  	v35 =	vmax.f32 v35, v53  }
0x12d: {  	v35 =	vmax.f32 v35, v54  }
0x12e: {  	v35 =	vmax.f32 v35, v55  }
0x12f: {  	(xrf0) =	vmax.scan.msk.f32 $0xffff, v35;
	_ =	sdelay $0x5  }
0x130: {  	v56, _, _ =	vpop (xrf0)  }
0x131: {  	v36 =	vbroadcast v56, $0xF  }
0x132: {  	[tilespmem:$0x20A0] =	vst v35  }
0x133: {  	[tilespmem:v10+s7+$0x0] =	vst.idx.msk $0x1, v36  }
0x134: {  	v57 =	vld [tilespmem:$0xB00]  }
0x135: {  	v36 =	vld [tilespmem:$0xB10]  }
0x136: {  	v58 =	vld [tilespmem:$0xB20]  }
0x137: {  	v59 =	vld [tilespmem:$0xB30]  }
0x138: {  	v60 =	vld [tilespmem:$0xB40]  }
0x139: {  	v61 =	vld [tilespmem:$0xB50]  }
0x13a: {  	v62 =	vld [tilespmem:$0xB60];
	v35 =	vmax.f32 v57, v36  }
0x13b: {  	v63 =	vld [tilespmem:$0xB70];
	v35 =	vmax.f32 v35, v58  }
0x13c: {  	v44 =	vld [tilespmem:$0xB80];
	v35 =	vmax.f32 v35, v59  }
0x13d: {  	v45 =	vld [tilespmem:$0xB90];
	v35 =	vmax.f32 v35, v60  }
0x13e: {  	v46 =	vld [tilespmem:$0xBA0];
	v35 =	vmax.f32 v35, v61  }
0x13f: {  	v47 =	vld [tilespmem:$0xBB0];
	v35 =	vmax.f32 v35, v62  }
0x140: {  	v48 =	vld [tilespmem:$0xBC0];
	v35 =	vmax.f32 v35, v63  }
0x141: {  	v49 =	vld [tilespmem:$0xBD0];
	v35 =	vmax.f32 v35, v44  }
0x142: {  	v50 =	vld [tilespmem:$0xBE0];
	v35 =	vmax.f32 v35, v45  }
0x143: {  	v51 =	vld [tilespmem:$0xBF0];
	v35 =	vmax.f32 v35, v46  }
0x144: {  	v35 =	vmax.f32 v35, v47  }
0x145: {  	v35 =	vmax.f32 v35, v48  }
0x146: {  	v35 =	vmax.f32 v35, v49  }
0x147: {  	v35 =	vmax.f32 v35, v50  }
0x148: {  	v35 =	vmax.f32 v35, v51  }
0x149: {  	(xrf0) =	vmax.scan.msk.f32 $0xffff, v35;
	_ =	sdelay $0x5  }
0x14a: {  	v52, _, _ =	vpop (xrf0)  }
0x14b: {  	v36 =	vbroadcast v52, $0xF  }
0x14c: {  	[tilespmem:$0x20B0] =	vst v35  }
0x14d: {  	[tilespmem:v11+s7+$0x0] =	vst.idx.msk $0x1, v36  }
0x14e: {  	v53 =	vld [tilespmem:$0xC00]  }
0x14f: {  	v36 =	vld [tilespmem:$0xC10]  }
0x150: {  	v54 =	vld [tilespmem:$0xC20]  }
0x151: {  	v55 =	vld [tilespmem:$0xC30]  }
0x152: {  	v56 =	vld [tilespmem:$0xC40]  }
0x153: {  	v57 =	vld [tilespmem:$0xC50]  }
0x154: {  	v58 =	vld [tilespmem:$0xC60];
	v35 =	vmax.f32 v53, v36  }
0x155: {  	v59 =	vld [tilespmem:$0xC70];
	v35 =	vmax.f32 v35, v54  }
0x156: {  	v60 =	vld [tilespmem:$0xC80];
	v35 =	vmax.f32 v35, v55  }
0x157: {  	v61 =	vld [tilespmem:$0xC90];
	v35 =	vmax.f32 v35, v56  }
0x158: {  	v62 =	vld [tilespmem:$0xCA0];
	v35 =	vmax.f32 v35, v57  }
0x159: {  	v63 =	vld [tilespmem:$0xCB0];
	v35 =	vmax.f32 v35, v58  }
0x15a: {  	v44 =	vld [tilespmem:$0xCC0];
	v35 =	vmax.f32 v35, v59  }
0x15b: {  	v45 =	vld [tilespmem:$0xCD0];
	v35 =	vmax.f32 v35, v60  }
0x15c: {  	v46 =	vld [tilespmem:$0xCE0];
	v35 =	vmax.f32 v35, v61  }
0x15d: {  	v47 =	vld [tilespmem:$0xCF0];
	v35 =	vmax.f32 v35, v62  }
0x15e: {  	v35 =	vmax.f32 v35, v63  }
0x15f: {  	v35 =	vmax.f32 v35, v44  }
0x160: {  	v35 =	vmax.f32 v35, v45  }
0x161: {  	v35 =	vmax.f32 v35, v46  }
0x162: {  	v35 =	vmax.f32 v35, v47  }
0x163: {  	(xrf0) =	vmax.scan.msk.f32 $0xffff, v35;
	_ =	sdelay $0x5  }
0x164: {  	v48, _, _ =	vpop (xrf0)  }
0x165: {  	v36 =	vbroadcast v48, $0xF  }
0x166: {  	[tilespmem:$0x20C0] =	vst v35  }
0x167: {  	[tilespmem:v12+s7+$0x0] =	vst.idx.msk $0x1, v36  }
0x168: {  	v49 =	vld [tilespmem:$0xD00]  }
0x169: {  	v36 =	vld [tilespmem:$0xD10]  }
0x16a: {  	v50 =	vld [tilespmem:$0xD20]  }
0x16b: {  	v51 =	vld [tilespmem:$0xD30]  }
0x16c: {  	v52 =	vld [tilespmem:$0xD40]  }
0x16d: {  	v53 =	vld [tilespmem:$0xD50]  }
0x16e: {  	v54 =	vld [tilespmem:$0xD60];
	v35 =	vmax.f32 v49, v36  }
0x16f: {  	v55 =	vld [tilespmem:$0xD70];
	v35 =	vmax.f32 v35, v50  }
0x170: {  	v56 =	vld [tilespmem:$0xD80];
	v35 =	vmax.f32 v35, v51  }
0x171: {  	v57 =	vld [tilespmem:$0xD90];
	v35 =	vmax.f32 v35, v52  }
0x172: {  	v58 =	vld [tilespmem:$0xDA0];
	v35 =	vmax.f32 v35, v53  }
0x173: {  	v59 =	vld [tilespmem:$0xDB0];
	v35 =	vmax.f32 v35, v54  }
0x174: {  	v60 =	vld [tilespmem:$0xDC0];
	v35 =	vmax.f32 v35, v55  }
0x175: {  	v61 =	vld [tilespmem:$0xDD0];
	v35 =	vmax.f32 v35, v56  }
0x176: {  	v62 =	vld [tilespmem:$0xDE0];
	v35 =	vmax.f32 v35, v57  }
0x177: {  	v63 =	vld [tilespmem:$0xDF0];
	v35 =	vmax.f32 v35, v58  }
0x178: {  	v35 =	vmax.f32 v35, v59  }
0x179: {  	v35 =	vmax.f32 v35, v60  }
0x17a: {  	v35 =	vmax.f32 v35, v61  }
0x17b: {  	v35 =	vmax.f32 v35, v62  }
0x17c: {  	v35 =	vmax.f32 v35, v63  }
0x17d: {  	(xrf0) =	vmax.scan.msk.f32 $0xffff, v35;
	_ =	sdelay $0x5  }
0x17e: {  	v44, _, _ =	vpop (xrf0)  }
0x17f: {  	v36 =	vbroadcast v44, $0xF  }
0x180: {  	[tilespmem:$0x20D0] =	vst v35  }
0x181: {  	[tilespmem:v13+s7+$0x0] =	vst.idx.msk $0x1, v36  }
0x182: {  	v45 =	vld [tilespmem:$0xE00]  }
0x183: {  	v36 =	vld [tilespmem:$0xE10]  }
0x184: {  	v46 =	vld [tilespmem:$0xE20]  }
0x185: {  	v47 =	vld [tilespmem:$0xE30]  }
0x186: {  	v48 =	vld [tilespmem:$0xE40]  }
0x187: {  	v49 =	vld [tilespmem:$0xE50]  }
0x188: {  	v50 =	vld [tilespmem:$0xE60];
	v35 =	vmax.f32 v45, v36  }
0x189: {  	v51 =	vld [tilespmem:$0xE70];
	v35 =	vmax.f32 v35, v46  }
0x18a: {  	v52 =	vld [tilespmem:$0xE80];
	v35 =	vmax.f32 v35, v47  }
0x18b: {  	v53 =	vld [tilespmem:$0xE90];
	v35 =	vmax.f32 v35, v48  }
0x18c: {  	v54 =	vld [tilespmem:$0xEA0];
	v35 =	vmax.f32 v35, v49  }
0x18d: {  	v55 =	vld [tilespmem:$0xEB0];
	v35 =	vmax.f32 v35, v50  }
0x18e: {  	v56 =	vld [tilespmem:$0xEC0];
	v35 =	vmax.f32 v35, v51  }
0x18f: {  	v57 =	vld [tilespmem:$0xED0];
	v35 =	vmax.f32 v35, v52  }
0x190: {  	v58 =	vld [tilespmem:$0xEE0];
	v35 =	vmax.f32 v35, v53  }
0x191: {  	v59 =	vld [tilespmem:$0xEF0];
	v35 =	vmax.f32 v35, v54  }
0x192: {  	v35 =	vmax.f32 v35, v55  }
0x193: {  	v35 =	vmax.f32 v35, v56  }
0x194: {  	v35 =	vmax.f32 v35, v57  }
0x195: {  	v35 =	vmax.f32 v35, v58  }
0x196: {  	v35 =	vmax.f32 v35, v59  }
0x197: {  	(xrf0) =	vmax.scan.msk.f32 $0xffff, v35;
	_ =	sdelay $0x5  }
0x198: {  	v60, _, _ =	vpop (xrf0)  }
0x199: {  	v36 =	vbroadcast v60, $0xF  }
0x19a: {  	[tilespmem:$0x20E0] =	vst v35  }
0x19b: {  	[tilespmem:v14+s7+$0x0] =	vst.idx.msk $0x1, v36  }
0x19c: {  	v61 =	vld [tilespmem:$0xF00]  }
0x19d: {  	v36 =	vld [tilespmem:$0xF10]  }
0x19e: {  	v62 =	vld [tilespmem:$0xF20]  }
0x19f: {  	v63 =	vld [tilespmem:$0xF30]  }
0x1a0: {  	v44 =	vld [tilespmem:$0xF40]  }
0x1a1: {  	v45 =	vld [tilespmem:$0xF50]  }
0x1a2: {  	v46 =	vld [tilespmem:$0xF60];
	v35 =	vmax.f32 v61, v36  }
0x1a3: {  	v47 =	vld [tilespmem:$0xF70];
	v35 =	vmax.f32 v35, v62  }
0x1a4: {  	v48 =	vld [tilespmem:$0xF80];
	v35 =	vmax.f32 v35, v63  }
0x1a5: {  	v49 =	vld [tilespmem:$0xF90];
	v35 =	vmax.f32 v35, v44  }
0x1a6: {  	v50 =	vld [tilespmem:$0xFA0];
	v35 =	vmax.f32 v35, v45  }
0x1a7: {  	v51 =	vld [tilespmem:$0xFB0];
	v35 =	vmax.f32 v35, v46  }
0x1a8: {  	v52 =	vld [tilespmem:$0xFC0];
	v35 =	vmax.f32 v35, v47  }
0x1a9: {  	v53 =	vld [tilespmem:$0xFD0];
	v35 =	vmax.f32 v35, v48  }
0x1aa: {  	v54 =	vld [tilespmem:$0xFE0];
	v35 =	vmax.f32 v35, v49  }
0x1ab: {  	v55 =	vld [tilespmem:$0xFF0];
	v35 =	vmax.f32 v35, v50  }
0x1ac: {  	v35 =	vmax.f32 v35, v51  }
0x1ad: {  	v35 =	vmax.f32 v35, v52  }
0x1ae: {  	v35 =	vmax.f32 v35, v53  }
0x1af: {  	v35 =	vmax.f32 v35, v54  }
0x1b0: {  	v35 =	vmax.f32 v35, v55  }
0x1b1: {  	(xrf0) =	vmax.scan.msk.f32 $0xffff, v35;
	_ =	sdelay $0x5  }
0x1b2: {  	v56, _, _ =	vpop (xrf0)  }
0x1b3: {  	v36 =	vbroadcast v56, $0xF  }
0x1b4: {  	[tilespmem:$0x20F0] =	vst v35  }
0x1b5: {  	[tilespmem:v15+s7+$0x0] =	vst.idx.msk $0x1, v36  }
0x1b6: {  	v57 =	vld [tilespmem:$0x1000]  }
0x1b7: {  	v36 =	vld [tilespmem:$0x1010]  }
0x1b8: {  	v58 =	vld [tilespmem:$0x1020]  }
0x1b9: {  	v59 =	vld [tilespmem:$0x1030]  }
0x1ba: {  	v60 =	vld [tilespmem:$0x1040]  }
0x1bb: {  	v61 =	vld [tilespmem:$0x1050]  }
0x1bc: {  	v62 =	vld [tilespmem:$0x1060];
	v35 =	vmax.f32 v57, v36  }
0x1bd: {  	v63 =	vld [tilespmem:$0x1070];
	v35 =	vmax.f32 v35, v58  }
0x1be: {  	v44 =	vld [tilespmem:$0x1080];
	v35 =	vmax.f32 v35, v59  }
0x1bf: {  	v45 =	vld [tilespmem:$0x1090];
	v35 =	vmax.f32 v35, v60  }
0x1c0: {  	v46 =	vld [tilespmem:$0x10A0];
	v35 =	vmax.f32 v35, v61  }
0x1c1: {  	v47 =	vld [tilespmem:$0x10B0];
	v35 =	vmax.f32 v35, v62  }
0x1c2: {  	v48 =	vld [tilespmem:$0x10C0];
	v35 =	vmax.f32 v35, v63  }
0x1c3: {  	v49 =	vld [tilespmem:$0x10D0];
	v35 =	vmax.f32 v35, v44  }
0x1c4: {  	v50 =	vld [tilespmem:$0x10E0];
	v35 =	vmax.f32 v35, v45  }
0x1c5: {  	v51 =	vld [tilespmem:$0x10F0];
	v35 =	vmax.f32 v35, v46  }
0x1c6: {  	v35 =	vmax.f32 v35, v47  }
0x1c7: {  	v35 =	vmax.f32 v35, v48  }
0x1c8: {  	v35 =	vmax.f32 v35, v49  }
0x1c9: {  	v35 =	vmax.f32 v35, v50  }
0x1ca: {  	v35 =	vmax.f32 v35, v51  }
0x1cb: {  	(xrf0) =	vmax.scan.msk.f32 $0xffff, v35;
	_ =	sdelay $0x5  }
0x1cc: {  	v52, _, _ =	vpop (xrf0)  }
0x1cd: {  	v36 =	vbroadcast v52, $0xF  }
0x1ce: {  	[tilespmem:$0x2100] =	vst v35  }
0x1cf: {  	[tilespmem:v16+s7+$0x0] =	vst.idx.msk $0x1, v36  }
0x1d0: {  	v53 =	vld [tilespmem:$0x1100]  }
0x1d1: {  	v36 =	vld [tilespmem:$0x1110]  }
0x1d2: {  	v54 =	vld [tilespmem:$0x1120]  }
0x1d3: {  	v55 =	vld [tilespmem:$0x1130]  }
0x1d4: {  	v56 =	vld [tilespmem:$0x1140]  }
0x1d5: {  	v57 =	vld [tilespmem:$0x1150]  }
0x1d6: {  	v58 =	vld [tilespmem:$0x1160];
	v35 =	vmax.f32 v53, v36  }
0x1d7: {  	v59 =	vld [tilespmem:$0x1170];
	v35 =	vmax.f32 v35, v54  }
0x1d8: {  	v60 =	vld [tilespmem:$0x1180];
	v35 =	vmax.f32 v35, v55  }
0x1d9: {  	v61 =	vld [tilespmem:$0x1190];
	v35 =	vmax.f32 v35, v56  }
0x1da: {  	v62 =	vld [tilespmem:$0x11A0];
	v35 =	vmax.f32 v35, v57  }
0x1db: {  	v63 =	vld [tilespmem:$0x11B0];
	v35 =	vmax.f32 v35, v58  }
0x1dc: {  	v44 =	vld [tilespmem:$0x11C0];
	v35 =	vmax.f32 v35, v59  }
0x1dd: {  	v45 =	vld [tilespmem:$0x11D0];
	v35 =	vmax.f32 v35, v60  }
0x1de: {  	v46 =	vld [tilespmem:$0x11E0];
	v35 =	vmax.f32 v35, v61  }
0x1df: {  	v47 =	vld [tilespmem:$0x11F0];
	v35 =	vmax.f32 v35, v62  }
0x1e0: {  	v35 =	vmax.f32 v35, v63  }
0x1e1: {  	v35 =	vmax.f32 v35, v44  }
0x1e2: {  	v35 =	vmax.f32 v35, v45  }
0x1e3: {  	v35 =	vmax.f32 v35, v46  }
0x1e4: {  	v35 =	vmax.f32 v35, v47  }
0x1e5: {  	(xrf0) =	vmax.scan.msk.f32 $0xffff, v35;
	_ =	sdelay $0x5  }
0x1e6: {  	v48, _, _ =	vpop (xrf0)  }
0x1e7: {  	v36 =	vbroadcast v48, $0xF  }
0x1e8: {  	[tilespmem:$0x2110] =	vst v35  }
0x1e9: {  	[tilespmem:v17+s7+$0x0] =	vst.idx.msk $0x1, v36  }
0x1ea: {  	v49 =	vld [tilespmem:$0x1200]  }
0x1eb: {  	v36 =	vld [tilespmem:$0x1210]  }
0x1ec: {  	v50 =	vld [tilespmem:$0x1220]  }
0x1ed: {  	v51 =	vld [tilespmem:$0x1230]  }
0x1ee: {  	v52 =	vld [tilespmem:$0x1240]  }
0x1ef: {  	v53 =	vld [tilespmem:$0x1250]  }
0x1f0: {  	v54 =	vld [tilespmem:$0x1260];
	v35 =	vmax.f32 v49, v36  }
0x1f1: {  	v55 =	vld [tilespmem:$0x1270];
	v35 =	vmax.f32 v35, v50  }
0x1f2: {  	v56 =	vld [tilespmem:$0x1280];
	v35 =	vmax.f32 v35, v51  }
0x1f3: {  	v57 =	vld [tilespmem:$0x1290];
	v35 =	vmax.f32 v35, v52  }
0x1f4: {  	v58 =	vld [tilespmem:$0x12A0];
	v35 =	vmax.f32 v35, v53  }
0x1f5: {  	v59 =	vld [tilespmem:$0x12B0];
	v35 =	vmax.f32 v35, v54  }
0x1f6: {  	v60 =	vld [tilespmem:$0x12C0];
	v35 =	vmax.f32 v35, v55  }
0x1f7: {  	v61 =	vld [tilespmem:$0x12D0];
	v35 =	vmax.f32 v35, v56  }
0x1f8: {  	v62 =	vld [tilespmem:$0x12E0];
	v35 =	vmax.f32 v35, v57  }
0x1f9: {  	v63 =	vld [tilespmem:$0x12F0];
	v35 =	vmax.f32 v35, v58  }
0x1fa: {  	v35 =	vmax.f32 v35, v59  }
0x1fb: {  	v35 =	vmax.f32 v35, v60  }
0x1fc: {  	v35 =	vmax.f32 v35, v61  }
0x1fd: {  	v35 =	vmax.f32 v35, v62  }
0x1fe: {  	v35 =	vmax.f32 v35, v63  }
0x1ff: {  	(xrf0) =	vmax.scan.msk.f32 $0xffff, v35;
	_ =	sdelay $0x5  }
0x200: {  	v44, _, _ =	vpop (xrf0)  }
0x201: {  	v36 =	vbroadcast v44, $0xF  }
0x202: {  	[tilespmem:$0x2120] =	vst v35  }
0x203: {  	[tilespmem:v18+s7+$0x0] =	vst.idx.msk $0x1, v36  }
0x204: {  	v45 =	vld [tilespmem:$0x1300]  }
0x205: {  	v36 =	vld [tilespmem:$0x1310]  }
0x206: {  	v46 =	vld [tilespmem:$0x1320]  }
0x207: {  	v47 =	vld [tilespmem:$0x1330]  }
0x208: {  	v48 =	vld [tilespmem:$0x1340]  }
0x209: {  	v49 =	vld [tilespmem:$0x1350]  }
0x20a: {  	v50 =	vld [tilespmem:$0x1360];
	v35 =	vmax.f32 v45, v36  }
0x20b: {  	v51 =	vld [tilespmem:$0x1370];
	v35 =	vmax.f32 v35, v46  }
0x20c: {  	v52 =	vld [tilespmem:$0x1380];
	v35 =	vmax.f32 v35, v47  }
0x20d: {  	v53 =	vld [tilespmem:$0x1390];
	v35 =	vmax.f32 v35, v48  }
0x20e: {  	v54 =	vld [tilespmem:$0x13A0];
	v35 =	vmax.f32 v35, v49  }
0x20f: {  	v55 =	vld [tilespmem:$0x13B0];
	v35 =	vmax.f32 v35, v50  }
0x210: {  	v56 =	vld [tilespmem:$0x13C0];
	v35 =	vmax.f32 v35, v51  }
0x211: {  	v57 =	vld [tilespmem:$0x13D0];
	v35 =	vmax.f32 v35, v52  }
0x212: {  	v58 =	vld [tilespmem:$0x13E0];
	v35 =	vmax.f32 v35, v53  }
0x213: {  	v59 =	vld [tilespmem:$0x13F0];
	v35 =	vmax.f32 v35, v54  }
0x214: {  	v35 =	vmax.f32 v35, v55  }
0x215: {  	v35 =	vmax.f32 v35, v56  }
0x216: {  	v35 =	vmax.f32 v35, v57  }
0x217: {  	v35 =	vmax.f32 v35, v58  }
0x218: {  	v35 =	vmax.f32 v35, v59  }
0x219: {  	(xrf0) =	vmax.scan.msk.f32 $0xffff, v35;
	_ =	sdelay $0x5  }
0x21a: {  	v60, _, _ =	vpop (xrf0)  }
0x21b: {  	v36 =	vbroadcast v60, $0xF  }
0x21c: {  	[tilespmem:$0x2130] =	vst v35  }
0x21d: {  	[tilespmem:v19+s7+$0x0] =	vst.idx.msk $0x1, v36  }
0x21e: {  	v61 =	vld [tilespmem:$0x1400]  }
0x21f: {  	v36 =	vld [tilespmem:$0x1410]  }
0x220: {  	v62 =	vld [tilespmem:$0x1420]  }
0x221: {  	v63 =	vld [tilespmem:$0x1430]  }
0x222: {  	v44 =	vld [tilespmem:$0x1440]  }
0x223: {  	v45 =	vld [tilespmem:$0x1450]  }
0x224: {  	v46 =	vld [tilespmem:$0x1460];
	v35 =	vmax.f32 v61, v36  }
0x225: {  	v47 =	vld [tilespmem:$0x1470];
	v35 =	vmax.f32 v35, v62  }
0x226: {  	v48 =	vld [tilespmem:$0x1480];
	v35 =	vmax.f32 v35, v63  }
0x227: {  	v49 =	vld [tilespmem:$0x1490];
	v35 =	vmax.f32 v35, v44  }
0x228: {  	v50 =	vld [tilespmem:$0x14A0];
	v35 =	vmax.f32 v35, v45  }
0x229: {  	v51 =	vld [tilespmem:$0x14B0];
	v35 =	vmax.f32 v35, v46  }
0x22a: {  	v52 =	vld [tilespmem:$0x14C0];
	v35 =	vmax.f32 v35, v47  }
0x22b: {  	v53 =	vld [tilespmem:$0x14D0];
	v35 =	vmax.f32 v35, v48  }
0x22c: {  	v54 =	vld [tilespmem:$0x14E0];
	v35 =	vmax.f32 v35, v49  }
0x22d: {  	v55 =	vld [tilespmem:$0x14F0];
	v35 =	vmax.f32 v35, v50  }
0x22e: {  	v35 =	vmax.f32 v35, v51  }
0x22f: {  	v35 =	vmax.f32 v35, v52  }
0x230: {  	v35 =	vmax.f32 v35, v53  }
0x231: {  	v35 =	vmax.f32 v35, v54  }
0x232: {  	v35 =	vmax.f32 v35, v55  }
0x233: {  	(xrf0) =	vmax.scan.msk.f32 $0xffff, v35;
	_ =	sdelay $0x5  }
0x234: {  	v56, _, _ =	vpop (xrf0)  }
0x235: {  	v36 =	vbroadcast v56, $0xF  }
0x236: {  	[tilespmem:$0x2140] =	vst v35  }
0x237: {  	[tilespmem:v20+s7+$0x0] =	vst.idx.msk $0x1, v36  }
0x238: {  	v57 =	vld [tilespmem:$0x1500]  }
0x239: {  	v36 =	vld [tilespmem:$0x1510]  }
0x23a: {  	v58 =	vld [tilespmem:$0x1520]  }
0x23b: {  	v59 =	vld [tilespmem:$0x1530]  }
0x23c: {  	v60 =	vld [tilespmem:$0x1540]  }
0x23d: {  	v61 =	vld [tilespmem:$0x1550]  }
0x23e: {  	v62 =	vld [tilespmem:$0x1560];
	v35 =	vmax.f32 v57, v36  }
0x23f: {  	v63 =	vld [tilespmem:$0x1570];
	v35 =	vmax.f32 v35, v58  }
0x240: {  	v44 =	vld [tilespmem:$0x1580];
	v35 =	vmax.f32 v35, v59  }
0x241: {  	v45 =	vld [tilespmem:$0x1590];
	v35 =	vmax.f32 v35, v60  }
0x242: {  	v46 =	vld [tilespmem:$0x15A0];
	v35 =	vmax.f32 v35, v61  }
0x243: {  	v47 =	vld [tilespmem:$0x15B0];
	v35 =	vmax.f32 v35, v62  }
0x244: {  	v48 =	vld [tilespmem:$0x15C0];
	v35 =	vmax.f32 v35, v63  }
0x245: {  	v49 =	vld [tilespmem:$0x15D0];
	v35 =	vmax.f32 v35, v44  }
0x246: {  	v50 =	vld [tilespmem:$0x15E0];
	v35 =	vmax.f32 v35, v45  }
0x247: {  	v51 =	vld [tilespmem:$0x15F0];
	v35 =	vmax.f32 v35, v46  }
0x248: {  	v35 =	vmax.f32 v35, v47  }
0x249: {  	v35 =	vmax.f32 v35, v48  }
0x24a: {  	v35 =	vmax.f32 v35, v49  }
0x24b: {  	v35 =	vmax.f32 v35, v50  }
0x24c: {  	v35 =	vmax.f32 v35, v51  }
0x24d: {  	(xrf0) =	vmax.scan.msk.f32 $0xffff, v35;
	_ =	sdelay $0x5  }
0x24e: {  	v52, _, _ =	vpop (xrf0)  }
0x24f: {  	v36 =	vbroadcast v52, $0xF  }
0x250: {  	[tilespmem:$0x2150] =	vst v35  }
0x251: {  	[tilespmem:v21+s7+$0x0] =	vst.idx.msk $0x1, v36  }
0x252: {  	v53 =	vld [tilespmem:$0x1600]  }
0x253: {  	v36 =	vld [tilespmem:$0x1610]  }
0x254: {  	v54 =	vld [tilespmem:$0x1620]  }
0x255: {  	v55 =	vld [tilespmem:$0x1630]  }
0x256: {  	v56 =	vld [tilespmem:$0x1640]  }
0x257: {  	v57 =	vld [tilespmem:$0x1650]  }
0x258: {  	v58 =	vld [tilespmem:$0x1660];
	v35 =	vmax.f32 v53, v36  }
0x259: {  	v59 =	vld [tilespmem:$0x1670];
	v35 =	vmax.f32 v35, v54  }
0x25a: {  	v60 =	vld [tilespmem:$0x1680];
	v35 =	vmax.f32 v35, v55  }
0x25b: {  	v61 =	vld [tilespmem:$0x1690];
	v35 =	vmax.f32 v35, v56  }
0x25c: {  	v62 =	vld [tilespmem:$0x16A0];
	v35 =	vmax.f32 v35, v57  }
0x25d: {  	v63 =	vld [tilespmem:$0x16B0];
	v35 =	vmax.f32 v35, v58  }
0x25e: {  	v44 =	vld [tilespmem:$0x16C0];
	v35 =	vmax.f32 v35, v59  }
0x25f: {  	v45 =	vld [tilespmem:$0x16D0];
	v35 =	vmax.f32 v35, v60  }
0x260: {  	v46 =	vld [tilespmem:$0x16E0];
	v35 =	vmax.f32 v35, v61  }
0x261: {  	v47 =	vld [tilespmem:$0x16F0];
	v35 =	vmax.f32 v35, v62  }
0x262: {  	v35 =	vmax.f32 v35, v63  }
0x263: {  	v35 =	vmax.f32 v35, v44  }
0x264: {  	v35 =	vmax.f32 v35, v45  }
0x265: {  	v35 =	vmax.f32 v35, v46  }
0x266: {  	v35 =	vmax.f32 v35, v47  }
0x267: {  	(xrf0) =	vmax.scan.msk.f32 $0xffff, v35;
	_ =	sdelay $0x5  }
0x268: {  	v48, _, _ =	vpop (xrf0)  }
0x269: {  	v36 =	vbroadcast v48, $0xF  }
0x26a: {  	[tilespmem:$0x2160] =	vst v35  }
0x26b: {  	[tilespmem:v22+s7+$0x0] =	vst.idx.msk $0x1, v36  }
0x26c: {  	v49 =	vld [tilespmem:$0x1700]  }
0x26d: {  	v36 =	vld [tilespmem:$0x1710]  }
0x26e: {  	v50 =	vld [tilespmem:$0x1720]  }
0x26f: {  	v51 =	vld [tilespmem:$0x1730]  }
0x270: {  	v52 =	vld [tilespmem:$0x1740]  }
0x271: {  	v53 =	vld [tilespmem:$0x1750]  }
0x272: {  	v54 =	vld [tilespmem:$0x1760];
	v35 =	vmax.f32 v49, v36  }
0x273: {  	v55 =	vld [tilespmem:$0x1770];
	v35 =	vmax.f32 v35, v50  }
0x274: {  	v56 =	vld [tilespmem:$0x1780];
	v35 =	vmax.f32 v35, v51  }
0x275: {  	v57 =	vld [tilespmem:$0x1790];
	v35 =	vmax.f32 v35, v52  }
0x276: {  	v58 =	vld [tilespmem:$0x17A0];
	v35 =	vmax.f32 v35, v53  }
0x277: {  	v59 =	vld [tilespmem:$0x17B0];
	v35 =	vmax.f32 v35, v54  }
0x278: {  	v60 =	vld [tilespmem:$0x17C0];
	v35 =	vmax.f32 v35, v55  }
0x279: {  	v61 =	vld [tilespmem:$0x17D0];
	v35 =	vmax.f32 v35, v56  }
0x27a: {  	v62 =	vld [tilespmem:$0x17E0];
	v35 =	vmax.f32 v35, v57  }
0x27b: {  	v63 =	vld [tilespmem:$0x17F0];
	v35 =	vmax.f32 v35, v58  }
0x27c: {  	v35 =	vmax.f32 v35, v59  }
0x27d: {  	v35 =	vmax.f32 v35, v60  }
0x27e: {  	v35 =	vmax.f32 v35, v61  }
0x27f: {  	v35 =	vmax.f32 v35, v62  }
0x280: {  	v35 =	vmax.f32 v35, v63  }
0x281: {  	(xrf0) =	vmax.scan.msk.f32 $0xffff, v35;
	_ =	sdelay $0x5  }
0x282: {  	v44, _, _ =	vpop (xrf0)  }
0x283: {  	v36 =	vbroadcast v44, $0xF  }
0x284: {  	[tilespmem:$0x2170] =	vst v35  }
0x285: {  	[tilespmem:v23+s7+$0x0] =	vst.idx.msk $0x1, v36  }
0x286: {  	v45 =	vld [tilespmem:$0x1800]  }
0x287: {  	v36 =	vld [tilespmem:$0x1810]  }
0x288: {  	v46 =	vld [tilespmem:$0x1820]  }
0x289: {  	v47 =	vld [tilespmem:$0x1830]  }
0x28a: {  	v48 =	vld [tilespmem:$0x1840]  }
0x28b: {  	v49 =	vld [tilespmem:$0x1850]  }
0x28c: {  	v50 =	vld [tilespmem:$0x1860];
	v35 =	vmax.f32 v45, v36  }
0x28d: {  	v51 =	vld [tilespmem:$0x1870];
	v35 =	vmax.f32 v35, v46  }
0x28e: {  	v52 =	vld [tilespmem:$0x1880];
	v35 =	vmax.f32 v35, v47  }
0x28f: {  	v53 =	vld [tilespmem:$0x1890];
	v35 =	vmax.f32 v35, v48  }
0x290: {  	v54 =	vld [tilespmem:$0x18A0];
	v35 =	vmax.f32 v35, v49  }
0x291: {  	v55 =	vld [tilespmem:$0x18B0];
	v35 =	vmax.f32 v35, v50  }
0x292: {  	v56 =	vld [tilespmem:$0x18C0];
	v35 =	vmax.f32 v35, v51  }
0x293: {  	v57 =	vld [tilespmem:$0x18D0];
	v35 =	vmax.f32 v35, v52  }
0x294: {  	v58 =	vld [tilespmem:$0x18E0];
	v35 =	vmax.f32 v35, v53  }
0x295: {  	v59 =	vld [tilespmem:$0x18F0];
	v35 =	vmax.f32 v35, v54  }
0x296: {  	v35 =	vmax.f32 v35, v55  }
0x297: {  	v35 =	vmax.f32 v35, v56  }
0x298: {  	v35 =	vmax.f32 v35, v57  }
0x299: {  	v35 =	vmax.f32 v35, v58  }
0x29a: {  	v35 =	vmax.f32 v35, v59  }
0x29b: {  	(xrf0) =	vmax.scan.msk.f32 $0xffff, v35;
	_ =	sdelay $0x5  }
0x29c: {  	v60, _, _ =	vpop (xrf0)  }
0x29d: {  	v36 =	vbroadcast v60, $0xF  }
0x29e: {  	[tilespmem:$0x2180] =	vst v35  }
0x29f: {  	[tilespmem:v24+s7+$0x0] =	vst.idx.msk $0x1, v36  }
0x2a0: {  	v61 =	vld [tilespmem:$0x1900]  }
0x2a1: {  	v36 =	vld [tilespmem:$0x1910]  }
0x2a2: {  	v62 =	vld [tilespmem:$0x1920]  }
0x2a3: {  	v63 =	vld [tilespmem:$0x1930]  }
0x2a4: {  	v44 =	vld [tilespmem:$0x1940]  }
0x2a5: {  	v45 =	vld [tilespmem:$0x1950]  }
0x2a6: {  	v46 =	vld [tilespmem:$0x1960];
	v35 =	vmax.f32 v61, v36  }
0x2a7: {  	v47 =	vld [tilespmem:$0x1970];
	v35 =	vmax.f32 v35, v62  }
0x2a8: {  	v48 =	vld [tilespmem:$0x1980];
	v35 =	vmax.f32 v35, v63  }
0x2a9: {  	v49 =	vld [tilespmem:$0x1990];
	v35 =	vmax.f32 v35, v44  }
0x2aa: {  	v50 =	vld [tilespmem:$0x19A0];
	v35 =	vmax.f32 v35, v45  }
0x2ab: {  	v51 =	vld [tilespmem:$0x19B0];
	v35 =	vmax.f32 v35, v46  }
0x2ac: {  	v52 =	vld [tilespmem:$0x19C0];
	v35 =	vmax.f32 v35, v47  }
0x2ad: {  	v53 =	vld [tilespmem:$0x19D0];
	v35 =	vmax.f32 v35, v48  }
0x2ae: {  	v54 =	vld [tilespmem:$0x19E0];
	v35 =	vmax.f32 v35, v49  }
0x2af: {  	v55 =	vld [tilespmem:$0x19F0];
	v35 =	vmax.f32 v35, v50  }
0x2b0: {  	v35 =	vmax.f32 v35, v51  }
0x2b1: {  	v35 =	vmax.f32 v35, v52  }
0x2b2: {  	v35 =	vmax.f32 v35, v53  }
0x2b3: {  	v35 =	vmax.f32 v35, v54  }
0x2b4: {  	v35 =	vmax.f32 v35, v55  }
0x2b5: {  	(xrf0) =	vmax.scan.msk.f32 $0xffff, v35;
	_ =	sdelay $0x5  }
0x2b6: {  	v56, _, _ =	vpop (xrf0)  }
0x2b7: {  	v36 =	vbroadcast v56, $0xF  }
0x2b8: {  	[tilespmem:$0x2190] =	vst v35  }
0x2b9: {  	[tilespmem:v25+s7+$0x0] =	vst.idx.msk $0x1, v36  }
0x2ba: {  	v57 =	vld [tilespmem:$0x1A00]  }
0x2bb: {  	v36 =	vld [tilespmem:$0x1A10]  }
0x2bc: {  	v58 =	vld [tilespmem:$0x1A20]  }
0x2bd: {  	v59 =	vld [tilespmem:$0x1A30]  }
0x2be: {  	v60 =	vld [tilespmem:$0x1A40]  }
0x2bf: {  	v61 =	vld [tilespmem:$0x1A50]  }
0x2c0: {  	v62 =	vld [tilespmem:$0x1A60];
	v35 =	vmax.f32 v57, v36  }
0x2c1: {  	v63 =	vld [tilespmem:$0x1A70];
	v35 =	vmax.f32 v35, v58  }
0x2c2: {  	v44 =	vld [tilespmem:$0x1A80];
	v35 =	vmax.f32 v35, v59  }
0x2c3: {  	v45 =	vld [tilespmem:$0x1A90];
	v35 =	vmax.f32 v35, v60  }
0x2c4: {  	v46 =	vld [tilespmem:$0x1AA0];
	v35 =	vmax.f32 v35, v61  }
0x2c5: {  	v47 =	vld [tilespmem:$0x1AB0];
	v35 =	vmax.f32 v35, v62  }
0x2c6: {  	v48 =	vld [tilespmem:$0x1AC0];
	v35 =	vmax.f32 v35, v63  }
0x2c7: {  	v49 =	vld [tilespmem:$0x1AD0];
	v35 =	vmax.f32 v35, v44  }
0x2c8: {  	v50 =	vld [tilespmem:$0x1AE0];
	v35 =	vmax.f32 v35, v45  }
0x2c9: {  	v51 =	vld [tilespmem:$0x1AF0];
	v35 =	vmax.f32 v35, v46  }
0x2ca: {  	v35 =	vmax.f32 v35, v47  }
0x2cb: {  	v35 =	vmax.f32 v35, v48  }
0x2cc: {  	v35 =	vmax.f32 v35, v49  }
0x2cd: {  	v35 =	vmax.f32 v35, v50  }
0x2ce: {  	v35 =	vmax.f32 v35, v51  }
0x2cf: {  	(xrf0) =	vmax.scan.msk.f32 $0xffff, v35;
	_ =	sdelay $0x5  }
0x2d0: {  	v52, _, _ =	vpop (xrf0)  }
0x2d1: {  	v36 =	vbroadcast v52, $0xF  }
0x2d2: {  	[tilespmem:$0x21A0] =	vst v35  }
0x2d3: {  	[tilespmem:v26+s7+$0x0] =	vst.idx.msk $0x1, v36  }
0x2d4: {  	v53 =	vld [tilespmem:$0x1B00]  }
0x2d5: {  	v36 =	vld [tilespmem:$0x1B10]  }
0x2d6: {  	v54 =	vld [tilespmem:$0x1B20]  }
0x2d7: {  	v55 =	vld [tilespmem:$0x1B30]  }
0x2d8: {  	v56 =	vld [tilespmem:$0x1B40]  }
0x2d9: {  	v57 =	vld [tilespmem:$0x1B50]  }
0x2da: {  	v58 =	vld [tilespmem:$0x1B60];
	v35 =	vmax.f32 v53, v36  }
0x2db: {  	v59 =	vld [tilespmem:$0x1B70];
	v35 =	vmax.f32 v35, v54  }
0x2dc: {  	v60 =	vld [tilespmem:$0x1B80];
	v35 =	vmax.f32 v35, v55  }
0x2dd: {  	v61 =	vld [tilespmem:$0x1B90];
	v35 =	vmax.f32 v35, v56  }
0x2de: {  	v62 =	vld [tilespmem:$0x1BA0];
	v35 =	vmax.f32 v35, v57  }
0x2df: {  	v63 =	vld [tilespmem:$0x1BB0];
	v35 =	vmax.f32 v35, v58  }
0x2e0: {  	v44 =	vld [tilespmem:$0x1BC0];
	v35 =	vmax.f32 v35, v59  }
0x2e1: {  	v45 =	vld [tilespmem:$0x1BD0];
	v35 =	vmax.f32 v35, v60  }
0x2e2: {  	v46 =	vld [tilespmem:$0x1BE0];
	v35 =	vmax.f32 v35, v61  }
0x2e3: {  	v47 =	vld [tilespmem:$0x1BF0];
	v35 =	vmax.f32 v35, v62  }
0x2e4: {  	v35 =	vmax.f32 v35, v63  }
0x2e5: {  	v35 =	vmax.f32 v35, v44  }
0x2e6: {  	v35 =	vmax.f32 v35, v45  }
0x2e7: {  	v35 =	vmax.f32 v35, v46  }
0x2e8: {  	v35 =	vmax.f32 v35, v47  }
0x2e9: {  	(xrf0) =	vmax.scan.msk.f32 $0xffff, v35;
	_ =	sdelay $0x5  }
0x2ea: {  	v48, _, _ =	vpop (xrf0)  }
0x2eb: {  	v36 =	vbroadcast v48, $0xF  }
0x2ec: {  	[tilespmem:$0x21B0] =	vst v35  }
0x2ed: {  	[tilespmem:v27+s7+$0x0] =	vst.idx.msk $0x1, v36  }
0x2ee: {  	v49 =	vld [tilespmem:$0x1C00]  }
0x2ef: {  	v36 =	vld [tilespmem:$0x1C10]  }
0x2f0: {  	v50 =	vld [tilespmem:$0x1C20]  }
0x2f1: {  	v51 =	vld [tilespmem:$0x1C30]  }
0x2f2: {  	v52 =	vld [tilespmem:$0x1C40]  }
0x2f3: {  	v53 =	vld [tilespmem:$0x1C50]  }
0x2f4: {  	v54 =	vld [tilespmem:$0x1C60];
	v35 =	vmax.f32 v49, v36  }
0x2f5: {  	v55 =	vld [tilespmem:$0x1C70];
	v35 =	vmax.f32 v35, v50  }
0x2f6: {  	v56 =	vld [tilespmem:$0x1C80];
	v35 =	vmax.f32 v35, v51  }
0x2f7: {  	v57 =	vld [tilespmem:$0x1C90];
	v35 =	vmax.f32 v35, v52  }
0x2f8: {  	v58 =	vld [tilespmem:$0x1CA0];
	v35 =	vmax.f32 v35, v53  }
0x2f9: {  	v59 =	vld [tilespmem:$0x1CB0];
	v35 =	vmax.f32 v35, v54  }
0x2fa: {  	v60 =	vld [tilespmem:$0x1CC0];
	v35 =	vmax.f32 v35, v55  }
0x2fb: {  	v61 =	vld [tilespmem:$0x1CD0];
	v35 =	vmax.f32 v35, v56  }
0x2fc: {  	v62 =	vld [tilespmem:$0x1CE0];
	v35 =	vmax.f32 v35, v57  }
0x2fd: {  	v63 =	vld [tilespmem:$0x1CF0];
	v35 =	vmax.f32 v35, v58  }
0x2fe: {  	v35 =	vmax.f32 v35, v59  }
0x2ff: {  	v35 =	vmax.f32 v35, v60  }
0x300: {  	v35 =	vmax.f32 v35, v61  }
0x301: {  	v35 =	vmax.f32 v35, v62  }
0x302: {  	v35 =	vmax.f32 v35, v63  }
0x303: {  	(xrf0) =	vmax.scan.msk.f32 $0xffff, v35;
	_ =	sdelay $0x5  }
0x304: {  	v43, _, _ =	vpop (xrf0)  }
0x305: {  	v36 =	vbroadcast v43, $0xF  }
0x306: {  	[tilespmem:$0x21C0] =	vst v35  }
0x307: {  	[tilespmem:v28+s7+$0x0] =	vst.idx.msk $0x1, v36  }
0x308: {  	v44 =	vld [tilespmem:$0x1D00]  }
0x309: {  	v36 =	vld [tilespmem:$0x1D10]  }
0x30a: {  	v45 =	vld [tilespmem:$0x1D20]  }
0x30b: {  	v46 =	vld [tilespmem:$0x1D30]  }
0x30c: {  	v47 =	vld [tilespmem:$0x1D40]  }
0x30d: {  	v48 =	vld [tilespmem:$0x1D50]  }
0x30e: {  	v49 =	vld [tilespmem:$0x1D60];
	v35 =	vmax.f32 v44, v36  }
0x30f: {  	v50 =	vld [tilespmem:$0x1D70];
	v35 =	vmax.f32 v35, v45  }
0x310: {  	v51 =	vld [tilespmem:$0x1D80];
	v35 =	vmax.f32 v35, v46  }
0x311: {  	v52 =	vld [tilespmem:$0x1D90];
	v35 =	vmax.f32 v35, v47  }
0x312: {  	v53 =	vld [tilespmem:$0x1DA0];
	v35 =	vmax.f32 v35, v48  }
0x313: {  	v54 =	vld [tilespmem:$0x1DB0];
	v35 =	vmax.f32 v35, v49  }
0x314: {  	v55 =	vld [tilespmem:$0x1DC0];
	v35 =	vmax.f32 v35, v50  }
0x315: {  	v56 =	vld [tilespmem:$0x1DD0];
	v35 =	vmax.f32 v35, v51  }
0x316: {  	v57 =	vld [tilespmem:$0x1DE0];
	v35 =	vmax.f32 v35, v52  }
0x317: {  	v58 =	vld [tilespmem:$0x1DF0];
	v35 =	vmax.f32 v35, v53  }
0x318: {  	v35 =	vmax.f32 v35, v54  }
0x319: {  	v35 =	vmax.f32 v35, v55  }
0x31a: {  	v35 =	vmax.f32 v35, v56  }
0x31b: {  	v35 =	vmax.f32 v35, v57  }
0x31c: {  	v35 =	vmax.f32 v35, v58  }
0x31d: {  	(xrf0) =	vmax.scan.msk.f32 $0xffff, v35;
	_ =	sdelay $0x5  }
0x31e: {  	v59, _, _ =	vpop (xrf0)  }
0x31f: {  	v36 =	vbroadcast v59, $0xF  }
0x320: {  	[tilespmem:$0x21D0] =	vst v35  }
0x321: {  	[tilespmem:v29+s7+$0x0] =	vst.idx.msk $0x1, v36  }
0x322: {  	v60 =	vld [tilespmem:$0x1E00]  }
0x323: {  	v36 =	vld [tilespmem:$0x1E10]  }
0x324: {  	v61 =	vld [tilespmem:$0x1E20]  }
0x325: {  	v62 =	vld [tilespmem:$0x1E30]  }
0x326: {  	v63 =	vld [tilespmem:$0x1E40]  }
0x327: {  	v44 =	vld [tilespmem:$0x1E50]  }
0x328: {  	v45 =	vld [tilespmem:$0x1E60];
	v35 =	vmax.f32 v60, v36  }
0x329: {  	v46 =	vld [tilespmem:$0x1E70];
	v35 =	vmax.f32 v35, v61  }
0x32a: {  	v47 =	vld [tilespmem:$0x1E80];
	v35 =	vmax.f32 v35, v62  }
0x32b: {  	v48 =	vld [tilespmem:$0x1E90];
	v35 =	vmax.f32 v35, v63  }
0x32c: {  	v49 =	vld [tilespmem:$0x1EA0];
	v35 =	vmax.f32 v35, v44  }
0x32d: {  	v50 =	vld [tilespmem:$0x1EB0];
	v35 =	vmax.f32 v35, v45  }
0x32e: {  	v51 =	vld [tilespmem:$0x1EC0];
	v35 =	vmax.f32 v35, v46  }
0x32f: {  	v52 =	vld [tilespmem:$0x1ED0];
	v35 =	vmax.f32 v35, v47  }
0x330: {  	v53 =	vld [tilespmem:$0x1EE0];
	v35 =	vmax.f32 v35, v48  }
0x331: {  	v54 =	vld [tilespmem:$0x1EF0];
	v35 =	vmax.f32 v35, v49  }
0x332: {  	v35 =	vmax.f32 v35, v50  }
0x333: {  	v35 =	vmax.f32 v35, v51  }
0x334: {  	v35 =	vmax.f32 v35, v52  }
0x335: {  	v35 =	vmax.f32 v35, v53  }
0x336: {  	v35 =	vmax.f32 v35, v54  }
0x337: {  	(xrf0) =	vmax.scan.msk.f32 $0xffff, v35;
	_ =	sdelay $0x5  }
0x338: {  	v55, _, _ =	vpop (xrf0)  }
0x339: {  	v36 =	vbroadcast v55, $0xF  }
0x33a: {  	[tilespmem:$0x21E0] =	vst v35  }
0x33b: {  	[tilespmem:v30+s7+$0x0] =	vst.idx.msk $0x1, v36  }
0x33c: {  	v56 =	vld [tilespmem:$0x1F00]  }
0x33d: {  	v36 =	vld [tilespmem:$0x1F10]  }
0x33e: {  	v57 =	vld [tilespmem:$0x1F20]  }
0x33f: {  	v58 =	vld [tilespmem:$0x1F30]  }
0x340: {  	v59 =	vld [tilespmem:$0x1F40]  }
0x341: {  	v60 =	vld [tilespmem:$0x1F50]  }
0x342: {  	v61 =	vld [tilespmem:$0x1F60];
	v35 =	vmax.f32 v56, v36  }
0x343: {  	v62 =	vld [tilespmem:$0x1F70];
	v35 =	vmax.f32 v35, v57  }
0x344: {  	v63 =	vld [tilespmem:$0x1F80];
	v35 =	vmax.f32 v35, v58  }
0x345: {  	v44 =	vld [tilespmem:$0x1F90];
	v35 =	vmax.f32 v35, v59  }
0x346: {  	v45 =	vld [tilespmem:$0x1FA0];
	v35 =	vmax.f32 v35, v60  }
0x347: {  	v46 =	vld [tilespmem:$0x1FB0];
	v35 =	vmax.f32 v35, v61  }
0x348: {  	v47 =	vld [tilespmem:$0x1FC0];
	v35 =	vmax.f32 v35, v62  }
0x349: {  	v48 =	vld [tilespmem:$0x1FD0];
	v35 =	vmax.f32 v35, v63  }
0x34a: {  	v49 =	vld [tilespmem:$0x1FE0];
	v35 =	vmax.f32 v35, v44  }
0x34b: {  	v50 =	vld [tilespmem:$0x1FF0];
	v35 =	vmax.f32 v35, v45  }
0x34c: {  	v35 =	vmax.f32 v35, v46  }
0x34d: {  	v35 =	vmax.f32 v35, v47  }
0x34e: {  	v35 =	vmax.f32 v35, v48  }
0x34f: {  	v35 =	vmax.f32 v35, v49  }
0x350: {  	v35 =	vmax.f32 v35, v50  }
0x351: {  	(xrf0) =	vmax.scan.msk.f32 $0xffff, v35;
	_ =	sdelay $0x5  }
0x352: {  	v51, _, _ =	vpop (xrf0)  }
0x353: {  	v36 =	vbroadcast v51, $0xF  }
0x354: {  	[tilespmem:$0x21F0] =	vst v35  }
0x355: {  	[tilespmem:v31+s7+$0x0] =	vst.idx.msk $0x1, v36  }
0x356: {  	v52 =	vld [tilespmem:$0x2210]  }
0x357: {  	v36 =	vld [tilespmem:$0x2200];
	_ =	sdelay $0x4  }
0x358: {  	v53 =	vmax.f32 v36, v52  }
0x359: {  	(xrf0) =	vmax.scan.msk.f32 $0xffff, v53;
	_ =	sdelay $0x5  }
0x35a: {  	v54, _, _ =	vpop (xrf0)  }
0x35b: {  	v61 =	vbroadcast v54, $0xF  }
0x35c: {  	v35 =	vor.u32 $0x80000010, v32;
	vm2 =	vge.f32 v36, v52;
	v36 =	vor.u32 $0x80000000, v32  }
0x35d: {  	v55 =	vsel vm2, v36, v35;
	vm3 =	veq.f32 v53, v61  }
0x35e: {  	v37 =	vnsel vm3, $0x80000400, v55  }
0x35f: {  	(xrf0) =	vmin.scan.msk.u32 $0xffff, v37;
	_ =	sdelay $0x5  }
0x360: {  	v37, _, _ =	vpop (xrf0)  }
0x361: {  	(v2sf) =	vpush v37, $0xF;
	_ =	sdelay $0xe  }
0x362: {  	s12 =	spop (v2sf)  }
0x363: {  	s11 =	sshll.u32 s12, $0x8  }
0x364: {  	v56 =	vmov s11  }
0x365: {  	v37 =	vsel vm0, $0x7, v0;
	v57 =	vshrl.u32 v56, $0x7  }
0x366: {  	v38 =	vshll.u32 v57, v37  }
0x367: {  	v45 =	vbroadcast v38, $0x0  }
0x368: {  	v38 =	vor.u32 $0x10, v32  }
0x369: {  	v41 =	vor.u32 v38, v45  }
0x36a: {  	v42 =	vor.u32 s11, v32  }
0x36b: {  	v39 =	vor.u32 $0x20, v32  }
0x36c: {  	v43 =	vor.u32 v39, v45;
	_ =	sdelay $0x1  }
0x36d: {  	v40 =	vor.u32 $0x30, v32;
	v59 =	vld.idx.msk [tilespmem:v41+s2+$0x0], $0xffff  }
0x36e: {  	v44 =	vor.u32 v40, v45;
	v60 =	vld.idx.msk [tilespmem:v42+s2+$0x0], $0xffff;
	_ =	sdelay $0x1  }
0x36f: {  	v41 =	vor.u32 $0x40, v32;
	v56 =	vld.idx.msk [tilespmem:v43+s2+$0x0], $0xffff  }
0x370: {  	v46 =	vor.u32 v41, v45  }
0x371: {  	vm2 =	veq.f32 v59, v61  }
0x372: {  	v42 =	vor.u32 $0x50, v32;
	v57 =	vld.idx.msk [tilespmem:v44+s2+$0x0], $0xffff;
	vm3 =	vne.f32 v60, v61;
	v58 =	vsel vm2, $0x1, v33  }
0x373: {  	v47 =	vor.u32 v42, v45;
	v62 =	vnsel vm3, $0x0, v58  }
0x374: {  	vm2 =	veq.f32 v56, v61;
	vm3 =	veq.s32 v62, $0x63  }
0x375: {  	v43 =	vor.u32 $0x60, v32;
	v58 =	vld.idx.msk [tilespmem:v46+s2+$0x0], $0xffff;
	vm2 =	vmand vm2, vm3  }
0x376: {  	s13 =	sor.u32 $0x80, s11;
	v63 =	vor.u32 v43, v45;
	v48 =	vsel vm2, $0x2, v62  }
0x377: {  	v49 =	vmov s13;
	vm2 =	veq.f32 v57, v61;
	vm3 =	veq.s32 v48, $0x63  }
0x378: {  	v49 =	vshrl.u32 v49, $0x7;
	v44 =	vor.u32 $0x70, v32;
	v55 =	vld.idx.msk [tilespmem:v47+s2+$0x0], $0xffff;
	vm2 =	vmand vm2, vm3  }
0x379: {  	v54 =	vshll.u32 v49, v37;
	v62 =	vor.u32 v44, v45;
	v48 =	vsel vm2, $0x3, v48  }
0x37a: {  	v53 =	vbroadcast v54, $0x0;
	vm2 =	veq.f32 v58, v61;
	vm3 =	veq.s32 v48, $0x63  }
0x37b: {  	v45 =	vld.idx.msk [tilespmem:v63+s2+$0x0], $0xffff;
	vm2 =	vmand vm2, vm3  }
0x37c: {  	v47 =	vor.u32 v32, v53;
	v48 =	vsel vm2, $0x4, v48  }
0x37d: {  	vm2 =	veq.f32 v55, v61;
	vm3 =	veq.s32 v48, $0x63  }
0x37e: {  	v46 =	vld.idx.msk [tilespmem:v62+s2+$0x0], $0xffff;
	vm2 =	vmand vm2, vm3  }
0x37f: {  	v63 =	vor.u32 v38, v53;
	v48 =	vsel vm2, $0x5, v48  }
0x380: {  	vm2 =	veq.f32 v45, v61;
	vm3 =	veq.s32 v48, $0x63  }
0x381: {  	v47 =	vld.idx.msk [tilespmem:v47+s2+$0x0], $0xffff;
	vm2 =	vmand vm2, vm3  }
0x382: {  	v50 =	vor.u32 v39, v53;
	v51 =	vsel vm2, $0x6, v48  }
0x383: {  	vm2 =	veq.f32 v46, v61;
	vm3 =	veq.s32 v51, $0x63  }
0x384: {  	v48 =	vld.idx.msk [tilespmem:v63+s2+$0x0], $0xffff;
	vm2 =	vmand vm2, vm3  }
0x385: {  	v52 =	vor.u32 v40, v53;
	v51 =	vsel vm2, $0x7, v51  }
0x386: {  	vm2 =	veq.f32 v47, v61;
	vm3 =	veq.s32 v51, $0x63  }
0x387: {  	v49 =	vld.idx.msk [tilespmem:v50+s2+$0x0], $0xffff;
	vm2 =	vmand vm2, vm3  }
0x388: {  	v54 =	vor.u32 v41, v53;
	v51 =	vsel vm2, $0x8, v51  }
0x389: {  	vm2 =	veq.f32 v48, v61;
	vm3 =	veq.s32 v51, $0x63  }
0x38a: {  	v50 =	vld.idx.msk [tilespmem:v52+s2+$0x0], $0xffff;
	vm2 =	vmand vm2, vm3  }
0x38b: {  	v52 =	vor.u32 v42, v53;
	v62 =	vsel vm2, $0x9, v51  }
0x38c: {  	vm2 =	veq.f32 v49, v61;
	vm3 =	veq.s32 v62, $0x63  }
0x38d: {  	v51 =	vld.idx.msk [tilespmem:v54+s2+$0x0], $0xffff;
	vm2 =	vmand vm2, vm3  }
0x38e: {  	v54 =	vor.u32 v43, v53;
	v62 =	vsel vm2, $0xA, v62  }
0x38f: {  	vm2 =	veq.f32 v50, v61;
	vm3 =	veq.s32 v62, $0x63  }
0x390: {  	v52 =	vld.idx.msk [tilespmem:v52+s2+$0x0], $0xffff;
	vm2 =	vmand vm2, vm3  }
0x391: {  	v63 =	vor.u32 v44, v53;
	v62 =	vsel vm2, $0xB, v62  }
0x392: {  	vm2 =	veq.f32 v51, v61;
	vm3 =	veq.s32 v62, $0x63  }
0x393: {  	v53 =	vld.idx.msk [tilespmem:v54+s2+$0x0], $0xffff;
	vm2 =	vmand vm2, vm3  }
0x394: {  	v62 =	vsel vm2, $0xC, v62  }
0x395: {  	vm2 =	veq.f32 v52, v61;
	vm3 =	veq.s32 v62, $0x63  }
0x396: {  	v54 =	vld.idx.msk [tilespmem:v63+s2+$0x0], $0xffff;
	vm2 =	vmand vm2, vm3  }
0x397: {  	v62 =	vsel vm2, $0xD, v62  }
0x398: {  	vm2 =	veq.f32 v53, v61;
	vm3 =	veq.s32 v62, $0x63  }
0x399: {  	vm2 =	vmand vm2, vm3  }
0x39a: {  	v62 =	vsel vm2, $0xE, v62  }
0x39b: {  	vm2 =	veq.f32 v54, v61;
	vm3 =	veq.s32 v62, $0x63  }
0x39c: {  	vm2 =	vmand vm2, vm3  }
0x39d: {  	v61 =	vsel vm2, $0xF, v62  }
0x39e: {  	v62 =	vshll.u32 v61, $0x4  }
0x39f: {  	v62 =	vadd.s32 s11, v62  }
0x3a0: {  	vm2 =	vlt.u32 v61, $0x63;
	v61 =	vxor.u32 v36, v62  }
0x3a1: {  	v61 =	vnsel vm2, $0xC0000000, v61  }
0x3a2: {  	(xrf0) =	vmin.scan.msk.u32 $0xffff, v61;
	_ =	sdelay $0x5  }
0x3a3: {  	v61, _, _ =	vpop (xrf0)  }
0x3a4: {  	(v2sf) =	vpush v61, $0xF;
	_ =	sdelay $0xe  }
0x3a5: {  	s28 =	spop (v2sf)  }
0x3a6: {  	s13 =	sxor.u32 $0x80000000, s28  }
0x3a7: {  	s14 =	ssub.s32 s13, s11  }
0x3a8: {  	s15 =	sshra.s32 s14, $0x1F  }
0x3a9: {  	p0 =	sne.s32 s13, s11;
	s11 =	simm.s32 $0x1;
	s16 =	sshrl.u32 s15, $0x1C  }
0x3aa: {  	s11 =	simm.s32 @!p0 $0x0;
	s16 =	sadd.s32 s16, s14  }
0x3ab: {  	s11 =	sor.u32 s11, s15;
	s29 =	sand.u32 $0xFFFFFFF0, s16  }
0x3ac: {  	p6 =	sne.s32 s11, $0x1;
	p1 =	sne.s32 s14, s29  }
0x3ad: {  	p0 =	por !p1, !p6  }
0x3ae: {  	s11 =	simm.s32 $0x1;
	p0 =	por !p0, !p0  }
0x3af: {  	s30 =	sshra.s32 s16, $0x4;
	s11 =	simm.s32 @!p0 $0x0  }
0x3b0: {  	vm4 =	vmmov vm1;
	vm5 =	vmmov vm1;
	v60 =	vmax.f32 v60, $-1.000000020e+30;
	s14 =	sand.u32 $0xF, s14;
	s15 =	ssub.s32 s30, s11  }
0x3b1: {  	vm3 =	vmmov vm1;
	v62 =	vmov s13;
	v61 =	vmov s14;
	p0 =	seq.s32 s15, $0x0;
	p1 =	seq.s32 s15, $0x1  }
0x3b2: {  	vm2 =	veq.s32 v61, v32;
	vm3 =	vmneg @p0 vm3;
	vm4 =	vmneg @p1 vm4  }
0x3b3: {  	v61 =	vmov s2;
	vm3 =	vmand vm2, vm3;
	vm4 =	vmand vm2, vm4  }
0x3b4: {  	p0 =	seq.s32 s15, $0x2;
	v60 =	vsel vm3, $0xF149F2CA, v60;
	v59 =	vsel vm4, $0xF149F2CA, v59;
	vm3 =	vmmov vm1  }
0x3b5: {  	s31 =	sshll.u32 s12, $0x4;
	p1 =	seq.s32 s15, $0x3;
	vm4 =	vmmov vm1;
	v59 =	vmax.f32 v60, v59;
	vm3 =	vmneg @p0 vm3  }
0x3b6: {  	v60 =	vor.u32 s31, v32;
	p0 =	seq.s32 s15, $0x4;
	vm4 =	vmneg @p1 vm4;
	vm3 =	vmand vm2, vm3  }
0x3b7: {  	vm5 =	vmneg @p0 vm5;
	vm4 =	vmand vm2, vm4;
	v56 =	vsel vm3, $0xF149F2CA, v56  }
0x3b8: {  	s12 =	sxor.u32 $0x80000000, s12;
	v57 =	vsel vm4, $0xF149F2CA, v57;
	vm3 =	vmand vm2, vm5;
	vm4 =	vmmov vm1  }
0x3b9: {  	s11 =	simm.s32 $0x1;
	p2 =	seq.s32 s15, $0x6;
	p0 =	seq.s32 s15, $0x5;
	vm5 =	vmmov vm1;
	v56 =	vmax.f32 v59, v56;
	v58 =	vsel vm3, $0xF149F2CA, v58  }
0x3ba: {  	p3 =	seq.s32 s15, $0x7;
	p5 =	seq.s32 s15, $0x9;
	vm4 =	vmneg @p0 vm4;
	vm5 =	vmneg @p2 vm5;
	vm3 =	vmmov vm1;
	p2 =	seq.s32 s15, $0xE  }
0x3bb: {  	p6 =	seq.s32 s15, $0xB;
	p4 =	seq.s32 s15, $0xC;
	v56 =	vmax.f32 v56, v57;
	vm4 =	vmand vm2, vm4;
	vm3 =	vmneg @p3 vm3;
	s13 =	simm.s32 @!p2 $0x0  }
0x3bc: {  	[tilespmem:v61+s8+$0x0] =	vst.idx.msk $0x1, v62;
	p1 =	seq.s32 s15, $0x8;
	p0 =	seq.s32 s15, $0xA;
	v56 =	vmax.f32 v56, v58;
	v55 =	vsel vm4, $0xF149F2CA, v55;
	vm4 =	vmmov vm1;
	s13 =	simm.s32 @p2 $0x1  }
0x3bd: {  	[tilespmem:v62+s2+$0x0] =	vst.idx.msk $0x1, v34;
	p3 =	seq.s32 s15, $0xD;
	vm5 =	vmand vm2, vm5;
	p2 =	seq.s32 s15, $0xF;
	[smem:$0x7FD] =	sst s13;
	vm4 =	vmneg @p1 vm4;
	v55 =	vmax.f32 v56, v55  }
.LBB2_2:
0x3be: {  	vm6 =	vmmov vm1  }
0x3bf: {  	vm7 =	vmmov vm1;
	vm8 =	vmmov vm1;
	v45 =	vsel vm5, $0xF149F2CA, v45  }
0x3c0: {  	vm3 =	vmand vm2, vm3;
	vm5 =	vmmov vm1;
	vm6 =	vmneg @p5 vm6  }
0x3c1: {  	vm7 =	vmneg @p0 vm7;
	vm8 =	vmneg @p6 vm8;
	vm5 =	vmneg @p4 vm5  }
0x3c2: {  	v45 =	vmax.f32 v55, v45;
	v46 =	vsel vm3, $0xF149F2CA, v46;
	vm3 =	vmand vm2, vm4  }
0x3c3: {  	vm4 =	vmmov vm1;
	vm6 =	vmand vm2, vm6;
	vm7 =	vmand vm2, vm7  }
0x3c4: {  	s14 =	sld [smem:$0x7FD];
	vm8 =	vmand vm2, vm8;
	v45 =	vmax.f32 v45, v46;
	v59 =	vsel vm3, $0xF149F2CA, v47  }
0x3c5: {  	vm3 =	vmand vm2, vm5;
	vm4 =	vmneg @p3 vm4;
	vm5 =	vmmov vm1  }
0x3c6: {  	v45 =	vmax.f32 v45, v59;
	v61 =	vsel vm6, $0xF149F2CA, v48;
	v62 =	vsel vm7, $0xF149F2CA, v49  }
0x3c7: {  	vm4 =	vmand vm2, vm4;
	v63 =	vsel vm8, $0xF149F2CA, v50;
	p0 =	seq.s32 s14, $0x1;
	v45 =	vmax.f32 v45, v61  }
0x3c8: {  	v48 =	vsel vm3, $0xF149F2CA, v51;
	vm5 =	vmneg @p0 vm5;
	v45 =	vmax.f32 v45, v62  }
0x3c9: {  	v49 =	vsel vm4, $0xF149F2CA, v52;
	vm4 =	vmmov vm1;
	v45 =	vmax.f32 v45, v63  }
0x3ca: {  	vm3 =	vmand vm2, vm5;
	vm4 =	vmneg @p2 vm4;
	v45 =	vmax.f32 v45, v48  }
0x3cb: {  	v50 =	vsel vm3, $0xF149F2CA, v53;
	vm2 =	vmand vm2, vm4;
	v45 =	vmax.f32 v45, v49  }
0x3cc: {  	v51 =	vsel vm2, $0xF149F2CA, v54;
	v45 =	vmax.f32 v45, v50  }
0x3cd: {  	v45 =	vmax.f32 v45, v51  }
0x3ce: {  	(xrf0) =	vmax.scan.msk.f32 $0xffff, v45;
	_ =	sdelay $0x3  }
0x3cf: {  	v52 =	vmov s12;
	_ =	sdelay $0x1  }
0x3d0: {  	v53, _, _ =	vpop (xrf0)  }
0x3d1: {  	v46 =	vbroadcast v53, $0xF  }
0x3d2: {  	[tilespmem:v60+s9+$0x0] =	vst.idx.msk $0xffff, v45  }
0x3d3: {  	[tilespmem:v52+s7+$0x0] =	vst.idx.msk $0x1, v46  }
0x3d4: {  	v45 =	vld [tilespmem:$0x2210]  }
0x3d5: {  	v46 =	vld [tilespmem:$0x2200];
	_ =	sdelay $0x4  }
0x3d6: {  	v54 =	vmax.f32 v46, v45  }
0x3d7: {  	(xrf0) =	vmax.scan.msk.f32 $0xffff, v54;
	_ =	sdelay $0x5  }
0x3d8: {  	v55, _, _ =	vpop (xrf0)  }
0x3d9: {  	v61 =	vbroadcast v55, $0xF  }
0x3da: {  	vm2 =	vge.f32 v46, v45  }
0x3db: {  	v56 =	vsel vm2, v36, v35;
	vm3 =	veq.f32 v54, v61  }
0x3dc: {  	v45 =	vnsel vm3, $0x80000400, v56  }
0x3dd: {  	(xrf0) =	vmin.scan.msk.u32 $0xffff, v45;
	_ =	sdelay $0x5  }
0x3de: {  	v45, _, _ =	vpop (xrf0)  }
0x3df: {  	(v2sf) =	vpush v45, $0xF;
	_ =	sdelay $0xe  }
0x3e0: {  	s19 =	spop (v2sf)  }
0x3e1: {  	s15 =	sshll.u32 s19, $0x8  }
0x3e2: {  	v57 =	vmov s15  }
0x3e3: {  	v45 =	vshrl.u32 v57, $0x7  }
0x3e4: {  	v45 =	vshll.u32 v45, v37  }
0x3e5: {  	v45 =	vbroadcast v45, $0x0;
	_ =	sdelay $0x1  }
0x3e6: {  	v59 =	vor.u32 v38, v45  }
0x3e7: {  	v46 =	vor.u32 s15, v32;
	_ =	sdelay $0x1  }
0x3e8: {  	v49 =	vor.u32 v39, v45;
	_ =	sdelay $0x1  }
0x3e9: {  	v59 =	vld.idx.msk [tilespmem:v59+s2+$0x0], $0xffff  }
0x3ea: {  	v50 =	vor.u32 v40, v45;
	v60 =	vld.idx.msk [tilespmem:v46+s2+$0x0], $0xffff;
	_ =	sdelay $0x1  }
0x3eb: {  	v55 =	vld.idx.msk [tilespmem:v49+s2+$0x0], $0xffff  }
0x3ec: {  	v51 =	vor.u32 v41, v45  }
0x3ed: {  	vm2 =	veq.f32 v59, v61  }
0x3ee: {  	v52 =	vor.u32 v42, v45;
	v56 =	vld.idx.msk [tilespmem:v50+s2+$0x0], $0xffff;
	vm3 =	vne.f32 v60, v61;
	v50 =	vsel vm2, $0x1, v33  }
0x3ef: {  	s16 =	sor.u32 $0x80, s15;
	v53 =	vor.u32 v43, v45;
	v54 =	vor.u32 v44, v45;
	v45 =	vnsel vm3, $0x0, v50  }
0x3f0: {  	v58 =	vmov s16;
	vm2 =	veq.f32 v55, v61;
	vm3 =	veq.s32 v45, $0x63  }
0x3f1: {  	v47 =	vshrl.u32 v58, $0x7;
	v58 =	vld.idx.msk [tilespmem:v51+s2+$0x0], $0xffff;
	vm2 =	vmand vm2, vm3  }
0x3f2: {  	v45 =	vsel vm2, $0x2, v45  }
0x3f3: {  	vm2 =	veq.f32 v56, v61;
	vm3 =	veq.s32 v45, $0x63  }
0x3f4: {  	v57 =	vld.idx.msk [tilespmem:v52+s2+$0x0], $0xffff;
	vm2 =	vmand vm2, vm3  }
0x3f5: {  	v47 =	vshll.u32 v47, v37;
	v52 =	vsel vm2, $0x3, v45  }
0x3f6: {  	v47 =	vbroadcast v47, $0x0;
	vm2 =	veq.f32 v58, v61;
	vm3 =	veq.s32 v52, $0x63  }
0x3f7: {  	v45 =	vld.idx.msk [tilespmem:v53+s2+$0x0], $0xffff;
	vm2 =	vmand vm2, vm3  }
0x3f8: {  	v62 =	vor.u32 v32, v47;
	v53 =	vsel vm2, $0x4, v52  }
0x3f9: {  	vm2 =	veq.f32 v57, v61;
	vm3 =	veq.s32 v53, $0x63  }
0x3fa: {  	v63 =	vor.u32 v38, v47;
	v1 =	vor.u32 v39, v47;
	v46 =	vld.idx.msk [tilespmem:v54+s2+$0x0], $0xffff;
	vm2 =	vmand vm2, vm3  }
0x3fb: {  	v2 =	vor.u32 v40, v47;
	v3 =	vor.u32 v41, v47;
	v54 =	vsel vm2, $0x5, v53  }
0x3fc: {  	v4 =	vor.u32 v42, v47;
	vm2 =	veq.f32 v45, v61;
	vm3 =	veq.s32 v54, $0x63  }
0x3fd: {  	v5 =	vor.u32 v43, v47;
	v6 =	vor.u32 v44, v47;
	v47 =	vld.idx.msk [tilespmem:v62+s2+$0x0], $0xffff;
	vm2 =	vmand vm2, vm3  }
0x3fe: {  	v62 =	vsel vm2, $0x6, v54  }
0x3ff: {  	vm2 =	veq.f32 v46, v61;
	vm3 =	veq.s32 v62, $0x63  }
0x400: {  	v48 =	vld.idx.msk [tilespmem:v63+s2+$0x0], $0xffff;
	vm2 =	vmand vm2, vm3  }
0x401: {  	v63 =	vsel vm2, $0x7, v62  }
0x402: {  	vm2 =	veq.f32 v47, v61;
	vm3 =	veq.s32 v63, $0x63  }
0x403: {  	v49 =	vld.idx.msk [tilespmem:v1+s2+$0x0], $0xffff;
	vm2 =	vmand vm2, vm3  }
0x404: {  	v1 =	vsel vm2, $0x8, v63  }
0x405: {  	vm2 =	veq.f32 v48, v61;
	vm3 =	veq.s32 v1, $0x63  }
0x406: {  	v50 =	vld.idx.msk [tilespmem:v2+s2+$0x0], $0xffff;
	vm2 =	vmand vm2, vm3  }
0x407: {  	v1 =	vsel vm2, $0x9, v1  }
0x408: {  	vm2 =	veq.f32 v49, v61;
	vm3 =	veq.s32 v1, $0x63  }
0x409: {  	v51 =	vld.idx.msk [tilespmem:v3+s2+$0x0], $0xffff;
	vm2 =	vmand vm2, vm3  }
0x40a: {  	v1 =	vsel vm2, $0xA, v1  }
0x40b: {  	vm2 =	veq.f32 v50, v61;
	vm3 =	veq.s32 v1, $0x63  }
0x40c: {  	v52 =	vld.idx.msk [tilespmem:v4+s2+$0x0], $0xffff;
	vm2 =	vmand vm2, vm3  }
0x40d: {  	v1 =	vsel vm2, $0xB, v1  }
0x40e: {  	vm2 =	veq.f32 v51, v61;
	vm3 =	veq.s32 v1, $0x63  }
0x40f: {  	v53 =	vld.idx.msk [tilespmem:v5+s2+$0x0], $0xffff;
	vm2 =	vmand vm2, vm3  }
0x410: {  	v1 =	vsel vm2, $0xC, v1  }
0x411: {  	vm2 =	veq.f32 v52, v61;
	vm3 =	veq.s32 v1, $0x63  }
0x412: {  	v54 =	vld.idx.msk [tilespmem:v6+s2+$0x0], $0xffff;
	vm2 =	vmand vm2, vm3  }
0x413: {  	v1 =	vsel vm2, $0xD, v1  }
0x414: {  	vm2 =	veq.f32 v53, v61;
	vm3 =	veq.s32 v1, $0x63  }
0x415: {  	vm2 =	vmand vm2, vm3  }
0x416: {  	v1 =	vsel vm2, $0xE, v1  }
0x417: {  	vm2 =	veq.f32 v54, v61;
	vm3 =	veq.s32 v1, $0x63  }
0x418: {  	vm2 =	vmand vm2, vm3  }
0x419: {  	v1 =	vsel vm2, $0xF, v1  }
0x41a: {  	v2 =	vshll.u32 v1, $0x4  }
0x41b: {  	v2 =	vadd.s32 s15, v2  }
0x41c: {  	vm2 =	vlt.u32 v1, $0x63;
	v1 =	vxor.u32 v36, v2  }
0x41d: {  	v1 =	vnsel vm2, $0xC0000000, v1  }
0x41e: {  	(xrf0) =	vmin.scan.msk.u32 $0xffff, v1;
	_ =	sdelay $0x5  }
0x41f: {  	v1, _, _ =	vpop (xrf0)  }
0x420: {  	(v2sf) =	vpush v1, $0xF;
	_ =	sdelay $0xc  }
0x421: {  	p1 =	sne.s32 s11, $0x3F  }
0x422: {  	s13 =	simm.s32 @!p1 $0x0  }
0x423: {  	s13 =	simm.s32 @p1 $0x1;
	s20 =	spop (v2sf)  }
0x424: {  	[smem:$0x7FC] =	sst s13;
	s13 =	sxor.u32 $0x80000000, s20  }
0x425: {  	s21 =	ssub.s32 s13, s15  }
0x426: {  	s18 =	smov.u32 s11;
	s22 =	sshra.s32 s21, $0x1F  }
0x427: {  	v1 =	vmov s18;
	p0 =	sne.s32 s13, s15;
	s15 =	simm.s32 $0x1;
	s18 =	sshrl.u32 s22, $0x1C  }
0x428: {  	s15 =	simm.s32 @!p0 $0x0;
	s23 =	sadd.s32 s18, s21  }
0x429: {  	v2 =	vmov s13;
	s13 =	sor.u32 s15, s22;
	s24 =	sand.u32 $0xFFFFFFF0, s23  }
0x42a: {  	p5 =	sne.s32 s13, $0x1;
	p6 =	sne.s32 s21, s24  }
0x42b: {  	p0 =	por !p6, !p5  }
0x42c: {  	s15 =	simm.s32 $0x1;
	p0 =	por !p0, !p0  }
0x42d: {  	s25 =	sshra.s32 s23, $0x4;
	s15 =	simm.s32 @!p0 $0x0  }
0x42e: {  	s17 =	sand.u32 $0xF, s21;
	s13 =	ssub.s32 s25, s15  }
0x42f: {  	vm6 =	vmmov vm1;
	vm5 =	vmmov vm1;
	[tilespmem:v1+s8+$0x0] =	vst.idx.msk $0x1, v2;
	v1 =	vmov s17;
	p2 =	seq.s32 s13, $0x2  }
0x430: {  	vm4 =	vmmov vm1;
	s14 =	sshll.u32 s19, $0x4;
	vm2 =	veq.s32 v1, v32;
	p1 =	seq.s32 s13, $0x1;
	vm5 =	vmneg @p2 vm5;
	p2 =	seq.s32 s13, $0x5  }
0x431: {  	s31 =	sld [smem:$0x7FC];
	v1 =	vmax.f32 v60, $-1.000000020e+30;
	v60 =	vor.u32 s14, v32;
	vm4 =	vmneg @p1 vm4;
	p1 =	seq.s32 s13, $0x4;
	s14 =	simm.s32 @!p2 $0x0  }
0x432: {  	vm3 =	vmmov vm1;
	p0 =	seq.s32 s13, $0x0;
	vm6 =	vmneg @p1 vm6;
	p1 =	seq.s32 s13, $0x6;
	s14 =	simm.s32 @p2 $0x1  }
0x433: {  	vm3 =	vmneg @p0 vm3;
	[smem:$0x7F8] =	sst s14;
	s14 =	simm.s32 @!p1 $0x0  }
0x434: {  	vm3 =	vmand vm2, vm3;
	p2 =	seq.s32 s13, $0x7;
	s14 =	simm.s32 @p1 $0x1;
	s26 =	sld [smem:$0x7F8]  }
0x435: {  	p0 =	seq.s32 s13, $0x3;
	vm4 =	vmand vm2, vm4;
	v1 =	vsel vm3, $0xF149F2CA, v1;
	vm3 =	vmmov vm1;
	[smem:$0x7F9] =	sst s14;
	s14 =	simm.s32 @!p2 $0x0  }
0x436: {  	[tilespmem:v2+s2+$0x0] =	vst.idx.msk $0x1, v34;
	v2 =	vsel vm4, $0xF149F2CA, v59;
	vm3 =	vmneg @p0 vm3;
	s14 =	simm.s32 @p2 $0x1;
	p2 =	seq.s32 s13, $0x8;
	s28 =	sld [smem:$0x7F9]  }
0x437: {  	vm4 =	vmand vm2, vm5;
	v1 =	vmax.f32 v1, v2;
	vm3 =	vmand vm2, vm3;
	[smem:$0x7FA] =	sst s14;
	s14 =	simm.s32 @!p2 $0x0  }
0x438: {  	p5 =	seq.s32 s13, $0xC;
	v2 =	vsel vm4, $0xF149F2CA, v55;
	v3 =	vsel vm3, $0xF149F2CA, v56;
	vm3 =	vmand vm2, vm6;
	s14 =	simm.s32 @p2 $0x1;
	s29 =	sld [smem:$0x7FA]  }
0x439: {  	p4 =	seq.s32 s13, $0xD;
	v1 =	vmax.f32 v1, v2;
	v2 =	vsel vm3, $0xF149F2CA, v58;
	vm3 =	vmmov vm1;
	p3 =	seq.s32 s26, $0x1;
	[smem:$0x7FB] =	sst s14  }
0x43a: {  	p1 =	seq.s32 s13, $0x9;
	v1 =	vmax.f32 v1, v3;
	vm3 =	vmneg @p3 vm3;
	p3 =	por p4, p4;
	s30 =	sld [smem:$0x7FB]  }
0x43b: {  	vm4 =	vmmov vm1;
	v1 =	vmax.f32 v1, v2;
	p4 =	por p5, p5;
	p5 =	por p1, p1;
	vm3 =	vmand vm2, vm3;
	p1 =	seq.s32 s28, $0x1  }
0x43c: {  	vm4 =	vmneg @p1 vm4;
	v2 =	vsel vm3, $0xF149F2CA, v57;
	vm3 =	vmmov vm1;
	p1 =	seq.s32 s29, $0x1  }
0x43d: {  	vm5 =	vmand vm2, vm4;
	vm4 =	vmmov vm1;
	vm3 =	vmneg @p1 vm3;
	p1 =	seq.s32 s30, $0x1  }
0x43e: {  	vm4 =	vmneg @p1 vm4;
	p1 =	seq.s32 s31, $0x1  }
.Ltmp0:
0x43f: {  	_ = 	snop;
	(pc) =	sbr.rel @p1 .LBB2_2-.Ltmp0, $4  }
0x440: {  	p2 =	seq.s32 s13, $0xE  }
0x441: {  	s11 =	sadd.s32 $0x1, s11;
	s14 =	simm.s32 @!p2 $0x0  }
0x442: {  	s12 =	sxor.u32 $0x80000000, s19;
	p6 =	seq.s32 s13, $0xB;
	s14 =	simm.s32 @p2 $0x1  }
0x443: {  	p0 =	seq.s32 s13, $0xA;
	p2 =	seq.s32 s13, $0xF;
	[smem:$0x7FD] =	sst s14;
	v55 =	vmax.f32 v1, v2  }
0x444: {  	vm6 =	vmmov vm1  }
0x445: {  	vm7 =	vmmov vm1;
	vm8 =	vmmov vm1;
	v1 =	vsel vm5, $0xF149F2CA, v45  }
0x446: {  	vm5 =	vmmov vm1;
	vm3 =	vmand vm2, vm3;
	vm6 =	vmneg @p5 vm6  }
0x447: {  	vm7 =	vmneg @p0 vm7;
	vm8 =	vmneg @p6 vm8;
	vm5 =	vmneg @p4 vm5  }
0x448: {  	v1 =	vmax.f32 v55, v1;
	v2 =	vsel vm3, $0xF149F2CA, v46;
	vm3 =	vmand vm2, vm4  }
0x449: {  	vm4 =	vmmov vm1;
	vm6 =	vmand vm2, vm6;
	vm7 =	vmand vm2, vm7  }
0x44a: {  	s11 =	sld [smem:$0x7FD];
	vm8 =	vmand vm2, vm8;
	v1 =	vmax.f32 v1, v2;
	v2 =	vsel vm3, $0xF149F2CA, v47  }
0x44b: {  	vm3 =	vmand vm2, vm5;
	v1 =	vmax.f32 v1, v2;
	v2 =	vsel vm6, $0xF149F2CA, v48  }
0x44c: {  	vm4 =	vmneg @p3 vm4;
	v1 =	vmax.f32 v1, v2;
	v2 =	vsel vm7, $0xF149F2CA, v49  }
0x44d: {  	vm5 =	vmmov vm1;
	p0 =	seq.s32 s11, $0x1;
	v1 =	vmax.f32 v1, v2;
	v2 =	vsel vm8, $0xF149F2CA, v50  }
0x44e: {  	vm4 =	vmand vm2, vm4;
	vm5 =	vmneg @p0 vm5;
	v1 =	vmax.f32 v1, v2  }
0x44f: {  	v2 =	vsel vm3, $0xF149F2CA, v51;
	vm3 =	vmand vm2, vm5;
	vm5 =	vmmov vm1  }
0x450: {  	v1 =	vmax.f32 v1, v2;
	v2 =	vsel vm4, $0xF149F2CA, v52;
	vm5 =	vmneg @p2 vm5  }
0x451: {  	v1 =	vmax.f32 v1, v2;
	v2 =	vsel vm3, $0xF149F2CA, v53;
	vm2 =	vmand vm2, vm5  }
0x452: {  	v1 =	vmax.f32 v1, v2;
	v2 =	vsel vm2, $0xF149F2CA, v54  }
0x453: {  	v1 =	vmax.f32 v1, v2  }
0x454: {  	(xrf0) =	vmax.scan.msk.f32 $0xffff, v1;
	_ =	sdelay $0x3  }
0x455: {  	v2 =	vmov s12;
	_ =	sdelay $0x1  }
0x456: {  	v3, _, _ =	vpop (xrf0)  }
0x457: {  	s10 =	sadd.s32 $0x1, s10;
	v3 =	vbroadcast v3, $0xF  }
0x458: {  	p0 =	sne.s32 s10, s5;
	[tilespmem:v60+s9+$0x0] =	vst.idx.msk $0xffff, v1  }
.Ltmp1:
0x459: {  	[tilespmem:v2+s7+$0x0] =	vst.idx.msk $0x1, v3;
	(pc) =	sbr.rel @p0 .LBB2_1-.Ltmp1, $4  }
0x45a: {  	[hbm4b:s4+s2] =	stream.linear.scatter [tilespmem:s8], [sflag:$0x1], $0x40, $0x38;
	[tilespmem:$0x2300] =	vst v63  }
0x45b: {  	_ =	swait.ge [sflag:s6], $0x40  }
0x45c: {  	[sflag:s6] =	ssyncset.done $0x0  }
0x45d: {  	[sflag:s6] =	ssyncadd.s32 $0xFFFFFFC0  }
0x45e: {  	_ =	sfence.sel $0x180000  }
0x45f: {  	[bflag:$0x0] =	sbarrier.arrive $0xFFFF  }
0x460: {  	p0 =	sne.s32 s1, $0x0;
	_ =	strace $0x90000047  }
0x461: {  	s0 =	sadd.s32 @!p0 $0x100000, s0;
	[bflag:$0x2] =	sbarrier.arrive $0xFFFF  }
0x462: {  	[sflag:s0] =	ssyncadd.tile.s32 @!p0 $0x1;
	_ =	shalt  }
.Lfunc_end2:
_tile_overlayer_lowered:
.L_overlay_start_2:
0x463: {  	(tag) =	ssettag $0x2  }
0x464: {  	s0 =	rddreg [dreg:$0x0];
	s2 =	stileid.u32  }
0x465: {  	s1 =	rddreg [dreg:$0x1];
	p0 =	sne.s32 s2, $0x0  }
0x466: {  	s3 =	rddreg [dreg:$0x2];
	[bflag:$0x3] =	sbarrier.arrive $0xFFFF;
	s2 =	simm.s32 @!p0 $0x1C01  }
0x467: {  	[timem:s3], [sflag:s2] =	dma.local @!p0 [hbm:s0], s1  }
0x468: {  	s0 =	simm.s32 @!p0 $0x1  }
0x469: {  	_ =	swait.ge @!p0 [sflag:s0], s1  }
0x46a: {  	s1 =	ssub.s32 @!p0 $0x0, s1;
	[sflag:s0] =	ssyncset.done @!p0 $0x0  }
0x46b: {  	[sflag:s0] =	ssyncadd.s32 @!p0 s1  }
0x46c: {  	[bflag:$0x3] =	sbarrier.arrive $0xFFFF  }
0x46d: {  	_ =	shalt  }

</sc_bundles>
